<compile_context>
chip_gen: v7x
topology: tpu7x:2x2x1
jax: 0.10.2.dev20260603
libtpu: 0.0.44.dev20260713+nightly
codegen_flags: <defaults>
</compile_context>

<pallas_src>
import functools

import jax
import jax.numpy as jnp
from jax import lax
from jax.experimental import pallas as pl
from jax.experimental.pallas import tpu as pltpu
from jax.experimental.pallas import tpu_sc as plsc

N = 10000
E = 320000
D = 128
H = 128
G = 16

NC = 2
NS = 16
NW = NC * NS

C = 128
NCH = 79
EPT = NCH * C
EPAD = NW * EPT
NP = 10240
RPT = NP // NS
WB = 128
PADROW = N
CW = 128


def _sc_mesh():
    return plsc.VectorSubcoreMesh(
        core_axis_name="c", subcore_axis_name="s",
        num_cores=NC, num_subcores=NS,
    )


def _sc_scatter(y, src3, dst3):

    @functools.partial(
        pl.kernel,
        out_type=jax.ShapeDtypeStruct((NC, NP, H), jnp.float32),
        mesh=_sc_mesh(),
        scratch_types=[
            pltpu.VMEM((NCH, C), jnp.int32),
            pltpu.VMEM((NCH, C), jnp.int32),
            pltpu.VMEM((C, H), jnp.float32),
            pltpu.VMEM_SHARED((NP, H), jnp.float32),
            pltpu.SemaphoreType.DMA,
        ],
    )
    def k(y_hbm, src_hbm, dst_hbm, out_hbm, si, di, rbuf, acc, gsem):
        c = lax.axis_index("c")
        s = lax.axis_index("s")
        g = c * NS + s

        def zf(i, carry):
            for kk in range(H // 16):
                rbuf[i, pl.ds(kk * 16, 16)] = jnp.zeros((16,), jnp.float32)
            return carry

        lax.fori_loop(0, C, zf, 0)
        for kk in range(RPT // WB):
            pltpu.sync_copy(rbuf, acc.at[pl.ds(s * RPT + kk * WB, WB)])
        pltpu.sync_copy(src_hbm.at[g], si)
        pltpu.sync_copy(dst_hbm.at[g], di)
        plsc.subcore_barrier()

        def body(j, carry):
            pltpu.async_copy(y_hbm.at[si.at[j]], rbuf, gsem).wait()
            pltpu.sync_copy(rbuf, acc.at[di.at[j]], add=True)
            return carry

        lax.fori_loop(0, NCH, body, 0)
        plsc.subcore_barrier()
        for kk in range(RPT // WB):
            pltpu.sync_copy(acc.at[pl.ds(s * RPT + kk * WB, WB)], rbuf)
            pltpu.sync_copy(rbuf, out_hbm.at[c].at[pl.ds(s * RPT + kk * WB, WB)])

    return k(y, src3, dst3)


R = 2000
NBLK = N // R


def _dinv_block(cnt_ref):
    deg = cnt_ref[0][:, 0:1] + cnt_ref[1][:, 0:1] + 1.0
    return lax.rsqrt(deg)


def _stage0_body(x_ref, cnt_ref, we_ref, be_ref, w0_ref, y_ref):
    dinv = _dinv_block(cnt_ref)
    h = jnp.maximum(
        jnp.dot(x_ref[...], we_ref[...], preferred_element_type=jnp.float32)
        + be_ref[...],
        0.0,
    )
    y_ref[...] = (
        jnp.dot(h, w0_ref[...], preferred_element_type=jnp.float32) * dinv
    )


def _tc_stage0(x, cnt, W_emb, b_emb, W0):
    return pl.pallas_call(
        _stage0_body,
        grid=(NBLK,),
        in_specs=[
            pl.BlockSpec((R, D), lambda i: (i, 0)),
            pl.BlockSpec((NC, R, CW), lambda i: (0, i, 0)),
            pl.BlockSpec((D, H), lambda i: (0, 0)),
            pl.BlockSpec((1, H), lambda i: (0, 0)),
            pl.BlockSpec((H, H), lambda i: (0, 0)),
        ],
        out_specs=pl.BlockSpec((R, H), lambda i: (i, 0)),
        out_shape=jax.ShapeDtypeStruct((N, H), jnp.float32),
    )(x, cnt, W_emb, b_emb, W0)


def _stage_body(p_ref, yp_ref, cnt_ref, b_ref, w_ref, y_ref):
    dinv = _dinv_block(cnt_ref)
    conv = (p_ref[0] + p_ref[1] + yp_ref[...]) * dinv + b_ref[...]
    h = jnp.maximum(conv, 0.0)
    y_ref[...] = (
        jnp.dot(h, w_ref[...], preferred_element_type=jnp.float32) * dinv
    )


def _tc_stage(p, y_prev, cnt, b, W):
    return pl.pallas_call(
        _stage_body,
        grid=(NBLK,),
        in_specs=[
            pl.BlockSpec((NC, R, H), lambda i: (0, i, 0)),
            pl.BlockSpec((R, H), lambda i: (i, 0)),
            pl.BlockSpec((NC, R, CW), lambda i: (0, i, 0)),
            pl.BlockSpec((1, H), lambda i: (0, 0)),
            pl.BlockSpec((H, H), lambda i: (0, 0)),
        ],
        out_specs=pl.BlockSpec((R, H), lambda i: (i, 0)),
        out_shape=jax.ShapeDtypeStruct((N, H), jnp.float32),
    )(p, y_prev, cnt, b, W)


def _final_body(p_ref, yp_ref, cnt_ref, b_ref, batch_ref, wv_ref, bv_ref,
                out_ref, gsum, gcnt):
    i = pl.program_id(0)

    @pl.when(i == 0)
    def _init():
        gsum[...] = jnp.zeros((G, H), jnp.float32)
        gcnt[...] = jnp.zeros((G, 128), jnp.float32)
        out_ref[...] = jnp.zeros((G, 1), jnp.float32)

    dinv = _dinv_block(cnt_ref)
    conv = (p_ref[0] + p_ref[1] + yp_ref[...]) * dinv + b_ref[...]
    h = jnp.maximum(conv, 0.0)
    gids = lax.broadcasted_iota(jnp.int32, (1, G), 1)
    mask = (batch_ref[...] == gids).astype(jnp.float32)
    gsum[...] += lax.dot_general(
        mask, h, (((0,), (0,)), ((), ())),
        preferred_element_type=jnp.float32,
        precision=lax.Precision.HIGHEST,
    )
    gcnt[...] += lax.dot_general(
        mask, jnp.ones((R, 128), jnp.float32), (((0,), (0,)), ((), ())),
        preferred_element_type=jnp.float32,
        precision=lax.Precision.HIGHEST,
    )

    @pl.when(i == NBLK - 1)
    def _fin():
        emb = gsum[...] / jnp.maximum(gcnt[...], 1.0)
        out_ref[...] = (
            jnp.dot(emb, wv_ref[...], preferred_element_type=jnp.float32)
            + bv_ref[...]
        )


def _tc_final(p, y_prev, cnt, b, batch2, W_val, b_val):
    return pl.pallas_call(
        _final_body,
        grid=(NBLK,),
        in_specs=[
            pl.BlockSpec((NC, R, H), lambda i: (0, i, 0)),
            pl.BlockSpec((R, H), lambda i: (i, 0)),
            pl.BlockSpec((NC, R, CW), lambda i: (0, i, 0)),
            pl.BlockSpec((1, H), lambda i: (0, 0)),
            pl.BlockSpec((R, 1), lambda i: (i, 0)),
            pl.BlockSpec((H, 1), lambda i: (0, 0)),
            pl.BlockSpec((1, 1), lambda i: (0, 0)),
        ],
        out_specs=pl.BlockSpec((G, 1), lambda i: (0, 0)),
        out_shape=jax.ShapeDtypeStruct((G, 1), jnp.float32),
        scratch_shapes=[
            pltpu.VMEM((G, H), jnp.float32),
            pltpu.VMEM((G, 128), jnp.float32),
        ],
    )(p, y_prev, cnt, b, batch2, W_val, b_val)


def kernel(x, edge_index, batch, W_emb, b_emb, W0, b0, W1, b1, W2, b2,
           W_val, b_val):
    pad = EPAD - E
    srcp = jnp.concatenate([edge_index[0], jnp.zeros((pad,), jnp.int32)])
    dstp = jnp.concatenate([edge_index[1], jnp.full((pad,), PADROW, jnp.int32)])
    src3 = srcp.reshape(NW, NCH, C)
    dst3 = dstp.reshape(NW, NCH, C)

    b_emb2 = b_emb.reshape(1, H)
    b02 = b0.reshape(1, H)
    b12 = b1.reshape(1, H)
    b22 = b2.reshape(1, H)
    bv2 = b_val.reshape(1, 1)
    batch2 = batch.reshape(N, 1)

    onesN = jnp.ones((N, H), jnp.float32)
    cnt = _sc_scatter(onesN, src3, dst3)
    y0 = _tc_stage0(x, cnt, W_emb, b_emb2, W0)
    p = _sc_scatter(y0, src3, dst3)
    y1 = _tc_stage(p, y0, cnt, b02, W1)
    p = _sc_scatter(y1, src3, dst3)
    y2 = _tc_stage(p, y1, cnt, b12, W2)
    p = _sc_scatter(y2, src3, dst3)
    value = _tc_final(p, y2, cnt, b22, batch2, W_val, bv2)
    return value

# --- scband reference (transcript-rebuilt; emitter-appended) ---
"""Pipeline reference for scband-critic-gnn-39779987095910 (READ-ONLY COPY).

The authoritative reference and input builder live on the scoring server;
editing this copy changes nothing except your own understanding.
"""

import jax, jax.numpy as jnp
import numpy as np

N = 10000
E = 320000
D = 128
H = 128
G = 16

def setup_inputs(seed: int = 0):
    key = jax.random.key(seed)
    ks = jax.random.split(key, 16)
    inp = {}
    inp["x"] = jax.random.normal(ks[0], (N, D), dtype=jnp.float32)
    inp["edge_index"] = jax.random.randint(ks[1], (2, E), 0, N, dtype=jnp.int32)
    inp["batch"] = jnp.sort(jax.random.randint(ks[2], (N,), 0, G, dtype=jnp.int32))
    inp["W_emb"] = jax.random.normal(ks[3], (D, H), dtype=jnp.float32) * 0.05
    inp["b_emb"] = jnp.zeros((H,), dtype=jnp.float32)
    inp["W0"] = jax.random.normal(ks[4], (H, H), dtype=jnp.float32) * 0.05
    inp["b0"] = jnp.zeros((H,), dtype=jnp.float32)
    inp["W1"] = jax.random.normal(ks[5], (H, H), dtype=jnp.float32) * 0.05
    inp["b1"] = jnp.zeros((H,), dtype=jnp.float32)
    inp["W2"] = jax.random.normal(ks[6], (H, H), dtype=jnp.float32) * 0.05
    inp["b2"] = jnp.zeros((H,), dtype=jnp.float32)
    inp["W_val"] = jax.random.normal(ks[7], (H, 1), dtype=jnp.float32) * 0.05
    inp["b_val"] = jnp.zeros((1,), dtype=jnp.float32)
    return inp

def _gcn_conv(x, src, dst, W, b):
    # Faithful PyG GCNConv: add self-loops, symmetric normalization, x @ W, scatter-add, + bias
    n = x.shape[0]
    loop = jnp.arange(n, dtype=src.dtype)
    s = jnp.concatenate([src, loop])
    d = jnp.concatenate([dst, loop])
    deg = jax.ops.segment_sum(jnp.ones_like(d, dtype=x.dtype), d, num_segments=n)
    dinv = jnp.where(deg > 0, deg ** -0.5, 0.0)
    norm = dinv[s] * dinv[d]
    xw = x @ W
    msg = xw[s] * norm[:, None]
    out = jax.ops.segment_sum(msg, d, num_segments=n)
    return out + b

def reference(x, edge_index, batch, W_emb, b_emb, W0, b0, W1, b1, W2, b2, W_val, b_val):
    src = edge_index[0]
    dst = edge_index[1]
    h = jax.nn.relu(x @ W_emb + b_emb)
    for (W, b) in ((W0, b0), (W1, b1), (W2, b2)):
        h = jax.nn.relu(_gcn_conv(h, src, dst, W, b))
    ssum = jax.ops.segment_sum(h, batch, num_segments=G)
    cnt = jax.ops.segment_sum(jnp.ones((h.shape[0],), dtype=h.dtype), batch, num_segments=G)
    graph_emb = ssum / jnp.maximum(cnt, 1.0)[:, None]
    value = graph_emb @ W_val + b_val
    return value

if __name__ == "__main__":
    import jax
    _d = setup_inputs()
    print(jax.jit(kernel)(*tuple(_d.values())))

</pallas_src>

<mosaic_0001>
#map = affine_map<(d0, d1) -> (0, 0)>
#map1 = affine_map<(d0, d1) -> (0, 0, 0)>
module attributes {stable_mosaic.version = 14 : i64} {
  func.func @k(%arg0: i32, %arg1: i32, %arg2: memref<10000x128xf32, #tpu.memory_space<hbm>>, %arg3: memref<32x79x128xi32, #tpu.memory_space<hbm>>, %arg4: memref<32x79x128xi32, #tpu.memory_space<hbm>>, %arg5: memref<2x10240x128xf32, #tpu.memory_space<hbm>>, %arg6: memref<79x128xi32, #tpu.memory_space<vmem>>, %arg7: memref<79x128xi32, #tpu.memory_space<vmem>>, %arg8: memref<128x128xf32, #tpu.memory_space<vmem>>, %arg9: memref<10240x128xf32, #tpu.memory_space<vmem_shared>>, %arg10: memref<!tpu.dma_semaphore, #tpu.memory_space<semaphore_mem>>) attributes {dimension_semantics = [#tpu.dimension_semantics<core_parallel>, #tpu.dimension_semantics<subcore_parallel>], iteration_bounds = array<i64: 2, 16>, scalar_prefetch = 0 : i64, scratch_operands = 5 : i64, tpu.core_type = #tpu.core_type<sc_vector_subcore>, window_params = [{transform_indices = #map}, {transform_indices = #map1}, {transform_indices = #map1}, {transform_indices = #map1}]} {
    %mul3A = arith.constant 16 : i32
    %mul3A_0 = arith.muli %arg0, %mul3A : i32
    %add3A = arith.addi %mul3A_0, %arg1 : i32
    %scan3A = arith.constant 0 : i32
    %scan3A_1 = arith.constant 0 : i32
    %scan3A_2 = arith.constant 128 : i32
    %scan3A_3 = arith.addi %scan3A_1, %scan3A_2 : i32
    %scan3A_4 = arith.constant 1 : i32
    scf.for %scan3A_73 = %scan3A_1 to %scan3A_3 step %scan3A_4  : i32 {
      %broadcast_in_dim3A = arith.constant 0.000000e+00 : f32
      %broadcast_in_dim3A_74 = vector.broadcast %broadcast_in_dim3A : f32 to vector<16xf32>
      %swap3A = arith.index_cast %scan3A_73 : i32 to index
      %swap3A_75 = arith.constant 0 : index
      %swap3A_76 = tpu.vector_load %arg8[%swap3A, %swap3A_75] {strides = array<i32>} : memref<128x128xf32, #tpu.memory_space<vmem>>, vector<1x16xf32>,
      %swap3A_77 = vector.shape_cast %swap3A_76 : vector<1x16xf32> to vector<16xf32>
      %swap3A_78 = vector.shape_cast %broadcast_in_dim3A_74 : vector<16xf32> to vector<1x16xf32>
      tpu.vector_store %arg8[%swap3A, %swap3A_75], %swap3A_78 {strides = array<i32>} : memref<128x128xf32, #tpu.memory_space<vmem>>, vector<1x16xf32>,
      %broadcast_in_dim3A_79 = arith.constant 0.000000e+00 : f32
      %broadcast_in_dim3A_80 = vector.broadcast %broadcast_in_dim3A_79 : f32 to vector<16xf32>
      %swap3A_81 = arith.index_cast %scan3A_73 : i32 to index
      %swap3A_82 = arith.constant 16 : index
      %swap3A_83 = tpu.vector_load %arg8[%swap3A_81, %swap3A_82] {strides = array<i32>} : memref<128x128xf32, #tpu.memory_space<vmem>>, vector<1x16xf32>,
      %swap3A_84 = vector.shape_cast %swap3A_83 : vector<1x16xf32> to vector<16xf32>
      %swap3A_85 = vector.shape_cast %broadcast_in_dim3A_80 : vector<16xf32> to vector<1x16xf32>
      tpu.vector_store %arg8[%swap3A_81, %swap3A_82], %swap3A_85 {strides = array<i32>} : memref<128x128xf32, #tpu.memory_space<vmem>>, vector<1x16xf32>,
      %broadcast_in_dim3A_86 = arith.constant 0.000000e+00 : f32
      %broadcast_in_dim3A_87 = vector.broadcast %broadcast_in_dim3A_86 : f32 to vector<16xf32>
      %swap3A_88 = arith.index_cast %scan3A_73 : i32 to index
      %swap3A_89 = arith.constant 32 : index
      %swap3A_90 = tpu.vector_load %arg8[%swap3A_88, %swap3A_89] {strides = array<i32>} : memref<128x128xf32, #tpu.memory_space<vmem>>, vector<1x16xf32>,
      %swap3A_91 = vector.shape_cast %swap3A_90 : vector<1x16xf32> to vector<16xf32>
      %swap3A_92 = vector.shape_cast %broadcast_in_dim3A_87 : vector<16xf32> to vector<1x16xf32>
      tpu.vector_store %arg8[%swap3A_88, %swap3A_89], %swap3A_92 {strides = array<i32>} : memref<128x128xf32, #tpu.memory_space<vmem>>, vector<1x16xf32>,
      %broadcast_in_dim3A_93 = arith.constant 0.000000e+00 : f32
      %broadcast_in_dim3A_94 = vector.broadcast %broadcast_in_dim3A_93 : f32 to vector<16xf32>
      %swap3A_95 = arith.index_cast %scan3A_73 : i32 to index
      %swap3A_96 = arith.constant 48 : index
      %swap3A_97 = tpu.vector_load %arg8[%swap3A_95, %swap3A_96] {strides = array<i32>} : memref<128x128xf32, #tpu.memory_space<vmem>>, vector<1x16xf32>,
      %swap3A_98 = vector.shape_cast %swap3A_97 : vector<1x16xf32> to vector<16xf32>
      %swap3A_99 = vector.shape_cast %broadcast_in_dim3A_94 : vector<16xf32> to vector<1x16xf32>
      tpu.vector_store %arg8[%swap3A_95, %swap3A_96], %swap3A_99 {strides = array<i32>} : memref<128x128xf32, #tpu.memory_space<vmem>>, vector<1x16xf32>,
      %broadcast_in_dim3A_100 = arith.constant 0.000000e+00 : f32
      %broadcast_in_dim3A_101 = vector.broadcast %broadcast_in_dim3A_100 : f32 to vector<16xf32>
      %swap3A_102 = arith.index_cast %scan3A_73 : i32 to index
      %swap3A_103 = arith.constant 64 : index
      %swap3A_104 = tpu.vector_load %arg8[%swap3A_102, %swap3A_103] {strides = array<i32>} : memref<128x128xf32, #tpu.memory_space<vmem>>, vector<1x16xf32>,
      %swap3A_105 = vector.shape_cast %swap3A_104 : vector<1x16xf32> to vector<16xf32>
      %swap3A_106 = vector.shape_cast %broadcast_in_dim3A_101 : vector<16xf32> to vector<1x16xf32>
      tpu.vector_store %arg8[%swap3A_102, %swap3A_103], %swap3A_106 {strides = array<i32>} : memref<128x128xf32, #tpu.memory_space<vmem>>, vector<1x16xf32>,
      %broadcast_in_dim3A_107 = arith.constant 0.000000e+00 : f32
      %broadcast_in_dim3A_108 = vector.broadcast %broadcast_in_dim3A_107 : f32 to vector<16xf32>
      %swap3A_109 = arith.index_cast %scan3A_73 : i32 to index
      %swap3A_110 = arith.constant 80 : index
      %swap3A_111 = tpu.vector_load %arg8[%swap3A_109, %swap3A_110] {strides = array<i32>} : memref<128x128xf32, #tpu.memory_space<vmem>>, vector<1x16xf32>,
      %swap3A_112 = vector.shape_cast %swap3A_111 : vector<1x16xf32> to vector<16xf32>
      %swap3A_113 = vector.shape_cast %broadcast_in_dim3A_108 : vector<16xf32> to vector<1x16xf32>
      tpu.vector_store %arg8[%swap3A_109, %swap3A_110], %swap3A_113 {strides = array<i32>} : memref<128x128xf32, #tpu.memory_space<vmem>>, vector<1x16xf32>,
      %broadcast_in_dim3A_114 = arith.constant 0.000000e+00 : f32
      %broadcast_in_dim3A_115 = vector.broadcast %broadcast_in_dim3A_114 : f32 to vector<16xf32>
      %swap3A_116 = arith.index_cast %scan3A_73 : i32 to index
      %swap3A_117 = arith.constant 96 : index
      %swap3A_118 = tpu.vector_load %arg8[%swap3A_116, %swap3A_117] {strides = array<i32>} : memref<128x128xf32, #tpu.memory_space<vmem>>, vector<1x16xf32>,
      %swap3A_119 = vector.shape_cast %swap3A_118 : vector<1x16xf32> to vector<16xf32>
      %swap3A_120 = vector.shape_cast %broadcast_in_dim3A_115 : vector<16xf32> to vector<1x16xf32>
      tpu.vector_store %arg8[%swap3A_116, %swap3A_117], %swap3A_120 {strides = array<i32>} : memref<128x128xf32, #tpu.memory_space<vmem>>, vector<1x16xf32>,
      %broadcast_in_dim3A_121 = arith.constant 0.000000e+00 : f32
      %broadcast_in_dim3A_122 = vector.broadcast %broadcast_in_dim3A_121 : f32 to vector<16xf32>
      %swap3A_123 = arith.index_cast %scan3A_73 : i32 to index
      %swap3A_124 = arith.constant 112 : index
      %swap3A_125 = tpu.vector_load %arg8[%swap3A_123, %swap3A_124] {strides = array<i32>} : memref<128x128xf32, #tpu.memory_space<vmem>>, vector<1x16xf32>,
      %swap3A_126 = vector.shape_cast %swap3A_125 : vector<1x16xf32> to vector<16xf32>
      %swap3A_127 = vector.shape_cast %broadcast_in_dim3A_122 : vector<16xf32> to vector<1x16xf32>
      tpu.vector_store %arg8[%swap3A_123, %swap3A_124], %swap3A_127 {strides = array<i32>} : memref<128x128xf32, #tpu.memory_space<vmem>>, vector<1x16xf32>,
    }
    %scan3A_5 = arith.constant 128 : i32
    %mul3A_6 = arith.constant 640 : i32
    %mul3A_7 = arith.muli %arg1, %mul3A_6 : i32
    %add3A_8 = arith.constant 0 : i32
    %add3A_9 = arith.addi %mul3A_7, %add3A_8 : i32
    "tpu.region"() ({
      %run_scoped3A = tpu.sem_alloc : memref<!tpu.dma_semaphore, #tpu.memory_space<semaphore_mem>>
      %dma_start3A = arith.constant 0 : i32
      %dma_start3A_73 = tpu.memref_slice %arg9[%add3A_9, %dma_start3A] : memref<10240x128xf32, #tpu.memory_space<vmem_shared>> -> memref<128x128xf32, #tpu.memory_space<vmem_shared>>
      %dma_start3A_74 = arith.constant 0 : i32
      %dma_start3A_75 = tpu.memref_slice %arg9[%add3A_9, %dma_start3A_74] : memref<10240x128xf32, #tpu.memory_space<vmem_shared>> -> memref<128x128xf32, #tpu.memory_space<vmem_shared>>
      tpu.enqueue_dma source(%arg8 : memref<128x128xf32, #tpu.memory_space<vmem>>) target(%dma_start3A_75 : memref<128x128xf32, #tpu.memory_space<vmem_shared>>) target_semaphore(%run_scoped3A : memref<!tpu.dma_semaphore, #tpu.memory_space<semaphore_mem>>)
      %dma_wait3A = arith.constant 0 : i32
      %dma_wait3A_76 = tpu.memref_slice %arg9[%add3A_9, %dma_wait3A] : memref<10240x128xf32, #tpu.memory_space<vmem_shared>> -> memref<128x128xf32, #tpu.memory_space<vmem_shared>>
      %dma_wait3A_77 = arith.constant 0 : i32
      %dma_wait3A_78 = tpu.memref_slice %arg9[%add3A_9, %dma_wait3A_77] : memref<10240x128xf32, #tpu.memory_space<vmem_shared>> -> memref<128x128xf32, #tpu.memory_space<vmem_shared>>
      tpu.wait_dma2 semaphore(%run_scoped3A : memref<!tpu.dma_semaphore, #tpu.memory_space<semaphore_mem>>) src(%arg8 : memref<128x128xf32, #tpu.memory_space<vmem>>) dst(%dma_wait3A_78 : memref<128x128xf32, #tpu.memory_space<vmem_shared>>)
      tpu.yield
    }) : () -> ()
    %mul3A_10 = arith.constant 640 : i32
    %mul3A_11 = arith.muli %arg1, %mul3A_10 : i32
    %add3A_12 = arith.constant 128 : i32
    %add3A_13 = arith.addi %mul3A_11, %add3A_12 : i32
    "tpu.region"() ({
      %run_scoped3A = tpu.sem_alloc : memref<!tpu.dma_semaphore, #tpu.memory_space<semaphore_mem>>
      %dma_start3A = arith.constant 0 : i32
      %dma_start3A_73 = tpu.memref_slice %arg9[%add3A_13, %dma_start3A] : memref<10240x128xf32, #tpu.memory_space<vmem_shared>> -> memref<128x128xf32, #tpu.memory_space<vmem_shared>>
      %dma_start3A_74 = arith.constant 0 : i32
      %dma_start3A_75 = tpu.memref_slice %arg9[%add3A_13, %dma_start3A_74] : memref<10240x128xf32, #tpu.memory_space<vmem_shared>> -> memref<128x128xf32, #tpu.memory_space<vmem_shared>>
      tpu.enqueue_dma source(%arg8 : memref<128x128xf32, #tpu.memory_space<vmem>>) target(%dma_start3A_75 : memref<128x128xf32, #tpu.memory_space<vmem_shared>>) target_semaphore(%run_scoped3A : memref<!tpu.dma_semaphore, #tpu.memory_space<semaphore_mem>>)
      %dma_wait3A = arith.constant 0 : i32
      %dma_wait3A_76 = tpu.memref_slice %arg9[%add3A_13, %dma_wait3A] : memref<10240x128xf32, #tpu.memory_space<vmem_shared>> -> memref<128x128xf32, #tpu.memory_space<vmem_shared>>
      %dma_wait3A_77 = arith.constant 0 : i32
      %dma_wait3A_78 = tpu.memref_slice %arg9[%add3A_13, %dma_wait3A_77] : memref<10240x128xf32, #tpu.memory_space<vmem_shared>> -> memref<128x128xf32, #tpu.memory_space<vmem_shared>>
      tpu.wait_dma2 semaphore(%run_scoped3A : memref<!tpu.dma_semaphore, #tpu.memory_space<semaphore_mem>>) src(%arg8 : memref<128x128xf32, #tpu.memory_space<vmem>>) dst(%dma_wait3A_78 : memref<128x128xf32, #tpu.memory_space<vmem_shared>>)
      tpu.yield
    }) : () -> ()
    %mul3A_14 = arith.constant 640 : i32
    %mul3A_15 = arith.muli %arg1, %mul3A_14 : i32
    %add3A_16 = arith.constant 256 : i32
    %add3A_17 = arith.addi %mul3A_15, %add3A_16 : i32
    "tpu.region"() ({
      %run_scoped3A = tpu.sem_alloc : memref<!tpu.dma_semaphore, #tpu.memory_space<semaphore_mem>>
      %dma_start3A = arith.constant 0 : i32
      %dma_start3A_73 = tpu.memref_slice %arg9[%add3A_17, %dma_start3A] : memref<10240x128xf32, #tpu.memory_space<vmem_shared>> -> memref<128x128xf32, #tpu.memory_space<vmem_shared>>
      %dma_start3A_74 = arith.constant 0 : i32
      %dma_start3A_75 = tpu.memref_slice %arg9[%add3A_17, %dma_start3A_74] : memref<10240x128xf32, #tpu.memory_space<vmem_shared>> -> memref<128x128xf32, #tpu.memory_space<vmem_shared>>
      tpu.enqueue_dma source(%arg8 : memref<128x128xf32, #tpu.memory_space<vmem>>) target(%dma_start3A_75 : memref<128x128xf32, #tpu.memory_space<vmem_shared>>) target_semaphore(%run_scoped3A : memref<!tpu.dma_semaphore, #tpu.memory_space<semaphore_mem>>)
      %dma_wait3A = arith.constant 0 : i32
      %dma_wait3A_76 = tpu.memref_slice %arg9[%add3A_17, %dma_wait3A] : memref<10240x128xf32, #tpu.memory_space<vmem_shared>> -> memref<128x128xf32, #tpu.memory_space<vmem_shared>>
      %dma_wait3A_77 = arith.constant 0 : i32
      %dma_wait3A_78 = tpu.memref_slice %arg9[%add3A_17, %dma_wait3A_77] : memref<10240x128xf32, #tpu.memory_space<vmem_shared>> -> memref<128x128xf32, #tpu.memory_space<vmem_shared>>
      tpu.wait_dma2 semaphore(%run_scoped3A : memref<!tpu.dma_semaphore, #tpu.memory_space<semaphore_mem>>) src(%arg8 : memref<128x128xf32, #tpu.memory_space<vmem>>) dst(%dma_wait3A_78 : memref<128x128xf32, #tpu.memory_space<vmem_shared>>)
      tpu.yield
    }) : () -> ()
    %mul3A_18 = arith.constant 640 : i32
    %mul3A_19 = arith.muli %arg1, %mul3A_18 : i32
    %add3A_20 = arith.constant 384 : i32
    %add3A_21 = arith.addi %mul3A_19, %add3A_20 : i32
    "tpu.region"() ({
      %run_scoped3A = tpu.sem_alloc : memref<!tpu.dma_semaphore, #tpu.memory_space<semaphore_mem>>
      %dma_start3A = arith.constant 0 : i32
      %dma_start3A_73 = tpu.memref_slice %arg9[%add3A_21, %dma_start3A] : memref<10240x128xf32, #tpu.memory_space<vmem_shared>> -> memref<128x128xf32, #tpu.memory_space<vmem_shared>>
      %dma_start3A_74 = arith.constant 0 : i32
      %dma_start3A_75 = tpu.memref_slice %arg9[%add3A_21, %dma_start3A_74] : memref<10240x128xf32, #tpu.memory_space<vmem_shared>> -> memref<128x128xf32, #tpu.memory_space<vmem_shared>>
      tpu.enqueue_dma source(%arg8 : memref<128x128xf32, #tpu.memory_space<vmem>>) target(%dma_start3A_75 : memref<128x128xf32, #tpu.memory_space<vmem_shared>>) target_semaphore(%run_scoped3A : memref<!tpu.dma_semaphore, #tpu.memory_space<semaphore_mem>>)
      %dma_wait3A = arith.constant 0 : i32
      %dma_wait3A_76 = tpu.memref_slice %arg9[%add3A_21, %dma_wait3A] : memref<10240x128xf32, #tpu.memory_space<vmem_shared>> -> memref<128x128xf32, #tpu.memory_space<vmem_shared>>
      %dma_wait3A_77 = arith.constant 0 : i32
      %dma_wait3A_78 = tpu.memref_slice %arg9[%add3A_21, %dma_wait3A_77] : memref<10240x128xf32, #tpu.memory_space<vmem_shared>> -> memref<128x128xf32, #tpu.memory_space<vmem_shared>>
      tpu.wait_dma2 semaphore(%run_scoped3A : memref<!tpu.dma_semaphore, #tpu.memory_space<semaphore_mem>>) src(%arg8 : memref<128x128xf32, #tpu.memory_space<vmem>>) dst(%dma_wait3A_78 : memref<128x128xf32, #tpu.memory_space<vmem_shared>>)
      tpu.yield
    }) : () -> ()
    %mul3A_22 = arith.constant 640 : i32
    %mul3A_23 = arith.muli %arg1, %mul3A_22 : i32
    %add3A_24 = arith.constant 512 : i32
    %add3A_25 = arith.addi %mul3A_23, %add3A_24 : i32
    "tpu.region"() ({
      %run_scoped3A = tpu.sem_alloc : memref<!tpu.dma_semaphore, #tpu.memory_space<semaphore_mem>>
      %dma_start3A = arith.constant 0 : i32
      %dma_start3A_73 = tpu.memref_slice %arg9[%add3A_25, %dma_start3A] : memref<10240x128xf32, #tpu.memory_space<vmem_shared>> -> memref<128x128xf32, #tpu.memory_space<vmem_shared>>
      %dma_start3A_74 = arith.constant 0 : i32
      %dma_start3A_75 = tpu.memref_slice %arg9[%add3A_25, %dma_start3A_74] : memref<10240x128xf32, #tpu.memory_space<vmem_shared>> -> memref<128x128xf32, #tpu.memory_space<vmem_shared>>
      tpu.enqueue_dma source(%arg8 : memref<128x128xf32, #tpu.memory_space<vmem>>) target(%dma_start3A_75 : memref<128x128xf32, #tpu.memory_space<vmem_shared>>) target_semaphore(%run_scoped3A : memref<!tpu.dma_semaphore, #tpu.memory_space<semaphore_mem>>)
      %dma_wait3A = arith.constant 0 : i32
      %dma_wait3A_76 = tpu.memref_slice %arg9[%add3A_25, %dma_wait3A] : memref<10240x128xf32, #tpu.memory_space<vmem_shared>> -> memref<128x128xf32, #tpu.memory_space<vmem_shared>>
      %dma_wait3A_77 = arith.constant 0 : i32
      %dma_wait3A_78 = tpu.memref_slice %arg9[%add3A_25, %dma_wait3A_77] : memref<10240x128xf32, #tpu.memory_space<vmem_shared>> -> memref<128x128xf32, #tpu.memory_space<vmem_shared>>
      tpu.wait_dma2 semaphore(%run_scoped3A : memref<!tpu.dma_semaphore, #tpu.memory_space<semaphore_mem>>) src(%arg8 : memref<128x128xf32, #tpu.memory_space<vmem>>) dst(%dma_wait3A_78 : memref<128x128xf32, #tpu.memory_space<vmem_shared>>)
      tpu.yield
    }) : () -> ()
    "tpu.region"() ({
      %run_scoped3A = tpu.sem_alloc : memref<!tpu.dma_semaphore, #tpu.memory_space<semaphore_mem>>
      %dma_start3A = arith.constant 0 : i32
      %dma_start3A_73 = arith.constant 0 : i32
      %dma_start3A_74 = tpu.memref_slice %arg3[%add3A, %dma_start3A, %dma_start3A_73] : memref<32x79x128xi32, #tpu.memory_space<hbm>> -> memref<1x79x128xi32, #tpu.memory_space<hbm>>
      %dma_start3A_75 = tpu.memref_squeeze %dma_start3A_74 : memref<1x79x128xi32, #tpu.memory_space<hbm>> -> memref<79x128xi32, #tpu.memory_space<hbm>>
      %dma_start3A_76 = arith.constant 0 : i32
      %dma_start3A_77 = arith.constant 0 : i32
      %dma_start3A_78 = tpu.memref_slice %arg3[%add3A, %dma_start3A_76, %dma_start3A_77] : memref<32x79x128xi32, #tpu.memory_space<hbm>> -> memref<1x79x128xi32, #tpu.memory_space<hbm>>
      %dma_start3A_79 = tpu.memref_squeeze %dma_start3A_78 : memref<1x79x128xi32, #tpu.memory_space<hbm>> -> memref<79x128xi32, #tpu.memory_space<hbm>>
      tpu.enqueue_dma source(%dma_start3A_79 : memref<79x128xi32, #tpu.memory_space<hbm>>) target(%arg6 : memref<79x128xi32, #tpu.memory_space<vmem>>) target_semaphore(%run_scoped3A : memref<!tpu.dma_semaphore, #tpu.memory_space<semaphore_mem>>)
      %dma_wait3A = arith.constant 0 : i32
      %dma_wait3A_80 = arith.constant 0 : i32
      %dma_wait3A_81 = tpu.memref_slice %arg3[%add3A, %dma_wait3A, %dma_wait3A_80] : memref<32x79x128xi32, #tpu.memory_space<hbm>> -> memref<1x79x128xi32, #tpu.memory_space<hbm>>
      %dma_wait3A_82 = tpu.memref_squeeze %dma_wait3A_81 : memref<1x79x128xi32, #tpu.memory_space<hbm>> -> memref<79x128xi32, #tpu.memory_space<hbm>>
      %dma_wait3A_83 = arith.constant 0 : i32
      %dma_wait3A_84 = arith.constant 0 : i32
      %dma_wait3A_85 = tpu.memref_slice %arg3[%add3A, %dma_wait3A_83, %dma_wait3A_84] : memref<32x79x128xi32, #tpu.memory_space<hbm>> -> memref<1x79x128xi32, #tpu.memory_space<hbm>>
      %dma_wait3A_86 = tpu.memref_squeeze %dma_wait3A_85 : memref<1x79x128xi32, #tpu.memory_space<hbm>> -> memref<79x128xi32, #tpu.memory_space<hbm>>
      tpu.wait_dma2 semaphore(%run_scoped3A : memref<!tpu.dma_semaphore, #tpu.memory_space<semaphore_mem>>) src(%dma_wait3A_86 : memref<79x128xi32, #tpu.memory_space<hbm>>) dst(%arg6 : memref<79x128xi32, #tpu.memory_space<vmem>>)
      tpu.yield
    }) : () -> ()
    "tpu.region"() ({
      %run_scoped3A = tpu.sem_alloc : memref<!tpu.dma_semaphore, #tpu.memory_space<semaphore_mem>>
      %dma_start3A = arith.constant 0 : i32
      %dma_start3A_73 = arith.constant 0 : i32
      %dma_start3A_74 = tpu.memref_slice %arg4[%add3A, %dma_start3A, %dma_start3A_73] : memref<32x79x128xi32, #tpu.memory_space<hbm>> -> memref<1x79x128xi32, #tpu.memory_space<hbm>>
      %dma_start3A_75 = tpu.memref_squeeze %dma_start3A_74 : memref<1x79x128xi32, #tpu.memory_space<hbm>> -> memref<79x128xi32, #tpu.memory_space<hbm>>
      %dma_start3A_76 = arith.constant 0 : i32
      %dma_start3A_77 = arith.constant 0 : i32
      %dma_start3A_78 = tpu.memref_slice %arg4[%add3A, %dma_start3A_76, %dma_start3A_77] : memref<32x79x128xi32, #tpu.memory_space<hbm>> -> memref<1x79x128xi32, #tpu.memory_space<hbm>>
      %dma_start3A_79 = tpu.memref_squeeze %dma_start3A_78 : memref<1x79x128xi32, #tpu.memory_space<hbm>> -> memref<79x128xi32, #tpu.memory_space<hbm>>
      tpu.enqueue_dma source(%dma_start3A_79 : memref<79x128xi32, #tpu.memory_space<hbm>>) target(%arg7 : memref<79x128xi32, #tpu.memory_space<vmem>>) target_semaphore(%run_scoped3A : memref<!tpu.dma_semaphore, #tpu.memory_space<semaphore_mem>>)
      %dma_wait3A = arith.constant 0 : i32
      %dma_wait3A_80 = arith.constant 0 : i32
      %dma_wait3A_81 = tpu.memref_slice %arg4[%add3A, %dma_wait3A, %dma_wait3A_80] : memref<32x79x128xi32, #tpu.memory_space<hbm>> -> memref<1x79x128xi32, #tpu.memory_space<hbm>>
      %dma_wait3A_82 = tpu.memref_squeeze %dma_wait3A_81 : memref<1x79x128xi32, #tpu.memory_space<hbm>> -> memref<79x128xi32, #tpu.memory_space<hbm>>
      %dma_wait3A_83 = arith.constant 0 : i32
      %dma_wait3A_84 = arith.constant 0 : i32
      %dma_wait3A_85 = tpu.memref_slice %arg4[%add3A, %dma_wait3A_83, %dma_wait3A_84] : memref<32x79x128xi32, #tpu.memory_space<hbm>> -> memref<1x79x128xi32, #tpu.memory_space<hbm>>
      %dma_wait3A_86 = tpu.memref_squeeze %dma_wait3A_85 : memref<1x79x128xi32, #tpu.memory_space<hbm>> -> memref<79x128xi32, #tpu.memory_space<hbm>>
      tpu.wait_dma2 semaphore(%run_scoped3A : memref<!tpu.dma_semaphore, #tpu.memory_space<semaphore_mem>>) src(%dma_wait3A_86 : memref<79x128xi32, #tpu.memory_space<hbm>>) dst(%arg7 : memref<79x128xi32, #tpu.memory_space<vmem>>)
      tpu.yield
    }) : () -> ()
    %barrier3A = arith.constant 0 : index
    tpu.barrier barrier_id(%barrier3A)
    %scan3A_26 = arith.constant 0 : i32
    %scan3A_27 = arith.constant 0 : i32
    %scan3A_28 = arith.constant 79 : i32
    %scan3A_29 = arith.addi %scan3A_27, %scan3A_28 : i32
    %scan3A_30 = arith.constant 1 : i32
    scf.for %scan3A_73 = %scan3A_27 to %scan3A_29 step %scan3A_30  : i32 {
      %dma_start3A = arith.constant 0 : i32
      %dma_start3A_74 = tpu.memref_slice %arg6[%scan3A_73, %dma_start3A] : memref<79x128xi32, #tpu.memory_space<vmem>> -> memref<1x128xi32, #tpu.memory_space<vmem>>
      %dma_start3A_75 = tpu.memref_squeeze %dma_start3A_74 : memref<1x128xi32, #tpu.memory_space<vmem>> -> memref<128xi32, #tpu.memory_space<vmem>>
      %dma_start3A_76 = arith.constant 0 : i32
      %dma_start3A_77 = arith.constant 0 : i32
      %dma_start3A_78 = tpu.memref_slice %arg2[%dma_start3A_76, %dma_start3A_77] : memref<10000x128xf32, #tpu.memory_space<hbm>> -> memref<10000x128xf32, #tpu.memory_space<hbm>>
      tpu.enqueue_indirect_dma source(%dma_start3A_78 : memref<10000x128xf32, #tpu.memory_space<hbm>>) target(%arg8 : memref<128x128xf32, #tpu.memory_space<vmem>>) offsets(%dma_start3A_75 : memref<128xi32, #tpu.memory_space<vmem>>) semaphore(%arg10 : memref<!tpu.dma_semaphore, #tpu.memory_space<semaphore_mem>>)
      %dma_wait3A = arith.constant 0 : i32
      %dma_wait3A_79 = tpu.memref_slice %arg6[%scan3A_73, %dma_wait3A] : memref<79x128xi32, #tpu.memory_space<vmem>> -> memref<1x128xi32, #tpu.memory_space<vmem>>
      %dma_wait3A_80 = tpu.memref_squeeze %dma_wait3A_79 : memref<1x128xi32, #tpu.memory_space<vmem>> -> memref<128xi32, #tpu.memory_space<vmem>>
      %dma_wait3A_81 = arith.constant 0 : i32
      %dma_wait3A_82 = arith.constant 0 : i32
      %dma_wait3A_83 = tpu.memref_slice %arg2[%dma_wait3A_81, %dma_wait3A_82] : memref<10000x128xf32, #tpu.memory_space<hbm>> -> memref<10000x128xf32, #tpu.memory_space<hbm>>
      tpu.wait_indirect_dma semaphore(%arg10 : memref<!tpu.dma_semaphore, #tpu.memory_space<semaphore_mem>>) src(%dma_wait3A_83 : memref<10000x128xf32, #tpu.memory_space<hbm>>) dst(%arg8 : memref<128x128xf32, #tpu.memory_space<vmem>>)
      "tpu.region"() ({
        %run_scoped3A = tpu.sem_alloc : memref<!tpu.dma_semaphore, #tpu.memory_space<semaphore_mem>>
        %dma_start3A_84 = arith.constant 0 : i32
        %dma_start3A_85 = tpu.memref_slice %arg7[%scan3A_73, %dma_start3A_84] : memref<79x128xi32, #tpu.memory_space<vmem>> -> memref<1x128xi32, #tpu.memory_space<vmem>>
        %dma_start3A_86 = tpu.memref_squeeze %dma_start3A_85 : memref<1x128xi32, #tpu.memory_space<vmem>> -> memref<128xi32, #tpu.memory_space<vmem>>
        %dma_start3A_87 = arith.constant 0 : i32
        %dma_start3A_88 = arith.constant 0 : i32
        %dma_start3A_89 = tpu.memref_slice %arg9[%dma_start3A_87, %dma_start3A_88] : memref<10240x128xf32, #tpu.memory_space<vmem_shared>> -> memref<10240x128xf32, #tpu.memory_space<vmem_shared>>
        tpu.enqueue_indirect_dma source(%arg8 : memref<128x128xf32, #tpu.memory_space<vmem>>) target(%dma_start3A_89 : memref<10240x128xf32, #tpu.memory_space<vmem_shared>>) offsets(%dma_start3A_86 : memref<128xi32, #tpu.memory_space<vmem>>) semaphore(%run_scoped3A : memref<!tpu.dma_semaphore, #tpu.memory_space<semaphore_mem>>) {add = true}
        %dma_wait3A_90 = arith.constant 0 : i32
        %dma_wait3A_91 = tpu.memref_slice %arg7[%scan3A_73, %dma_wait3A_90] : memref<79x128xi32, #tpu.memory_space<vmem>> -> memref<1x128xi32, #tpu.memory_space<vmem>>
        %dma_wait3A_92 = tpu.memref_squeeze %dma_wait3A_91 : memref<1x128xi32, #tpu.memory_space<vmem>> -> memref<128xi32, #tpu.memory_space<vmem>>
        %dma_wait3A_93 = arith.constant 0 : i32
        %dma_wait3A_94 = arith.constant 0 : i32
        %dma_wait3A_95 = tpu.memref_slice %arg9[%dma_wait3A_93, %dma_wait3A_94] : memref<10240x128xf32, #tpu.memory_space<vmem_shared>> -> memref<10240x128xf32, #tpu.memory_space<vmem_shared>>
        tpu.wait_indirect_dma semaphore(%run_scoped3A : memref<!tpu.dma_semaphore, #tpu.memory_space<semaphore_mem>>) src(%arg8 : memref<128x128xf32, #tpu.memory_space<vmem>>) dst(%dma_wait3A_95 : memref<10240x128xf32, #tpu.memory_space<vmem_shared>>)
        tpu.yield
      }) : () -> ()
    }
    %scan3A_31 = arith.constant 79 : i32
    %barrier3A_32 = arith.constant 0 : index
    tpu.barrier barrier_id(%barrier3A_32)
    %mul3A_33 = arith.constant 640 : i32
    %mul3A_34 = arith.muli %arg1, %mul3A_33 : i32
    %add3A_35 = arith.constant 0 : i32
    %add3A_36 = arith.addi %mul3A_34, %add3A_35 : i32
    "tpu.region"() ({
      %run_scoped3A = tpu.sem_alloc : memref<!tpu.dma_semaphore, #tpu.memory_space<semaphore_mem>>
      %dma_start3A = arith.constant 0 : i32
      %dma_start3A_73 = tpu.memref_slice %arg9[%add3A_36, %dma_start3A] : memref<10240x128xf32, #tpu.memory_space<vmem_shared>> -> memref<128x128xf32, #tpu.memory_space<vmem_shared>>
      %dma_start3A_74 = arith.constant 0 : i32
      %dma_start3A_75 = tpu.memref_slice %arg9[%add3A_36, %dma_start3A_74] : memref<10240x128xf32, #tpu.memory_space<vmem_shared>> -> memref<128x128xf32, #tpu.memory_space<vmem_shared>>
      tpu.enqueue_dma source(%dma_start3A_75 : memref<128x128xf32, #tpu.memory_space<vmem_shared>>) target(%arg8 : memref<128x128xf32, #tpu.memory_space<vmem>>) target_semaphore(%run_scoped3A : memref<!tpu.dma_semaphore, #tpu.memory_space<semaphore_mem>>)
      %dma_wait3A = arith.constant 0 : i32
      %dma_wait3A_76 = tpu.memref_slice %arg9[%add3A_36, %dma_wait3A] : memref<10240x128xf32, #tpu.memory_space<vmem_shared>> -> memref<128x128xf32, #tpu.memory_space<vmem_shared>>
      %dma_wait3A_77 = arith.constant 0 : i32
      %dma_wait3A_78 = tpu.memref_slice %arg9[%add3A_36, %dma_wait3A_77] : memref<10240x128xf32, #tpu.memory_space<vmem_shared>> -> memref<128x128xf32, #tpu.memory_space<vmem_shared>>
      tpu.wait_dma2 semaphore(%run_scoped3A : memref<!tpu.dma_semaphore, #tpu.memory_space<semaphore_mem>>) src(%dma_wait3A_78 : memref<128x128xf32, #tpu.memory_space<vmem_shared>>) dst(%arg8 : memref<128x128xf32, #tpu.memory_space<vmem>>)
      tpu.yield
    }) : () -> ()
    %mul3A_37 = arith.constant 640 : i32
    %mul3A_38 = arith.muli %arg1, %mul3A_37 : i32
    %add3A_39 = arith.constant 0 : i32
    %add3A_40 = arith.addi %mul3A_38, %add3A_39 : i32
    "tpu.region"() ({
      %run_scoped3A = tpu.sem_alloc : memref<!tpu.dma_semaphore, #tpu.memory_space<semaphore_mem>>
      %dma_start3A = arith.constant 0 : i32
      %dma_start3A_73 = arith.constant 0 : i32
      %dma_start3A_74 = tpu.memref_slice %arg5[%arg0, %dma_start3A, %dma_start3A_73] : memref<2x10240x128xf32, #tpu.memory_space<hbm>> -> memref<1x10240x128xf32, #tpu.memory_space<hbm>>
      %dma_start3A_75 = tpu.memref_squeeze %dma_start3A_74 : memref<1x10240x128xf32, #tpu.memory_space<hbm>> -> memref<10240x128xf32, #tpu.memory_space<hbm>>
      %dma_start3A_76 = arith.constant 0 : i32
      %dma_start3A_77 = tpu.memref_slice %dma_start3A_75[%add3A_40, %dma_start3A_76] : memref<10240x128xf32, #tpu.memory_space<hbm>> -> memref<128x128xf32, #tpu.memory_space<hbm>>
      %dma_start3A_78 = arith.constant 0 : i32
      %dma_start3A_79 = arith.constant 0 : i32
      %dma_start3A_80 = tpu.memref_slice %arg5[%arg0, %dma_start3A_78, %dma_start3A_79] : memref<2x10240x128xf32, #tpu.memory_space<hbm>> -> memref<1x10240x128xf32, #tpu.memory_space<hbm>>
      %dma_start3A_81 = tpu.memref_squeeze %dma_start3A_80 : memref<1x10240x128xf32, #tpu.memory_space<hbm>> -> memref<10240x128xf32, #tpu.memory_space<hbm>>
      %dma_start3A_82 = arith.constant 0 : i32
      %dma_start3A_83 = tpu.memref_slice %dma_start3A_81[%add3A_40, %dma_start3A_82] : memref<10240x128xf32, #tpu.memory_space<hbm>> -> memref<128x128xf32, #tpu.memory_space<hbm>>
      tpu.enqueue_dma source(%arg8 : memref<128x128xf32, #tpu.memory_space<vmem>>) target(%dma_start3A_83 : memref<128x128xf32, #tpu.memory_space<hbm>>) target_semaphore(%run_scoped3A : memref<!tpu.dma_semaphore, #tpu.memory_space<semaphore_mem>>)
      %dma_wait3A = arith.constant 0 : i32
      %dma_wait3A_84 = arith.constant 0 : i32
      %dma_wait3A_85 = tpu.memref_slice %arg5[%arg0, %dma_wait3A, %dma_wait3A_84] : memref<2x10240x128xf32, #tpu.memory_space<hbm>> -> memref<1x10240x128xf32, #tpu.memory_space<hbm>>
      %dma_wait3A_86 = tpu.memref_squeeze %dma_wait3A_85 : memref<1x10240x128xf32, #tpu.memory_space<hbm>> -> memref<10240x128xf32, #tpu.memory_space<hbm>>
      %dma_wait3A_87 = arith.constant 0 : i32
      %dma_wait3A_88 = tpu.memref_slice %dma_wait3A_86[%add3A_40, %dma_wait3A_87] : memref<10240x128xf32, #tpu.memory_space<hbm>> -> memref<128x128xf32, #tpu.memory_space<hbm>>
      %dma_wait3A_89 = arith.constant 0 : i32
      %dma_wait3A_90 = arith.constant 0 : i32
      %dma_wait3A_91 = tpu.memref_slice %arg5[%arg0, %dma_wait3A_89, %dma_wait3A_90] : memref<2x10240x128xf32, #tpu.memory_space<hbm>> -> memref<1x10240x128xf32, #tpu.memory_space<hbm>>
      %dma_wait3A_92 = tpu.memref_squeeze %dma_wait3A_91 : memref<1x10240x128xf32, #tpu.memory_space<hbm>> -> memref<10240x128xf32, #tpu.memory_space<hbm>>
      %dma_wait3A_93 = arith.constant 0 : i32
      %dma_wait3A_94 = tpu.memref_slice %dma_wait3A_92[%add3A_40, %dma_wait3A_93] : memref<10240x128xf32, #tpu.memory_space<hbm>> -> memref<128x128xf32, #tpu.memory_space<hbm>>
      tpu.wait_dma2 semaphore(%run_scoped3A : memref<!tpu.dma_semaphore, #tpu.memory_space<semaphore_mem>>) src(%arg8 : memref<128x128xf32, #tpu.memory_space<vmem>>) dst(%dma_wait3A_94 : memref<128x128xf32, #tpu.memory_space<hbm>>)
      tpu.yield
    }) : () -> ()
    %mul3A_41 = arith.constant 640 : i32
    %mul3A_42 = arith.muli %arg1, %mul3A_41 : i32
    %add3A_43 = arith.constant 128 : i32
    %add3A_44 = arith.addi %mul3A_42, %add3A_43 : i32
    "tpu.region"() ({
      %run_scoped3A = tpu.sem_alloc : memref<!tpu.dma_semaphore, #tpu.memory_space<semaphore_mem>>
      %dma_start3A = arith.constant 0 : i32
      %dma_start3A_73 = tpu.memref_slice %arg9[%add3A_44, %dma_start3A] : memref<10240x128xf32, #tpu.memory_space<vmem_shared>> -> memref<128x128xf32, #tpu.memory_space<vmem_shared>>
      %dma_start3A_74 = arith.constant 0 : i32
      %dma_start3A_75 = tpu.memref_slice %arg9[%add3A_44, %dma_start3A_74] : memref<10240x128xf32, #tpu.memory_space<vmem_shared>> -> memref<128x128xf32, #tpu.memory_space<vmem_shared>>
      tpu.enqueue_dma source(%dma_start3A_75 : memref<128x128xf32, #tpu.memory_space<vmem_shared>>) target(%arg8 : memref<128x128xf32, #tpu.memory_space<vmem>>) target_semaphore(%run_scoped3A : memref<!tpu.dma_semaphore, #tpu.memory_space<semaphore_mem>>)
      %dma_wait3A = arith.constant 0 : i32
      %dma_wait3A_76 = tpu.memref_slice %arg9[%add3A_44, %dma_wait3A] : memref<10240x128xf32, #tpu.memory_space<vmem_shared>> -> memref<128x128xf32, #tpu.memory_space<vmem_shared>>
      %dma_wait3A_77 = arith.constant 0 : i32
      %dma_wait3A_78 = tpu.memref_slice %arg9[%add3A_44, %dma_wait3A_77] : memref<10240x128xf32, #tpu.memory_space<vmem_shared>> -> memref<128x128xf32, #tpu.memory_space<vmem_shared>>
      tpu.wait_dma2 semaphore(%run_scoped3A : memref<!tpu.dma_semaphore, #tpu.memory_space<semaphore_mem>>) src(%dma_wait3A_78 : memref<128x128xf32, #tpu.memory_space<vmem_shared>>) dst(%arg8 : memref<128x128xf32, #tpu.memory_space<vmem>>)
      tpu.yield
    }) : () -> ()
    %mul3A_45 = arith.constant 640 : i32
    %mul3A_46 = arith.muli %arg1, %mul3A_45 : i32
    %add3A_47 = arith.constant 128 : i32
    %add3A_48 = arith.addi %mul3A_46, %add3A_47 : i32
    "tpu.region"() ({
      %run_scoped3A = tpu.sem_alloc : memref<!tpu.dma_semaphore, #tpu.memory_space<semaphore_mem>>
      %dma_start3A = arith.constant 0 : i32
      %dma_start3A_73 = arith.constant 0 : i32
      %dma_start3A_74 = tpu.memref_slice %arg5[%arg0, %dma_start3A, %dma_start3A_73] : memref<2x10240x128xf32, #tpu.memory_space<hbm>> -> memref<1x10240x128xf32, #tpu.memory_space<hbm>>
      %dma_start3A_75 = tpu.memref_squeeze %dma_start3A_74 : memref<1x10240x128xf32, #tpu.memory_space<hbm>> -> memref<10240x128xf32, #tpu.memory_space<hbm>>
      %dma_start3A_76 = arith.constant 0 : i32
      %dma_start3A_77 = tpu.memref_slice %dma_start3A_75[%add3A_48, %dma_start3A_76] : memref<10240x128xf32, #tpu.memory_space<hbm>> -> memref<128x128xf32, #tpu.memory_space<hbm>>
      %dma_start3A_78 = arith.constant 0 : i32
      %dma_start3A_79 = arith.constant 0 : i32
      %dma_start3A_80 = tpu.memref_slice %arg5[%arg0, %dma_start3A_78, %dma_start3A_79] : memref<2x10240x128xf32, #tpu.memory_space<hbm>> -> memref<1x10240x128xf32, #tpu.memory_space<hbm>>
      %dma_start3A_81 = tpu.memref_squeeze %dma_start3A_80 : memref<1x10240x128xf32, #tpu.memory_space<hbm>> -> memref<10240x128xf32, #tpu.memory_space<hbm>>
      %dma_start3A_82 = arith.constant 0 : i32
      %dma_start3A_83 = tpu.memref_slice %dma_start3A_81[%add3A_48, %dma_start3A_82] : memref<10240x128xf32, #tpu.memory_space<hbm>> -> memref<128x128xf32, #tpu.memory_space<hbm>>
      tpu.enqueue_dma source(%arg8 : memref<128x128xf32, #tpu.memory_space<vmem>>) target(%dma_start3A_83 : memref<128x128xf32, #tpu.memory_space<hbm>>) target_semaphore(%run_scoped3A : memref<!tpu.dma_semaphore, #tpu.memory_space<semaphore_mem>>)
      %dma_wait3A = arith.constant 0 : i32
      %dma_wait3A_84 = arith.constant 0 : i32
      %dma_wait3A_85 = tpu.memref_slice %arg5[%arg0, %dma_wait3A, %dma_wait3A_84] : memref<2x10240x128xf32, #tpu.memory_space<hbm>> -> memref<1x10240x128xf32, #tpu.memory_space<hbm>>
      %dma_wait3A_86 = tpu.memref_squeeze %dma_wait3A_85 : memref<1x10240x128xf32, #tpu.memory_space<hbm>> -> memref<10240x128xf32, #tpu.memory_space<hbm>>
      %dma_wait3A_87 = arith.constant 0 : i32
      %dma_wait3A_88 = tpu.memref_slice %dma_wait3A_86[%add3A_48, %dma_wait3A_87] : memref<10240x128xf32, #tpu.memory_space<hbm>> -> memref<128x128xf32, #tpu.memory_space<hbm>>
      %dma_wait3A_89 = arith.constant 0 : i32
      %dma_wait3A_90 = arith.constant 0 : i32
      %dma_wait3A_91 = tpu.memref_slice %arg5[%arg0, %dma_wait3A_89, %dma_wait3A_90] : memref<2x10240x128xf32, #tpu.memory_space<hbm>> -> memref<1x10240x128xf32, #tpu.memory_space<hbm>>
      %dma_wait3A_92 = tpu.memref_squeeze %dma_wait3A_91 : memref<1x10240x128xf32, #tpu.memory_space<hbm>> -> memref<10240x128xf32, #tpu.memory_space<hbm>>
      %dma_wait3A_93 = arith.constant 0 : i32
      %dma_wait3A_94 = tpu.memref_slice %dma_wait3A_92[%add3A_48, %dma_wait3A_93] : memref<10240x128xf32, #tpu.memory_space<hbm>> -> memref<128x128xf32, #tpu.memory_space<hbm>>
      tpu.wait_dma2 semaphore(%run_scoped3A : memref<!tpu.dma_semaphore, #tpu.memory_space<semaphore_mem>>) src(%arg8 : memref<128x128xf32, #tpu.memory_space<vmem>>) dst(%dma_wait3A_94 : memref<128x128xf32, #tpu.memory_space<hbm>>)
      tpu.yield
    }) : () -> ()
    %mul3A_49 = arith.constant 640 : i32
    %mul3A_50 = arith.muli %arg1, %mul3A_49 : i32
    %add3A_51 = arith.constant 256 : i32
    %add3A_52 = arith.addi %mul3A_50, %add3A_51 : i32
    "tpu.region"() ({
      %run_scoped3A = tpu.sem_alloc : memref<!tpu.dma_semaphore, #tpu.memory_space<semaphore_mem>>
      %dma_start3A = arith.constant 0 : i32
      %dma_start3A_73 = tpu.memref_slice %arg9[%add3A_52, %dma_start3A] : memref<10240x128xf32, #tpu.memory_space<vmem_shared>> -> memref<128x128xf32, #tpu.memory_space<vmem_shared>>
      %dma_start3A_74 = arith.constant 0 : i32
      %dma_start3A_75 = tpu.memref_slice %arg9[%add3A_52, %dma_start3A_74] : memref<10240x128xf32, #tpu.memory_space<vmem_shared>> -> memref<128x128xf32, #tpu.memory_space<vmem_shared>>
      tpu.enqueue_dma source(%dma_start3A_75 : memref<128x128xf32, #tpu.memory_space<vmem_shared>>) target(%arg8 : memref<128x128xf32, #tpu.memory_space<vmem>>) target_semaphore(%run_scoped3A : memref<!tpu.dma_semaphore, #tpu.memory_space<semaphore_mem>>)
      %dma_wait3A = arith.constant 0 : i32
      %dma_wait3A_76 = tpu.memref_slice %arg9[%add3A_52, %dma_wait3A] : memref<10240x128xf32, #tpu.memory_space<vmem_shared>> -> memref<128x128xf32, #tpu.memory_space<vmem_shared>>
      %dma_wait3A_77 = arith.constant 0 : i32
      %dma_wait3A_78 = tpu.memref_slice %arg9[%add3A_52, %dma_wait3A_77] : memref<10240x128xf32, #tpu.memory_space<vmem_shared>> -> memref<128x128xf32, #tpu.memory_space<vmem_shared>>
      tpu.wait_dma2 semaphore(%run_scoped3A : memref<!tpu.dma_semaphore, #tpu.memory_space<semaphore_mem>>) src(%dma_wait3A_78 : memref<128x128xf32, #tpu.memory_space<vmem_shared>>) dst(%arg8 : memref<128x128xf32, #tpu.memory_space<vmem>>)
      tpu.yield
    }) : () -> ()
    %mul3A_53 = arith.constant 640 : i32
    %mul3A_54 = arith.muli %arg1, %mul3A_53 : i32
    %add3A_55 = arith.constant 256 : i32
    %add3A_56 = arith.addi %mul3A_54, %add3A_55 : i32
    "tpu.region"() ({
      %run_scoped3A = tpu.sem_alloc : memref<!tpu.dma_semaphore, #tpu.memory_space<semaphore_mem>>
      %dma_start3A = arith.constant 0 : i32
      %dma_start3A_73 = arith.constant 0 : i32
      %dma_start3A_74 = tpu.memref_slice %arg5[%arg0, %dma_start3A, %dma_start3A_73] : memref<2x10240x128xf32, #tpu.memory_space<hbm>> -> memref<1x10240x128xf32, #tpu.memory_space<hbm>>
      %dma_start3A_75 = tpu.memref_squeeze %dma_start3A_74 : memref<1x10240x128xf32, #tpu.memory_space<hbm>> -> memref<10240x128xf32, #tpu.memory_space<hbm>>
      %dma_start3A_76 = arith.constant 0 : i32
      %dma_start3A_77 = tpu.memref_slice %dma_start3A_75[%add3A_56, %dma_start3A_76] : memref<10240x128xf32, #tpu.memory_space<hbm>> -> memref<128x128xf32, #tpu.memory_space<hbm>>
      %dma_start3A_78 = arith.constant 0 : i32
      %dma_start3A_79 = arith.constant 0 : i32
      %dma_start3A_80 = tpu.memref_slice %arg5[%arg0, %dma_start3A_78, %dma_start3A_79] : memref<2x10240x128xf32, #tpu.memory_space<hbm>> -> memref<1x10240x128xf32, #tpu.memory_space<hbm>>
      %dma_start3A_81 = tpu.memref_squeeze %dma_start3A_80 : memref<1x10240x128xf32, #tpu.memory_space<hbm>> -> memref<10240x128xf32, #tpu.memory_space<hbm>>
      %dma_start3A_82 = arith.constant 0 : i32
      %dma_start3A_83 = tpu.memref_slice %dma_start3A_81[%add3A_56, %dma_start3A_82] : memref<10240x128xf32, #tpu.memory_space<hbm>> -> memref<128x128xf32, #tpu.memory_space<hbm>>
      tpu.enqueue_dma source(%arg8 : memref<128x128xf32, #tpu.memory_space<vmem>>) target(%dma_start3A_83 : memref<128x128xf32, #tpu.memory_space<hbm>>) target_semaphore(%run_scoped3A : memref<!tpu.dma_semaphore, #tpu.memory_space<semaphore_mem>>)
      %dma_wait3A = arith.constant 0 : i32
      %dma_wait3A_84 = arith.constant 0 : i32
      %dma_wait3A_85 = tpu.memref_slice %arg5[%arg0, %dma_wait3A, %dma_wait3A_84] : memref<2x10240x128xf32, #tpu.memory_space<hbm>> -> memref<1x10240x128xf32, #tpu.memory_space<hbm>>
      %dma_wait3A_86 = tpu.memref_squeeze %dma_wait3A_85 : memref<1x10240x128xf32, #tpu.memory_space<hbm>> -> memref<10240x128xf32, #tpu.memory_space<hbm>>
      %dma_wait3A_87 = arith.constant 0 : i32
      %dma_wait3A_88 = tpu.memref_slice %dma_wait3A_86[%add3A_56, %dma_wait3A_87] : memref<10240x128xf32, #tpu.memory_space<hbm>> -> memref<128x128xf32, #tpu.memory_space<hbm>>
      %dma_wait3A_89 = arith.constant 0 : i32
      %dma_wait3A_90 = arith.constant 0 : i32
      %dma_wait3A_91 = tpu.memref_slice %arg5[%arg0, %dma_wait3A_89, %dma_wait3A_90] : memref<2x10240x128xf32, #tpu.memory_space<hbm>> -> memref<1x10240x128xf32, #tpu.memory_space<hbm>>
      %dma_wait3A_92 = tpu.memref_squeeze %dma_wait3A_91 : memref<1x10240x128xf32, #tpu.memory_space<hbm>> -> memref<10240x128xf32, #tpu.memory_space<hbm>>
      %dma_wait3A_93 = arith.constant 0 : i32
      %dma_wait3A_94 = tpu.memref_slice %dma_wait3A_92[%add3A_56, %dma_wait3A_93] : memref<10240x128xf32, #tpu.memory_space<hbm>> -> memref<128x128xf32, #tpu.memory_space<hbm>>
      tpu.wait_dma2 semaphore(%run_scoped3A : memref<!tpu.dma_semaphore, #tpu.memory_space<semaphore_mem>>) src(%arg8 : memref<128x128xf32, #tpu.memory_space<vmem>>) dst(%dma_wait3A_94 : memref<128x128xf32, #tpu.memory_space<hbm>>)
      tpu.yield
    }) : () -> ()
    %mul3A_57 = arith.constant 640 : i32
    %mul3A_58 = arith.muli %arg1, %mul3A_57 : i32
    %add3A_59 = arith.constant 384 : i32
    %add3A_60 = arith.addi %mul3A_58, %add3A_59 : i32
    "tpu.region"() ({
      %run_scoped3A = tpu.sem_alloc : memref<!tpu.dma_semaphore, #tpu.memory_space<semaphore_mem>>
      %dma_start3A = arith.constant 0 : i32
      %dma_start3A_73 = tpu.memref_slice %arg9[%add3A_60, %dma_start3A] : memref<10240x128xf32, #tpu.memory_space<vmem_shared>> -> memref<128x128xf32, #tpu.memory_space<vmem_shared>>
      %dma_start3A_74 = arith.constant 0 : i32
      %dma_start3A_75 = tpu.memref_slice %arg9[%add3A_60, %dma_start3A_74] : memref<10240x128xf32, #tpu.memory_space<vmem_shared>> -> memref<128x128xf32, #tpu.memory_space<vmem_shared>>
      tpu.enqueue_dma source(%dma_start3A_75 : memref<128x128xf32, #tpu.memory_space<vmem_shared>>) target(%arg8 : memref<128x128xf32, #tpu.memory_space<vmem>>) target_semaphore(%run_scoped3A : memref<!tpu.dma_semaphore, #tpu.memory_space<semaphore_mem>>)
      %dma_wait3A = arith.constant 0 : i32
      %dma_wait3A_76 = tpu.memref_slice %arg9[%add3A_60, %dma_wait3A] : memref<10240x128xf32, #tpu.memory_space<vmem_shared>> -> memref<128x128xf32, #tpu.memory_space<vmem_shared>>
      %dma_wait3A_77 = arith.constant 0 : i32
      %dma_wait3A_78 = tpu.memref_slice %arg9[%add3A_60, %dma_wait3A_77] : memref<10240x128xf32, #tpu.memory_space<vmem_shared>> -> memref<128x128xf32, #tpu.memory_space<vmem_shared>>
      tpu.wait_dma2 semaphore(%run_scoped3A : memref<!tpu.dma_semaphore, #tpu.memory_space<semaphore_mem>>) src(%dma_wait3A_78 : memref<128x128xf32, #tpu.memory_space<vmem_shared>>) dst(%arg8 : memref<128x128xf32, #tpu.memory_space<vmem>>)
      tpu.yield
    }) : () -> ()
    %mul3A_61 = arith.constant 640 : i32
    %mul3A_62 = arith.muli %arg1, %mul3A_61 : i32
    %add3A_63 = arith.constant 384 : i32
    %add3A_64 = arith.addi %mul3A_62, %add3A_63 : i32
    "tpu.region"() ({
      %run_scoped3A = tpu.sem_alloc : memref<!tpu.dma_semaphore, #tpu.memory_space<semaphore_mem>>
      %dma_start3A = arith.constant 0 : i32
      %dma_start3A_73 = arith.constant 0 : i32
      %dma_start3A_74 = tpu.memref_slice %arg5[%arg0, %dma_start3A, %dma_start3A_73] : memref<2x10240x128xf32, #tpu.memory_space<hbm>> -> memref<1x10240x128xf32, #tpu.memory_space<hbm>>
      %dma_start3A_75 = tpu.memref_squeeze %dma_start3A_74 : memref<1x10240x128xf32, #tpu.memory_space<hbm>> -> memref<10240x128xf32, #tpu.memory_space<hbm>>
      %dma_start3A_76 = arith.constant 0 : i32
      %dma_start3A_77 = tpu.memref_slice %dma_start3A_75[%add3A_64, %dma_start3A_76] : memref<10240x128xf32, #tpu.memory_space<hbm>> -> memref<128x128xf32, #tpu.memory_space<hbm>>
      %dma_start3A_78 = arith.constant 0 : i32
      %dma_start3A_79 = arith.constant 0 : i32
      %dma_start3A_80 = tpu.memref_slice %arg5[%arg0, %dma_start3A_78, %dma_start3A_79] : memref<2x10240x128xf32, #tpu.memory_space<hbm>> -> memref<1x10240x128xf32, #tpu.memory_space<hbm>>
      %dma_start3A_81 = tpu.memref_squeeze %dma_start3A_80 : memref<1x10240x128xf32, #tpu.memory_space<hbm>> -> memref<10240x128xf32, #tpu.memory_space<hbm>>
      %dma_start3A_82 = arith.constant 0 : i32
      %dma_start3A_83 = tpu.memref_slice %dma_start3A_81[%add3A_64, %dma_start3A_82] : memref<10240x128xf32, #tpu.memory_space<hbm>> -> memref<128x128xf32, #tpu.memory_space<hbm>>
      tpu.enqueue_dma source(%arg8 : memref<128x128xf32, #tpu.memory_space<vmem>>) target(%dma_start3A_83 : memref<128x128xf32, #tpu.memory_space<hbm>>) target_semaphore(%run_scoped3A : memref<!tpu.dma_semaphore, #tpu.memory_space<semaphore_mem>>)
      %dma_wait3A = arith.constant 0 : i32
      %dma_wait3A_84 = arith.constant 0 : i32
      %dma_wait3A_85 = tpu.memref_slice %arg5[%arg0, %dma_wait3A, %dma_wait3A_84] : memref<2x10240x128xf32, #tpu.memory_space<hbm>> -> memref<1x10240x128xf32, #tpu.memory_space<hbm>>
      %dma_wait3A_86 = tpu.memref_squeeze %dma_wait3A_85 : memref<1x10240x128xf32, #tpu.memory_space<hbm>> -> memref<10240x128xf32, #tpu.memory_space<hbm>>
      %dma_wait3A_87 = arith.constant 0 : i32
      %dma_wait3A_88 = tpu.memref_slice %dma_wait3A_86[%add3A_64, %dma_wait3A_87] : memref<10240x128xf32, #tpu.memory_space<hbm>> -> memref<128x128xf32, #tpu.memory_space<hbm>>
      %dma_wait3A_89 = arith.constant 0 : i32
      %dma_wait3A_90 = arith.constant 0 : i32
      %dma_wait3A_91 = tpu.memref_slice %arg5[%arg0, %dma_wait3A_89, %dma_wait3A_90] : memref<2x10240x128xf32, #tpu.memory_space<hbm>> -> memref<1x10240x128xf32, #tpu.memory_space<hbm>>
      %dma_wait3A_92 = tpu.memref_squeeze %dma_wait3A_91 : memref<1x10240x128xf32, #tpu.memory_space<hbm>> -> memref<10240x128xf32, #tpu.memory_space<hbm>>
      %dma_wait3A_93 = arith.constant 0 : i32
      %dma_wait3A_94 = tpu.memref_slice %dma_wait3A_92[%add3A_64, %dma_wait3A_93] : memref<10240x128xf32, #tpu.memory_space<hbm>> -> memref<128x128xf32, #tpu.memory_space<hbm>>
      tpu.wait_dma2 semaphore(%run_scoped3A : memref<!tpu.dma_semaphore, #tpu.memory_space<semaphore_mem>>) src(%arg8 : memref<128x128xf32, #tpu.memory_space<vmem>>) dst(%dma_wait3A_94 : memref<128x128xf32, #tpu.memory_space<hbm>>)
      tpu.yield
    }) : () -> ()
    %mul3A_65 = arith.constant 640 : i32
    %mul3A_66 = arith.muli %arg1, %mul3A_65 : i32
    %add3A_67 = arith.constant 512 : i32
    %add3A_68 = arith.addi %mul3A_66, %add3A_67 : i32
    "tpu.region"() ({
      %run_scoped3A = tpu.sem_alloc : memref<!tpu.dma_semaphore, #tpu.memory_space<semaphore_mem>>
      %dma_start3A = arith.constant 0 : i32
      %dma_start3A_73 = tpu.memref_slice %arg9[%add3A_68, %dma_start3A] : memref<10240x128xf32, #tpu.memory_space<vmem_shared>> -> memref<128x128xf32, #tpu.memory_space<vmem_shared>>
      %dma_start3A_74 = arith.constant 0 : i32
      %dma_start3A_75 = tpu.memref_slice %arg9[%add3A_68, %dma_start3A_74] : memref<10240x128xf32, #tpu.memory_space<vmem_shared>> -> memref<128x128xf32, #tpu.memory_space<vmem_shared>>
      tpu.enqueue_dma source(%dma_start3A_75 : memref<128x128xf32, #tpu.memory_space<vmem_shared>>) target(%arg8 : memref<128x128xf32, #tpu.memory_space<vmem>>) target_semaphore(%run_scoped3A : memref<!tpu.dma_semaphore, #tpu.memory_space<semaphore_mem>>)
      %dma_wait3A = arith.constant 0 : i32
      %dma_wait3A_76 = tpu.memref_slice %arg9[%add3A_68, %dma_wait3A] : memref<10240x128xf32, #tpu.memory_space<vmem_shared>> -> memref<128x128xf32, #tpu.memory_space<vmem_shared>>
      %dma_wait3A_77 = arith.constant 0 : i32
      %dma_wait3A_78 = tpu.memref_slice %arg9[%add3A_68, %dma_wait3A_77] : memref<10240x128xf32, #tpu.memory_space<vmem_shared>> -> memref<128x128xf32, #tpu.memory_space<vmem_shared>>
      tpu.wait_dma2 semaphore(%run_scoped3A : memref<!tpu.dma_semaphore, #tpu.memory_space<semaphore_mem>>) src(%dma_wait3A_78 : memref<128x128xf32, #tpu.memory_space<vmem_shared>>) dst(%arg8 : memref<128x128xf32, #tpu.memory_space<vmem>>)
      tpu.yield
    }) : () -> ()
    %mul3A_69 = arith.constant 640 : i32
    %mul3A_70 = arith.muli %arg1, %mul3A_69 : i32
    %add3A_71 = arith.constant 512 : i32
    %add3A_72 = arith.addi %mul3A_70, %add3A_71 : i32
    "tpu.region"() ({
      %run_scoped3A = tpu.sem_alloc : memref<!tpu.dma_semaphore, #tpu.memory_space<semaphore_mem>>
      %dma_start3A = arith.constant 0 : i32
      %dma_start3A_73 = arith.constant 0 : i32
      %dma_start3A_74 = tpu.memref_slice %arg5[%arg0, %dma_start3A, %dma_start3A_73] : memref<2x10240x128xf32, #tpu.memory_space<hbm>> -> memref<1x10240x128xf32, #tpu.memory_space<hbm>>
      %dma_start3A_75 = tpu.memref_squeeze %dma_start3A_74 : memref<1x10240x128xf32, #tpu.memory_space<hbm>> -> memref<10240x128xf32, #tpu.memory_space<hbm>>
      %dma_start3A_76 = arith.constant 0 : i32
      %dma_start3A_77 = tpu.memref_slice %dma_start3A_75[%add3A_72, %dma_start3A_76] : memref<10240x128xf32, #tpu.memory_space<hbm>> -> memref<128x128xf32, #tpu.memory_space<hbm>>
      %dma_start3A_78 = arith.constant 0 : i32
      %dma_start3A_79 = arith.constant 0 : i32
      %dma_start3A_80 = tpu.memref_slice %arg5[%arg0, %dma_start3A_78, %dma_start3A_79] : memref<2x10240x128xf32, #tpu.memory_space<hbm>> -> memref<1x10240x128xf32, #tpu.memory_space<hbm>>
      %dma_start3A_81 = tpu.memref_squeeze %dma_start3A_80 : memref<1x10240x128xf32, #tpu.memory_space<hbm>> -> memref<10240x128xf32, #tpu.memory_space<hbm>>
      %dma_start3A_82 = arith.constant 0 : i32
      %dma_start3A_83 = tpu.memref_slice %dma_start3A_81[%add3A_72, %dma_start3A_82] : memref<10240x128xf32, #tpu.memory_space<hbm>> -> memref<128x128xf32, #tpu.memory_space<hbm>>
      tpu.enqueue_dma source(%arg8 : memref<128x128xf32, #tpu.memory_space<vmem>>) target(%dma_start3A_83 : memref<128x128xf32, #tpu.memory_space<hbm>>) target_semaphore(%run_scoped3A : memref<!tpu.dma_semaphore, #tpu.memory_space<semaphore_mem>>)
      %dma_wait3A = arith.constant 0 : i32
      %dma_wait3A_84 = arith.constant 0 : i32
      %dma_wait3A_85 = tpu.memref_slice %arg5[%arg0, %dma_wait3A, %dma_wait3A_84] : memref<2x10240x128xf32, #tpu.memory_space<hbm>> -> memref<1x10240x128xf32, #tpu.memory_space<hbm>>
      %dma_wait3A_86 = tpu.memref_squeeze %dma_wait3A_85 : memref<1x10240x128xf32, #tpu.memory_space<hbm>> -> memref<10240x128xf32, #tpu.memory_space<hbm>>
      %dma_wait3A_87 = arith.constant 0 : i32
      %dma_wait3A_88 = tpu.memref_slice %dma_wait3A_86[%add3A_72, %dma_wait3A_87] : memref<10240x128xf32, #tpu.memory_space<hbm>> -> memref<128x128xf32, #tpu.memory_space<hbm>>
      %dma_wait3A_89 = arith.constant 0 : i32
      %dma_wait3A_90 = arith.constant 0 : i32
      %dma_wait3A_91 = tpu.memref_slice %arg5[%arg0, %dma_wait3A_89, %dma_wait3A_90] : memref<2x10240x128xf32, #tpu.memory_space<hbm>> -> memref<1x10240x128xf32, #tpu.memory_space<hbm>>
      %dma_wait3A_92 = tpu.memref_squeeze %dma_wait3A_91 : memref<1x10240x128xf32, #tpu.memory_space<hbm>> -> memref<10240x128xf32, #tpu.memory_space<hbm>>
      %dma_wait3A_93 = arith.constant 0 : i32
      %dma_wait3A_94 = tpu.memref_slice %dma_wait3A_92[%add3A_72, %dma_wait3A_93] : memref<10240x128xf32, #tpu.memory_space<hbm>> -> memref<128x128xf32, #tpu.memory_space<hbm>>
      tpu.wait_dma2 semaphore(%run_scoped3A : memref<!tpu.dma_semaphore, #tpu.memory_space<semaphore_mem>>) src(%arg8 : memref<128x128xf32, #tpu.memory_space<vmem>>) dst(%dma_wait3A_94 : memref<128x128xf32, #tpu.memory_space<hbm>>)
      tpu.yield
    }) : () -> ()
    return
  }
}

#map = affine_map<(d0, d1) -> (0, 0)>
#map1 = affine_map<(d0, d1) -> (0, 0, 0)>
module attributes {stable_mosaic.version = 14 : i64} {
  func.func @k(%arg0: i32, %arg1: i32, %arg2: memref<10000x128xf32, #tpu.memory_space<hbm>>, %arg3: memref<32x79x128xi32, #tpu.memory_space<hbm>>, %arg4: memref<32x79x128xi32, #tpu.memory_space<hbm>>, %arg5: memref<2x10240x128xf32, #tpu.memory_space<hbm>>, %arg6: memref<79x128xi32, #tpu.memory_space<vmem>>, %arg7: memref<79x128xi32, #tpu.memory_space<vmem>>, %arg8: memref<128x128xf32, #tpu.memory_space<vmem>>, %arg9: memref<10240x128xf32, #tpu.memory_space<vmem_shared>>, %arg10: memref<!tpu.dma_semaphore, #tpu.memory_space<semaphore_mem>>) attributes {dimension_semantics = [#tpu.dimension_semantics<core_parallel>, #tpu.dimension_semantics<subcore_parallel>], iteration_bounds = array<i64: 2, 16>, scalar_prefetch = 0 : i64, scratch_operands = 5 : i64, tpu.core_type = #tpu.core_type<sc_vector_subcore>, window_params = [{transform_indices = #map}, {transform_indices = #map1}, {transform_indices = #map1}, {transform_indices = #map1}]} {
    %mul3A = arith.constant 16 : i32
    %mul3A_0 = arith.muli %arg0, %mul3A : i32
    %add3A = arith.addi %mul3A_0, %arg1 : i32
    %scan3A = arith.constant 0 : i32
    %scan3A_1 = arith.constant 0 : i32
    %scan3A_2 = arith.constant 128 : i32
    %scan3A_3 = arith.addi %scan3A_1, %scan3A_2 : i32
    %scan3A_4 = arith.constant 1 : i32
    scf.for %scan3A_73 = %scan3A_1 to %scan3A_3 step %scan3A_4  : i32 {
      %broadcast_in_dim3A = arith.constant 0.000000e+00 : f32
      %broadcast_in_dim3A_74 = vector.broadcast %broadcast_in_dim3A : f32 to vector<16xf32>
      %swap3A = arith.index_cast %scan3A_73 : i32 to index
      %swap3A_75 = arith.constant 0 : index
      %swap3A_76 = tpu.vector_load %arg8[%swap3A, %swap3A_75] {strides = array<i32>} : memref<128x128xf32, #tpu.memory_space<vmem>>, vector<1x16xf32>,
      %swap3A_77 = vector.shape_cast %swap3A_76 : vector<1x16xf32> to vector<16xf32>
      %swap3A_78 = vector.shape_cast %broadcast_in_dim3A_74 : vector<16xf32> to vector<1x16xf32>
      tpu.vector_store %arg8[%swap3A, %swap3A_75], %swap3A_78 {strides = array<i32>} : memref<128x128xf32, #tpu.memory_space<vmem>>, vector<1x16xf32>,
      %broadcast_in_dim3A_79 = arith.constant 0.000000e+00 : f32
      %broadcast_in_dim3A_80 = vector.broadcast %broadcast_in_dim3A_79 : f32 to vector<16xf32>
      %swap3A_81 = arith.index_cast %scan3A_73 : i32 to index
      %swap3A_82 = arith.constant 16 : index
      %swap3A_83 = tpu.vector_load %arg8[%swap3A_81, %swap3A_82] {strides = array<i32>} : memref<128x128xf32, #tpu.memory_space<vmem>>, vector<1x16xf32>,
      %swap3A_84 = vector.shape_cast %swap3A_83 : vector<1x16xf32> to vector<16xf32>
      %swap3A_85 = vector.shape_cast %broadcast_in_dim3A_80 : vector<16xf32> to vector<1x16xf32>
      tpu.vector_store %arg8[%swap3A_81, %swap3A_82], %swap3A_85 {strides = array<i32>} : memref<128x128xf32, #tpu.memory_space<vmem>>, vector<1x16xf32>,
      %broadcast_in_dim3A_86 = arith.constant 0.000000e+00 : f32
      %broadcast_in_dim3A_87 = vector.broadcast %broadcast_in_dim3A_86 : f32 to vector<16xf32>
      %swap3A_88 = arith.index_cast %scan3A_73 : i32 to index
      %swap3A_89 = arith.constant 32 : index
      %swap3A_90 = tpu.vector_load %arg8[%swap3A_88, %swap3A_89] {strides = array<i32>} : memref<128x128xf32, #tpu.memory_space<vmem>>, vector<1x16xf32>,
      %swap3A_91 = vector.shape_cast %swap3A_90 : vector<1x16xf32> to vector<16xf32>
      %swap3A_92 = vector.shape_cast %broadcast_in_dim3A_87 : vector<16xf32> to vector<1x16xf32>
      tpu.vector_store %arg8[%swap3A_88, %swap3A_89], %swap3A_92 {strides = array<i32>} : memref<128x128xf32, #tpu.memory_space<vmem>>, vector<1x16xf32>,
      %broadcast_in_dim3A_93 = arith.constant 0.000000e+00 : f32
      %broadcast_in_dim3A_94 = vector.broadcast %broadcast_in_dim3A_93 : f32 to vector<16xf32>
      %swap3A_95 = arith.index_cast %scan3A_73 : i32 to index
      %swap3A_96 = arith.constant 48 : index
      %swap3A_97 = tpu.vector_load %arg8[%swap3A_95, %swap3A_96] {strides = array<i32>} : memref<128x128xf32, #tpu.memory_space<vmem>>, vector<1x16xf32>,
      %swap3A_98 = vector.shape_cast %swap3A_97 : vector<1x16xf32> to vector<16xf32>
      %swap3A_99 = vector.shape_cast %broadcast_in_dim3A_94 : vector<16xf32> to vector<1x16xf32>
      tpu.vector_store %arg8[%swap3A_95, %swap3A_96], %swap3A_99 {strides = array<i32>} : memref<128x128xf32, #tpu.memory_space<vmem>>, vector<1x16xf32>,
      %broadcast_in_dim3A_100 = arith.constant 0.000000e+00 : f32
      %broadcast_in_dim3A_101 = vector.broadcast %broadcast_in_dim3A_100 : f32 to vector<16xf32>
      %swap3A_102 = arith.index_cast %scan3A_73 : i32 to index
      %swap3A_103 = arith.constant 64 : index
      %swap3A_104 = tpu.vector_load %arg8[%swap3A_102, %swap3A_103] {strides = array<i32>} : memref<128x128xf32, #tpu.memory_space<vmem>>, vector<1x16xf32>,
      %swap3A_105 = vector.shape_cast %swap3A_104 : vector<1x16xf32> to vector<16xf32>
      %swap3A_106 = vector.shape_cast %broadcast_in_dim3A_101 : vector<16xf32> to vector<1x16xf32>
      tpu.vector_store %arg8[%swap3A_102, %swap3A_103], %swap3A_106 {strides = array<i32>} : memref<128x128xf32, #tpu.memory_space<vmem>>, vector<1x16xf32>,
      %broadcast_in_dim3A_107 = arith.constant 0.000000e+00 : f32
      %broadcast_in_dim3A_108 = vector.broadcast %broadcast_in_dim3A_107 : f32 to vector<16xf32>
      %swap3A_109 = arith.index_cast %scan3A_73 : i32 to index
      %swap3A_110 = arith.constant 80 : index
      %swap3A_111 = tpu.vector_load %arg8[%swap3A_109, %swap3A_110] {strides = array<i32>} : memref<128x128xf32, #tpu.memory_space<vmem>>, vector<1x16xf32>,
      %swap3A_112 = vector.shape_cast %swap3A_111 : vector<1x16xf32> to vector<16xf32>
      %swap3A_113 = vector.shape_cast %broadcast_in_dim3A_108 : vector<16xf32> to vector<1x16xf32>
      tpu.vector_store %arg8[%swap3A_109, %swap3A_110], %swap3A_113 {strides = array<i32>} : memref<128x128xf32, #tpu.memory_space<vmem>>, vector<1x16xf32>,
      %broadcast_in_dim3A_114 = arith.constant 0.000000e+00 : f32
      %broadcast_in_dim3A_115 = vector.broadcast %broadcast_in_dim3A_114 : f32 to vector<16xf32>
      %swap3A_116 = arith.index_cast %scan3A_73 : i32 to index
      %swap3A_117 = arith.constant 96 : index
      %swap3A_118 = tpu.vector_load %arg8[%swap3A_116, %swap3A_117] {strides = array<i32>} : memref<128x128xf32, #tpu.memory_space<vmem>>, vector<1x16xf32>,
      %swap3A_119 = vector.shape_cast %swap3A_118 : vector<1x16xf32> to vector<16xf32>
      %swap3A_120 = vector.shape_cast %broadcast_in_dim3A_115 : vector<16xf32> to vector<1x16xf32>
      tpu.vector_store %arg8[%swap3A_116, %swap3A_117], %swap3A_120 {strides = array<i32>} : memref<128x128xf32, #tpu.memory_space<vmem>>, vector<1x16xf32>,
      %broadcast_in_dim3A_121 = arith.constant 0.000000e+00 : f32
      %broadcast_in_dim3A_122 = vector.broadcast %broadcast_in_dim3A_121 : f32 to vector<16xf32>
      %swap3A_123 = arith.index_cast %scan3A_73 : i32 to index
      %swap3A_124 = arith.constant 112 : index
      %swap3A_125 = tpu.vector_load %arg8[%swap3A_123, %swap3A_124] {strides = array<i32>} : memref<128x128xf32, #tpu.memory_space<vmem>>, vector<1x16xf32>,
      %swap3A_126 = vector.shape_cast %swap3A_125 : vector<1x16xf32> to vector<16xf32>
      %swap3A_127 = vector.shape_cast %broadcast_in_dim3A_122 : vector<16xf32> to vector<1x16xf32>
      tpu.vector_store %arg8[%swap3A_123, %swap3A_124], %swap3A_127 {strides = array<i32>} : memref<128x128xf32, #tpu.memory_space<vmem>>, vector<1x16xf32>,
    }
    %scan3A_5 = arith.constant 128 : i32
    %mul3A_6 = arith.constant 640 : i32
    %mul3A_7 = arith.muli %arg1, %mul3A_6 : i32
    %add3A_8 = arith.constant 0 : i32
    %add3A_9 = arith.addi %mul3A_7, %add3A_8 : i32
    "tpu.region"() ({
      %run_scoped3A = tpu.sem_alloc : memref<!tpu.dma_semaphore, #tpu.memory_space<semaphore_mem>>
      %dma_start3A = arith.constant 0 : i32
      %dma_start3A_73 = tpu.memref_slice %arg9[%add3A_9, %dma_start3A] : memref<10240x128xf32, #tpu.memory_space<vmem_shared>> -> memref<128x128xf32, #tpu.memory_space<vmem_shared>>
      %dma_start3A_74 = arith.constant 0 : i32
      %dma_start3A_75 = tpu.memref_slice %arg9[%add3A_9, %dma_start3A_74] : memref<10240x128xf32, #tpu.memory_space<vmem_shared>> -> memref<128x128xf32, #tpu.memory_space<vmem_shared>>
      tpu.enqueue_dma source(%arg8 : memref<128x128xf32, #tpu.memory_space<vmem>>) target(%dma_start3A_75 : memref<128x128xf32, #tpu.memory_space<vmem_shared>>) target_semaphore(%run_scoped3A : memref<!tpu.dma_semaphore, #tpu.memory_space<semaphore_mem>>)
      %dma_wait3A = arith.constant 0 : i32
      %dma_wait3A_76 = tpu.memref_slice %arg9[%add3A_9, %dma_wait3A] : memref<10240x128xf32, #tpu.memory_space<vmem_shared>> -> memref<128x128xf32, #tpu.memory_space<vmem_shared>>
      %dma_wait3A_77 = arith.constant 0 : i32
      %dma_wait3A_78 = tpu.memref_slice %arg9[%add3A_9, %dma_wait3A_77] : memref<10240x128xf32, #tpu.memory_space<vmem_shared>> -> memref<128x128xf32, #tpu.memory_space<vmem_shared>>
      tpu.wait_dma2 semaphore(%run_scoped3A : memref<!tpu.dma_semaphore, #tpu.memory_space<semaphore_mem>>) src(%arg8 : memref<128x128xf32, #tpu.memory_space<vmem>>) dst(%dma_wait3A_78 : memref<128x128xf32, #tpu.memory_space<vmem_shared>>)
      tpu.yield
    }) : () -> ()
    %mul3A_10 = arith.constant 640 : i32
    %mul3A_11 = arith.muli %arg1, %mul3A_10 : i32
    %add3A_12 = arith.constant 128 : i32
    %add3A_13 = arith.addi %mul3A_11, %add3A_12 : i32
    "tpu.region"() ({
      %run_scoped3A = tpu.sem_alloc : memref<!tpu.dma_semaphore, #tpu.memory_space<semaphore_mem>>
      %dma_start3A = arith.constant 0 : i32
      %dma_start3A_73 = tpu.memref_slice %arg9[%add3A_13, %dma_start3A] : memref<10240x128xf32, #tpu.memory_space<vmem_shared>> -> memref<128x128xf32, #tpu.memory_space<vmem_shared>>
      %dma_start3A_74 = arith.constant 0 : i32
      %dma_start3A_75 = tpu.memref_slice %arg9[%add3A_13, %dma_start3A_74] : memref<10240x128xf32, #tpu.memory_space<vmem_shared>> -> memref<128x128xf32, #tpu.memory_space<vmem_shared>>
      tpu.enqueue_dma source(%arg8 : memref<128x128xf32, #tpu.memory_space<vmem>>) target(%dma_start3A_75 : memref<128x128xf32, #tpu.memory_space<vmem_shared>>) target_semaphore(%run_scoped3A : memref<!tpu.dma_semaphore, #tpu.memory_space<semaphore_mem>>)
      %dma_wait3A = arith.constant 0 : i32
      %dma_wait3A_76 = tpu.memref_slice %arg9[%add3A_13, %dma_wait3A] : memref<10240x128xf32, #tpu.memory_space<vmem_shared>> -> memref<128x128xf32, #tpu.memory_space<vmem_shared>>
      %dma_wait3A_77 = arith.constant 0 : i32
      %dma_wait3A_78 = tpu.memref_slice %arg9[%add3A_13, %dma_wait3A_77] : memref<10240x128xf32, #tpu.memory_space<vmem_shared>> -> memref<128x128xf32, #tpu.memory_space<vmem_shared>>
      tpu.wait_dma2 semaphore(%run_scoped3A : memref<!tpu.dma_semaphore, #tpu.memory_space<semaphore_mem>>) src(%arg8 : memref<128x128xf32, #tpu.memory_space<vmem>>) dst(%dma_wait3A_78 : memref<128x128xf32, #tpu.memory_space<vmem_shared>>)
      tpu.yield
    }) : () -> ()
    %mul3A_14 = arith.constant 640 : i32
    %mul3A_15 = arith.muli %arg1, %mul3A_14 : i32
    %add3A_16 = arith.constant 256 : i32
    %add3A_17 = arith.addi %mul3A_15, %add3A_16 : i32
    "tpu.region"() ({
      %run_scoped3A = tpu.sem_alloc : memref<!tpu.dma_semaphore, #tpu.memory_space<semaphore_mem>>
      %dma_start3A = arith.constant 0 : i32
      %dma_start3A_73 = tpu.memref_slice %arg9[%add3A_17, %dma_start3A] : memref<10240x128xf32, #tpu.memory_space<vmem_shared>> -> memref<128x128xf32, #tpu.memory_space<vmem_shared>>
      %dma_start3A_74 = arith.constant 0 : i32
      %dma_start3A_75 = tpu.memref_slice %arg9[%add3A_17, %dma_start3A_74] : memref<10240x128xf32, #tpu.memory_space<vmem_shared>> -> memref<128x128xf32, #tpu.memory_space<vmem_shared>>
      tpu.enqueue_dma source(%arg8 : memref<128x128xf32, #tpu.memory_space<vmem>>) target(%dma_start3A_75 : memref<128x128xf32, #tpu.memory_space<vmem_shared>>) target_semaphore(%run_scoped3A : memref<!tpu.dma_semaphore, #tpu.memory_space<semaphore_mem>>)
      %dma_wait3A = arith.constant 0 : i32
      %dma_wait3A_76 = tpu.memref_slice %arg9[%add3A_17, %dma_wait3A] : memref<10240x128xf32, #tpu.memory_space<vmem_shared>> -> memref<128x128xf32, #tpu.memory_space<vmem_shared>>
      %dma_wait3A_77 = arith.constant 0 : i32
      %dma_wait3A_78 = tpu.memref_slice %arg9[%add3A_17, %dma_wait3A_77] : memref<10240x128xf32, #tpu.memory_space<vmem_shared>> -> memref<128x128xf32, #tpu.memory_space<vmem_shared>>
      tpu.wait_dma2 semaphore(%run_scoped3A : memref<!tpu.dma_semaphore, #tpu.memory_space<semaphore_mem>>) src(%arg8 : memref<128x128xf32, #tpu.memory_space<vmem>>) dst(%dma_wait3A_78 : memref<128x128xf32, #tpu.memory_space<vmem_shared>>)
      tpu.yield
    }) : () -> ()
    %mul3A_18 = arith.constant 640 : i32
    %mul3A_19 = arith.muli %arg1, %mul3A_18 : i32
    %add3A_20 = arith.constant 384 : i32
    %add3A_21 = arith.addi %mul3A_19, %add3A_20 : i32
    "tpu.region"() ({
      %run_scoped3A = tpu.sem_alloc : memref<!tpu.dma_semaphore, #tpu.memory_space<semaphore_mem>>
      %dma_start3A = arith.constant 0 : i32
      %dma_start3A_73 = tpu.memref_slice %arg9[%add3A_21, %dma_start3A] : memref<10240x128xf32, #tpu.memory_space<vmem_shared>> -> memref<128x128xf32, #tpu.memory_space<vmem_shared>>
      %dma_start3A_74 = arith.constant 0 : i32
      %dma_start3A_75 = tpu.memref_slice %arg9[%add3A_21, %dma_start3A_74] : memref<10240x128xf32, #tpu.memory_space<vmem_shared>> -> memref<128x128xf32, #tpu.memory_space<vmem_shared>>
      tpu.enqueue_dma source(%arg8 : memref<128x128xf32, #tpu.memory_space<vmem>>) target(%dma_start3A_75 : memref<128x128xf32, #tpu.memory_space<vmem_shared>>) target_semaphore(%run_scoped3A : memref<!tpu.dma_semaphore, #tpu.memory_space<semaphore_mem>>)
      %dma_wait3A = arith.constant 0 : i32
      %dma_wait3A_76 = tpu.memref_slice %arg9[%add3A_21, %dma_wait3A] : memref<10240x128xf32, #tpu.memory_space<vmem_shared>> -> memref<128x128xf32, #tpu.memory_space<vmem_shared>>
      %dma_wait3A_77 = arith.constant 0 : i32
      %dma_wait3A_78 = tpu.memref_slice %arg9[%add3A_21, %dma_wait3A_77] : memref<10240x128xf32, #tpu.memory_space<vmem_shared>> -> memref<128x128xf32, #tpu.memory_space<vmem_shared>>
      tpu.wait_dma2 semaphore(%run_scoped3A : memref<!tpu.dma_semaphore, #tpu.memory_space<semaphore_mem>>) src(%arg8 : memref<128x128xf32, #tpu.memory_space<vmem>>) dst(%dma_wait3A_78 : memref<128x128xf32, #tpu.memory_space<vmem_shared>>)
      tpu.yield
    }) : () -> ()
    %mul3A_22 = arith.constant 640 : i32
    %mul3A_23 = arith.muli %arg1, %mul3A_22 : i32
    %add3A_24 = arith.constant 512 : i32
    %add3A_25 = arith.addi %mul3A_23, %add3A_24 : i32
    "tpu.region"() ({
      %run_scoped3A = tpu.sem_alloc : memref<!tpu.dma_semaphore, #tpu.memory_space<semaphore_mem>>
      %dma_start3A = arith.constant 0 : i32
      %dma_start3A_73 = tpu.memref_slice %arg9[%add3A_25, %dma_start3A] : memref<10240x128xf32, #tpu.memory_space<vmem_shared>> -> memref<128x128xf32, #tpu.memory_space<vmem_shared>>
      %dma_start3A_74 = arith.constant 0 : i32
      %dma_start3A_75 = tpu.memref_slice %arg9[%add3A_25, %dma_start3A_74] : memref<10240x128xf32, #tpu.memory_space<vmem_shared>> -> memref<128x128xf32, #tpu.memory_space<vmem_shared>>
      tpu.enqueue_dma source(%arg8 : memref<128x128xf32, #tpu.memory_space<vmem>>) target(%dma_start3A_75 : memref<128x128xf32, #tpu.memory_space<vmem_shared>>) target_semaphore(%run_scoped3A : memref<!tpu.dma_semaphore, #tpu.memory_space<semaphore_mem>>)
      %dma_wait3A = arith.constant 0 : i32
      %dma_wait3A_76 = tpu.memref_slice %arg9[%add3A_25, %dma_wait3A] : memref<10240x128xf32, #tpu.memory_space<vmem_shared>> -> memref<128x128xf32, #tpu.memory_space<vmem_shared>>
      %dma_wait3A_77 = arith.constant 0 : i32
      %dma_wait3A_78 = tpu.memref_slice %arg9[%add3A_25, %dma_wait3A_77] : memref<10240x128xf32, #tpu.memory_space<vmem_shared>> -> memref<128x128xf32, #tpu.memory_space<vmem_shared>>
      tpu.wait_dma2 semaphore(%run_scoped3A : memref<!tpu.dma_semaphore, #tpu.memory_space<semaphore_mem>>) src(%arg8 : memref<128x128xf32, #tpu.memory_space<vmem>>) dst(%dma_wait3A_78 : memref<128x128xf32, #tpu.memory_space<vmem_shared>>)
      tpu.yield
    }) : () -> ()
    "tpu.region"() ({
      %run_scoped3A = tpu.sem_alloc : memref<!tpu.dma_semaphore, #tpu.memory_space<semaphore_mem>>
      %dma_start3A = arith.constant 0 : i32
      %dma_start3A_73 = arith.constant 0 : i32
      %dma_start3A_74 = tpu.memref_slice %arg3[%add3A, %dma_start3A, %dma_start3A_73] : memref<32x79x128xi32, #tpu.memory_space<hbm>> -> memref<1x79x128xi32, #tpu.memory_space<hbm>>
      %dma_start3A_75 = tpu.memref_squeeze %dma_start3A_74 : memref<1x79x128xi32, #tpu.memory_space<hbm>> -> memref<79x128xi32, #tpu.memory_space<hbm>>
      %dma_start3A_76 = arith.constant 0 : i32
      %dma_start3A_77 = arith.constant 0 : i32
      %dma_start3A_78 = tpu.memref_slice %arg3[%add3A, %dma_start3A_76, %dma_start3A_77] : memref<32x79x128xi32, #tpu.memory_space<hbm>> -> memref<1x79x128xi32, #tpu.memory_space<hbm>>
      %dma_start3A_79 = tpu.memref_squeeze %dma_start3A_78 : memref<1x79x128xi32, #tpu.memory_space<hbm>> -> memref<79x128xi32, #tpu.memory_space<hbm>>
      tpu.enqueue_dma source(%dma_start3A_79 : memref<79x128xi32, #tpu.memory_space<hbm>>) target(%arg6 : memref<79x128xi32, #tpu.memory_space<vmem>>) target_semaphore(%run_scoped3A : memref<!tpu.dma_semaphore, #tpu.memory_space<semaphore_mem>>)
      %dma_wait3A = arith.constant 0 : i32
      %dma_wait3A_80 = arith.constant 0 : i32
      %dma_wait3A_81 = tpu.memref_slice %arg3[%add3A, %dma_wait3A, %dma_wait3A_80] : memref<32x79x128xi32, #tpu.memory_space<hbm>> -> memref<1x79x128xi32, #tpu.memory_space<hbm>>
      %dma_wait3A_82 = tpu.memref_squeeze %dma_wait3A_81 : memref<1x79x128xi32, #tpu.memory_space<hbm>> -> memref<79x128xi32, #tpu.memory_space<hbm>>
      %dma_wait3A_83 = arith.constant 0 : i32
      %dma_wait3A_84 = arith.constant 0 : i32
      %dma_wait3A_85 = tpu.memref_slice %arg3[%add3A, %dma_wait3A_83, %dma_wait3A_84] : memref<32x79x128xi32, #tpu.memory_space<hbm>> -> memref<1x79x128xi32, #tpu.memory_space<hbm>>
      %dma_wait3A_86 = tpu.memref_squeeze %dma_wait3A_85 : memref<1x79x128xi32, #tpu.memory_space<hbm>> -> memref<79x128xi32, #tpu.memory_space<hbm>>
      tpu.wait_dma2 semaphore(%run_scoped3A : memref<!tpu.dma_semaphore, #tpu.memory_space<semaphore_mem>>) src(%dma_wait3A_86 : memref<79x128xi32, #tpu.memory_space<hbm>>) dst(%arg6 : memref<79x128xi32, #tpu.memory_space<vmem>>)
      tpu.yield
    }) : () -> ()
    "tpu.region"() ({
      %run_scoped3A = tpu.sem_alloc : memref<!tpu.dma_semaphore, #tpu.memory_space<semaphore_mem>>
      %dma_start3A = arith.constant 0 : i32
      %dma_start3A_73 = arith.constant 0 : i32
      %dma_start3A_74 = tpu.memref_slice %arg4[%add3A, %dma_start3A, %dma_start3A_73] : memref<32x79x128xi32, #tpu.memory_space<hbm>> -> memref<1x79x128xi32, #tpu.memory_space<hbm>>
      %dma_start3A_75 = tpu.memref_squeeze %dma_start3A_74 : memref<1x79x128xi32, #tpu.memory_space<hbm>> -> memref<79x128xi32, #tpu.memory_space<hbm>>
      %dma_start3A_76 = arith.constant 0 : i32
      %dma_start3A_77 = arith.constant 0 : i32
      %dma_start3A_78 = tpu.memref_slice %arg4[%add3A, %dma_start3A_76, %dma_start3A_77] : memref<32x79x128xi32, #tpu.memory_space<hbm>> -> memref<1x79x128xi32, #tpu.memory_space<hbm>>
      %dma_start3A_79 = tpu.memref_squeeze %dma_start3A_78 : memref<1x79x128xi32, #tpu.memory_space<hbm>> -> memref<79x128xi32, #tpu.memory_space<hbm>>
      tpu.enqueue_dma source(%dma_start3A_79 : memref<79x128xi32, #tpu.memory_space<hbm>>) target(%arg7 : memref<79x128xi32, #tpu.memory_space<vmem>>) target_semaphore(%run_scoped3A : memref<!tpu.dma_semaphore, #tpu.memory_space<semaphore_mem>>)
      %dma_wait3A = arith.constant 0 : i32
      %dma_wait3A_80 = arith.constant 0 : i32
      %dma_wait3A_81 = tpu.memref_slice %arg4[%add3A, %dma_wait3A, %dma_wait3A_80] : memref<32x79x128xi32, #tpu.memory_space<hbm>> -> memref<1x79x128xi32, #tpu.memory_space<hbm>>
      %dma_wait3A_82 = tpu.memref_squeeze %dma_wait3A_81 : memref<1x79x128xi32, #tpu.memory_space<hbm>> -> memref<79x128xi32, #tpu.memory_space<hbm>>
      %dma_wait3A_83 = arith.constant 0 : i32
      %dma_wait3A_84 = arith.constant 0 : i32
      %dma_wait3A_85 = tpu.memref_slice %arg4[%add3A, %dma_wait3A_83, %dma_wait3A_84] : memref<32x79x128xi32, #tpu.memory_space<hbm>> -> memref<1x79x128xi32, #tpu.memory_space<hbm>>
      %dma_wait3A_86 = tpu.memref_squeeze %dma_wait3A_85 : memref<1x79x128xi32, #tpu.memory_space<hbm>> -> memref<79x128xi32, #tpu.memory_space<hbm>>
      tpu.wait_dma2 semaphore(%run_scoped3A : memref<!tpu.dma_semaphore, #tpu.memory_space<semaphore_mem>>) src(%dma_wait3A_86 : memref<79x128xi32, #tpu.memory_space<hbm>>) dst(%arg7 : memref<79x128xi32, #tpu.memory_space<vmem>>)
      tpu.yield
    }) : () -> ()
    %barrier3A = arith.constant 0 : index
    tpu.barrier barrier_id(%barrier3A)
    %scan3A_26 = arith.constant 0 : i32
    %scan3A_27 = arith.constant 0 : i32
    %scan3A_28 = arith.constant 79 : i32
    %scan3A_29 = arith.addi %scan3A_27, %scan3A_28 : i32
    %scan3A_30 = arith.constant 1 : i32
    scf.for %scan3A_73 = %scan3A_27 to %scan3A_29 step %scan3A_30  : i32 {
      %dma_start3A = arith.constant 0 : i32
      %dma_start3A_74 = tpu.memref_slice %arg6[%scan3A_73, %dma_start3A] : memref<79x128xi32, #tpu.memory_space<vmem>> -> memref<1x128xi32, #tpu.memory_space<vmem>>
      %dma_start3A_75 = tpu.memref_squeeze %dma_start3A_74 : memref<1x128xi32, #tpu.memory_space<vmem>> -> memref<128xi32, #tpu.memory_space<vmem>>
      %dma_start3A_76 = arith.constant 0 : i32
      %dma_start3A_77 = arith.constant 0 : i32
      %dma_start3A_78 = tpu.memref_slice %arg2[%dma_start3A_76, %dma_start3A_77] : memref<10000x128xf32, #tpu.memory_space<hbm>> -> memref<10000x128xf32, #tpu.memory_space<hbm>>
      tpu.enqueue_indirect_dma source(%dma_start3A_78 : memref<10000x128xf32, #tpu.memory_space<hbm>>) target(%arg8 : memref<128x128xf32, #tpu.memory_space<vmem>>) offsets(%dma_start3A_75 : memref<128xi32, #tpu.memory_space<vmem>>) semaphore(%arg10 : memref<!tpu.dma_semaphore, #tpu.memory_space<semaphore_mem>>)
      %dma_wait3A = arith.constant 0 : i32
      %dma_wait3A_79 = tpu.memref_slice %arg6[%scan3A_73, %dma_wait3A] : memref<79x128xi32, #tpu.memory_space<vmem>> -> memref<1x128xi32, #tpu.memory_space<vmem>>
      %dma_wait3A_80 = tpu.memref_squeeze %dma_wait3A_79 : memref<1x128xi32, #tpu.memory_space<vmem>> -> memref<128xi32, #tpu.memory_space<vmem>>
      %dma_wait3A_81 = arith.constant 0 : i32
      %dma_wait3A_82 = arith.constant 0 : i32
      %dma_wait3A_83 = tpu.memref_slice %arg2[%dma_wait3A_81, %dma_wait3A_82] : memref<10000x128xf32, #tpu.memory_space<hbm>> -> memref<10000x128xf32, #tpu.memory_space<hbm>>
      tpu.wait_indirect_dma semaphore(%arg10 : memref<!tpu.dma_semaphore, #tpu.memory_space<semaphore_mem>>) src(%dma_wait3A_83 : memref<10000x128xf32, #tpu.memory_space<hbm>>) dst(%arg8 : memref<128x128xf32, #tpu.memory_space<vmem>>)
      "tpu.region"() ({
        %run_scoped3A = tpu.sem_alloc : memref<!tpu.dma_semaphore, #tpu.memory_space<semaphore_mem>>
        %dma_start3A_84 = arith.constant 0 : i32
        %dma_start3A_85 = tpu.memref_slice %arg7[%scan3A_73, %dma_start3A_84] : memref<79x128xi32, #tpu.memory_space<vmem>> -> memref<1x128xi32, #tpu.memory_space<vmem>>
        %dma_start3A_86 = tpu.memref_squeeze %dma_start3A_85 : memref<1x128xi32, #tpu.memory_space<vmem>> -> memref<128xi32, #tpu.memory_space<vmem>>
        %dma_start3A_87 = arith.constant 0 : i32
        %dma_start3A_88 = arith.constant 0 : i32
        %dma_start3A_89 = tpu.memref_slice %arg9[%dma_start3A_87, %dma_start3A_88] : memref<10240x128xf32, #tpu.memory_space<vmem_shared>> -> memref<10240x128xf32, #tpu.memory_space<vmem_shared>>
        tpu.enqueue_indirect_dma source(%arg8 : memref<128x128xf32, #tpu.memory_space<vmem>>) target(%dma_start3A_89 : memref<10240x128xf32, #tpu.memory_space<vmem_shared>>) offsets(%dma_start3A_86 : memref<128xi32, #tpu.memory_space<vmem>>) semaphore(%run_scoped3A : memref<!tpu.dma_semaphore, #tpu.memory_space<semaphore_mem>>) {add = true}
        %dma_wait3A_90 = arith.constant 0 : i32
        %dma_wait3A_91 = tpu.memref_slice %arg7[%scan3A_73, %dma_wait3A_90] : memref<79x128xi32, #tpu.memory_space<vmem>> -> memref<1x128xi32, #tpu.memory_space<vmem>>
        %dma_wait3A_92 = tpu.memref_squeeze %dma_wait3A_91 : memref<1x128xi32, #tpu.memory_space<vmem>> -> memref<128xi32, #tpu.memory_space<vmem>>
        %dma_wait3A_93 = arith.constant 0 : i32
        %dma_wait3A_94 = arith.constant 0 : i32
        %dma_wait3A_95 = tpu.memref_slice %arg9[%dma_wait3A_93, %dma_wait3A_94] : memref<10240x128xf32, #tpu.memory_space<vmem_shared>> -> memref<10240x128xf32, #tpu.memory_space<vmem_shared>>
        tpu.wait_indirect_dma semaphore(%run_scoped3A : memref<!tpu.dma_semaphore, #tpu.memory_space<semaphore_mem>>) src(%arg8 : memref<128x128xf32, #tpu.memory_space<vmem>>) dst(%dma_wait3A_95 : memref<10240x128xf32, #tpu.memory_space<vmem_shared>>)
        tpu.yield
      }) : () -> ()
    }
    %scan3A_31 = arith.constant 79 : i32
    %barrier3A_32 = arith.constant 0 : index
    tpu.barrier barrier_id(%barrier3A_32)
    %mul3A_33 = arith.constant 640 : i32
    %mul3A_34 = arith.muli %arg1, %mul3A_33 : i32
    %add3A_35 = arith.constant 0 : i32
    %add3A_36 = arith.addi %mul3A_34, %add3A_35 : i32
    "tpu.region"() ({
      %run_scoped3A = tpu.sem_alloc : memref<!tpu.dma_semaphore, #tpu.memory_space<semaphore_mem>>
      %dma_start3A = arith.constant 0 : i32
      %dma_start3A_73 = tpu.memref_slice %arg9[%add3A_36, %dma_start3A] : memref<10240x128xf32, #tpu.memory_space<vmem_shared>> -> memref<128x128xf32, #tpu.memory_space<vmem_shared>>
      %dma_start3A_74 = arith.constant 0 : i32
      %dma_start3A_75 = tpu.memref_slice %arg9[%add3A_36, %dma_start3A_74] : memref<10240x128xf32, #tpu.memory_space<vmem_shared>> -> memref<128x128xf32, #tpu.memory_space<vmem_shared>>
      tpu.enqueue_dma source(%dma_start3A_75 : memref<128x128xf32, #tpu.memory_space<vmem_shared>>) target(%arg8 : memref<128x128xf32, #tpu.memory_space<vmem>>) target_semaphore(%run_scoped3A : memref<!tpu.dma_semaphore, #tpu.memory_space<semaphore_mem>>)
      %dma_wait3A = arith.constant 0 : i32
      %dma_wait3A_76 = tpu.memref_slice %arg9[%add3A_36, %dma_wait3A] : memref<10240x128xf32, #tpu.memory_space<vmem_shared>> -> memref<128x128xf32, #tpu.memory_space<vmem_shared>>
      %dma_wait3A_77 = arith.constant 0 : i32
      %dma_wait3A_78 = tpu.memref_slice %arg9[%add3A_36, %dma_wait3A_77] : memref<10240x128xf32, #tpu.memory_space<vmem_shared>> -> memref<128x128xf32, #tpu.memory_space<vmem_shared>>
      tpu.wait_dma2 semaphore(%run_scoped3A : memref<!tpu.dma_semaphore, #tpu.memory_space<semaphore_mem>>) src(%dma_wait3A_78 : memref<128x128xf32, #tpu.memory_space<vmem_shared>>) dst(%arg8 : memref<128x128xf32, #tpu.memory_space<vmem>>)
      tpu.yield
    }) : () -> ()
    %mul3A_37 = arith.constant 640 : i32
    %mul3A_38 = arith.muli %arg1, %mul3A_37 : i32
    %add3A_39 = arith.constant 0 : i32
    %add3A_40 = arith.addi %mul3A_38, %add3A_39 : i32
    "tpu.region"() ({
      %run_scoped3A = tpu.sem_alloc : memref<!tpu.dma_semaphore, #tpu.memory_space<semaphore_mem>>
      %dma_start3A = arith.constant 0 : i32
      %dma_start3A_73 = arith.constant 0 : i32
      %dma_start3A_74 = tpu.memref_slice %arg5[%arg0, %dma_start3A, %dma_start3A_73] : memref<2x10240x128xf32, #tpu.memory_space<hbm>> -> memref<1x10240x128xf32, #tpu.memory_space<hbm>>
      %dma_start3A_75 = tpu.memref_squeeze %dma_start3A_74 : memref<1x10240x128xf32, #tpu.memory_space<hbm>> -> memref<10240x128xf32, #tpu.memory_space<hbm>>
      %dma_start3A_76 = arith.constant 0 : i32
      %dma_start3A_77 = tpu.memref_slice %dma_start3A_75[%add3A_40, %dma_start3A_76] : memref<10240x128xf32, #tpu.memory_space<hbm>> -> memref<128x128xf32, #tpu.memory_space<hbm>>
      %dma_start3A_78 = arith.constant 0 : i32
      %dma_start3A_79 = arith.constant 0 : i32
      %dma_start3A_80 = tpu.memref_slice %arg5[%arg0, %dma_start3A_78, %dma_start3A_79] : memref<2x10240x128xf32, #tpu.memory_space<hbm>> -> memref<1x10240x128xf32, #tpu.memory_space<hbm>>
      %dma_start3A_81 = tpu.memref_squeeze %dma_start3A_80 : memref<1x10240x128xf32, #tpu.memory_space<hbm>> -> memref<10240x128xf32, #tpu.memory_space<hbm>>
      %dma_start3A_82 = arith.constant 0 : i32
      %dma_start3A_83 = tpu.memref_slice %dma_start3A_81[%add3A_40, %dma_start3A_82] : memref<10240x128xf32, #tpu.memory_space<hbm>> -> memref<128x128xf32, #tpu.memory_space<hbm>>
      tpu.enqueue_dma source(%arg8 : memref<128x128xf32, #tpu.memory_space<vmem>>) target(%dma_start3A_83 : memref<128x128xf32, #tpu.memory_space<hbm>>) target_semaphore(%run_scoped3A : memref<!tpu.dma_semaphore, #tpu.memory_space<semaphore_mem>>)
      %dma_wait3A = arith.constant 0 : i32
      %dma_wait3A_84 = arith.constant 0 : i32
      %dma_wait3A_85 = tpu.memref_slice %arg5[%arg0, %dma_wait3A, %dma_wait3A_84] : memref<2x10240x128xf32, #tpu.memory_space<hbm>> -> memref<1x10240x128xf32, #tpu.memory_space<hbm>>
      %dma_wait3A_86 = tpu.memref_squeeze %dma_wait3A_85 : memref<1x10240x128xf32, #tpu.memory_space<hbm>> -> memref<10240x128xf32, #tpu.memory_space<hbm>>
      %dma_wait3A_87 = arith.constant 0 : i32
      %dma_wait3A_88 = tpu.memref_slice %dma_wait3A_86[%add3A_40, %dma_wait3A_87] : memref<10240x128xf32, #tpu.memory_space<hbm>> -> memref<128x128xf32, #tpu.memory_space<hbm>>
      %dma_wait3A_89 = arith.constant 0 : i32
      %dma_wait3A_90 = arith.constant 0 : i32
      %dma_wait3A_91 = tpu.memref_slice %arg5[%arg0, %dma_wait3A_89, %dma_wait3A_90] : memref<2x10240x128xf32, #tpu.memory_space<hbm>> -> memref<1x10240x128xf32, #tpu.memory_space<hbm>>
      %dma_wait3A_92 = tpu.memref_squeeze %dma_wait3A_91 : memref<1x10240x128xf32, #tpu.memory_space<hbm>> -> memref<10240x128xf32, #tpu.memory_space<hbm>>
      %dma_wait3A_93 = arith.constant 0 : i32
      %dma_wait3A_94 = tpu.memref_slice %dma_wait3A_92[%add3A_40, %dma_wait3A_93] : memref<10240x128xf32, #tpu.memory_space<hbm>> -> memref<128x128xf32, #tpu.memory_space<hbm>>
      tpu.wait_dma2 semaphore(%run_scoped3A : memref<!tpu.dma_semaphore, #tpu.memory_space<semaphore_mem>>) src(%arg8 : memref<128x128xf32, #tpu.memory_space<vmem>>) dst(%dma_wait3A_94 : memref<128x128xf32, #tpu.memory_space<hbm>>)
      tpu.yield
    }) : () -> ()
    %mul3A_41 = arith.constant 640 : i32
    %mul3A_42 = arith.muli %arg1, %mul3A_41 : i32
    %add3A_43 = arith.constant 128 : i32
    %add3A_44 = arith.addi %mul3A_42, %add3A_43 : i32
    "tpu.region"() ({
      %run_scoped3A = tpu.sem_alloc : memref<!tpu.dma_semaphore, #tpu.memory_space<semaphore_mem>>
      %dma_start3A = arith.constant 0 : i32
      %dma_start3A_73 = tpu.memref_slice %arg9[%add3A_44, %dma_start3A] : memref<10240x128xf32, #tpu.memory_space<vmem_shared>> -> memref<128x128xf32, #tpu.memory_space<vmem_shared>>
      %dma_start3A_74 = arith.constant 0 : i32
      %dma_start3A_75 = tpu.memref_slice %arg9[%add3A_44, %dma_start3A_74] : memref<10240x128xf32, #tpu.memory_space<vmem_shared>> -> memref<128x128xf32, #tpu.memory_space<vmem_shared>>
      tpu.enqueue_dma source(%dma_start3A_75 : memref<128x128xf32, #tpu.memory_space<vmem_shared>>) target(%arg8 : memref<128x128xf32, #tpu.memory_space<vmem>>) target_semaphore(%run_scoped3A : memref<!tpu.dma_semaphore, #tpu.memory_space<semaphore_mem>>)
      %dma_wait3A = arith.constant 0 : i32
      %dma_wait3A_76 = tpu.memref_slice %arg9[%add3A_44, %dma_wait3A] : memref<10240x128xf32, #tpu.memory_space<vmem_shared>> -> memref<128x128xf32, #tpu.memory_space<vmem_shared>>
      %dma_wait3A_77 = arith.constant 0 : i32
      %dma_wait3A_78 = tpu.memref_slice %arg9[%add3A_44, %dma_wait3A_77] : memref<10240x128xf32, #tpu.memory_space<vmem_shared>> -> memref<128x128xf32, #tpu.memory_space<vmem_shared>>
      tpu.wait_dma2 semaphore(%run_scoped3A : memref<!tpu.dma_semaphore, #tpu.memory_space<semaphore_mem>>) src(%dma_wait3A_78 : memref<128x128xf32, #tpu.memory_space<vmem_shared>>) dst(%arg8 : memref<128x128xf32, #tpu.memory_space<vmem>>)
      tpu.yield
    }) : () -> ()
    %mul3A_45 = arith.constant 640 : i32
    %mul3A_46 = arith.muli %arg1, %mul3A_45 : i32
    %add3A_47 = arith.constant 128 : i32
    %add3A_48 = arith.addi %mul3A_46, %add3A_47 : i32
    "tpu.region"() ({
      %run_scoped3A = tpu.sem_alloc : memref<!tpu.dma_semaphore, #tpu.memory_space<semaphore_mem>>
      %dma_start3A = arith.constant 0 : i32
      %dma_start3A_73 = arith.constant 0 : i32
      %dma_start3A_74 = tpu.memref_slice %arg5[%arg0, %dma_start3A, %dma_start3A_73] : memref<2x10240x128xf32, #tpu.memory_space<hbm>> -> memref<1x10240x128xf32, #tpu.memory_space<hbm>>
      %dma_start3A_75 = tpu.memref_squeeze %dma_start3A_74 : memref<1x10240x128xf32, #tpu.memory_space<hbm>> -> memref<10240x128xf32, #tpu.memory_space<hbm>>
      %dma_start3A_76 = arith.constant 0 : i32
      %dma_start3A_77 = tpu.memref_slice %dma_start3A_75[%add3A_48, %dma_start3A_76] : memref<10240x128xf32, #tpu.memory_space<hbm>> -> memref<128x128xf32, #tpu.memory_space<hbm>>
      %dma_start3A_78 = arith.constant 0 : i32
      %dma_start3A_79 = arith.constant 0 : i32
      %dma_start3A_80 = tpu.memref_slice %arg5[%arg0, %dma_start3A_78, %dma_start3A_79] : memref<2x10240x128xf32, #tpu.memory_space<hbm>> -> memref<1x10240x128xf32, #tpu.memory_space<hbm>>
      %dma_start3A_81 = tpu.memref_squeeze %dma_start3A_80 : memref<1x10240x128xf32, #tpu.memory_space<hbm>> -> memref<10240x128xf32, #tpu.memory_space<hbm>>
      %dma_start3A_82 = arith.constant 0 : i32
      %dma_start3A_83 = tpu.memref_slice %dma_start3A_81[%add3A_48, %dma_start3A_82] : memref<10240x128xf32, #tpu.memory_space<hbm>> -> memref<128x128xf32, #tpu.memory_space<hbm>>
      tpu.enqueue_dma source(%arg8 : memref<128x128xf32, #tpu.memory_space<vmem>>) target(%dma_start3A_83 : memref<128x128xf32, #tpu.memory_space<hbm>>) target_semaphore(%run_scoped3A : memref<!tpu.dma_semaphore, #tpu.memory_space<semaphore_mem>>)
      %dma_wait3A = arith.constant 0 : i32
      %dma_wait3A_84 = arith.constant 0 : i32
      %dma_wait3A_85 = tpu.memref_slice %arg5[%arg0, %dma_wait3A, %dma_wait3A_84] : memref<2x10240x128xf32, #tpu.memory_space<hbm>> -> memref<1x10240x128xf32, #tpu.memory_space<hbm>>
      %dma_wait3A_86 = tpu.memref_squeeze %dma_wait3A_85 : memref<1x10240x128xf32, #tpu.memory_space<hbm>> -> memref<10240x128xf32, #tpu.memory_space<hbm>>
      %dma_wait3A_87 = arith.constant 0 : i32
      %dma_wait3A_88 = tpu.memref_slice %dma_wait3A_86[%add3A_48, %dma_wait3A_87] : memref<10240x128xf32, #tpu.memory_space<hbm>> -> memref<128x128xf32, #tpu.memory_space<hbm>>
      %dma_wait3A_89 = arith.constant 0 : i32
      %dma_wait3A_90 = arith.constant 0 : i32
      %dma_wait3A_91 = tpu.memref_slice %arg5[%arg0, %dma_wait3A_89, %dma_wait3A_90] : memref<2x10240x128xf32, #tpu.memory_space<hbm>> -> memref<1x10240x128xf32, #tpu.memory_space<hbm>>
      %dma_wait3A_92 = tpu.memref_squeeze %dma_wait3A_91 : memref<1x10240x128xf32, #tpu.memory_space<hbm>> -> memref<10240x128xf32, #tpu.memory_space<hbm>>
      %dma_wait3A_93 = arith.constant 0 : i32
      %dma_wait3A_94 = tpu.memref_slice %dma_wait3A_92[%add3A_48, %dma_wait3A_93] : memref<10240x128xf32, #tpu.memory_space<hbm>> -> memref<128x128xf32, #tpu.memory_space<hbm>>
      tpu.wait_dma2 semaphore(%run_scoped3A : memref<!tpu.dma_semaphore, #tpu.memory_space<semaphore_mem>>) src(%arg8 : memref<128x128xf32, #tpu.memory_space<vmem>>) dst(%dma_wait3A_94 : memref<128x128xf32, #tpu.memory_space<hbm>>)
      tpu.yield
    }) : () -> ()
    %mul3A_49 = arith.constant 640 : i32
    %mul3A_50 = arith.muli %arg1, %mul3A_49 : i32
    %add3A_51 = arith.constant 256 : i32
    %add3A_52 = arith.addi %mul3A_50, %add3A_51 : i32
    "tpu.region"() ({
      %run_scoped3A = tpu.sem_alloc : memref<!tpu.dma_semaphore, #tpu.memory_space<semaphore_mem>>
      %dma_start3A = arith.constant 0 : i32
      %dma_start3A_73 = tpu.memref_slice %arg9[%add3A_52, %dma_start3A] : memref<10240x128xf32, #tpu.memory_space<vmem_shared>> -> memref<128x128xf32, #tpu.memory_space<vmem_shared>>
      %dma_start3A_74 = arith.constant 0 : i32
      %dma_start3A_75 = tpu.memref_slice %arg9[%add3A_52, %dma_start3A_74] : memref<10240x128xf32, #tpu.memory_space<vmem_shared>> -> memref<128x128xf32, #tpu.memory_space<vmem_shared>>
      tpu.enqueue_dma source(%dma_start3A_75 : memref<128x128xf32, #tpu.memory_space<vmem_shared>>) target(%arg8 : memref<128x128xf32, #tpu.memory_space<vmem>>) target_semaphore(%run_scoped3A : memref<!tpu.dma_semaphore, #tpu.memory_space<semaphore_mem>>)
      %dma_wait3A = arith.constant 0 : i32
      %dma_wait3A_76 = tpu.memref_slice %arg9[%add3A_52, %dma_wait3A] : memref<10240x128xf32, #tpu.memory_space<vmem_shared>> -> memref<128x128xf32, #tpu.memory_space<vmem_shared>>
      %dma_wait3A_77 = arith.constant 0 : i32
      %dma_wait3A_78 = tpu.memref_slice %arg9[%add3A_52, %dma_wait3A_77] : memref<10240x128xf32, #tpu.memory_space<vmem_shared>> -> memref<128x128xf32, #tpu.memory_space<vmem_shared>>
      tpu.wait_dma2 semaphore(%run_scoped3A : memref<!tpu.dma_semaphore, #tpu.memory_space<semaphore_mem>>) src(%dma_wait3A_78 : memref<128x128xf32, #tpu.memory_space<vmem_shared>>) dst(%arg8 : memref<128x128xf32, #tpu.memory_space<vmem>>)
      tpu.yield
    }) : () -> ()
    %mul3A_53 = arith.constant 640 : i32
    %mul3A_54 = arith.muli %arg1, %mul3A_53 : i32
    %add3A_55 = arith.constant 256 : i32
    %add3A_56 = arith.addi %mul3A_54, %add3A_55 : i32
    "tpu.region"() ({
      %run_scoped3A = tpu.sem_alloc : memref<!tpu.dma_semaphore, #tpu.memory_space<semaphore_mem>>
      %dma_start3A = arith.constant 0 : i32
      %dma_start3A_73 = arith.constant 0 : i32
      %dma_start3A_74 = tpu.memref_slice %arg5[%arg0, %dma_start3A, %dma_start3A_73] : memref<2x10240x128xf32, #tpu.memory_space<hbm>> -> memref<1x10240x128xf32, #tpu.memory_space<hbm>>
      %dma_start3A_75 = tpu.memref_squeeze %dma_start3A_74 : memref<1x10240x128xf32, #tpu.memory_space<hbm>> -> memref<10240x128xf32, #tpu.memory_space<hbm>>
      %dma_start3A_76 = arith.constant 0 : i32
      %dma_start3A_77 = tpu.memref_slice %dma_start3A_75[%add3A_56, %dma_start3A_76] : memref<10240x128xf32, #tpu.memory_space<hbm>> -> memref<128x128xf32, #tpu.memory_space<hbm>>
      %dma_start3A_78 = arith.constant 0 : i32
      %dma_start3A_79 = arith.constant 0 : i32
      %dma_start3A_80 = tpu.memref_slice %arg5[%arg0, %dma_start3A_78, %dma_start3A_79] : memref<2x10240x128xf32, #tpu.memory_space<hbm>> -> memref<1x10240x128xf32, #tpu.memory_space<hbm>>
      %dma_start3A_81 = tpu.memref_squeeze %dma_start3A_80 : memref<1x10240x128xf32, #tpu.memory_space<hbm>> -> memref<10240x128xf32, #tpu.memory_space<hbm>>
      %dma_start3A_82 = arith.constant 0 : i32
      %dma_start3A_83 = tpu.memref_slice %dma_start3A_81[%add3A_56, %dma_start3A_82] : memref<10240x128xf32, #tpu.memory_space<hbm>> -> memref<128x128xf32, #tpu.memory_space<hbm>>
      tpu.enqueue_dma source(%arg8 : memref<128x128xf32, #tpu.memory_space<vmem>>) target(%dma_start3A_83 : memref<128x128xf32, #tpu.memory_space<hbm>>) target_semaphore(%run_scoped3A : memref<!tpu.dma_semaphore, #tpu.memory_space<semaphore_mem>>)
      %dma_wait3A = arith.constant 0 : i32
      %dma_wait3A_84 = arith.constant 0 : i32
      %dma_wait3A_85 = tpu.memref_slice %arg5[%arg0, %dma_wait3A, %dma_wait3A_84] : memref<2x10240x128xf32, #tpu.memory_space<hbm>> -> memref<1x10240x128xf32, #tpu.memory_space<hbm>>
      %dma_wait3A_86 = tpu.memref_squeeze %dma_wait3A_85 : memref<1x10240x128xf32, #tpu.memory_space<hbm>> -> memref<10240x128xf32, #tpu.memory_space<hbm>>
      %dma_wait3A_87 = arith.constant 0 : i32
      %dma_wait3A_88 = tpu.memref_slice %dma_wait3A_86[%add3A_56, %dma_wait3A_87] : memref<10240x128xf32, #tpu.memory_space<hbm>> -> memref<128x128xf32, #tpu.memory_space<hbm>>
      %dma_wait3A_89 = arith.constant 0 : i32
      %dma_wait3A_90 = arith.constant 0 : i32
      %dma_wait3A_91 = tpu.memref_slice %arg5[%arg0, %dma_wait3A_89, %dma_wait3A_90] : memref<2x10240x128xf32, #tpu.memory_space<hbm>> -> memref<1x10240x128xf32, #tpu.memory_space<hbm>>
      %dma_wait3A_92 = tpu.memref_squeeze %dma_wait3A_91 : memref<1x10240x128xf32, #tpu.memory_space<hbm>> -> memref<10240x128xf32, #tpu.memory_space<hbm>>
      %dma_wait3A_93 = arith.constant 0 : i32
      %dma_wait3A_94 = tpu.memref_slice %dma_wait3A_92[%add3A_56, %dma_wait3A_93] : memref<10240x128xf32, #tpu.memory_space<hbm>> -> memref<128x128xf32, #tpu.memory_space<hbm>>
      tpu.wait_dma2 semaphore(%run_scoped3A : memref<!tpu.dma_semaphore, #tpu.memory_space<semaphore_mem>>) src(%arg8 : memref<128x128xf32, #tpu.memory_space<vmem>>) dst(%dma_wait3A_94 : memref<128x128xf32, #tpu.memory_space<hbm>>)
      tpu.yield
    }) : () -> ()
    %mul3A_57 = arith.constant 640 : i32
    %mul3A_58 = arith.muli %arg1, %mul3A_57 : i32
    %add3A_59 = arith.constant 384 : i32
    %add3A_60 = arith.addi %mul3A_58, %add3A_59 : i32
    "tpu.region"() ({
      %run_scoped3A = tpu.sem_alloc : memref<!tpu.dma_semaphore, #tpu.memory_space<semaphore_mem>>
      %dma_start3A = arith.constant 0 : i32
      %dma_start3A_73 = tpu.memref_slice %arg9[%add3A_60, %dma_start3A] : memref<10240x128xf32, #tpu.memory_space<vmem_shared>> -> memref<128x128xf32, #tpu.memory_space<vmem_shared>>
      %dma_start3A_74 = arith.constant 0 : i32
      %dma_start3A_75 = tpu.memref_slice %arg9[%add3A_60, %dma_start3A_74] : memref<10240x128xf32, #tpu.memory_space<vmem_shared>> -> memref<128x128xf32, #tpu.memory_space<vmem_shared>>
      tpu.enqueue_dma source(%dma_start3A_75 : memref<128x128xf32, #tpu.memory_space<vmem_shared>>) target(%arg8 : memref<128x128xf32, #tpu.memory_space<vmem>>) target_semaphore(%run_scoped3A : memref<!tpu.dma_semaphore, #tpu.memory_space<semaphore_mem>>)
      %dma_wait3A = arith.constant 0 : i32
      %dma_wait3A_76 = tpu.memref_slice %arg9[%add3A_60, %dma_wait3A] : memref<10240x128xf32, #tpu.memory_space<vmem_shared>> -> memref<128x128xf32, #tpu.memory_space<vmem_shared>>
      %dma_wait3A_77 = arith.constant 0 : i32
      %dma_wait3A_78 = tpu.memref_slice %arg9[%add3A_60, %dma_wait3A_77] : memref<10240x128xf32, #tpu.memory_space<vmem_shared>> -> memref<128x128xf32, #tpu.memory_space<vmem_shared>>
      tpu.wait_dma2 semaphore(%run_scoped3A : memref<!tpu.dma_semaphore, #tpu.memory_space<semaphore_mem>>) src(%dma_wait3A_78 : memref<128x128xf32, #tpu.memory_space<vmem_shared>>) dst(%arg8 : memref<128x128xf32, #tpu.memory_space<vmem>>)
      tpu.yield
    }) : () -> ()
    %mul3A_61 = arith.constant 640 : i32
    %mul3A_62 = arith.muli %arg1, %mul3A_61 : i32
    %add3A_63 = arith.constant 384 : i32
    %add3A_64 = arith.addi %mul3A_62, %add3A_63 : i32
    "tpu.region"() ({
      %run_scoped3A = tpu.sem_alloc : memref<!tpu.dma_semaphore, #tpu.memory_space<semaphore_mem>>
      %dma_start3A = arith.constant 0 : i32
      %dma_start3A_73 = arith.constant 0 : i32
      %dma_start3A_74 = tpu.memref_slice %arg5[%arg0, %dma_start3A, %dma_start3A_73] : memref<2x10240x128xf32, #tpu.memory_space<hbm>> -> memref<1x10240x128xf32, #tpu.memory_space<hbm>>
      %dma_start3A_75 = tpu.memref_squeeze %dma_start3A_74 : memref<1x10240x128xf32, #tpu.memory_space<hbm>> -> memref<10240x128xf32, #tpu.memory_space<hbm>>
      %dma_start3A_76 = arith.constant 0 : i32
      %dma_start3A_77 = tpu.memref_slice %dma_start3A_75[%add3A_64, %dma_start3A_76] : memref<10240x128xf32, #tpu.memory_space<hbm>> -> memref<128x128xf32, #tpu.memory_space<hbm>>
      %dma_start3A_78 = arith.constant 0 : i32
      %dma_start3A_79 = arith.constant 0 : i32
      %dma_start3A_80 = tpu.memref_slice %arg5[%arg0, %dma_start3A_78, %dma_start3A_79] : memref<2x10240x128xf32, #tpu.memory_space<hbm>> -> memref<1x10240x128xf32, #tpu.memory_space<hbm>>
      %dma_start3A_81 = tpu.memref_squeeze %dma_start3A_80 : memref<1x10240x128xf32, #tpu.memory_space<hbm>> -> memref<10240x128xf32, #tpu.memory_space<hbm>>
      %dma_start3A_82 = arith.constant 0 : i32
      %dma_start3A_83 = tpu.memref_slice %dma_start3A_81[%add3A_64, %dma_start3A_82] : memref<10240x128xf32, #tpu.memory_space<hbm>> -> memref<128x128xf32, #tpu.memory_space<hbm>>
      tpu.enqueue_dma source(%arg8 : memref<128x128xf32, #tpu.memory_space<vmem>>) target(%dma_start3A_83 : memref<128x128xf32, #tpu.memory_space<hbm>>) target_semaphore(%run_scoped3A : memref<!tpu.dma_semaphore, #tpu.memory_space<semaphore_mem>>)
      %dma_wait3A = arith.constant 0 : i32
      %dma_wait3A_84 = arith.constant 0 : i32
      %dma_wait3A_85 = tpu.memref_slice %arg5[%arg0, %dma_wait3A, %dma_wait3A_84] : memref<2x10240x128xf32, #tpu.memory_space<hbm>> -> memref<1x10240x128xf32, #tpu.memory_space<hbm>>
      %dma_wait3A_86 = tpu.memref_squeeze %dma_wait3A_85 : memref<1x10240x128xf32, #tpu.memory_space<hbm>> -> memref<10240x128xf32, #tpu.memory_space<hbm>>
      %dma_wait3A_87 = arith.constant 0 : i32
      %dma_wait3A_88 = tpu.memref_slice %dma_wait3A_86[%add3A_64, %dma_wait3A_87] : memref<10240x128xf32, #tpu.memory_space<hbm>> -> memref<128x128xf32, #tpu.memory_space<hbm>>
      %dma_wait3A_89 = arith.constant 0 : i32
      %dma_wait3A_90 = arith.constant 0 : i32
      %dma_wait3A_91 = tpu.memref_slice %arg5[%arg0, %dma_wait3A_89, %dma_wait3A_90] : memref<2x10240x128xf32, #tpu.memory_space<hbm>> -> memref<1x10240x128xf32, #tpu.memory_space<hbm>>
      %dma_wait3A_92 = tpu.memref_squeeze %dma_wait3A_91 : memref<1x10240x128xf32, #tpu.memory_space<hbm>> -> memref<10240x128xf32, #tpu.memory_space<hbm>>
      %dma_wait3A_93 = arith.constant 0 : i32
      %dma_wait3A_94 = tpu.memref_slice %dma_wait3A_92[%add3A_64, %dma_wait3A_93] : memref<10240x128xf32, #tpu.memory_space<hbm>> -> memref<128x128xf32, #tpu.memory_space<hbm>>
      tpu.wait_dma2 semaphore(%run_scoped3A : memref<!tpu.dma_semaphore, #tpu.memory_space<semaphore_mem>>) src(%arg8 : memref<128x128xf32, #tpu.memory_space<vmem>>) dst(%dma_wait3A_94 : memref<128x128xf32, #tpu.memory_space<hbm>>)
      tpu.yield
    }) : () -> ()
    %mul3A_65 = arith.constant 640 : i32
    %mul3A_66 = arith.muli %arg1, %mul3A_65 : i32
    %add3A_67 = arith.constant 512 : i32
    %add3A_68 = arith.addi %mul3A_66, %add3A_67 : i32
    "tpu.region"() ({
      %run_scoped3A = tpu.sem_alloc : memref<!tpu.dma_semaphore, #tpu.memory_space<semaphore_mem>>
      %dma_start3A = arith.constant 0 : i32
      %dma_start3A_73 = tpu.memref_slice %arg9[%add3A_68, %dma_start3A] : memref<10240x128xf32, #tpu.memory_space<vmem_shared>> -> memref<128x128xf32, #tpu.memory_space<vmem_shared>>
      %dma_start3A_74 = arith.constant 0 : i32
      %dma_start3A_75 = tpu.memref_slice %arg9[%add3A_68, %dma_start3A_74] : memref<10240x128xf32, #tpu.memory_space<vmem_shared>> -> memref<128x128xf32, #tpu.memory_space<vmem_shared>>
      tpu.enqueue_dma source(%dma_start3A_75 : memref<128x128xf32, #tpu.memory_space<vmem_shared>>) target(%arg8 : memref<128x128xf32, #tpu.memory_space<vmem>>) target_semaphore(%run_scoped3A : memref<!tpu.dma_semaphore, #tpu.memory_space<semaphore_mem>>)
      %dma_wait3A = arith.constant 0 : i32
      %dma_wait3A_76 = tpu.memref_slice %arg9[%add3A_68, %dma_wait3A] : memref<10240x128xf32, #tpu.memory_space<vmem_shared>> -> memref<128x128xf32, #tpu.memory_space<vmem_shared>>
      %dma_wait3A_77 = arith.constant 0 : i32
      %dma_wait3A_78 = tpu.memref_slice %arg9[%add3A_68, %dma_wait3A_77] : memref<10240x128xf32, #tpu.memory_space<vmem_shared>> -> memref<128x128xf32, #tpu.memory_space<vmem_shared>>
      tpu.wait_dma2 semaphore(%run_scoped3A : memref<!tpu.dma_semaphore, #tpu.memory_space<semaphore_mem>>) src(%dma_wait3A_78 : memref<128x128xf32, #tpu.memory_space<vmem_shared>>) dst(%arg8 : memref<128x128xf32, #tpu.memory_space<vmem>>)
      tpu.yield
    }) : () -> ()
    %mul3A_69 = arith.constant 640 : i32
    %mul3A_70 = arith.muli %arg1, %mul3A_69 : i32
    %add3A_71 = arith.constant 512 : i32
    %add3A_72 = arith.addi %mul3A_70, %add3A_71 : i32
    "tpu.region"() ({
      %run_scoped3A = tpu.sem_alloc : memref<!tpu.dma_semaphore, #tpu.memory_space<semaphore_mem>>
      %dma_start3A = arith.constant 0 : i32
      %dma_start3A_73 = arith.constant 0 : i32
      %dma_start3A_74 = tpu.memref_slice %arg5[%arg0, %dma_start3A, %dma_start3A_73] : memref<2x10240x128xf32, #tpu.memory_space<hbm>> -> memref<1x10240x128xf32, #tpu.memory_space<hbm>>
      %dma_start3A_75 = tpu.memref_squeeze %dma_start3A_74 : memref<1x10240x128xf32, #tpu.memory_space<hbm>> -> memref<10240x128xf32, #tpu.memory_space<hbm>>
      %dma_start3A_76 = arith.constant 0 : i32
      %dma_start3A_77 = tpu.memref_slice %dma_start3A_75[%add3A_72, %dma_start3A_76] : memref<10240x128xf32, #tpu.memory_space<hbm>> -> memref<128x128xf32, #tpu.memory_space<hbm>>
      %dma_start3A_78 = arith.constant 0 : i32
      %dma_start3A_79 = arith.constant 0 : i32
      %dma_start3A_80 = tpu.memref_slice %arg5[%arg0, %dma_start3A_78, %dma_start3A_79] : memref<2x10240x128xf32, #tpu.memory_space<hbm>> -> memref<1x10240x128xf32, #tpu.memory_space<hbm>>
      %dma_start3A_81 = tpu.memref_squeeze %dma_start3A_80 : memref<1x10240x128xf32, #tpu.memory_space<hbm>> -> memref<10240x128xf32, #tpu.memory_space<hbm>>
      %dma_start3A_82 = arith.constant 0 : i32
      %dma_start3A_83 = tpu.memref_slice %dma_start3A_81[%add3A_72, %dma_start3A_82] : memref<10240x128xf32, #tpu.memory_space<hbm>> -> memref<128x128xf32, #tpu.memory_space<hbm>>
      tpu.enqueue_dma source(%arg8 : memref<128x128xf32, #tpu.memory_space<vmem>>) target(%dma_start3A_83 : memref<128x128xf32, #tpu.memory_space<hbm>>) target_semaphore(%run_scoped3A : memref<!tpu.dma_semaphore, #tpu.memory_space<semaphore_mem>>)
      %dma_wait3A = arith.constant 0 : i32
      %dma_wait3A_84 = arith.constant 0 : i32
      %dma_wait3A_85 = tpu.memref_slice %arg5[%arg0, %dma_wait3A, %dma_wait3A_84] : memref<2x10240x128xf32, #tpu.memory_space<hbm>> -> memref<1x10240x128xf32, #tpu.memory_space<hbm>>
      %dma_wait3A_86 = tpu.memref_squeeze %dma_wait3A_85 : memref<1x10240x128xf32, #tpu.memory_space<hbm>> -> memref<10240x128xf32, #tpu.memory_space<hbm>>
      %dma_wait3A_87 = arith.constant 0 : i32
      %dma_wait3A_88 = tpu.memref_slice %dma_wait3A_86[%add3A_72, %dma_wait3A_87] : memref<10240x128xf32, #tpu.memory_space<hbm>> -> memref<128x128xf32, #tpu.memory_space<hbm>>
      %dma_wait3A_89 = arith.constant 0 : i32
      %dma_wait3A_90 = arith.constant 0 : i32
      %dma_wait3A_91 = tpu.memref_slice %arg5[%arg0, %dma_wait3A_89, %dma_wait3A_90] : memref<2x10240x128xf32, #tpu.memory_space<hbm>> -> memref<1x10240x128xf32, #tpu.memory_space<hbm>>
      %dma_wait3A_92 = tpu.memref_squeeze %dma_wait3A_91 : memref<1x10240x128xf32, #tpu.memory_space<hbm>> -> memref<10240x128xf32, #tpu.memory_space<hbm>>
      %dma_wait3A_93 = arith.constant 0 : i32
      %dma_wait3A_94 = tpu.memref_slice %dma_wait3A_92[%add3A_72, %dma_wait3A_93] : memref<10240x128xf32, #tpu.memory_space<hbm>> -> memref<128x128xf32, #tpu.memory_space<hbm>>
      tpu.wait_dma2 semaphore(%run_scoped3A : memref<!tpu.dma_semaphore, #tpu.memory_space<semaphore_mem>>) src(%arg8 : memref<128x128xf32, #tpu.memory_space<vmem>>) dst(%dma_wait3A_94 : memref<128x128xf32, #tpu.memory_space<hbm>>)
      tpu.yield
    }) : () -> ()
    return
  }
}

#map = affine_map<(d0, d1) -> (0, 0)>
#map1 = affine_map<(d0, d1) -> (0, 0, 0)>
module attributes {stable_mosaic.version = 14 : i64} {
  func.func @k(%arg0: i32, %arg1: i32, %arg2: memref<10000x128xf32, #tpu.memory_space<hbm>>, %arg3: memref<32x79x128xi32, #tpu.memory_space<hbm>>, %arg4: memref<32x79x128xi32, #tpu.memory_space<hbm>>, %arg5: memref<2x10240x128xf32, #tpu.memory_space<hbm>>, %arg6: memref<79x128xi32, #tpu.memory_space<vmem>>, %arg7: memref<79x128xi32, #tpu.memory_space<vmem>>, %arg8: memref<128x128xf32, #tpu.memory_space<vmem>>, %arg9: memref<10240x128xf32, #tpu.memory_space<vmem_shared>>, %arg10: memref<!tpu.dma_semaphore, #tpu.memory_space<semaphore_mem>>) attributes {dimension_semantics = [#tpu.dimension_semantics<core_parallel>, #tpu.dimension_semantics<subcore_parallel>], iteration_bounds = array<i64: 2, 16>, scalar_prefetch = 0 : i64, scratch_operands = 5 : i64, tpu.core_type = #tpu.core_type<sc_vector_subcore>, window_params = [{transform_indices = #map}, {transform_indices = #map1}, {transform_indices = #map1}, {transform_indices = #map1}]} {
    %mul3A = arith.constant 16 : i32
    %mul3A_0 = arith.muli %arg0, %mul3A : i32
    %add3A = arith.addi %mul3A_0, %arg1 : i32
    %scan3A = arith.constant 0 : i32
    %scan3A_1 = arith.constant 0 : i32
    %scan3A_2 = arith.constant 128 : i32
    %scan3A_3 = arith.addi %scan3A_1, %scan3A_2 : i32
    %scan3A_4 = arith.constant 1 : i32
    scf.for %scan3A_73 = %scan3A_1 to %scan3A_3 step %scan3A_4  : i32 {
      %broadcast_in_dim3A = arith.constant 0.000000e+00 : f32
      %broadcast_in_dim3A_74 = vector.broadcast %broadcast_in_dim3A : f32 to vector<16xf32>
      %swap3A = arith.index_cast %scan3A_73 : i32 to index
      %swap3A_75 = arith.constant 0 : index
      %swap3A_76 = tpu.vector_load %arg8[%swap3A, %swap3A_75] {strides = array<i32>} : memref<128x128xf32, #tpu.memory_space<vmem>>, vector<1x16xf32>,
      %swap3A_77 = vector.shape_cast %swap3A_76 : vector<1x16xf32> to vector<16xf32>
      %swap3A_78 = vector.shape_cast %broadcast_in_dim3A_74 : vector<16xf32> to vector<1x16xf32>
      tpu.vector_store %arg8[%swap3A, %swap3A_75], %swap3A_78 {strides = array<i32>} : memref<128x128xf32, #tpu.memory_space<vmem>>, vector<1x16xf32>,
      %broadcast_in_dim3A_79 = arith.constant 0.000000e+00 : f32
      %broadcast_in_dim3A_80 = vector.broadcast %broadcast_in_dim3A_79 : f32 to vector<16xf32>
      %swap3A_81 = arith.index_cast %scan3A_73 : i32 to index
      %swap3A_82 = arith.constant 16 : index
      %swap3A_83 = tpu.vector_load %arg8[%swap3A_81, %swap3A_82] {strides = array<i32>} : memref<128x128xf32, #tpu.memory_space<vmem>>, vector<1x16xf32>,
      %swap3A_84 = vector.shape_cast %swap3A_83 : vector<1x16xf32> to vector<16xf32>
      %swap3A_85 = vector.shape_cast %broadcast_in_dim3A_80 : vector<16xf32> to vector<1x16xf32>
      tpu.vector_store %arg8[%swap3A_81, %swap3A_82], %swap3A_85 {strides = array<i32>} : memref<128x128xf32, #tpu.memory_space<vmem>>, vector<1x16xf32>,
      %broadcast_in_dim3A_86 = arith.constant 0.000000e+00 : f32
      %broadcast_in_dim3A_87 = vector.broadcast %broadcast_in_dim3A_86 : f32 to vector<16xf32>
      %swap3A_88 = arith.index_cast %scan3A_73 : i32 to index
      %swap3A_89 = arith.constant 32 : index
      %swap3A_90 = tpu.vector_load %arg8[%swap3A_88, %swap3A_89] {strides = array<i32>} : memref<128x128xf32, #tpu.memory_space<vmem>>, vector<1x16xf32>,
      %swap3A_91 = vector.shape_cast %swap3A_90 : vector<1x16xf32> to vector<16xf32>
      %swap3A_92 = vector.shape_cast %broadcast_in_dim3A_87 : vector<16xf32> to vector<1x16xf32>
      tpu.vector_store %arg8[%swap3A_88, %swap3A_89], %swap3A_92 {strides = array<i32>} : memref<128x128xf32, #tpu.memory_space<vmem>>, vector<1x16xf32>,
      %broadcast_in_dim3A_93 = arith.constant 0.000000e+00 : f32
      %broadcast_in_dim3A_94 = vector.broadcast %broadcast_in_dim3A_93 : f32 to vector<16xf32>
      %swap3A_95 = arith.index_cast %scan3A_73 : i32 to index
      %swap3A_96 = arith.constant 48 : index
      %swap3A_97 = tpu.vector_load %arg8[%swap3A_95, %swap3A_96] {strides = array<i32>} : memref<128x128xf32, #tpu.memory_space<vmem>>, vector<1x16xf32>,
      %swap3A_98 = vector.shape_cast %swap3A_97 : vector<1x16xf32> to vector<16xf32>
      %swap3A_99 = vector.shape_cast %broadcast_in_dim3A_94 : vector<16xf32> to vector<1x16xf32>
      tpu.vector_store %arg8[%swap3A_95, %swap3A_96], %swap3A_99 {strides = array<i32>} : memref<128x128xf32, #tpu.memory_space<vmem>>, vector<1x16xf32>,
      %broadcast_in_dim3A_100 = arith.constant 0.000000e+00 : f32
      %broadcast_in_dim3A_101 = vector.broadcast %broadcast_in_dim3A_100 : f32 to vector<16xf32>
      %swap3A_102 = arith.index_cast %scan3A_73 : i32 to index
      %swap3A_103 = arith.constant 64 : index
      %swap3A_104 = tpu.vector_load %arg8[%swap3A_102, %swap3A_103] {strides = array<i32>} : memref<128x128xf32, #tpu.memory_space<vmem>>, vector<1x16xf32>,
      %swap3A_105 = vector.shape_cast %swap3A_104 : vector<1x16xf32> to vector<16xf32>
      %swap3A_106 = vector.shape_cast %broadcast_in_dim3A_101 : vector<16xf32> to vector<1x16xf32>
      tpu.vector_store %arg8[%swap3A_102, %swap3A_103], %swap3A_106 {strides = array<i32>} : memref<128x128xf32, #tpu.memory_space<vmem>>, vector<1x16xf32>,
      %broadcast_in_dim3A_107 = arith.constant 0.000000e+00 : f32
      %broadcast_in_dim3A_108 = vector.broadcast %broadcast_in_dim3A_107 : f32 to vector<16xf32>
      %swap3A_109 = arith.index_cast %scan3A_73 : i32 to index
      %swap3A_110 = arith.constant 80 : index
      %swap3A_111 = tpu.vector_load %arg8[%swap3A_109, %swap3A_110] {strides = array<i32>} : memref<128x128xf32, #tpu.memory_space<vmem>>, vector<1x16xf32>,
      %swap3A_112 = vector.shape_cast %swap3A_111 : vector<1x16xf32> to vector<16xf32>
      %swap3A_113 = vector.shape_cast %broadcast_in_dim3A_108 : vector<16xf32> to vector<1x16xf32>
      tpu.vector_store %arg8[%swap3A_109, %swap3A_110], %swap3A_113 {strides = array<i32>} : memref<128x128xf32, #tpu.memory_space<vmem>>, vector<1x16xf32>,
      %broadcast_in_dim3A_114 = arith.constant 0.000000e+00 : f32
      %broadcast_in_dim3A_115 = vector.broadcast %broadcast_in_dim3A_114 : f32 to vector<16xf32>
      %swap3A_116 = arith.index_cast %scan3A_73 : i32 to index
      %swap3A_117 = arith.constant 96 : index
      %swap3A_118 = tpu.vector_load %arg8[%swap3A_116, %swap3A_117] {strides = array<i32>} : memref<128x128xf32, #tpu.memory_space<vmem>>, vector<1x16xf32>,
      %swap3A_119 = vector.shape_cast %swap3A_118 : vector<1x16xf32> to vector<16xf32>
      %swap3A_120 = vector.shape_cast %broadcast_in_dim3A_115 : vector<16xf32> to vector<1x16xf32>
      tpu.vector_store %arg8[%swap3A_116, %swap3A_117], %swap3A_120 {strides = array<i32>} : memref<128x128xf32, #tpu.memory_space<vmem>>, vector<1x16xf32>,
      %broadcast_in_dim3A_121 = arith.constant 0.000000e+00 : f32
      %broadcast_in_dim3A_122 = vector.broadcast %broadcast_in_dim3A_121 : f32 to vector<16xf32>
      %swap3A_123 = arith.index_cast %scan3A_73 : i32 to index
      %swap3A_124 = arith.constant 112 : index
      %swap3A_125 = tpu.vector_load %arg8[%swap3A_123, %swap3A_124] {strides = array<i32>} : memref<128x128xf32, #tpu.memory_space<vmem>>, vector<1x16xf32>,
      %swap3A_126 = vector.shape_cast %swap3A_125 : vector<1x16xf32> to vector<16xf32>
      %swap3A_127 = vector.shape_cast %broadcast_in_dim3A_122 : vector<16xf32> to vector<1x16xf32>
      tpu.vector_store %arg8[%swap3A_123, %swap3A_124], %swap3A_127 {strides = array<i32>} : memref<128x128xf32, #tpu.memory_space<vmem>>, vector<1x16xf32>,
    }
    %scan3A_5 = arith.constant 128 : i32
    %mul3A_6 = arith.constant 640 : i32
    %mul3A_7 = arith.muli %arg1, %mul3A_6 : i32
    %add3A_8 = arith.constant 0 : i32
    %add3A_9 = arith.addi %mul3A_7, %add3A_8 : i32
    "tpu.region"() ({
      %run_scoped3A = tpu.sem_alloc : memref<!tpu.dma_semaphore, #tpu.memory_space<semaphore_mem>>
      %dma_start3A = arith.constant 0 : i32
      %dma_start3A_73 = tpu.memref_slice %arg9[%add3A_9, %dma_start3A] : memref<10240x128xf32, #tpu.memory_space<vmem_shared>> -> memref<128x128xf32, #tpu.memory_space<vmem_shared>>
      %dma_start3A_74 = arith.constant 0 : i32
      %dma_start3A_75 = tpu.memref_slice %arg9[%add3A_9, %dma_start3A_74] : memref<10240x128xf32, #tpu.memory_space<vmem_shared>> -> memref<128x128xf32, #tpu.memory_space<vmem_shared>>
      tpu.enqueue_dma source(%arg8 : memref<128x128xf32, #tpu.memory_space<vmem>>) target(%dma_start3A_75 : memref<128x128xf32, #tpu.memory_space<vmem_shared>>) target_semaphore(%run_scoped3A : memref<!tpu.dma_semaphore, #tpu.memory_space<semaphore_mem>>)
      %dma_wait3A = arith.constant 0 : i32
      %dma_wait3A_76 = tpu.memref_slice %arg9[%add3A_9, %dma_wait3A] : memref<10240x128xf32, #tpu.memory_space<vmem_shared>> -> memref<128x128xf32, #tpu.memory_space<vmem_shared>>
      %dma_wait3A_77 = arith.constant 0 : i32
      %dma_wait3A_78 = tpu.memref_slice %arg9[%add3A_9, %dma_wait3A_77] : memref<10240x128xf32, #tpu.memory_space<vmem_shared>> -> memref<128x128xf32, #tpu.memory_space<vmem_shared>>
      tpu.wait_dma2 semaphore(%run_scoped3A : memref<!tpu.dma_semaphore, #tpu.memory_space<semaphore_mem>>) src(%arg8 : memref<128x128xf32, #tpu.memory_space<vmem>>) dst(%dma_wait3A_78 : memref<128x128xf32, #tpu.memory_space<vmem_shared>>)
      tpu.yield
    }) : () -> ()
    %mul3A_10 = arith.constant 640 : i32
    %mul3A_11 = arith.muli %arg1, %mul3A_10 : i32
    %add3A_12 = arith.constant 128 : i32
    %add3A_13 = arith.addi %mul3A_11, %add3A_12 : i32
    "tpu.region"() ({
      %run_scoped3A = tpu.sem_alloc : memref<!tpu.dma_semaphore, #tpu.memory_space<semaphore_mem>>
      %dma_start3A = arith.constant 0 : i32
      %dma_start3A_73 = tpu.memref_slice %arg9[%add3A_13, %dma_start3A] : memref<10240x128xf32, #tpu.memory_space<vmem_shared>> -> memref<128x128xf32, #tpu.memory_space<vmem_shared>>
      %dma_start3A_74 = arith.constant 0 : i32
      %dma_start3A_75 = tpu.memref_slice %arg9[%add3A_13, %dma_start3A_74] : memref<10240x128xf32, #tpu.memory_space<vmem_shared>> -> memref<128x128xf32, #tpu.memory_space<vmem_shared>>
      tpu.enqueue_dma source(%arg8 : memref<128x128xf32, #tpu.memory_space<vmem>>) target(%dma_start3A_75 : memref<128x128xf32, #tpu.memory_space<vmem_shared>>) target_semaphore(%run_scoped3A : memref<!tpu.dma_semaphore, #tpu.memory_space<semaphore_mem>>)
      %dma_wait3A = arith.constant 0 : i32
      %dma_wait3A_76 = tpu.memref_slice %arg9[%add3A_13, %dma_wait3A] : memref<10240x128xf32, #tpu.memory_space<vmem_shared>> -> memref<128x128xf32, #tpu.memory_space<vmem_shared>>
      %dma_wait3A_77 = arith.constant 0 : i32
      %dma_wait3A_78 = tpu.memref_slice %arg9[%add3A_13, %dma_wait3A_77] : memref<10240x128xf32, #tpu.memory_space<vmem_shared>> -> memref<128x128xf32, #tpu.memory_space<vmem_shared>>
      tpu.wait_dma2 semaphore(%run_scoped3A : memref<!tpu.dma_semaphore, #tpu.memory_space<semaphore_mem>>) src(%arg8 : memref<128x128xf32, #tpu.memory_space<vmem>>) dst(%dma_wait3A_78 : memref<128x128xf32, #tpu.memory_space<vmem_shared>>)
      tpu.yield
    }) : () -> ()
    %mul3A_14 = arith.constant 640 : i32
    %mul3A_15 = arith.muli %arg1, %mul3A_14 : i32
    %add3A_16 = arith.constant 256 : i32
    %add3A_17 = arith.addi %mul3A_15, %add3A_16 : i32
    "tpu.region"() ({
      %run_scoped3A = tpu.sem_alloc : memref<!tpu.dma_semaphore, #tpu.memory_space<semaphore_mem>>
      %dma_start3A = arith.constant 0 : i32
      %dma_start3A_73 = tpu.memref_slice %arg9[%add3A_17, %dma_start3A] : memref<10240x128xf32, #tpu.memory_space<vmem_shared>> -> memref<128x128xf32, #tpu.memory_space<vmem_shared>>
      %dma_start3A_74 = arith.constant 0 : i32
      %dma_start3A_75 = tpu.memref_slice %arg9[%add3A_17, %dma_start3A_74] : memref<10240x128xf32, #tpu.memory_space<vmem_shared>> -> memref<128x128xf32, #tpu.memory_space<vmem_shared>>
      tpu.enqueue_dma source(%arg8 : memref<128x128xf32, #tpu.memory_space<vmem>>) target(%dma_start3A_75 : memref<128x128xf32, #tpu.memory_space<vmem_shared>>) target_semaphore(%run_scoped3A : memref<!tpu.dma_semaphore, #tpu.memory_space<semaphore_mem>>)
      %dma_wait3A = arith.constant 0 : i32
      %dma_wait3A_76 = tpu.memref_slice %arg9[%add3A_17, %dma_wait3A] : memref<10240x128xf32, #tpu.memory_space<vmem_shared>> -> memref<128x128xf32, #tpu.memory_space<vmem_shared>>
      %dma_wait3A_77 = arith.constant 0 : i32
      %dma_wait3A_78 = tpu.memref_slice %arg9[%add3A_17, %dma_wait3A_77] : memref<10240x128xf32, #tpu.memory_space<vmem_shared>> -> memref<128x128xf32, #tpu.memory_space<vmem_shared>>
      tpu.wait_dma2 semaphore(%run_scoped3A : memref<!tpu.dma_semaphore, #tpu.memory_space<semaphore_mem>>) src(%arg8 : memref<128x128xf32, #tpu.memory_space<vmem>>) dst(%dma_wait3A_78 : memref<128x128xf32, #tpu.memory_space<vmem_shared>>)
      tpu.yield
    }) : () -> ()
    %mul3A_18 = arith.constant 640 : i32
    %mul3A_19 = arith.muli %arg1, %mul3A_18 : i32
    %add3A_20 = arith.constant 384 : i32
    %add3A_21 = arith.addi %mul3A_19, %add3A_20 : i32
    "tpu.region"() ({
      %run_scoped3A = tpu.sem_alloc : memref<!tpu.dma_semaphore, #tpu.memory_space<semaphore_mem>>
      %dma_start3A = arith.constant 0 : i32
      %dma_start3A_73 = tpu.memref_slice %arg9[%add3A_21, %dma_start3A] : memref<10240x128xf32, #tpu.memory_space<vmem_shared>> -> memref<128x128xf32, #tpu.memory_space<vmem_shared>>
      %dma_start3A_74 = arith.constant 0 : i32
      %dma_start3A_75 = tpu.memref_slice %arg9[%add3A_21, %dma_start3A_74] : memref<10240x128xf32, #tpu.memory_space<vmem_shared>> -> memref<128x128xf32, #tpu.memory_space<vmem_shared>>
      tpu.enqueue_dma source(%arg8 : memref<128x128xf32, #tpu.memory_space<vmem>>) target(%dma_start3A_75 : memref<128x128xf32, #tpu.memory_space<vmem_shared>>) target_semaphore(%run_scoped3A : memref<!tpu.dma_semaphore, #tpu.memory_space<semaphore_mem>>)
      %dma_wait3A = arith.constant 0 : i32
      %dma_wait3A_76 = tpu.memref_slice %arg9[%add3A_21, %dma_wait3A] : memref<10240x128xf32, #tpu.memory_space<vmem_shared>> -> memref<128x128xf32, #tpu.memory_space<vmem_shared>>
      %dma_wait3A_77 = arith.constant 0 : i32
      %dma_wait3A_78 = tpu.memref_slice %arg9[%add3A_21, %dma_wait3A_77] : memref<10240x128xf32, #tpu.memory_space<vmem_shared>> -> memref<128x128xf32, #tpu.memory_space<vmem_shared>>
      tpu.wait_dma2 semaphore(%run_scoped3A : memref<!tpu.dma_semaphore, #tpu.memory_space<semaphore_mem>>) src(%arg8 : memref<128x128xf32, #tpu.memory_space<vmem>>) dst(%dma_wait3A_78 : memref<128x128xf32, #tpu.memory_space<vmem_shared>>)
      tpu.yield
    }) : () -> ()
    %mul3A_22 = arith.constant 640 : i32
    %mul3A_23 = arith.muli %arg1, %mul3A_22 : i32
    %add3A_24 = arith.constant 512 : i32
    %add3A_25 = arith.addi %mul3A_23, %add3A_24 : i32
    "tpu.region"() ({
      %run_scoped3A = tpu.sem_alloc : memref<!tpu.dma_semaphore, #tpu.memory_space<semaphore_mem>>
      %dma_start3A = arith.constant 0 : i32
      %dma_start3A_73 = tpu.memref_slice %arg9[%add3A_25, %dma_start3A] : memref<10240x128xf32, #tpu.memory_space<vmem_shared>> -> memref<128x128xf32, #tpu.memory_space<vmem_shared>>
      %dma_start3A_74 = arith.constant 0 : i32
      %dma_start3A_75 = tpu.memref_slice %arg9[%add3A_25, %dma_start3A_74] : memref<10240x128xf32, #tpu.memory_space<vmem_shared>> -> memref<128x128xf32, #tpu.memory_space<vmem_shared>>
      tpu.enqueue_dma source(%arg8 : memref<128x128xf32, #tpu.memory_space<vmem>>) target(%dma_start3A_75 : memref<128x128xf32, #tpu.memory_space<vmem_shared>>) target_semaphore(%run_scoped3A : memref<!tpu.dma_semaphore, #tpu.memory_space<semaphore_mem>>)
      %dma_wait3A = arith.constant 0 : i32
      %dma_wait3A_76 = tpu.memref_slice %arg9[%add3A_25, %dma_wait3A] : memref<10240x128xf32, #tpu.memory_space<vmem_shared>> -> memref<128x128xf32, #tpu.memory_space<vmem_shared>>
      %dma_wait3A_77 = arith.constant 0 : i32
      %dma_wait3A_78 = tpu.memref_slice %arg9[%add3A_25, %dma_wait3A_77] : memref<10240x128xf32, #tpu.memory_space<vmem_shared>> -> memref<128x128xf32, #tpu.memory_space<vmem_shared>>
      tpu.wait_dma2 semaphore(%run_scoped3A : memref<!tpu.dma_semaphore, #tpu.memory_space<semaphore_mem>>) src(%arg8 : memref<128x128xf32, #tpu.memory_space<vmem>>) dst(%dma_wait3A_78 : memref<128x128xf32, #tpu.memory_space<vmem_shared>>)
      tpu.yield
    }) : () -> ()
    "tpu.region"() ({
      %run_scoped3A = tpu.sem_alloc : memref<!tpu.dma_semaphore, #tpu.memory_space<semaphore_mem>>
      %dma_start3A = arith.constant 0 : i32
      %dma_start3A_73 = arith.constant 0 : i32
      %dma_start3A_74 = tpu.memref_slice %arg3[%add3A, %dma_start3A, %dma_start3A_73] : memref<32x79x128xi32, #tpu.memory_space<hbm>> -> memref<1x79x128xi32, #tpu.memory_space<hbm>>
      %dma_start3A_75 = tpu.memref_squeeze %dma_start3A_74 : memref<1x79x128xi32, #tpu.memory_space<hbm>> -> memref<79x128xi32, #tpu.memory_space<hbm>>
      %dma_start3A_76 = arith.constant 0 : i32
      %dma_start3A_77 = arith.constant 0 : i32
      %dma_start3A_78 = tpu.memref_slice %arg3[%add3A, %dma_start3A_76, %dma_start3A_77] : memref<32x79x128xi32, #tpu.memory_space<hbm>> -> memref<1x79x128xi32, #tpu.memory_space<hbm>>
      %dma_start3A_79 = tpu.memref_squeeze %dma_start3A_78 : memref<1x79x128xi32, #tpu.memory_space<hbm>> -> memref<79x128xi32, #tpu.memory_space<hbm>>
      tpu.enqueue_dma source(%dma_start3A_79 : memref<79x128xi32, #tpu.memory_space<hbm>>) target(%arg6 : memref<79x128xi32, #tpu.memory_space<vmem>>) target_semaphore(%run_scoped3A : memref<!tpu.dma_semaphore, #tpu.memory_space<semaphore_mem>>)
      %dma_wait3A = arith.constant 0 : i32
      %dma_wait3A_80 = arith.constant 0 : i32
      %dma_wait3A_81 = tpu.memref_slice %arg3[%add3A, %dma_wait3A, %dma_wait3A_80] : memref<32x79x128xi32, #tpu.memory_space<hbm>> -> memref<1x79x128xi32, #tpu.memory_space<hbm>>
      %dma_wait3A_82 = tpu.memref_squeeze %dma_wait3A_81 : memref<1x79x128xi32, #tpu.memory_space<hbm>> -> memref<79x128xi32, #tpu.memory_space<hbm>>
      %dma_wait3A_83 = arith.constant 0 : i32
      %dma_wait3A_84 = arith.constant 0 : i32
      %dma_wait3A_85 = tpu.memref_slice %arg3[%add3A, %dma_wait3A_83, %dma_wait3A_84] : memref<32x79x128xi32, #tpu.memory_space<hbm>> -> memref<1x79x128xi32, #tpu.memory_space<hbm>>
      %dma_wait3A_86 = tpu.memref_squeeze %dma_wait3A_85 : memref<1x79x128xi32, #tpu.memory_space<hbm>> -> memref<79x128xi32, #tpu.memory_space<hbm>>
      tpu.wait_dma2 semaphore(%run_scoped3A : memref<!tpu.dma_semaphore, #tpu.memory_space<semaphore_mem>>) src(%dma_wait3A_86 : memref<79x128xi32, #tpu.memory_space<hbm>>) dst(%arg6 : memref<79x128xi32, #tpu.memory_space<vmem>>)
      tpu.yield
    }) : () -> ()
    "tpu.region"() ({
      %run_scoped3A = tpu.sem_alloc : memref<!tpu.dma_semaphore, #tpu.memory_space<semaphore_mem>>
      %dma_start3A = arith.constant 0 : i32
      %dma_start3A_73 = arith.constant 0 : i32
      %dma_start3A_74 = tpu.memref_slice %arg4[%add3A, %dma_start3A, %dma_start3A_73] : memref<32x79x128xi32, #tpu.memory_space<hbm>> -> memref<1x79x128xi32, #tpu.memory_space<hbm>>
      %dma_start3A_75 = tpu.memref_squeeze %dma_start3A_74 : memref<1x79x128xi32, #tpu.memory_space<hbm>> -> memref<79x128xi32, #tpu.memory_space<hbm>>
      %dma_start3A_76 = arith.constant 0 : i32
      %dma_start3A_77 = arith.constant 0 : i32
      %dma_start3A_78 = tpu.memref_slice %arg4[%add3A, %dma_start3A_76, %dma_start3A_77] : memref<32x79x128xi32, #tpu.memory_space<hbm>> -> memref<1x79x128xi32, #tpu.memory_space<hbm>>
      %dma_start3A_79 = tpu.memref_squeeze %dma_start3A_78 : memref<1x79x128xi32, #tpu.memory_space<hbm>> -> memref<79x128xi32, #tpu.memory_space<hbm>>
      tpu.enqueue_dma source(%dma_start3A_79 : memref<79x128xi32, #tpu.memory_space<hbm>>) target(%arg7 : memref<79x128xi32, #tpu.memory_space<vmem>>) target_semaphore(%run_scoped3A : memref<!tpu.dma_semaphore, #tpu.memory_space<semaphore_mem>>)
      %dma_wait3A = arith.constant 0 : i32
      %dma_wait3A_80 = arith.constant 0 : i32
      %dma_wait3A_81 = tpu.memref_slice %arg4[%add3A, %dma_wait3A, %dma_wait3A_80] : memref<32x79x128xi32, #tpu.memory_space<hbm>> -> memref<1x79x128xi32, #tpu.memory_space<hbm>>
      %dma_wait3A_82 = tpu.memref_squeeze %dma_wait3A_81 : memref<1x79x128xi32, #tpu.memory_space<hbm>> -> memref<79x128xi32, #tpu.memory_space<hbm>>
      %dma_wait3A_83 = arith.constant 0 : i32
      %dma_wait3A_84 = arith.constant 0 : i32
      %dma_wait3A_85 = tpu.memref_slice %arg4[%add3A, %dma_wait3A_83, %dma_wait3A_84] : memref<32x79x128xi32, #tpu.memory_space<hbm>> -> memref<1x79x128xi32, #tpu.memory_space<hbm>>
      %dma_wait3A_86 = tpu.memref_squeeze %dma_wait3A_85 : memref<1x79x128xi32, #tpu.memory_space<hbm>> -> memref<79x128xi32, #tpu.memory_space<hbm>>
      tpu.wait_dma2 semaphore(%run_scoped3A : memref<!tpu.dma_semaphore, #tpu.memory_space<semaphore_mem>>) src(%dma_wait3A_86 : memref<79x128xi32, #tpu.memory_space<hbm>>) dst(%arg7 : memref<79x128xi32, #tpu.memory_space<vmem>>)
      tpu.yield
    }) : () -> ()
    %barrier3A = arith.constant 0 : index
    tpu.barrier barrier_id(%barrier3A)
    %scan3A_26 = arith.constant 0 : i32
    %scan3A_27 = arith.constant 0 : i32
    %scan3A_28 = arith.constant 79 : i32
    %scan3A_29 = arith.addi %scan3A_27, %scan3A_28 : i32
    %scan3A_30 = arith.constant 1 : i32
    scf.for %scan3A_73 = %scan3A_27 to %scan3A_29 step %scan3A_30  : i32 {
      %dma_start3A = arith.constant 0 : i32
      %dma_start3A_74 = tpu.memref_slice %arg6[%scan3A_73, %dma_start3A] : memref<79x128xi32, #tpu.memory_space<vmem>> -> memref<1x128xi32, #tpu.memory_space<vmem>>
      %dma_start3A_75 = tpu.memref_squeeze %dma_start3A_74 : memref<1x128xi32, #tpu.memory_space<vmem>> -> memref<128xi32, #tpu.memory_space<vmem>>
      %dma_start3A_76 = arith.constant 0 : i32
      %dma_start3A_77 = arith.constant 0 : i32
      %dma_start3A_78 = tpu.memref_slice %arg2[%dma_start3A_76, %dma_start3A_77] : memref<10000x128xf32, #tpu.memory_space<hbm>> -> memref<10000x128xf32, #tpu.memory_space<hbm>>
      tpu.enqueue_indirect_dma source(%dma_start3A_78 : memref<10000x128xf32, #tpu.memory_space<hbm>>) target(%arg8 : memref<128x128xf32, #tpu.memory_space<vmem>>) offsets(%dma_start3A_75 : memref<128xi32, #tpu.memory_space<vmem>>) semaphore(%arg10 : memref<!tpu.dma_semaphore, #tpu.memory_space<semaphore_mem>>)
      %dma_wait3A = arith.constant 0 : i32
      %dma_wait3A_79 = tpu.memref_slice %arg6[%scan3A_73, %dma_wait3A] : memref<79x128xi32, #tpu.memory_space<vmem>> -> memref<1x128xi32, #tpu.memory_space<vmem>>
      %dma_wait3A_80 = tpu.memref_squeeze %dma_wait3A_79 : memref<1x128xi32, #tpu.memory_space<vmem>> -> memref<128xi32, #tpu.memory_space<vmem>>
      %dma_wait3A_81 = arith.constant 0 : i32
      %dma_wait3A_82 = arith.constant 0 : i32
      %dma_wait3A_83 = tpu.memref_slice %arg2[%dma_wait3A_81, %dma_wait3A_82] : memref<10000x128xf32, #tpu.memory_space<hbm>> -> memref<10000x128xf32, #tpu.memory_space<hbm>>
      tpu.wait_indirect_dma semaphore(%arg10 : memref<!tpu.dma_semaphore, #tpu.memory_space<semaphore_mem>>) src(%dma_wait3A_83 : memref<10000x128xf32, #tpu.memory_space<hbm>>) dst(%arg8 : memref<128x128xf32, #tpu.memory_space<vmem>>)
      "tpu.region"() ({
        %run_scoped3A = tpu.sem_alloc : memref<!tpu.dma_semaphore, #tpu.memory_space<semaphore_mem>>
        %dma_start3A_84 = arith.constant 0 : i32
        %dma_start3A_85 = tpu.memref_slice %arg7[%scan3A_73, %dma_start3A_84] : memref<79x128xi32, #tpu.memory_space<vmem>> -> memref<1x128xi32, #tpu.memory_space<vmem>>
        %dma_start3A_86 = tpu.memref_squeeze %dma_start3A_85 : memref<1x128xi32, #tpu.memory_space<vmem>> -> memref<128xi32, #tpu.memory_space<vmem>>
        %dma_start3A_87 = arith.constant 0 : i32
        %dma_start3A_88 = arith.constant 0 : i32
        %dma_start3A_89 = tpu.memref_slice %arg9[%dma_start3A_87, %dma_start3A_88] : memref<10240x128xf32, #tpu.memory_space<vmem_shared>> -> memref<10240x128xf32, #tpu.memory_space<vmem_shared>>
        tpu.enqueue_indirect_dma source(%arg8 : memref<128x128xf32, #tpu.memory_space<vmem>>) target(%dma_start3A_89 : memref<10240x128xf32, #tpu.memory_space<vmem_shared>>) offsets(%dma_start3A_86 : memref<128xi32, #tpu.memory_space<vmem>>) semaphore(%run_scoped3A : memref<!tpu.dma_semaphore, #tpu.memory_space<semaphore_mem>>) {add = true}
        %dma_wait3A_90 = arith.constant 0 : i32
        %dma_wait3A_91 = tpu.memref_slice %arg7[%scan3A_73, %dma_wait3A_90] : memref<79x128xi32, #tpu.memory_space<vmem>> -> memref<1x128xi32, #tpu.memory_space<vmem>>
        %dma_wait3A_92 = tpu.memref_squeeze %dma_wait3A_91 : memref<1x128xi32, #tpu.memory_space<vmem>> -> memref<128xi32, #tpu.memory_space<vmem>>
        %dma_wait3A_93 = arith.constant 0 : i32
        %dma_wait3A_94 = arith.constant 0 : i32
        %dma_wait3A_95 = tpu.memref_slice %arg9[%dma_wait3A_93, %dma_wait3A_94] : memref<10240x128xf32, #tpu.memory_space<vmem_shared>> -> memref<10240x128xf32, #tpu.memory_space<vmem_shared>>
        tpu.wait_indirect_dma semaphore(%run_scoped3A : memref<!tpu.dma_semaphore, #tpu.memory_space<semaphore_mem>>) src(%arg8 : memref<128x128xf32, #tpu.memory_space<vmem>>) dst(%dma_wait3A_95 : memref<10240x128xf32, #tpu.memory_space<vmem_shared>>)
        tpu.yield
      }) : () -> ()
    }
    %scan3A_31 = arith.constant 79 : i32
    %barrier3A_32 = arith.constant 0 : index
    tpu.barrier barrier_id(%barrier3A_32)
    %mul3A_33 = arith.constant 640 : i32
    %mul3A_34 = arith.muli %arg1, %mul3A_33 : i32
    %add3A_35 = arith.constant 0 : i32
    %add3A_36 = arith.addi %mul3A_34, %add3A_35 : i32
    "tpu.region"() ({
      %run_scoped3A = tpu.sem_alloc : memref<!tpu.dma_semaphore, #tpu.memory_space<semaphore_mem>>
      %dma_start3A = arith.constant 0 : i32
      %dma_start3A_73 = tpu.memref_slice %arg9[%add3A_36, %dma_start3A] : memref<10240x128xf32, #tpu.memory_space<vmem_shared>> -> memref<128x128xf32, #tpu.memory_space<vmem_shared>>
      %dma_start3A_74 = arith.constant 0 : i32
      %dma_start3A_75 = tpu.memref_slice %arg9[%add3A_36, %dma_start3A_74] : memref<10240x128xf32, #tpu.memory_space<vmem_shared>> -> memref<128x128xf32, #tpu.memory_space<vmem_shared>>
      tpu.enqueue_dma source(%dma_start3A_75 : memref<128x128xf32, #tpu.memory_space<vmem_shared>>) target(%arg8 : memref<128x128xf32, #tpu.memory_space<vmem>>) target_semaphore(%run_scoped3A : memref<!tpu.dma_semaphore, #tpu.memory_space<semaphore_mem>>)
      %dma_wait3A = arith.constant 0 : i32
      %dma_wait3A_76 = tpu.memref_slice %arg9[%add3A_36, %dma_wait3A] : memref<10240x128xf32, #tpu.memory_space<vmem_shared>> -> memref<128x128xf32, #tpu.memory_space<vmem_shared>>
      %dma_wait3A_77 = arith.constant 0 : i32
      %dma_wait3A_78 = tpu.memref_slice %arg9[%add3A_36, %dma_wait3A_77] : memref<10240x128xf32, #tpu.memory_space<vmem_shared>> -> memref<128x128xf32, #tpu.memory_space<vmem_shared>>
      tpu.wait_dma2 semaphore(%run_scoped3A : memref<!tpu.dma_semaphore, #tpu.memory_space<semaphore_mem>>) src(%dma_wait3A_78 : memref<128x128xf32, #tpu.memory_space<vmem_shared>>) dst(%arg8 : memref<128x128xf32, #tpu.memory_space<vmem>>)
      tpu.yield
    }) : () -> ()
    %mul3A_37 = arith.constant 640 : i32
    %mul3A_38 = arith.muli %arg1, %mul3A_37 : i32
    %add3A_39 = arith.constant 0 : i32
    %add3A_40 = arith.addi %mul3A_38, %add3A_39 : i32
    "tpu.region"() ({
      %run_scoped3A = tpu.sem_alloc : memref<!tpu.dma_semaphore, #tpu.memory_space<semaphore_mem>>
      %dma_start3A = arith.constant 0 : i32
      %dma_start3A_73 = arith.constant 0 : i32
      %dma_start3A_74 = tpu.memref_slice %arg5[%arg0, %dma_start3A, %dma_start3A_73] : memref<2x10240x128xf32, #tpu.memory_space<hbm>> -> memref<1x10240x128xf32, #tpu.memory_space<hbm>>
      %dma_start3A_75 = tpu.memref_squeeze %dma_start3A_74 : memref<1x10240x128xf32, #tpu.memory_space<hbm>> -> memref<10240x128xf32, #tpu.memory_space<hbm>>
      %dma_start3A_76 = arith.constant 0 : i32
      %dma_start3A_77 = tpu.memref_slice %dma_start3A_75[%add3A_40, %dma_start3A_76] : memref<10240x128xf32, #tpu.memory_space<hbm>> -> memref<128x128xf32, #tpu.memory_space<hbm>>
      %dma_start3A_78 = arith.constant 0 : i32
      %dma_start3A_79 = arith.constant 0 : i32
      %dma_start3A_80 = tpu.memref_slice %arg5[%arg0, %dma_start3A_78, %dma_start3A_79] : memref<2x10240x128xf32, #tpu.memory_space<hbm>> -> memref<1x10240x128xf32, #tpu.memory_space<hbm>>
      %dma_start3A_81 = tpu.memref_squeeze %dma_start3A_80 : memref<1x10240x128xf32, #tpu.memory_space<hbm>> -> memref<10240x128xf32, #tpu.memory_space<hbm>>
      %dma_start3A_82 = arith.constant 0 : i32
      %dma_start3A_83 = tpu.memref_slice %dma_start3A_81[%add3A_40, %dma_start3A_82] : memref<10240x128xf32, #tpu.memory_space<hbm>> -> memref<128x128xf32, #tpu.memory_space<hbm>>
      tpu.enqueue_dma source(%arg8 : memref<128x128xf32, #tpu.memory_space<vmem>>) target(%dma_start3A_83 : memref<128x128xf32, #tpu.memory_space<hbm>>) target_semaphore(%run_scoped3A : memref<!tpu.dma_semaphore, #tpu.memory_space<semaphore_mem>>)
      %dma_wait3A = arith.constant 0 : i32
      %dma_wait3A_84 = arith.constant 0 : i32
      %dma_wait3A_85 = tpu.memref_slice %arg5[%arg0, %dma_wait3A, %dma_wait3A_84] : memref<2x10240x128xf32, #tpu.memory_space<hbm>> -> memref<1x10240x128xf32, #tpu.memory_space<hbm>>
      %dma_wait3A_86 = tpu.memref_squeeze %dma_wait3A_85 : memref<1x10240x128xf32, #tpu.memory_space<hbm>> -> memref<10240x128xf32, #tpu.memory_space<hbm>>
      %dma_wait3A_87 = arith.constant 0 : i32
      %dma_wait3A_88 = tpu.memref_slice %dma_wait3A_86[%add3A_40, %dma_wait3A_87] : memref<10240x128xf32, #tpu.memory_space<hbm>> -> memref<128x128xf32, #tpu.memory_space<hbm>>
      %dma_wait3A_89 = arith.constant 0 : i32
      %dma_wait3A_90 = arith.constant 0 : i32
      %dma_wait3A_91 = tpu.memref_slice %arg5[%arg0, %dma_wait3A_89, %dma_wait3A_90] : memref<2x10240x128xf32, #tpu.memory_space<hbm>> -> memref<1x10240x128xf32, #tpu.memory_space<hbm>>
      %dma_wait3A_92 = tpu.memref_squeeze %dma_wait3A_91 : memref<1x10240x128xf32, #tpu.memory_space<hbm>> -> memref<10240x128xf32, #tpu.memory_space<hbm>>
      %dma_wait3A_93 = arith.constant 0 : i32
      %dma_wait3A_94 = tpu.memref_slice %dma_wait3A_92[%add3A_40, %dma_wait3A_93] : memref<10240x128xf32, #tpu.memory_space<hbm>> -> memref<128x128xf32, #tpu.memory_space<hbm>>
      tpu.wait_dma2 semaphore(%run_scoped3A : memref<!tpu.dma_semaphore, #tpu.memory_space<semaphore_mem>>) src(%arg8 : memref<128x128xf32, #tpu.memory_space<vmem>>) dst(%dma_wait3A_94 : memref<128x128xf32, #tpu.memory_space<hbm>>)
      tpu.yield
    }) : () -> ()
    %mul3A_41 = arith.constant 640 : i32
    %mul3A_42 = arith.muli %arg1, %mul3A_41 : i32
    %add3A_43 = arith.constant 128 : i32
    %add3A_44 = arith.addi %mul3A_42, %add3A_43 : i32
    "tpu.region"() ({
      %run_scoped3A = tpu.sem_alloc : memref<!tpu.dma_semaphore, #tpu.memory_space<semaphore_mem>>
      %dma_start3A = arith.constant 0 : i32
      %dma_start3A_73 = tpu.memref_slice %arg9[%add3A_44, %dma_start3A] : memref<10240x128xf32, #tpu.memory_space<vmem_shared>> -> memref<128x128xf32, #tpu.memory_space<vmem_shared>>
      %dma_start3A_74 = arith.constant 0 : i32
      %dma_start3A_75 = tpu.memref_slice %arg9[%add3A_44, %dma_start3A_74] : memref<10240x128xf32, #tpu.memory_space<vmem_shared>> -> memref<128x128xf32, #tpu.memory_space<vmem_shared>>
      tpu.enqueue_dma source(%dma_start3A_75 : memref<128x128xf32, #tpu.memory_space<vmem_shared>>) target(%arg8 : memref<128x128xf32, #tpu.memory_space<vmem>>) target_semaphore(%run_scoped3A : memref<!tpu.dma_semaphore, #tpu.memory_space<semaphore_mem>>)
      %dma_wait3A = arith.constant 0 : i32
      %dma_wait3A_76 = tpu.memref_slice %arg9[%add3A_44, %dma_wait3A] : memref<10240x128xf32, #tpu.memory_space<vmem_shared>> -> memref<128x128xf32, #tpu.memory_space<vmem_shared>>
      %dma_wait3A_77 = arith.constant 0 : i32
      %dma_wait3A_78 = tpu.memref_slice %arg9[%add3A_44, %dma_wait3A_77] : memref<10240x128xf32, #tpu.memory_space<vmem_shared>> -> memref<128x128xf32, #tpu.memory_space<vmem_shared>>
      tpu.wait_dma2 semaphore(%run_scoped3A : memref<!tpu.dma_semaphore, #tpu.memory_space<semaphore_mem>>) src(%dma_wait3A_78 : memref<128x128xf32, #tpu.memory_space<vmem_shared>>) dst(%arg8 : memref<128x128xf32, #tpu.memory_space<vmem>>)
      tpu.yield
    }) : () -> ()
    %mul3A_45 = arith.constant 640 : i32
    %mul3A_46 = arith.muli %arg1, %mul3A_45 : i32
    %add3A_47 = arith.constant 128 : i32
    %add3A_48 = arith.addi %mul3A_46, %add3A_47 : i32
    "tpu.region"() ({
      %run_scoped3A = tpu.sem_alloc : memref<!tpu.dma_semaphore, #tpu.memory_space<semaphore_mem>>
      %dma_start3A = arith.constant 0 : i32
      %dma_start3A_73 = arith.constant 0 : i32
      %dma_start3A_74 = tpu.memref_slice %arg5[%arg0, %dma_start3A, %dma_start3A_73] : memref<2x10240x128xf32, #tpu.memory_space<hbm>> -> memref<1x10240x128xf32, #tpu.memory_space<hbm>>
      %dma_start3A_75 = tpu.memref_squeeze %dma_start3A_74 : memref<1x10240x128xf32, #tpu.memory_space<hbm>> -> memref<10240x128xf32, #tpu.memory_space<hbm>>
      %dma_start3A_76 = arith.constant 0 : i32
      %dma_start3A_77 = tpu.memref_slice %dma_start3A_75[%add3A_48, %dma_start3A_76] : memref<10240x128xf32, #tpu.memory_space<hbm>> -> memref<128x128xf32, #tpu.memory_space<hbm>>
      %dma_start3A_78 = arith.constant 0 : i32
      %dma_start3A_79 = arith.constant 0 : i32
      %dma_start3A_80 = tpu.memref_slice %arg5[%arg0, %dma_start3A_78, %dma_start3A_79] : memref<2x10240x128xf32, #tpu.memory_space<hbm>> -> memref<1x10240x128xf32, #tpu.memory_space<hbm>>
      %dma_start3A_81 = tpu.memref_squeeze %dma_start3A_80 : memref<1x10240x128xf32, #tpu.memory_space<hbm>> -> memref<10240x128xf32, #tpu.memory_space<hbm>>
      %dma_start3A_82 = arith.constant 0 : i32
      %dma_start3A_83 = tpu.memref_slice %dma_start3A_81[%add3A_48, %dma_start3A_82] : memref<10240x128xf32, #tpu.memory_space<hbm>> -> memref<128x128xf32, #tpu.memory_space<hbm>>
      tpu.enqueue_dma source(%arg8 : memref<128x128xf32, #tpu.memory_space<vmem>>) target(%dma_start3A_83 : memref<128x128xf32, #tpu.memory_space<hbm>>) target_semaphore(%run_scoped3A : memref<!tpu.dma_semaphore, #tpu.memory_space<semaphore_mem>>)
      %dma_wait3A = arith.constant 0 : i32
      %dma_wait3A_84 = arith.constant 0 : i32
      %dma_wait3A_85 = tpu.memref_slice %arg5[%arg0, %dma_wait3A, %dma_wait3A_84] : memref<2x10240x128xf32, #tpu.memory_space<hbm>> -> memref<1x10240x128xf32, #tpu.memory_space<hbm>>
      %dma_wait3A_86 = tpu.memref_squeeze %dma_wait3A_85 : memref<1x10240x128xf32, #tpu.memory_space<hbm>> -> memref<10240x128xf32, #tpu.memory_space<hbm>>
      %dma_wait3A_87 = arith.constant 0 : i32
      %dma_wait3A_88 = tpu.memref_slice %dma_wait3A_86[%add3A_48, %dma_wait3A_87] : memref<10240x128xf32, #tpu.memory_space<hbm>> -> memref<128x128xf32, #tpu.memory_space<hbm>>
      %dma_wait3A_89 = arith.constant 0 : i32
      %dma_wait3A_90 = arith.constant 0 : i32
      %dma_wait3A_91 = tpu.memref_slice %arg5[%arg0, %dma_wait3A_89, %dma_wait3A_90] : memref<2x10240x128xf32, #tpu.memory_space<hbm>> -> memref<1x10240x128xf32, #tpu.memory_space<hbm>>
      %dma_wait3A_92 = tpu.memref_squeeze %dma_wait3A_91 : memref<1x10240x128xf32, #tpu.memory_space<hbm>> -> memref<10240x128xf32, #tpu.memory_space<hbm>>
      %dma_wait3A_93 = arith.constant 0 : i32
      %dma_wait3A_94 = tpu.memref_slice %dma_wait3A_92[%add3A_48, %dma_wait3A_93] : memref<10240x128xf32, #tpu.memory_space<hbm>> -> memref<128x128xf32, #tpu.memory_space<hbm>>
      tpu.wait_dma2 semaphore(%run_scoped3A : memref<!tpu.dma_semaphore, #tpu.memory_space<semaphore_mem>>) src(%arg8 : memref<128x128xf32, #tpu.memory_space<vmem>>) dst(%dma_wait3A_94 : memref<128x128xf32, #tpu.memory_space<hbm>>)
      tpu.yield
    }) : () -> ()
    %mul3A_49 = arith.constant 640 : i32
    %mul3A_50 = arith.muli %arg1, %mul3A_49 : i32
    %add3A_51 = arith.constant 256 : i32
    %add3A_52 = arith.addi %mul3A_50, %add3A_51 : i32
    "tpu.region"() ({
      %run_scoped3A = tpu.sem_alloc : memref<!tpu.dma_semaphore, #tpu.memory_space<semaphore_mem>>
      %dma_start3A = arith.constant 0 : i32
      %dma_start3A_73 = tpu.memref_slice %arg9[%add3A_52, %dma_start3A] : memref<10240x128xf32, #tpu.memory_space<vmem_shared>> -> memref<128x128xf32, #tpu.memory_space<vmem_shared>>
      %dma_start3A_74 = arith.constant 0 : i32
      %dma_start3A_75 = tpu.memref_slice %arg9[%add3A_52, %dma_start3A_74] : memref<10240x128xf32, #tpu.memory_space<vmem_shared>> -> memref<128x128xf32, #tpu.memory_space<vmem_shared>>
      tpu.enqueue_dma source(%dma_start3A_75 : memref<128x128xf32, #tpu.memory_space<vmem_shared>>) target(%arg8 : memref<128x128xf32, #tpu.memory_space<vmem>>) target_semaphore(%run_scoped3A : memref<!tpu.dma_semaphore, #tpu.memory_space<semaphore_mem>>)
      %dma_wait3A = arith.constant 0 : i32
      %dma_wait3A_76 = tpu.memref_slice %arg9[%add3A_52, %dma_wait3A] : memref<10240x128xf32, #tpu.memory_space<vmem_shared>> -> memref<128x128xf32, #tpu.memory_space<vmem_shared>>
      %dma_wait3A_77 = arith.constant 0 : i32
      %dma_wait3A_78 = tpu.memref_slice %arg9[%add3A_52, %dma_wait3A_77] : memref<10240x128xf32, #tpu.memory_space<vmem_shared>> -> memref<128x128xf32, #tpu.memory_space<vmem_shared>>
      tpu.wait_dma2 semaphore(%run_scoped3A : memref<!tpu.dma_semaphore, #tpu.memory_space<semaphore_mem>>) src(%dma_wait3A_78 : memref<128x128xf32, #tpu.memory_space<vmem_shared>>) dst(%arg8 : memref<128x128xf32, #tpu.memory_space<vmem>>)
      tpu.yield
    }) : () -> ()
    %mul3A_53 = arith.constant 640 : i32
    %mul3A_54 = arith.muli %arg1, %mul3A_53 : i32
    %add3A_55 = arith.constant 256 : i32
    %add3A_56 = arith.addi %mul3A_54, %add3A_55 : i32
    "tpu.region"() ({
      %run_scoped3A = tpu.sem_alloc : memref<!tpu.dma_semaphore, #tpu.memory_space<semaphore_mem>>
      %dma_start3A = arith.constant 0 : i32
      %dma_start3A_73 = arith.constant 0 : i32
      %dma_start3A_74 = tpu.memref_slice %arg5[%arg0, %dma_start3A, %dma_start3A_73] : memref<2x10240x128xf32, #tpu.memory_space<hbm>> -> memref<1x10240x128xf32, #tpu.memory_space<hbm>>
      %dma_start3A_75 = tpu.memref_squeeze %dma_start3A_74 : memref<1x10240x128xf32, #tpu.memory_space<hbm>> -> memref<10240x128xf32, #tpu.memory_space<hbm>>
      %dma_start3A_76 = arith.constant 0 : i32
      %dma_start3A_77 = tpu.memref_slice %dma_start3A_75[%add3A_56, %dma_start3A_76] : memref<10240x128xf32, #tpu.memory_space<hbm>> -> memref<128x128xf32, #tpu.memory_space<hbm>>
      %dma_start3A_78 = arith.constant 0 : i32
      %dma_start3A_79 = arith.constant 0 : i32
      %dma_start3A_80 = tpu.memref_slice %arg5[%arg0, %dma_start3A_78, %dma_start3A_79] : memref<2x10240x128xf32, #tpu.memory_space<hbm>> -> memref<1x10240x128xf32, #tpu.memory_space<hbm>>
      %dma_start3A_81 = tpu.memref_squeeze %dma_start3A_80 : memref<1x10240x128xf32, #tpu.memory_space<hbm>> -> memref<10240x128xf32, #tpu.memory_space<hbm>>
      %dma_start3A_82 = arith.constant 0 : i32
      %dma_start3A_83 = tpu.memref_slice %dma_start3A_81[%add3A_56, %dma_start3A_82] : memref<10240x128xf32, #tpu.memory_space<hbm>> -> memref<128x128xf32, #tpu.memory_space<hbm>>
      tpu.enqueue_dma source(%arg8 : memref<128x128xf32, #tpu.memory_space<vmem>>) target(%dma_start3A_83 : memref<128x128xf32, #tpu.memory_space<hbm>>) target_semaphore(%run_scoped3A : memref<!tpu.dma_semaphore, #tpu.memory_space<semaphore_mem>>)
      %dma_wait3A = arith.constant 0 : i32
      %dma_wait3A_84 = arith.constant 0 : i32
      %dma_wait3A_85 = tpu.memref_slice %arg5[%arg0, %dma_wait3A, %dma_wait3A_84] : memref<2x10240x128xf32, #tpu.memory_space<hbm>> -> memref<1x10240x128xf32, #tpu.memory_space<hbm>>
      %dma_wait3A_86 = tpu.memref_squeeze %dma_wait3A_85 : memref<1x10240x128xf32, #tpu.memory_space<hbm>> -> memref<10240x128xf32, #tpu.memory_space<hbm>>
      %dma_wait3A_87 = arith.constant 0 : i32
      %dma_wait3A_88 = tpu.memref_slice %dma_wait3A_86[%add3A_56, %dma_wait3A_87] : memref<10240x128xf32, #tpu.memory_space<hbm>> -> memref<128x128xf32, #tpu.memory_space<hbm>>
      %dma_wait3A_89 = arith.constant 0 : i32
      %dma_wait3A_90 = arith.constant 0 : i32
      %dma_wait3A_91 = tpu.memref_slice %arg5[%arg0, %dma_wait3A_89, %dma_wait3A_90] : memref<2x10240x128xf32, #tpu.memory_space<hbm>> -> memref<1x10240x128xf32, #tpu.memory_space<hbm>>
      %dma_wait3A_92 = tpu.memref_squeeze %dma_wait3A_91 : memref<1x10240x128xf32, #tpu.memory_space<hbm>> -> memref<10240x128xf32, #tpu.memory_space<hbm>>
      %dma_wait3A_93 = arith.constant 0 : i32
      %dma_wait3A_94 = tpu.memref_slice %dma_wait3A_92[%add3A_56, %dma_wait3A_93] : memref<10240x128xf32, #tpu.memory_space<hbm>> -> memref<128x128xf32, #tpu.memory_space<hbm>>
      tpu.wait_dma2 semaphore(%run_scoped3A : memref<!tpu.dma_semaphore, #tpu.memory_space<semaphore_mem>>) src(%arg8 : memref<128x128xf32, #tpu.memory_space<vmem>>) dst(%dma_wait3A_94 : memref<128x128xf32, #tpu.memory_space<hbm>>)
      tpu.yield
    }) : () -> ()
    %mul3A_57 = arith.constant 640 : i32
    %mul3A_58 = arith.muli %arg1, %mul3A_57 : i32
    %add3A_59 = arith.constant 384 : i32
    %add3A_60 = arith.addi %mul3A_58, %add3A_59 : i32
    "tpu.region"() ({
      %run_scoped3A = tpu.sem_alloc : memref<!tpu.dma_semaphore, #tpu.memory_space<semaphore_mem>>
      %dma_start3A = arith.constant 0 : i32
      %dma_start3A_73 = tpu.memref_slice %arg9[%add3A_60, %dma_start3A] : memref<10240x128xf32, #tpu.memory_space<vmem_shared>> -> memref<128x128xf32, #tpu.memory_space<vmem_shared>>
      %dma_start3A_74 = arith.constant 0 : i32
      %dma_start3A_75 = tpu.memref_slice %arg9[%add3A_60, %dma_start3A_74] : memref<10240x128xf32, #tpu.memory_space<vmem_shared>> -> memref<128x128xf32, #tpu.memory_space<vmem_shared>>
      tpu.enqueue_dma source(%dma_start3A_75 : memref<128x128xf32, #tpu.memory_space<vmem_shared>>) target(%arg8 : memref<128x128xf32, #tpu.memory_space<vmem>>) target_semaphore(%run_scoped3A : memref<!tpu.dma_semaphore, #tpu.memory_space<semaphore_mem>>)
      %dma_wait3A = arith.constant 0 : i32
      %dma_wait3A_76 = tpu.memref_slice %arg9[%add3A_60, %dma_wait3A] : memref<10240x128xf32, #tpu.memory_space<vmem_shared>> -> memref<128x128xf32, #tpu.memory_space<vmem_shared>>
      %dma_wait3A_77 = arith.constant 0 : i32
      %dma_wait3A_78 = tpu.memref_slice %arg9[%add3A_60, %dma_wait3A_77] : memref<10240x128xf32, #tpu.memory_space<vmem_shared>> -> memref<128x128xf32, #tpu.memory_space<vmem_shared>>
      tpu.wait_dma2 semaphore(%run_scoped3A : memref<!tpu.dma_semaphore, #tpu.memory_space<semaphore_mem>>) src(%dma_wait3A_78 : memref<128x128xf32, #tpu.memory_space<vmem_shared>>) dst(%arg8 : memref<128x128xf32, #tpu.memory_space<vmem>>)
      tpu.yield
    }) : () -> ()
    %mul3A_61 = arith.constant 640 : i32
    %mul3A_62 = arith.muli %arg1, %mul3A_61 : i32
    %add3A_63 = arith.constant 384 : i32
    %add3A_64 = arith.addi %mul3A_62, %add3A_63 : i32
    "tpu.region"() ({
      %run_scoped3A = tpu.sem_alloc : memref<!tpu.dma_semaphore, #tpu.memory_space<semaphore_mem>>
      %dma_start3A = arith.constant 0 : i32
      %dma_start3A_73 = arith.constant 0 : i32
      %dma_start3A_74 = tpu.memref_slice %arg5[%arg0, %dma_start3A, %dma_start3A_73] : memref<2x10240x128xf32, #tpu.memory_space<hbm>> -> memref<1x10240x128xf32, #tpu.memory_space<hbm>>
      %dma_start3A_75 = tpu.memref_squeeze %dma_start3A_74 : memref<1x10240x128xf32, #tpu.memory_space<hbm>> -> memref<10240x128xf32, #tpu.memory_space<hbm>>
      %dma_start3A_76 = arith.constant 0 : i32
      %dma_start3A_77 = tpu.memref_slice %dma_start3A_75[%add3A_64, %dma_start3A_76] : memref<10240x128xf32, #tpu.memory_space<hbm>> -> memref<128x128xf32, #tpu.memory_space<hbm>>
      %dma_start3A_78 = arith.constant 0 : i32
      %dma_start3A_79 = arith.constant 0 : i32
      %dma_start3A_80 = tpu.memref_slice %arg5[%arg0, %dma_start3A_78, %dma_start3A_79] : memref<2x10240x128xf32, #tpu.memory_space<hbm>> -> memref<1x10240x128xf32, #tpu.memory_space<hbm>>
      %dma_start3A_81 = tpu.memref_squeeze %dma_start3A_80 : memref<1x10240x128xf32, #tpu.memory_space<hbm>> -> memref<10240x128xf32, #tpu.memory_space<hbm>>
      %dma_start3A_82 = arith.constant 0 : i32
      %dma_start3A_83 = tpu.memref_slice %dma_start3A_81[%add3A_64, %dma_start3A_82] : memref<10240x128xf32, #tpu.memory_space<hbm>> -> memref<128x128xf32, #tpu.memory_space<hbm>>
      tpu.enqueue_dma source(%arg8 : memref<128x128xf32, #tpu.memory_space<vmem>>) target(%dma_start3A_83 : memref<128x128xf32, #tpu.memory_space<hbm>>) target_semaphore(%run_scoped3A : memref<!tpu.dma_semaphore, #tpu.memory_space<semaphore_mem>>)
      %dma_wait3A = arith.constant 0 : i32
      %dma_wait3A_84 = arith.constant 0 : i32
      %dma_wait3A_85 = tpu.memref_slice %arg5[%arg0, %dma_wait3A, %dma_wait3A_84] : memref<2x10240x128xf32, #tpu.memory_space<hbm>> -> memref<1x10240x128xf32, #tpu.memory_space<hbm>>
      %dma_wait3A_86 = tpu.memref_squeeze %dma_wait3A_85 : memref<1x10240x128xf32, #tpu.memory_space<hbm>> -> memref<10240x128xf32, #tpu.memory_space<hbm>>
      %dma_wait3A_87 = arith.constant 0 : i32
      %dma_wait3A_88 = tpu.memref_slice %dma_wait3A_86[%add3A_64, %dma_wait3A_87] : memref<10240x128xf32, #tpu.memory_space<hbm>> -> memref<128x128xf32, #tpu.memory_space<hbm>>
      %dma_wait3A_89 = arith.constant 0 : i32
      %dma_wait3A_90 = arith.constant 0 : i32
      %dma_wait3A_91 = tpu.memref_slice %arg5[%arg0, %dma_wait3A_89, %dma_wait3A_90] : memref<2x10240x128xf32, #tpu.memory_space<hbm>> -> memref<1x10240x128xf32, #tpu.memory_space<hbm>>
      %dma_wait3A_92 = tpu.memref_squeeze %dma_wait3A_91 : memref<1x10240x128xf32, #tpu.memory_space<hbm>> -> memref<10240x128xf32, #tpu.memory_space<hbm>>
      %dma_wait3A_93 = arith.constant 0 : i32
      %dma_wait3A_94 = tpu.memref_slice %dma_wait3A_92[%add3A_64, %dma_wait3A_93] : memref<10240x128xf32, #tpu.memory_space<hbm>> -> memref<128x128xf32, #tpu.memory_space<hbm>>
      tpu.wait_dma2 semaphore(%run_scoped3A : memref<!tpu.dma_semaphore, #tpu.memory_space<semaphore_mem>>) src(%arg8 : memref<128x128xf32, #tpu.memory_space<vmem>>) dst(%dma_wait3A_94 : memref<128x128xf32, #tpu.memory_space<hbm>>)
      tpu.yield
    }) : () -> ()
    %mul3A_65 = arith.constant 640 : i32
    %mul3A_66 = arith.muli %arg1, %mul3A_65 : i32
    %add3A_67 = arith.constant 512 : i32
    %add3A_68 = arith.addi %mul3A_66, %add3A_67 : i32
    "tpu.region"() ({
      %run_scoped3A = tpu.sem_alloc : memref<!tpu.dma_semaphore, #tpu.memory_space<semaphore_mem>>
      %dma_start3A = arith.constant 0 : i32
      %dma_start3A_73 = tpu.memref_slice %arg9[%add3A_68, %dma_start3A] : memref<10240x128xf32, #tpu.memory_space<vmem_shared>> -> memref<128x128xf32, #tpu.memory_space<vmem_shared>>
      %dma_start3A_74 = arith.constant 0 : i32
      %dma_start3A_75 = tpu.memref_slice %arg9[%add3A_68, %dma_start3A_74] : memref<10240x128xf32, #tpu.memory_space<vmem_shared>> -> memref<128x128xf32, #tpu.memory_space<vmem_shared>>
      tpu.enqueue_dma source(%dma_start3A_75 : memref<128x128xf32, #tpu.memory_space<vmem_shared>>) target(%arg8 : memref<128x128xf32, #tpu.memory_space<vmem>>) target_semaphore(%run_scoped3A : memref<!tpu.dma_semaphore, #tpu.memory_space<semaphore_mem>>)
      %dma_wait3A = arith.constant 0 : i32
      %dma_wait3A_76 = tpu.memref_slice %arg9[%add3A_68, %dma_wait3A] : memref<10240x128xf32, #tpu.memory_space<vmem_shared>> -> memref<128x128xf32, #tpu.memory_space<vmem_shared>>
      %dma_wait3A_77 = arith.constant 0 : i32
      %dma_wait3A_78 = tpu.memref_slice %arg9[%add3A_68, %dma_wait3A_77] : memref<10240x128xf32, #tpu.memory_space<vmem_shared>> -> memref<128x128xf32, #tpu.memory_space<vmem_shared>>
      tpu.wait_dma2 semaphore(%run_scoped3A : memref<!tpu.dma_semaphore, #tpu.memory_space<semaphore_mem>>) src(%dma_wait3A_78 : memref<128x128xf32, #tpu.memory_space<vmem_shared>>) dst(%arg8 : memref<128x128xf32, #tpu.memory_space<vmem>>)
      tpu.yield
    }) : () -> ()
    %mul3A_69 = arith.constant 640 : i32
    %mul3A_70 = arith.muli %arg1, %mul3A_69 : i32
    %add3A_71 = arith.constant 512 : i32
    %add3A_72 = arith.addi %mul3A_70, %add3A_71 : i32
    "tpu.region"() ({
      %run_scoped3A = tpu.sem_alloc : memref<!tpu.dma_semaphore, #tpu.memory_space<semaphore_mem>>
      %dma_start3A = arith.constant 0 : i32
      %dma_start3A_73 = arith.constant 0 : i32
      %dma_start3A_74 = tpu.memref_slice %arg5[%arg0, %dma_start3A, %dma_start3A_73] : memref<2x10240x128xf32, #tpu.memory_space<hbm>> -> memref<1x10240x128xf32, #tpu.memory_space<hbm>>
      %dma_start3A_75 = tpu.memref_squeeze %dma_start3A_74 : memref<1x10240x128xf32, #tpu.memory_space<hbm>> -> memref<10240x128xf32, #tpu.memory_space<hbm>>
      %dma_start3A_76 = arith.constant 0 : i32
      %dma_start3A_77 = tpu.memref_slice %dma_start3A_75[%add3A_72, %dma_start3A_76] : memref<10240x128xf32, #tpu.memory_space<hbm>> -> memref<128x128xf32, #tpu.memory_space<hbm>>
      %dma_start3A_78 = arith.constant 0 : i32
      %dma_start3A_79 = arith.constant 0 : i32
      %dma_start3A_80 = tpu.memref_slice %arg5[%arg0, %dma_start3A_78, %dma_start3A_79] : memref<2x10240x128xf32, #tpu.memory_space<hbm>> -> memref<1x10240x128xf32, #tpu.memory_space<hbm>>
      %dma_start3A_81 = tpu.memref_squeeze %dma_start3A_80 : memref<1x10240x128xf32, #tpu.memory_space<hbm>> -> memref<10240x128xf32, #tpu.memory_space<hbm>>
      %dma_start3A_82 = arith.constant 0 : i32
      %dma_start3A_83 = tpu.memref_slice %dma_start3A_81[%add3A_72, %dma_start3A_82] : memref<10240x128xf32, #tpu.memory_space<hbm>> -> memref<128x128xf32, #tpu.memory_space<hbm>>
      tpu.enqueue_dma source(%arg8 : memref<128x128xf32, #tpu.memory_space<vmem>>) target(%dma_start3A_83 : memref<128x128xf32, #tpu.memory_space<hbm>>) target_semaphore(%run_scoped3A : memref<!tpu.dma_semaphore, #tpu.memory_space<semaphore_mem>>)
      %dma_wait3A = arith.constant 0 : i32
      %dma_wait3A_84 = arith.constant 0 : i32
      %dma_wait3A_85 = tpu.memref_slice %arg5[%arg0, %dma_wait3A, %dma_wait3A_84] : memref<2x10240x128xf32, #tpu.memory_space<hbm>> -> memref<1x10240x128xf32, #tpu.memory_space<hbm>>
      %dma_wait3A_86 = tpu.memref_squeeze %dma_wait3A_85 : memref<1x10240x128xf32, #tpu.memory_space<hbm>> -> memref<10240x128xf32, #tpu.memory_space<hbm>>
      %dma_wait3A_87 = arith.constant 0 : i32
      %dma_wait3A_88 = tpu.memref_slice %dma_wait3A_86[%add3A_72, %dma_wait3A_87] : memref<10240x128xf32, #tpu.memory_space<hbm>> -> memref<128x128xf32, #tpu.memory_space<hbm>>
      %dma_wait3A_89 = arith.constant 0 : i32
      %dma_wait3A_90 = arith.constant 0 : i32
      %dma_wait3A_91 = tpu.memref_slice %arg5[%arg0, %dma_wait3A_89, %dma_wait3A_90] : memref<2x10240x128xf32, #tpu.memory_space<hbm>> -> memref<1x10240x128xf32, #tpu.memory_space<hbm>>
      %dma_wait3A_92 = tpu.memref_squeeze %dma_wait3A_91 : memref<1x10240x128xf32, #tpu.memory_space<hbm>> -> memref<10240x128xf32, #tpu.memory_space<hbm>>
      %dma_wait3A_93 = arith.constant 0 : i32
      %dma_wait3A_94 = tpu.memref_slice %dma_wait3A_92[%add3A_72, %dma_wait3A_93] : memref<10240x128xf32, #tpu.memory_space<hbm>> -> memref<128x128xf32, #tpu.memory_space<hbm>>
      tpu.wait_dma2 semaphore(%run_scoped3A : memref<!tpu.dma_semaphore, #tpu.memory_space<semaphore_mem>>) src(%arg8 : memref<128x128xf32, #tpu.memory_space<vmem>>) dst(%dma_wait3A_94 : memref<128x128xf32, #tpu.memory_space<hbm>>)
      tpu.yield
    }) : () -> ()
    return
  }
}

#map = affine_map<(d0, d1) -> (0, 0)>
#map1 = affine_map<(d0, d1) -> (0, 0, 0)>
module attributes {stable_mosaic.version = 14 : i64} {
  func.func @k(%arg0: i32, %arg1: i32, %arg2: memref<10000x128xf32, #tpu.memory_space<hbm>>, %arg3: memref<32x79x128xi32, #tpu.memory_space<hbm>>, %arg4: memref<32x79x128xi32, #tpu.memory_space<hbm>>, %arg5: memref<2x10240x128xf32, #tpu.memory_space<hbm>>, %arg6: memref<79x128xi32, #tpu.memory_space<vmem>>, %arg7: memref<79x128xi32, #tpu.memory_space<vmem>>, %arg8: memref<128x128xf32, #tpu.memory_space<vmem>>, %arg9: memref<10240x128xf32, #tpu.memory_space<vmem_shared>>, %arg10: memref<!tpu.dma_semaphore, #tpu.memory_space<semaphore_mem>>) attributes {dimension_semantics = [#tpu.dimension_semantics<core_parallel>, #tpu.dimension_semantics<subcore_parallel>], iteration_bounds = array<i64: 2, 16>, scalar_prefetch = 0 : i64, scratch_operands = 5 : i64, tpu.core_type = #tpu.core_type<sc_vector_subcore>, window_params = [{transform_indices = #map}, {transform_indices = #map1}, {transform_indices = #map1}, {transform_indices = #map1}]} {
    %mul3A = arith.constant 16 : i32
    %mul3A_0 = arith.muli %arg0, %mul3A : i32
    %add3A = arith.addi %mul3A_0, %arg1 : i32
    %scan3A = arith.constant 0 : i32
    %scan3A_1 = arith.constant 0 : i32
    %scan3A_2 = arith.constant 128 : i32
    %scan3A_3 = arith.addi %scan3A_1, %scan3A_2 : i32
    %scan3A_4 = arith.constant 1 : i32
    scf.for %scan3A_73 = %scan3A_1 to %scan3A_3 step %scan3A_4  : i32 {
      %broadcast_in_dim3A = arith.constant 0.000000e+00 : f32
      %broadcast_in_dim3A_74 = vector.broadcast %broadcast_in_dim3A : f32 to vector<16xf32>
      %swap3A = arith.index_cast %scan3A_73 : i32 to index
      %swap3A_75 = arith.constant 0 : index
      %swap3A_76 = tpu.vector_load %arg8[%swap3A, %swap3A_75] {strides = array<i32>} : memref<128x128xf32, #tpu.memory_space<vmem>>, vector<1x16xf32>,
      %swap3A_77 = vector.shape_cast %swap3A_76 : vector<1x16xf32> to vector<16xf32>
      %swap3A_78 = vector.shape_cast %broadcast_in_dim3A_74 : vector<16xf32> to vector<1x16xf32>
      tpu.vector_store %arg8[%swap3A, %swap3A_75], %swap3A_78 {strides = array<i32>} : memref<128x128xf32, #tpu.memory_space<vmem>>, vector<1x16xf32>,
      %broadcast_in_dim3A_79 = arith.constant 0.000000e+00 : f32
      %broadcast_in_dim3A_80 = vector.broadcast %broadcast_in_dim3A_79 : f32 to vector<16xf32>
      %swap3A_81 = arith.index_cast %scan3A_73 : i32 to index
      %swap3A_82 = arith.constant 16 : index
      %swap3A_83 = tpu.vector_load %arg8[%swap3A_81, %swap3A_82] {strides = array<i32>} : memref<128x128xf32, #tpu.memory_space<vmem>>, vector<1x16xf32>,
      %swap3A_84 = vector.shape_cast %swap3A_83 : vector<1x16xf32> to vector<16xf32>
      %swap3A_85 = vector.shape_cast %broadcast_in_dim3A_80 : vector<16xf32> to vector<1x16xf32>
      tpu.vector_store %arg8[%swap3A_81, %swap3A_82], %swap3A_85 {strides = array<i32>} : memref<128x128xf32, #tpu.memory_space<vmem>>, vector<1x16xf32>,
      %broadcast_in_dim3A_86 = arith.constant 0.000000e+00 : f32
      %broadcast_in_dim3A_87 = vector.broadcast %broadcast_in_dim3A_86 : f32 to vector<16xf32>
      %swap3A_88 = arith.index_cast %scan3A_73 : i32 to index
      %swap3A_89 = arith.constant 32 : index
      %swap3A_90 = tpu.vector_load %arg8[%swap3A_88, %swap3A_89] {strides = array<i32>} : memref<128x128xf32, #tpu.memory_space<vmem>>, vector<1x16xf32>,
      %swap3A_91 = vector.shape_cast %swap3A_90 : vector<1x16xf32> to vector<16xf32>
      %swap3A_92 = vector.shape_cast %broadcast_in_dim3A_87 : vector<16xf32> to vector<1x16xf32>
      tpu.vector_store %arg8[%swap3A_88, %swap3A_89], %swap3A_92 {strides = array<i32>} : memref<128x128xf32, #tpu.memory_space<vmem>>, vector<1x16xf32>,
      %broadcast_in_dim3A_93 = arith.constant 0.000000e+00 : f32
      %broadcast_in_dim3A_94 = vector.broadcast %broadcast_in_dim3A_93 : f32 to vector<16xf32>
      %swap3A_95 = arith.index_cast %scan3A_73 : i32 to index
      %swap3A_96 = arith.constant 48 : index
      %swap3A_97 = tpu.vector_load %arg8[%swap3A_95, %swap3A_96] {strides = array<i32>} : memref<128x128xf32, #tpu.memory_space<vmem>>, vector<1x16xf32>,
      %swap3A_98 = vector.shape_cast %swap3A_97 : vector<1x16xf32> to vector<16xf32>
      %swap3A_99 = vector.shape_cast %broadcast_in_dim3A_94 : vector<16xf32> to vector<1x16xf32>
      tpu.vector_store %arg8[%swap3A_95, %swap3A_96], %swap3A_99 {strides = array<i32>} : memref<128x128xf32, #tpu.memory_space<vmem>>, vector<1x16xf32>,
      %broadcast_in_dim3A_100 = arith.constant 0.000000e+00 : f32
      %broadcast_in_dim3A_101 = vector.broadcast %broadcast_in_dim3A_100 : f32 to vector<16xf32>
      %swap3A_102 = arith.index_cast %scan3A_73 : i32 to index
      %swap3A_103 = arith.constant 64 : index
      %swap3A_104 = tpu.vector_load %arg8[%swap3A_102, %swap3A_103] {strides = array<i32>} : memref<128x128xf32, #tpu.memory_space<vmem>>, vector<1x16xf32>,
      %swap3A_105 = vector.shape_cast %swap3A_104 : vector<1x16xf32> to vector<16xf32>
      %swap3A_106 = vector.shape_cast %broadcast_in_dim3A_101 : vector<16xf32> to vector<1x16xf32>
      tpu.vector_store %arg8[%swap3A_102, %swap3A_103], %swap3A_106 {strides = array<i32>} : memref<128x128xf32, #tpu.memory_space<vmem>>, vector<1x16xf32>,
      %broadcast_in_dim3A_107 = arith.constant 0.000000e+00 : f32
      %broadcast_in_dim3A_108 = vector.broadcast %broadcast_in_dim3A_107 : f32 to vector<16xf32>
      %swap3A_109 = arith.index_cast %scan3A_73 : i32 to index
      %swap3A_110 = arith.constant 80 : index
      %swap3A_111 = tpu.vector_load %arg8[%swap3A_109, %swap3A_110] {strides = array<i32>} : memref<128x128xf32, #tpu.memory_space<vmem>>, vector<1x16xf32>,
      %swap3A_112 = vector.shape_cast %swap3A_111 : vector<1x16xf32> to vector<16xf32>
      %swap3A_113 = vector.shape_cast %broadcast_in_dim3A_108 : vector<16xf32> to vector<1x16xf32>
      tpu.vector_store %arg8[%swap3A_109, %swap3A_110], %swap3A_113 {strides = array<i32>} : memref<128x128xf32, #tpu.memory_space<vmem>>, vector<1x16xf32>,
      %broadcast_in_dim3A_114 = arith.constant 0.000000e+00 : f32
      %broadcast_in_dim3A_115 = vector.broadcast %broadcast_in_dim3A_114 : f32 to vector<16xf32>
      %swap3A_116 = arith.index_cast %scan3A_73 : i32 to index
      %swap3A_117 = arith.constant 96 : index
      %swap3A_118 = tpu.vector_load %arg8[%swap3A_116, %swap3A_117] {strides = array<i32>} : memref<128x128xf32, #tpu.memory_space<vmem>>, vector<1x16xf32>,
      %swap3A_119 = vector.shape_cast %swap3A_118 : vector<1x16xf32> to vector<16xf32>
      %swap3A_120 = vector.shape_cast %broadcast_in_dim3A_115 : vector<16xf32> to vector<1x16xf32>
      tpu.vector_store %arg8[%swap3A_116, %swap3A_117], %swap3A_120 {strides = array<i32>} : memref<128x128xf32, #tpu.memory_space<vmem>>, vector<1x16xf32>,
      %broadcast_in_dim3A_121 = arith.constant 0.000000e+00 : f32
      %broadcast_in_dim3A_122 = vector.broadcast %broadcast_in_dim3A_121 : f32 to vector<16xf32>
      %swap3A_123 = arith.index_cast %scan3A_73 : i32 to index
      %swap3A_124 = arith.constant 112 : index
      %swap3A_125 = tpu.vector_load %arg8[%swap3A_123, %swap3A_124] {strides = array<i32>} : memref<128x128xf32, #tpu.memory_space<vmem>>, vector<1x16xf32>,
      %swap3A_126 = vector.shape_cast %swap3A_125 : vector<1x16xf32> to vector<16xf32>
      %swap3A_127 = vector.shape_cast %broadcast_in_dim3A_122 : vector<16xf32> to vector<1x16xf32>
      tpu.vector_store %arg8[%swap3A_123, %swap3A_124], %swap3A_127 {strides = array<i32>} : memref<128x128xf32, #tpu.memory_space<vmem>>, vector<1x16xf32>,
    }
    %scan3A_5 = arith.constant 128 : i32
    %mul3A_6 = arith.constant 640 : i32
    %mul3A_7 = arith.muli %arg1, %mul3A_6 : i32
    %add3A_8 = arith.constant 0 : i32
    %add3A_9 = arith.addi %mul3A_7, %add3A_8 : i32
    "tpu.region"() ({
      %run_scoped3A = tpu.sem_alloc : memref<!tpu.dma_semaphore, #tpu.memory_space<semaphore_mem>>
      %dma_start3A = arith.constant 0 : i32
      %dma_start3A_73 = tpu.memref_slice %arg9[%add3A_9, %dma_start3A] : memref<10240x128xf32, #tpu.memory_space<vmem_shared>> -> memref<128x128xf32, #tpu.memory_space<vmem_shared>>
      %dma_start3A_74 = arith.constant 0 : i32
      %dma_start3A_75 = tpu.memref_slice %arg9[%add3A_9, %dma_start3A_74] : memref<10240x128xf32, #tpu.memory_space<vmem_shared>> -> memref<128x128xf32, #tpu.memory_space<vmem_shared>>
      tpu.enqueue_dma source(%arg8 : memref<128x128xf32, #tpu.memory_space<vmem>>) target(%dma_start3A_75 : memref<128x128xf32, #tpu.memory_space<vmem_shared>>) target_semaphore(%run_scoped3A : memref<!tpu.dma_semaphore, #tpu.memory_space<semaphore_mem>>)
      %dma_wait3A = arith.constant 0 : i32
      %dma_wait3A_76 = tpu.memref_slice %arg9[%add3A_9, %dma_wait3A] : memref<10240x128xf32, #tpu.memory_space<vmem_shared>> -> memref<128x128xf32, #tpu.memory_space<vmem_shared>>
      %dma_wait3A_77 = arith.constant 0 : i32
      %dma_wait3A_78 = tpu.memref_slice %arg9[%add3A_9, %dma_wait3A_77] : memref<10240x128xf32, #tpu.memory_space<vmem_shared>> -> memref<128x128xf32, #tpu.memory_space<vmem_shared>>
      tpu.wait_dma2 semaphore(%run_scoped3A : memref<!tpu.dma_semaphore, #tpu.memory_space<semaphore_mem>>) src(%arg8 : memref<128x128xf32, #tpu.memory_space<vmem>>) dst(%dma_wait3A_78 : memref<128x128xf32, #tpu.memory_space<vmem_shared>>)
      tpu.yield
    }) : () -> ()
    %mul3A_10 = arith.constant 640 : i32
    %mul3A_11 = arith.muli %arg1, %mul3A_10 : i32
    %add3A_12 = arith.constant 128 : i32
    %add3A_13 = arith.addi %mul3A_11, %add3A_12 : i32
    "tpu.region"() ({
      %run_scoped3A = tpu.sem_alloc : memref<!tpu.dma_semaphore, #tpu.memory_space<semaphore_mem>>
      %dma_start3A = arith.constant 0 : i32
      %dma_start3A_73 = tpu.memref_slice %arg9[%add3A_13, %dma_start3A] : memref<10240x128xf32, #tpu.memory_space<vmem_shared>> -> memref<128x128xf32, #tpu.memory_space<vmem_shared>>
      %dma_start3A_74 = arith.constant 0 : i32
      %dma_start3A_75 = tpu.memref_slice %arg9[%add3A_13, %dma_start3A_74] : memref<10240x128xf32, #tpu.memory_space<vmem_shared>> -> memref<128x128xf32, #tpu.memory_space<vmem_shared>>
      tpu.enqueue_dma source(%arg8 : memref<128x128xf32, #tpu.memory_space<vmem>>) target(%dma_start3A_75 : memref<128x128xf32, #tpu.memory_space<vmem_shared>>) target_semaphore(%run_scoped3A : memref<!tpu.dma_semaphore, #tpu.memory_space<semaphore_mem>>)
      %dma_wait3A = arith.constant 0 : i32
      %dma_wait3A_76 = tpu.memref_slice %arg9[%add3A_13, %dma_wait3A] : memref<10240x128xf32, #tpu.memory_space<vmem_shared>> -> memref<128x128xf32, #tpu.memory_space<vmem_shared>>
      %dma_wait3A_77 = arith.constant 0 : i32
      %dma_wait3A_78 = tpu.memref_slice %arg9[%add3A_13, %dma_wait3A_77] : memref<10240x128xf32, #tpu.memory_space<vmem_shared>> -> memref<128x128xf32, #tpu.memory_space<vmem_shared>>
      tpu.wait_dma2 semaphore(%run_scoped3A : memref<!tpu.dma_semaphore, #tpu.memory_space<semaphore_mem>>) src(%arg8 : memref<128x128xf32, #tpu.memory_space<vmem>>) dst(%dma_wait3A_78 : memref<128x128xf32, #tpu.memory_space<vmem_shared>>)
      tpu.yield
    }) : () -> ()
    %mul3A_14 = arith.constant 640 : i32
    %mul3A_15 = arith.muli %arg1, %mul3A_14 : i32
    %add3A_16 = arith.constant 256 : i32
    %add3A_17 = arith.addi %mul3A_15, %add3A_16 : i32
    "tpu.region"() ({
      %run_scoped3A = tpu.sem_alloc : memref<!tpu.dma_semaphore, #tpu.memory_space<semaphore_mem>>
      %dma_start3A = arith.constant 0 : i32
      %dma_start3A_73 = tpu.memref_slice %arg9[%add3A_17, %dma_start3A] : memref<10240x128xf32, #tpu.memory_space<vmem_shared>> -> memref<128x128xf32, #tpu.memory_space<vmem_shared>>
      %dma_start3A_74 = arith.constant 0 : i32
      %dma_start3A_75 = tpu.memref_slice %arg9[%add3A_17, %dma_start3A_74] : memref<10240x128xf32, #tpu.memory_space<vmem_shared>> -> memref<128x128xf32, #tpu.memory_space<vmem_shared>>
      tpu.enqueue_dma source(%arg8 : memref<128x128xf32, #tpu.memory_space<vmem>>) target(%dma_start3A_75 : memref<128x128xf32, #tpu.memory_space<vmem_shared>>) target_semaphore(%run_scoped3A : memref<!tpu.dma_semaphore, #tpu.memory_space<semaphore_mem>>)
      %dma_wait3A = arith.constant 0 : i32
      %dma_wait3A_76 = tpu.memref_slice %arg9[%add3A_17, %dma_wait3A] : memref<10240x128xf32, #tpu.memory_space<vmem_shared>> -> memref<128x128xf32, #tpu.memory_space<vmem_shared>>
      %dma_wait3A_77 = arith.constant 0 : i32
      %dma_wait3A_78 = tpu.memref_slice %arg9[%add3A_17, %dma_wait3A_77] : memref<10240x128xf32, #tpu.memory_space<vmem_shared>> -> memref<128x128xf32, #tpu.memory_space<vmem_shared>>
      tpu.wait_dma2 semaphore(%run_scoped3A : memref<!tpu.dma_semaphore, #tpu.memory_space<semaphore_mem>>) src(%arg8 : memref<128x128xf32, #tpu.memory_space<vmem>>) dst(%dma_wait3A_78 : memref<128x128xf32, #tpu.memory_space<vmem_shared>>)
      tpu.yield
    }) : () -> ()
    %mul3A_18 = arith.constant 640 : i32
    %mul3A_19 = arith.muli %arg1, %mul3A_18 : i32
    %add3A_20 = arith.constant 384 : i32
    %add3A_21 = arith.addi %mul3A_19, %add3A_20 : i32
    "tpu.region"() ({
      %run_scoped3A = tpu.sem_alloc : memref<!tpu.dma_semaphore, #tpu.memory_space<semaphore_mem>>
      %dma_start3A = arith.constant 0 : i32
      %dma_start3A_73 = tpu.memref_slice %arg9[%add3A_21, %dma_start3A] : memref<10240x128xf32, #tpu.memory_space<vmem_shared>> -> memref<128x128xf32, #tpu.memory_space<vmem_shared>>
      %dma_start3A_74 = arith.constant 0 : i32
      %dma_start3A_75 = tpu.memref_slice %arg9[%add3A_21, %dma_start3A_74] : memref<10240x128xf32, #tpu.memory_space<vmem_shared>> -> memref<128x128xf32, #tpu.memory_space<vmem_shared>>
      tpu.enqueue_dma source(%arg8 : memref<128x128xf32, #tpu.memory_space<vmem>>) target(%dma_start3A_75 : memref<128x128xf32, #tpu.memory_space<vmem_shared>>) target_semaphore(%run_scoped3A : memref<!tpu.dma_semaphore, #tpu.memory_space<semaphore_mem>>)
      %dma_wait3A = arith.constant 0 : i32
      %dma_wait3A_76 = tpu.memref_slice %arg9[%add3A_21, %dma_wait3A] : memref<10240x128xf32, #tpu.memory_space<vmem_shared>> -> memref<128x128xf32, #tpu.memory_space<vmem_shared>>
      %dma_wait3A_77 = arith.constant 0 : i32
      %dma_wait3A_78 = tpu.memref_slice %arg9[%add3A_21, %dma_wait3A_77] : memref<10240x128xf32, #tpu.memory_space<vmem_shared>> -> memref<128x128xf32, #tpu.memory_space<vmem_shared>>
      tpu.wait_dma2 semaphore(%run_scoped3A : memref<!tpu.dma_semaphore, #tpu.memory_space<semaphore_mem>>) src(%arg8 : memref<128x128xf32, #tpu.memory_space<vmem>>) dst(%dma_wait3A_78 : memref<128x128xf32, #tpu.memory_space<vmem_shared>>)
      tpu.yield
    }) : () -> ()
    %mul3A_22 = arith.constant 640 : i32
    %mul3A_23 = arith.muli %arg1, %mul3A_22 : i32
    %add3A_24 = arith.constant 512 : i32
    %add3A_25 = arith.addi %mul3A_23, %add3A_24 : i32
    "tpu.region"() ({
      %run_scoped3A = tpu.sem_alloc : memref<!tpu.dma_semaphore, #tpu.memory_space<semaphore_mem>>
      %dma_start3A = arith.constant 0 : i32
      %dma_start3A_73 = tpu.memref_slice %arg9[%add3A_25, %dma_start3A] : memref<10240x128xf32, #tpu.memory_space<vmem_shared>> -> memref<128x128xf32, #tpu.memory_space<vmem_shared>>
      %dma_start3A_74 = arith.constant 0 : i32
      %dma_start3A_75 = tpu.memref_slice %arg9[%add3A_25, %dma_start3A_74] : memref<10240x128xf32, #tpu.memory_space<vmem_shared>> -> memref<128x128xf32, #tpu.memory_space<vmem_shared>>
      tpu.enqueue_dma source(%arg8 : memref<128x128xf32, #tpu.memory_space<vmem>>) target(%dma_start3A_75 : memref<128x128xf32, #tpu.memory_space<vmem_shared>>) target_semaphore(%run_scoped3A : memref<!tpu.dma_semaphore, #tpu.memory_space<semaphore_mem>>)
      %dma_wait3A = arith.constant 0 : i32
      %dma_wait3A_76 = tpu.memref_slice %arg9[%add3A_25, %dma_wait3A] : memref<10240x128xf32, #tpu.memory_space<vmem_shared>> -> memref<128x128xf32, #tpu.memory_space<vmem_shared>>
      %dma_wait3A_77 = arith.constant 0 : i32
      %dma_wait3A_78 = tpu.memref_slice %arg9[%add3A_25, %dma_wait3A_77] : memref<10240x128xf32, #tpu.memory_space<vmem_shared>> -> memref<128x128xf32, #tpu.memory_space<vmem_shared>>
      tpu.wait_dma2 semaphore(%run_scoped3A : memref<!tpu.dma_semaphore, #tpu.memory_space<semaphore_mem>>) src(%arg8 : memref<128x128xf32, #tpu.memory_space<vmem>>) dst(%dma_wait3A_78 : memref<128x128xf32, #tpu.memory_space<vmem_shared>>)
      tpu.yield
    }) : () -> ()
    "tpu.region"() ({
      %run_scoped3A = tpu.sem_alloc : memref<!tpu.dma_semaphore, #tpu.memory_space<semaphore_mem>>
      %dma_start3A = arith.constant 0 : i32
      %dma_start3A_73 = arith.constant 0 : i32
      %dma_start3A_74 = tpu.memref_slice %arg3[%add3A, %dma_start3A, %dma_start3A_73] : memref<32x79x128xi32, #tpu.memory_space<hbm>> -> memref<1x79x128xi32, #tpu.memory_space<hbm>>
      %dma_start3A_75 = tpu.memref_squeeze %dma_start3A_74 : memref<1x79x128xi32, #tpu.memory_space<hbm>> -> memref<79x128xi32, #tpu.memory_space<hbm>>
      %dma_start3A_76 = arith.constant 0 : i32
      %dma_start3A_77 = arith.constant 0 : i32
      %dma_start3A_78 = tpu.memref_slice %arg3[%add3A, %dma_start3A_76, %dma_start3A_77] : memref<32x79x128xi32, #tpu.memory_space<hbm>> -> memref<1x79x128xi32, #tpu.memory_space<hbm>>
      %dma_start3A_79 = tpu.memref_squeeze %dma_start3A_78 : memref<1x79x128xi32, #tpu.memory_space<hbm>> -> memref<79x128xi32, #tpu.memory_space<hbm>>
      tpu.enqueue_dma source(%dma_start3A_79 : memref<79x128xi32, #tpu.memory_space<hbm>>) target(%arg6 : memref<79x128xi32, #tpu.memory_space<vmem>>) target_semaphore(%run_scoped3A : memref<!tpu.dma_semaphore, #tpu.memory_space<semaphore_mem>>)
      %dma_wait3A = arith.constant 0 : i32
      %dma_wait3A_80 = arith.constant 0 : i32
      %dma_wait3A_81 = tpu.memref_slice %arg3[%add3A, %dma_wait3A, %dma_wait3A_80] : memref<32x79x128xi32, #tpu.memory_space<hbm>> -> memref<1x79x128xi32, #tpu.memory_space<hbm>>
      %dma_wait3A_82 = tpu.memref_squeeze %dma_wait3A_81 : memref<1x79x128xi32, #tpu.memory_space<hbm>> -> memref<79x128xi32, #tpu.memory_space<hbm>>
      %dma_wait3A_83 = arith.constant 0 : i32
      %dma_wait3A_84 = arith.constant 0 : i32
      %dma_wait3A_85 = tpu.memref_slice %arg3[%add3A, %dma_wait3A_83, %dma_wait3A_84] : memref<32x79x128xi32, #tpu.memory_space<hbm>> -> memref<1x79x128xi32, #tpu.memory_space<hbm>>
      %dma_wait3A_86 = tpu.memref_squeeze %dma_wait3A_85 : memref<1x79x128xi32, #tpu.memory_space<hbm>> -> memref<79x128xi32, #tpu.memory_space<hbm>>
      tpu.wait_dma2 semaphore(%run_scoped3A : memref<!tpu.dma_semaphore, #tpu.memory_space<semaphore_mem>>) src(%dma_wait3A_86 : memref<79x128xi32, #tpu.memory_space<hbm>>) dst(%arg6 : memref<79x128xi32, #tpu.memory_space<vmem>>)
      tpu.yield
    }) : () -> ()
    "tpu.region"() ({
      %run_scoped3A = tpu.sem_alloc : memref<!tpu.dma_semaphore, #tpu.memory_space<semaphore_mem>>
      %dma_start3A = arith.constant 0 : i32
      %dma_start3A_73 = arith.constant 0 : i32
      %dma_start3A_74 = tpu.memref_slice %arg4[%add3A, %dma_start3A, %dma_start3A_73] : memref<32x79x128xi32, #tpu.memory_space<hbm>> -> memref<1x79x128xi32, #tpu.memory_space<hbm>>
      %dma_start3A_75 = tpu.memref_squeeze %dma_start3A_74 : memref<1x79x128xi32, #tpu.memory_space<hbm>> -> memref<79x128xi32, #tpu.memory_space<hbm>>
      %dma_start3A_76 = arith.constant 0 : i32
      %dma_start3A_77 = arith.constant 0 : i32
      %dma_start3A_78 = tpu.memref_slice %arg4[%add3A, %dma_start3A_76, %dma_start3A_77] : memref<32x79x128xi32, #tpu.memory_space<hbm>> -> memref<1x79x128xi32, #tpu.memory_space<hbm>>
      %dma_start3A_79 = tpu.memref_squeeze %dma_start3A_78 : memref<1x79x128xi32, #tpu.memory_space<hbm>> -> memref<79x128xi32, #tpu.memory_space<hbm>>
      tpu.enqueue_dma source(%dma_start3A_79 : memref<79x128xi32, #tpu.memory_space<hbm>>) target(%arg7 : memref<79x128xi32, #tpu.memory_space<vmem>>) target_semaphore(%run_scoped3A : memref<!tpu.dma_semaphore, #tpu.memory_space<semaphore_mem>>)
      %dma_wait3A = arith.constant 0 : i32
      %dma_wait3A_80 = arith.constant 0 : i32
      %dma_wait3A_81 = tpu.memref_slice %arg4[%add3A, %dma_wait3A, %dma_wait3A_80] : memref<32x79x128xi32, #tpu.memory_space<hbm>> -> memref<1x79x128xi32, #tpu.memory_space<hbm>>
      %dma_wait3A_82 = tpu.memref_squeeze %dma_wait3A_81 : memref<1x79x128xi32, #tpu.memory_space<hbm>> -> memref<79x128xi32, #tpu.memory_space<hbm>>
      %dma_wait3A_83 = arith.constant 0 : i32
      %dma_wait3A_84 = arith.constant 0 : i32
      %dma_wait3A_85 = tpu.memref_slice %arg4[%add3A, %dma_wait3A_83, %dma_wait3A_84] : memref<32x79x128xi32, #tpu.memory_space<hbm>> -> memref<1x79x128xi32, #tpu.memory_space<hbm>>
      %dma_wait3A_86 = tpu.memref_squeeze %dma_wait3A_85 : memref<1x79x128xi32, #tpu.memory_space<hbm>> -> memref<79x128xi32, #tpu.memory_space<hbm>>
      tpu.wait_dma2 semaphore(%run_scoped3A : memref<!tpu.dma_semaphore, #tpu.memory_space<semaphore_mem>>) src(%dma_wait3A_86 : memref<79x128xi32, #tpu.memory_space<hbm>>) dst(%arg7 : memref<79x128xi32, #tpu.memory_space<vmem>>)
      tpu.yield
    }) : () -> ()
    %barrier3A = arith.constant 0 : index
    tpu.barrier barrier_id(%barrier3A)
    %scan3A_26 = arith.constant 0 : i32
    %scan3A_27 = arith.constant 0 : i32
    %scan3A_28 = arith.constant 79 : i32
    %scan3A_29 = arith.addi %scan3A_27, %scan3A_28 : i32
    %scan3A_30 = arith.constant 1 : i32
    scf.for %scan3A_73 = %scan3A_27 to %scan3A_29 step %scan3A_30  : i32 {
      %dma_start3A = arith.constant 0 : i32
      %dma_start3A_74 = tpu.memref_slice %arg6[%scan3A_73, %dma_start3A] : memref<79x128xi32, #tpu.memory_space<vmem>> -> memref<1x128xi32, #tpu.memory_space<vmem>>
      %dma_start3A_75 = tpu.memref_squeeze %dma_start3A_74 : memref<1x128xi32, #tpu.memory_space<vmem>> -> memref<128xi32, #tpu.memory_space<vmem>>
      %dma_start3A_76 = arith.constant 0 : i32
      %dma_start3A_77 = arith.constant 0 : i32
      %dma_start3A_78 = tpu.memref_slice %arg2[%dma_start3A_76, %dma_start3A_77] : memref<10000x128xf32, #tpu.memory_space<hbm>> -> memref<10000x128xf32, #tpu.memory_space<hbm>>
      tpu.enqueue_indirect_dma source(%dma_start3A_78 : memref<10000x128xf32, #tpu.memory_space<hbm>>) target(%arg8 : memref<128x128xf32, #tpu.memory_space<vmem>>) offsets(%dma_start3A_75 : memref<128xi32, #tpu.memory_space<vmem>>) semaphore(%arg10 : memref<!tpu.dma_semaphore, #tpu.memory_space<semaphore_mem>>)
      %dma_wait3A = arith.constant 0 : i32
      %dma_wait3A_79 = tpu.memref_slice %arg6[%scan3A_73, %dma_wait3A] : memref<79x128xi32, #tpu.memory_space<vmem>> -> memref<1x128xi32, #tpu.memory_space<vmem>>
      %dma_wait3A_80 = tpu.memref_squeeze %dma_wait3A_79 : memref<1x128xi32, #tpu.memory_space<vmem>> -> memref<128xi32, #tpu.memory_space<vmem>>
      %dma_wait3A_81 = arith.constant 0 : i32
      %dma_wait3A_82 = arith.constant 0 : i32
      %dma_wait3A_83 = tpu.memref_slice %arg2[%dma_wait3A_81, %dma_wait3A_82] : memref<10000x128xf32, #tpu.memory_space<hbm>> -> memref<10000x128xf32, #tpu.memory_space<hbm>>
      tpu.wait_indirect_dma semaphore(%arg10 : memref<!tpu.dma_semaphore, #tpu.memory_space<semaphore_mem>>) src(%dma_wait3A_83 : memref<10000x128xf32, #tpu.memory_space<hbm>>) dst(%arg8 : memref<128x128xf32, #tpu.memory_space<vmem>>)
      "tpu.region"() ({
        %run_scoped3A = tpu.sem_alloc : memref<!tpu.dma_semaphore, #tpu.memory_space<semaphore_mem>>
        %dma_start3A_84 = arith.constant 0 : i32
        %dma_start3A_85 = tpu.memref_slice %arg7[%scan3A_73, %dma_start3A_84] : memref<79x128xi32, #tpu.memory_space<vmem>> -> memref<1x128xi32, #tpu.memory_space<vmem>>
        %dma_start3A_86 = tpu.memref_squeeze %dma_start3A_85 : memref<1x128xi32, #tpu.memory_space<vmem>> -> memref<128xi32, #tpu.memory_space<vmem>>
        %dma_start3A_87 = arith.constant 0 : i32
        %dma_start3A_88 = arith.constant 0 : i32
        %dma_start3A_89 = tpu.memref_slice %arg9[%dma_start3A_87, %dma_start3A_88] : memref<10240x128xf32, #tpu.memory_space<vmem_shared>> -> memref<10240x128xf32, #tpu.memory_space<vmem_shared>>
        tpu.enqueue_indirect_dma source(%arg8 : memref<128x128xf32, #tpu.memory_space<vmem>>) target(%dma_start3A_89 : memref<10240x128xf32, #tpu.memory_space<vmem_shared>>) offsets(%dma_start3A_86 : memref<128xi32, #tpu.memory_space<vmem>>) semaphore(%run_scoped3A : memref<!tpu.dma_semaphore, #tpu.memory_space<semaphore_mem>>) {add = true}
        %dma_wait3A_90 = arith.constant 0 : i32
        %dma_wait3A_91 = tpu.memref_slice %arg7[%scan3A_73, %dma_wait3A_90] : memref<79x128xi32, #tpu.memory_space<vmem>> -> memref<1x128xi32, #tpu.memory_space<vmem>>
        %dma_wait3A_92 = tpu.memref_squeeze %dma_wait3A_91 : memref<1x128xi32, #tpu.memory_space<vmem>> -> memref<128xi32, #tpu.memory_space<vmem>>
        %dma_wait3A_93 = arith.constant 0 : i32
        %dma_wait3A_94 = arith.constant 0 : i32
        %dma_wait3A_95 = tpu.memref_slice %arg9[%dma_wait3A_93, %dma_wait3A_94] : memref<10240x128xf32, #tpu.memory_space<vmem_shared>> -> memref<10240x128xf32, #tpu.memory_space<vmem_shared>>
        tpu.wait_indirect_dma semaphore(%run_scoped3A : memref<!tpu.dma_semaphore, #tpu.memory_space<semaphore_mem>>) src(%arg8 : memref<128x128xf32, #tpu.memory_space<vmem>>) dst(%dma_wait3A_95 : memref<10240x128xf32, #tpu.memory_space<vmem_shared>>)
        tpu.yield
      }) : () -> ()
    }
    %scan3A_31 = arith.constant 79 : i32
    %barrier3A_32 = arith.constant 0 : index
    tpu.barrier barrier_id(%barrier3A_32)
    %mul3A_33 = arith.constant 640 : i32
    %mul3A_34 = arith.muli %arg1, %mul3A_33 : i32
    %add3A_35 = arith.constant 0 : i32
    %add3A_36 = arith.addi %mul3A_34, %add3A_35 : i32
    "tpu.region"() ({
      %run_scoped3A = tpu.sem_alloc : memref<!tpu.dma_semaphore, #tpu.memory_space<semaphore_mem>>
      %dma_start3A = arith.constant 0 : i32
      %dma_start3A_73 = tpu.memref_slice %arg9[%add3A_36, %dma_start3A] : memref<10240x128xf32, #tpu.memory_space<vmem_shared>> -> memref<128x128xf32, #tpu.memory_space<vmem_shared>>
      %dma_start3A_74 = arith.constant 0 : i32
      %dma_start3A_75 = tpu.memref_slice %arg9[%add3A_36, %dma_start3A_74] : memref<10240x128xf32, #tpu.memory_space<vmem_shared>> -> memref<128x128xf32, #tpu.memory_space<vmem_shared>>
      tpu.enqueue_dma source(%dma_start3A_75 : memref<128x128xf32, #tpu.memory_space<vmem_shared>>) target(%arg8 : memref<128x128xf32, #tpu.memory_space<vmem>>) target_semaphore(%run_scoped3A : memref<!tpu.dma_semaphore, #tpu.memory_space<semaphore_mem>>)
      %dma_wait3A = arith.constant 0 : i32
      %dma_wait3A_76 = tpu.memref_slice %arg9[%add3A_36, %dma_wait3A] : memref<10240x128xf32, #tpu.memory_space<vmem_shared>> -> memref<128x128xf32, #tpu.memory_space<vmem_shared>>
      %dma_wait3A_77 = arith.constant 0 : i32
      %dma_wait3A_78 = tpu.memref_slice %arg9[%add3A_36, %dma_wait3A_77] : memref<10240x128xf32, #tpu.memory_space<vmem_shared>> -> memref<128x128xf32, #tpu.memory_space<vmem_shared>>
      tpu.wait_dma2 semaphore(%run_scoped3A : memref<!tpu.dma_semaphore, #tpu.memory_space<semaphore_mem>>) src(%dma_wait3A_78 : memref<128x128xf32, #tpu.memory_space<vmem_shared>>) dst(%arg8 : memref<128x128xf32, #tpu.memory_space<vmem>>)
      tpu.yield
    }) : () -> ()
    %mul3A_37 = arith.constant 640 : i32
    %mul3A_38 = arith.muli %arg1, %mul3A_37 : i32
    %add3A_39 = arith.constant 0 : i32
    %add3A_40 = arith.addi %mul3A_38, %add3A_39 : i32
    "tpu.region"() ({
      %run_scoped3A = tpu.sem_alloc : memref<!tpu.dma_semaphore, #tpu.memory_space<semaphore_mem>>
      %dma_start3A = arith.constant 0 : i32
      %dma_start3A_73 = arith.constant 0 : i32
      %dma_start3A_74 = tpu.memref_slice %arg5[%arg0, %dma_start3A, %dma_start3A_73] : memref<2x10240x128xf32, #tpu.memory_space<hbm>> -> memref<1x10240x128xf32, #tpu.memory_space<hbm>>
      %dma_start3A_75 = tpu.memref_squeeze %dma_start3A_74 : memref<1x10240x128xf32, #tpu.memory_space<hbm>> -> memref<10240x128xf32, #tpu.memory_space<hbm>>
      %dma_start3A_76 = arith.constant 0 : i32
      %dma_start3A_77 = tpu.memref_slice %dma_start3A_75[%add3A_40, %dma_start3A_76] : memref<10240x128xf32, #tpu.memory_space<hbm>> -> memref<128x128xf32, #tpu.memory_space<hbm>>
      %dma_start3A_78 = arith.constant 0 : i32
      %dma_start3A_79 = arith.constant 0 : i32
      %dma_start3A_80 = tpu.memref_slice %arg5[%arg0, %dma_start3A_78, %dma_start3A_79] : memref<2x10240x128xf32, #tpu.memory_space<hbm>> -> memref<1x10240x128xf32, #tpu.memory_space<hbm>>
      %dma_start3A_81 = tpu.memref_squeeze %dma_start3A_80 : memref<1x10240x128xf32, #tpu.memory_space<hbm>> -> memref<10240x128xf32, #tpu.memory_space<hbm>>
      %dma_start3A_82 = arith.constant 0 : i32
      %dma_start3A_83 = tpu.memref_slice %dma_start3A_81[%add3A_40, %dma_start3A_82] : memref<10240x128xf32, #tpu.memory_space<hbm>> -> memref<128x128xf32, #tpu.memory_space<hbm>>
      tpu.enqueue_dma source(%arg8 : memref<128x128xf32, #tpu.memory_space<vmem>>) target(%dma_start3A_83 : memref<128x128xf32, #tpu.memory_space<hbm>>) target_semaphore(%run_scoped3A : memref<!tpu.dma_semaphore, #tpu.memory_space<semaphore_mem>>)
      %dma_wait3A = arith.constant 0 : i32
      %dma_wait3A_84 = arith.constant 0 : i32
      %dma_wait3A_85 = tpu.memref_slice %arg5[%arg0, %dma_wait3A, %dma_wait3A_84] : memref<2x10240x128xf32, #tpu.memory_space<hbm>> -> memref<1x10240x128xf32, #tpu.memory_space<hbm>>
      %dma_wait3A_86 = tpu.memref_squeeze %dma_wait3A_85 : memref<1x10240x128xf32, #tpu.memory_space<hbm>> -> memref<10240x128xf32, #tpu.memory_space<hbm>>
      %dma_wait3A_87 = arith.constant 0 : i32
      %dma_wait3A_88 = tpu.memref_slice %dma_wait3A_86[%add3A_40, %dma_wait3A_87] : memref<10240x128xf32, #tpu.memory_space<hbm>> -> memref<128x128xf32, #tpu.memory_space<hbm>>
      %dma_wait3A_89 = arith.constant 0 : i32
      %dma_wait3A_90 = arith.constant 0 : i32
      %dma_wait3A_91 = tpu.memref_slice %arg5[%arg0, %dma_wait3A_89, %dma_wait3A_90] : memref<2x10240x128xf32, #tpu.memory_space<hbm>> -> memref<1x10240x128xf32, #tpu.memory_space<hbm>>
      %dma_wait3A_92 = tpu.memref_squeeze %dma_wait3A_91 : memref<1x10240x128xf32, #tpu.memory_space<hbm>> -> memref<10240x128xf32, #tpu.memory_space<hbm>>
      %dma_wait3A_93 = arith.constant 0 : i32
      %dma_wait3A_94 = tpu.memref_slice %dma_wait3A_92[%add3A_40, %dma_wait3A_93] : memref<10240x128xf32, #tpu.memory_space<hbm>> -> memref<128x128xf32, #tpu.memory_space<hbm>>
      tpu.wait_dma2 semaphore(%run_scoped3A : memref<!tpu.dma_semaphore, #tpu.memory_space<semaphore_mem>>) src(%arg8 : memref<128x128xf32, #tpu.memory_space<vmem>>) dst(%dma_wait3A_94 : memref<128x128xf32, #tpu.memory_space<hbm>>)
      tpu.yield
    }) : () -> ()
    %mul3A_41 = arith.constant 640 : i32
    %mul3A_42 = arith.muli %arg1, %mul3A_41 : i32
    %add3A_43 = arith.constant 128 : i32
    %add3A_44 = arith.addi %mul3A_42, %add3A_43 : i32
    "tpu.region"() ({
      %run_scoped3A = tpu.sem_alloc : memref<!tpu.dma_semaphore, #tpu.memory_space<semaphore_mem>>
      %dma_start3A = arith.constant 0 : i32
      %dma_start3A_73 = tpu.memref_slice %arg9[%add3A_44, %dma_start3A] : memref<10240x128xf32, #tpu.memory_space<vmem_shared>> -> memref<128x128xf32, #tpu.memory_space<vmem_shared>>
      %dma_start3A_74 = arith.constant 0 : i32
      %dma_start3A_75 = tpu.memref_slice %arg9[%add3A_44, %dma_start3A_74] : memref<10240x128xf32, #tpu.memory_space<vmem_shared>> -> memref<128x128xf32, #tpu.memory_space<vmem_shared>>
      tpu.enqueue_dma source(%dma_start3A_75 : memref<128x128xf32, #tpu.memory_space<vmem_shared>>) target(%arg8 : memref<128x128xf32, #tpu.memory_space<vmem>>) target_semaphore(%run_scoped3A : memref<!tpu.dma_semaphore, #tpu.memory_space<semaphore_mem>>)
      %dma_wait3A = arith.constant 0 : i32
      %dma_wait3A_76 = tpu.memref_slice %arg9[%add3A_44, %dma_wait3A] : memref<10240x128xf32, #tpu.memory_space<vmem_shared>> -> memref<128x128xf32, #tpu.memory_space<vmem_shared>>
      %dma_wait3A_77 = arith.constant 0 : i32
      %dma_wait3A_78 = tpu.memref_slice %arg9[%add3A_44, %dma_wait3A_77] : memref<10240x128xf32, #tpu.memory_space<vmem_shared>> -> memref<128x128xf32, #tpu.memory_space<vmem_shared>>
      tpu.wait_dma2 semaphore(%run_scoped3A : memref<!tpu.dma_semaphore, #tpu.memory_space<semaphore_mem>>) src(%dma_wait3A_78 : memref<128x128xf32, #tpu.memory_space<vmem_shared>>) dst(%arg8 : memref<128x128xf32, #tpu.memory_space<vmem>>)
      tpu.yield
    }) : () -> ()
    %mul3A_45 = arith.constant 640 : i32
    %mul3A_46 = arith.muli %arg1, %mul3A_45 : i32
    %add3A_47 = arith.constant 128 : i32
    %add3A_48 = arith.addi %mul3A_46, %add3A_47 : i32
    "tpu.region"() ({
      %run_scoped3A = tpu.sem_alloc : memref<!tpu.dma_semaphore, #tpu.memory_space<semaphore_mem>>
      %dma_start3A = arith.constant 0 : i32
      %dma_start3A_73 = arith.constant 0 : i32
      %dma_start3A_74 = tpu.memref_slice %arg5[%arg0, %dma_start3A, %dma_start3A_73] : memref<2x10240x128xf32, #tpu.memory_space<hbm>> -> memref<1x10240x128xf32, #tpu.memory_space<hbm>>
      %dma_start3A_75 = tpu.memref_squeeze %dma_start3A_74 : memref<1x10240x128xf32, #tpu.memory_space<hbm>> -> memref<10240x128xf32, #tpu.memory_space<hbm>>
      %dma_start3A_76 = arith.constant 0 : i32
      %dma_start3A_77 = tpu.memref_slice %dma_start3A_75[%add3A_48, %dma_start3A_76] : memref<10240x128xf32, #tpu.memory_space<hbm>> -> memref<128x128xf32, #tpu.memory_space<hbm>>
      %dma_start3A_78 = arith.constant 0 : i32
      %dma_start3A_79 = arith.constant 0 : i32
      %dma_start3A_80 = tpu.memref_slice %arg5[%arg0, %dma_start3A_78, %dma_start3A_79] : memref<2x10240x128xf32, #tpu.memory_space<hbm>> -> memref<1x10240x128xf32, #tpu.memory_space<hbm>>
      %dma_start3A_81 = tpu.memref_squeeze %dma_start3A_80 : memref<1x10240x128xf32, #tpu.memory_space<hbm>> -> memref<10240x128xf32, #tpu.memory_space<hbm>>
      %dma_start3A_82 = arith.constant 0 : i32
      %dma_start3A_83 = tpu.memref_slice %dma_start3A_81[%add3A_48, %dma_start3A_82] : memref<10240x128xf32, #tpu.memory_space<hbm>> -> memref<128x128xf32, #tpu.memory_space<hbm>>
      tpu.enqueue_dma source(%arg8 : memref<128x128xf32, #tpu.memory_space<vmem>>) target(%dma_start3A_83 : memref<128x128xf32, #tpu.memory_space<hbm>>) target_semaphore(%run_scoped3A : memref<!tpu.dma_semaphore, #tpu.memory_space<semaphore_mem>>)
      %dma_wait3A = arith.constant 0 : i32
      %dma_wait3A_84 = arith.constant 0 : i32
      %dma_wait3A_85 = tpu.memref_slice %arg5[%arg0, %dma_wait3A, %dma_wait3A_84] : memref<2x10240x128xf32, #tpu.memory_space<hbm>> -> memref<1x10240x128xf32, #tpu.memory_space<hbm>>
      %dma_wait3A_86 = tpu.memref_squeeze %dma_wait3A_85 : memref<1x10240x128xf32, #tpu.memory_space<hbm>> -> memref<10240x128xf32, #tpu.memory_space<hbm>>
      %dma_wait3A_87 = arith.constant 0 : i32
      %dma_wait3A_88 = tpu.memref_slice %dma_wait3A_86[%add3A_48, %dma_wait3A_87] : memref<10240x128xf32, #tpu.memory_space<hbm>> -> memref<128x128xf32, #tpu.memory_space<hbm>>
      %dma_wait3A_89 = arith.constant 0 : i32
      %dma_wait3A_90 = arith.constant 0 : i32
      %dma_wait3A_91 = tpu.memref_slice %arg5[%arg0, %dma_wait3A_89, %dma_wait3A_90] : memref<2x10240x128xf32, #tpu.memory_space<hbm>> -> memref<1x10240x128xf32, #tpu.memory_space<hbm>>
      %dma_wait3A_92 = tpu.memref_squeeze %dma_wait3A_91 : memref<1x10240x128xf32, #tpu.memory_space<hbm>> -> memref<10240x128xf32, #tpu.memory_space<hbm>>
      %dma_wait3A_93 = arith.constant 0 : i32
      %dma_wait3A_94 = tpu.memref_slice %dma_wait3A_92[%add3A_48, %dma_wait3A_93] : memref<10240x128xf32, #tpu.memory_space<hbm>> -> memref<128x128xf32, #tpu.memory_space<hbm>>
      tpu.wait_dma2 semaphore(%run_scoped3A : memref<!tpu.dma_semaphore, #tpu.memory_space<semaphore_mem>>) src(%arg8 : memref<128x128xf32, #tpu.memory_space<vmem>>) dst(%dma_wait3A_94 : memref<128x128xf32, #tpu.memory_space<hbm>>)
      tpu.yield
    }) : () -> ()
    %mul3A_49 = arith.constant 640 : i32
    %mul3A_50 = arith.muli %arg1, %mul3A_49 : i32
    %add3A_51 = arith.constant 256 : i32
    %add3A_52 = arith.addi %mul3A_50, %add3A_51 : i32
    "tpu.region"() ({
      %run_scoped3A = tpu.sem_alloc : memref<!tpu.dma_semaphore, #tpu.memory_space<semaphore_mem>>
      %dma_start3A = arith.constant 0 : i32
      %dma_start3A_73 = tpu.memref_slice %arg9[%add3A_52, %dma_start3A] : memref<10240x128xf32, #tpu.memory_space<vmem_shared>> -> memref<128x128xf32, #tpu.memory_space<vmem_shared>>
      %dma_start3A_74 = arith.constant 0 : i32
      %dma_start3A_75 = tpu.memref_slice %arg9[%add3A_52, %dma_start3A_74] : memref<10240x128xf32, #tpu.memory_space<vmem_shared>> -> memref<128x128xf32, #tpu.memory_space<vmem_shared>>
      tpu.enqueue_dma source(%dma_start3A_75 : memref<128x128xf32, #tpu.memory_space<vmem_shared>>) target(%arg8 : memref<128x128xf32, #tpu.memory_space<vmem>>) target_semaphore(%run_scoped3A : memref<!tpu.dma_semaphore, #tpu.memory_space<semaphore_mem>>)
      %dma_wait3A = arith.constant 0 : i32
      %dma_wait3A_76 = tpu.memref_slice %arg9[%add3A_52, %dma_wait3A] : memref<10240x128xf32, #tpu.memory_space<vmem_shared>> -> memref<128x128xf32, #tpu.memory_space<vmem_shared>>
      %dma_wait3A_77 = arith.constant 0 : i32
      %dma_wait3A_78 = tpu.memref_slice %arg9[%add3A_52, %dma_wait3A_77] : memref<10240x128xf32, #tpu.memory_space<vmem_shared>> -> memref<128x128xf32, #tpu.memory_space<vmem_shared>>
      tpu.wait_dma2 semaphore(%run_scoped3A : memref<!tpu.dma_semaphore, #tpu.memory_space<semaphore_mem>>) src(%dma_wait3A_78 : memref<128x128xf32, #tpu.memory_space<vmem_shared>>) dst(%arg8 : memref<128x128xf32, #tpu.memory_space<vmem>>)
      tpu.yield
    }) : () -> ()
    %mul3A_53 = arith.constant 640 : i32
    %mul3A_54 = arith.muli %arg1, %mul3A_53 : i32
    %add3A_55 = arith.constant 256 : i32
    %add3A_56 = arith.addi %mul3A_54, %add3A_55 : i32
    "tpu.region"() ({
      %run_scoped3A = tpu.sem_alloc : memref<!tpu.dma_semaphore, #tpu.memory_space<semaphore_mem>>
      %dma_start3A = arith.constant 0 : i32
      %dma_start3A_73 = arith.constant 0 : i32
      %dma_start3A_74 = tpu.memref_slice %arg5[%arg0, %dma_start3A, %dma_start3A_73] : memref<2x10240x128xf32, #tpu.memory_space<hbm>> -> memref<1x10240x128xf32, #tpu.memory_space<hbm>>
      %dma_start3A_75 = tpu.memref_squeeze %dma_start3A_74 : memref<1x10240x128xf32, #tpu.memory_space<hbm>> -> memref<10240x128xf32, #tpu.memory_space<hbm>>
      %dma_start3A_76 = arith.constant 0 : i32
      %dma_start3A_77 = tpu.memref_slice %dma_start3A_75[%add3A_56, %dma_start3A_76] : memref<10240x128xf32, #tpu.memory_space<hbm>> -> memref<128x128xf32, #tpu.memory_space<hbm>>
      %dma_start3A_78 = arith.constant 0 : i32
      %dma_start3A_79 = arith.constant 0 : i32
      %dma_start3A_80 = tpu.memref_slice %arg5[%arg0, %dma_start3A_78, %dma_start3A_79] : memref<2x10240x128xf32, #tpu.memory_space<hbm>> -> memref<1x10240x128xf32, #tpu.memory_space<hbm>>
      %dma_start3A_81 = tpu.memref_squeeze %dma_start3A_80 : memref<1x10240x128xf32, #tpu.memory_space<hbm>> -> memref<10240x128xf32, #tpu.memory_space<hbm>>
      %dma_start3A_82 = arith.constant 0 : i32
      %dma_start3A_83 = tpu.memref_slice %dma_start3A_81[%add3A_56, %dma_start3A_82] : memref<10240x128xf32, #tpu.memory_space<hbm>> -> memref<128x128xf32, #tpu.memory_space<hbm>>
      tpu.enqueue_dma source(%arg8 : memref<128x128xf32, #tpu.memory_space<vmem>>) target(%dma_start3A_83 : memref<128x128xf32, #tpu.memory_space<hbm>>) target_semaphore(%run_scoped3A : memref<!tpu.dma_semaphore, #tpu.memory_space<semaphore_mem>>)
      %dma_wait3A = arith.constant 0 : i32
      %dma_wait3A_84 = arith.constant 0 : i32
      %dma_wait3A_85 = tpu.memref_slice %arg5[%arg0, %dma_wait3A, %dma_wait3A_84] : memref<2x10240x128xf32, #tpu.memory_space<hbm>> -> memref<1x10240x128xf32, #tpu.memory_space<hbm>>
      %dma_wait3A_86 = tpu.memref_squeeze %dma_wait3A_85 : memref<1x10240x128xf32, #tpu.memory_space<hbm>> -> memref<10240x128xf32, #tpu.memory_space<hbm>>
      %dma_wait3A_87 = arith.constant 0 : i32
      %dma_wait3A_88 = tpu.memref_slice %dma_wait3A_86[%add3A_56, %dma_wait3A_87] : memref<10240x128xf32, #tpu.memory_space<hbm>> -> memref<128x128xf32, #tpu.memory_space<hbm>>
      %dma_wait3A_89 = arith.constant 0 : i32
      %dma_wait3A_90 = arith.constant 0 : i32
      %dma_wait3A_91 = tpu.memref_slice %arg5[%arg0, %dma_wait3A_89, %dma_wait3A_90] : memref<2x10240x128xf32, #tpu.memory_space<hbm>> -> memref<1x10240x128xf32, #tpu.memory_space<hbm>>
      %dma_wait3A_92 = tpu.memref_squeeze %dma_wait3A_91 : memref<1x10240x128xf32, #tpu.memory_space<hbm>> -> memref<10240x128xf32, #tpu.memory_space<hbm>>
      %dma_wait3A_93 = arith.constant 0 : i32
      %dma_wait3A_94 = tpu.memref_slice %dma_wait3A_92[%add3A_56, %dma_wait3A_93] : memref<10240x128xf32, #tpu.memory_space<hbm>> -> memref<128x128xf32, #tpu.memory_space<hbm>>
      tpu.wait_dma2 semaphore(%run_scoped3A : memref<!tpu.dma_semaphore, #tpu.memory_space<semaphore_mem>>) src(%arg8 : memref<128x128xf32, #tpu.memory_space<vmem>>) dst(%dma_wait3A_94 : memref<128x128xf32, #tpu.memory_space<hbm>>)
      tpu.yield
    }) : () -> ()
    %mul3A_57 = arith.constant 640 : i32
    %mul3A_58 = arith.muli %arg1, %mul3A_57 : i32
    %add3A_59 = arith.constant 384 : i32
    %add3A_60 = arith.addi %mul3A_58, %add3A_59 : i32
    "tpu.region"() ({
      %run_scoped3A = tpu.sem_alloc : memref<!tpu.dma_semaphore, #tpu.memory_space<semaphore_mem>>
      %dma_start3A = arith.constant 0 : i32
      %dma_start3A_73 = tpu.memref_slice %arg9[%add3A_60, %dma_start3A] : memref<10240x128xf32, #tpu.memory_space<vmem_shared>> -> memref<128x128xf32, #tpu.memory_space<vmem_shared>>
      %dma_start3A_74 = arith.constant 0 : i32
      %dma_start3A_75 = tpu.memref_slice %arg9[%add3A_60, %dma_start3A_74] : memref<10240x128xf32, #tpu.memory_space<vmem_shared>> -> memref<128x128xf32, #tpu.memory_space<vmem_shared>>
      tpu.enqueue_dma source(%dma_start3A_75 : memref<128x128xf32, #tpu.memory_space<vmem_shared>>) target(%arg8 : memref<128x128xf32, #tpu.memory_space<vmem>>) target_semaphore(%run_scoped3A : memref<!tpu.dma_semaphore, #tpu.memory_space<semaphore_mem>>)
      %dma_wait3A = arith.constant 0 : i32
      %dma_wait3A_76 = tpu.memref_slice %arg9[%add3A_60, %dma_wait3A] : memref<10240x128xf32, #tpu.memory_space<vmem_shared>> -> memref<128x128xf32, #tpu.memory_space<vmem_shared>>
      %dma_wait3A_77 = arith.constant 0 : i32
      %dma_wait3A_78 = tpu.memref_slice %arg9[%add3A_60, %dma_wait3A_77] : memref<10240x128xf32, #tpu.memory_space<vmem_shared>> -> memref<128x128xf32, #tpu.memory_space<vmem_shared>>
      tpu.wait_dma2 semaphore(%run_scoped3A : memref<!tpu.dma_semaphore, #tpu.memory_space<semaphore_mem>>) src(%dma_wait3A_78 : memref<128x128xf32, #tpu.memory_space<vmem_shared>>) dst(%arg8 : memref<128x128xf32, #tpu.memory_space<vmem>>)
      tpu.yield
    }) : () -> ()
    %mul3A_61 = arith.constant 640 : i32
    %mul3A_62 = arith.muli %arg1, %mul3A_61 : i32
    %add3A_63 = arith.constant 384 : i32
    %add3A_64 = arith.addi %mul3A_62, %add3A_63 : i32
    "tpu.region"() ({
      %run_scoped3A = tpu.sem_alloc : memref<!tpu.dma_semaphore, #tpu.memory_space<semaphore_mem>>
      %dma_start3A = arith.constant 0 : i32
      %dma_start3A_73 = arith.constant 0 : i32
      %dma_start3A_74 = tpu.memref_slice %arg5[%arg0, %dma_start3A, %dma_start3A_73] : memref<2x10240x128xf32, #tpu.memory_space<hbm>> -> memref<1x10240x128xf32, #tpu.memory_space<hbm>>
      %dma_start3A_75 = tpu.memref_squeeze %dma_start3A_74 : memref<1x10240x128xf32, #tpu.memory_space<hbm>> -> memref<10240x128xf32, #tpu.memory_space<hbm>>
      %dma_start3A_76 = arith.constant 0 : i32
      %dma_start3A_77 = tpu.memref_slice %dma_start3A_75[%add3A_64, %dma_start3A_76] : memref<10240x128xf32, #tpu.memory_space<hbm>> -> memref<128x128xf32, #tpu.memory_space<hbm>>
      %dma_start3A_78 = arith.constant 0 : i32
      %dma_start3A_79 = arith.constant 0 : i32
      %dma_start3A_80 = tpu.memref_slice %arg5[%arg0, %dma_start3A_78, %dma_start3A_79] : memref<2x10240x128xf32, #tpu.memory_space<hbm>> -> memref<1x10240x128xf32, #tpu.memory_space<hbm>>
      %dma_start3A_81 = tpu.memref_squeeze %dma_start3A_80 : memref<1x10240x128xf32, #tpu.memory_space<hbm>> -> memref<10240x128xf32, #tpu.memory_space<hbm>>
      %dma_start3A_82 = arith.constant 0 : i32
      %dma_start3A_83 = tpu.memref_slice %dma_start3A_81[%add3A_64, %dma_start3A_82] : memref<10240x128xf32, #tpu.memory_space<hbm>> -> memref<128x128xf32, #tpu.memory_space<hbm>>
      tpu.enqueue_dma source(%arg8 : memref<128x128xf32, #tpu.memory_space<vmem>>) target(%dma_start3A_83 : memref<128x128xf32, #tpu.memory_space<hbm>>) target_semaphore(%run_scoped3A : memref<!tpu.dma_semaphore, #tpu.memory_space<semaphore_mem>>)
      %dma_wait3A = arith.constant 0 : i32
      %dma_wait3A_84 = arith.constant 0 : i32
      %dma_wait3A_85 = tpu.memref_slice %arg5[%arg0, %dma_wait3A, %dma_wait3A_84] : memref<2x10240x128xf32, #tpu.memory_space<hbm>> -> memref<1x10240x128xf32, #tpu.memory_space<hbm>>
      %dma_wait3A_86 = tpu.memref_squeeze %dma_wait3A_85 : memref<1x10240x128xf32, #tpu.memory_space<hbm>> -> memref<10240x128xf32, #tpu.memory_space<hbm>>
      %dma_wait3A_87 = arith.constant 0 : i32
      %dma_wait3A_88 = tpu.memref_slice %dma_wait3A_86[%add3A_64, %dma_wait3A_87] : memref<10240x128xf32, #tpu.memory_space<hbm>> -> memref<128x128xf32, #tpu.memory_space<hbm>>
      %dma_wait3A_89 = arith.constant 0 : i32
      %dma_wait3A_90 = arith.constant 0 : i32
      %dma_wait3A_91 = tpu.memref_slice %arg5[%arg0, %dma_wait3A_89, %dma_wait3A_90] : memref<2x10240x128xf32, #tpu.memory_space<hbm>> -> memref<1x10240x128xf32, #tpu.memory_space<hbm>>
      %dma_wait3A_92 = tpu.memref_squeeze %dma_wait3A_91 : memref<1x10240x128xf32, #tpu.memory_space<hbm>> -> memref<10240x128xf32, #tpu.memory_space<hbm>>
      %dma_wait3A_93 = arith.constant 0 : i32
      %dma_wait3A_94 = tpu.memref_slice %dma_wait3A_92[%add3A_64, %dma_wait3A_93] : memref<10240x128xf32, #tpu.memory_space<hbm>> -> memref<128x128xf32, #tpu.memory_space<hbm>>
      tpu.wait_dma2 semaphore(%run_scoped3A : memref<!tpu.dma_semaphore, #tpu.memory_space<semaphore_mem>>) src(%arg8 : memref<128x128xf32, #tpu.memory_space<vmem>>) dst(%dma_wait3A_94 : memref<128x128xf32, #tpu.memory_space<hbm>>)
      tpu.yield
    }) : () -> ()
    %mul3A_65 = arith.constant 640 : i32
    %mul3A_66 = arith.muli %arg1, %mul3A_65 : i32
    %add3A_67 = arith.constant 512 : i32
    %add3A_68 = arith.addi %mul3A_66, %add3A_67 : i32
    "tpu.region"() ({
      %run_scoped3A = tpu.sem_alloc : memref<!tpu.dma_semaphore, #tpu.memory_space<semaphore_mem>>
      %dma_start3A = arith.constant 0 : i32
      %dma_start3A_73 = tpu.memref_slice %arg9[%add3A_68, %dma_start3A] : memref<10240x128xf32, #tpu.memory_space<vmem_shared>> -> memref<128x128xf32, #tpu.memory_space<vmem_shared>>
      %dma_start3A_74 = arith.constant 0 : i32
      %dma_start3A_75 = tpu.memref_slice %arg9[%add3A_68, %dma_start3A_74] : memref<10240x128xf32, #tpu.memory_space<vmem_shared>> -> memref<128x128xf32, #tpu.memory_space<vmem_shared>>
      tpu.enqueue_dma source(%dma_start3A_75 : memref<128x128xf32, #tpu.memory_space<vmem_shared>>) target(%arg8 : memref<128x128xf32, #tpu.memory_space<vmem>>) target_semaphore(%run_scoped3A : memref<!tpu.dma_semaphore, #tpu.memory_space<semaphore_mem>>)
      %dma_wait3A = arith.constant 0 : i32
      %dma_wait3A_76 = tpu.memref_slice %arg9[%add3A_68, %dma_wait3A] : memref<10240x128xf32, #tpu.memory_space<vmem_shared>> -> memref<128x128xf32, #tpu.memory_space<vmem_shared>>
      %dma_wait3A_77 = arith.constant 0 : i32
      %dma_wait3A_78 = tpu.memref_slice %arg9[%add3A_68, %dma_wait3A_77] : memref<10240x128xf32, #tpu.memory_space<vmem_shared>> -> memref<128x128xf32, #tpu.memory_space<vmem_shared>>
      tpu.wait_dma2 semaphore(%run_scoped3A : memref<!tpu.dma_semaphore, #tpu.memory_space<semaphore_mem>>) src(%dma_wait3A_78 : memref<128x128xf32, #tpu.memory_space<vmem_shared>>) dst(%arg8 : memref<128x128xf32, #tpu.memory_space<vmem>>)
      tpu.yield
    }) : () -> ()
    %mul3A_69 = arith.constant 640 : i32
    %mul3A_70 = arith.muli %arg1, %mul3A_69 : i32
    %add3A_71 = arith.constant 512 : i32
    %add3A_72 = arith.addi %mul3A_70, %add3A_71 : i32
    "tpu.region"() ({
      %run_scoped3A = tpu.sem_alloc : memref<!tpu.dma_semaphore, #tpu.memory_space<semaphore_mem>>
      %dma_start3A = arith.constant 0 : i32
      %dma_start3A_73 = arith.constant 0 : i32
      %dma_start3A_74 = tpu.memref_slice %arg5[%arg0, %dma_start3A, %dma_start3A_73] : memref<2x10240x128xf32, #tpu.memory_space<hbm>> -> memref<1x10240x128xf32, #tpu.memory_space<hbm>>
      %dma_start3A_75 = tpu.memref_squeeze %dma_start3A_74 : memref<1x10240x128xf32, #tpu.memory_space<hbm>> -> memref<10240x128xf32, #tpu.memory_space<hbm>>
      %dma_start3A_76 = arith.constant 0 : i32
      %dma_start3A_77 = tpu.memref_slice %dma_start3A_75[%add3A_72, %dma_start3A_76] : memref<10240x128xf32, #tpu.memory_space<hbm>> -> memref<128x128xf32, #tpu.memory_space<hbm>>
      %dma_start3A_78 = arith.constant 0 : i32
      %dma_start3A_79 = arith.constant 0 : i32
      %dma_start3A_80 = tpu.memref_slice %arg5[%arg0, %dma_start3A_78, %dma_start3A_79] : memref<2x10240x128xf32, #tpu.memory_space<hbm>> -> memref<1x10240x128xf32, #tpu.memory_space<hbm>>
      %dma_start3A_81 = tpu.memref_squeeze %dma_start3A_80 : memref<1x10240x128xf32, #tpu.memory_space<hbm>> -> memref<10240x128xf32, #tpu.memory_space<hbm>>
      %dma_start3A_82 = arith.constant 0 : i32
      %dma_start3A_83 = tpu.memref_slice %dma_start3A_81[%add3A_72, %dma_start3A_82] : memref<10240x128xf32, #tpu.memory_space<hbm>> -> memref<128x128xf32, #tpu.memory_space<hbm>>
      tpu.enqueue_dma source(%arg8 : memref<128x128xf32, #tpu.memory_space<vmem>>) target(%dma_start3A_83 : memref<128x128xf32, #tpu.memory_space<hbm>>) target_semaphore(%run_scoped3A : memref<!tpu.dma_semaphore, #tpu.memory_space<semaphore_mem>>)
      %dma_wait3A = arith.constant 0 : i32
      %dma_wait3A_84 = arith.constant 0 : i32
      %dma_wait3A_85 = tpu.memref_slice %arg5[%arg0, %dma_wait3A, %dma_wait3A_84] : memref<2x10240x128xf32, #tpu.memory_space<hbm>> -> memref<1x10240x128xf32, #tpu.memory_space<hbm>>
      %dma_wait3A_86 = tpu.memref_squeeze %dma_wait3A_85 : memref<1x10240x128xf32, #tpu.memory_space<hbm>> -> memref<10240x128xf32, #tpu.memory_space<hbm>>
      %dma_wait3A_87 = arith.constant 0 : i32
      %dma_wait3A_88 = tpu.memref_slice %dma_wait3A_86[%add3A_72, %dma_wait3A_87] : memref<10240x128xf32, #tpu.memory_space<hbm>> -> memref<128x128xf32, #tpu.memory_space<hbm>>
      %dma_wait3A_89 = arith.constant 0 : i32
      %dma_wait3A_90 = arith.constant 0 : i32
      %dma_wait3A_91 = tpu.memref_slice %arg5[%arg0, %dma_wait3A_89, %dma_wait3A_90] : memref<2x10240x128xf32, #tpu.memory_space<hbm>> -> memref<1x10240x128xf32, #tpu.memory_space<hbm>>
      %dma_wait3A_92 = tpu.memref_squeeze %dma_wait3A_91 : memref<1x10240x128xf32, #tpu.memory_space<hbm>> -> memref<10240x128xf32, #tpu.memory_space<hbm>>
      %dma_wait3A_93 = arith.constant 0 : i32
      %dma_wait3A_94 = tpu.memref_slice %dma_wait3A_92[%add3A_72, %dma_wait3A_93] : memref<10240x128xf32, #tpu.memory_space<hbm>> -> memref<128x128xf32, #tpu.memory_space<hbm>>
      tpu.wait_dma2 semaphore(%run_scoped3A : memref<!tpu.dma_semaphore, #tpu.memory_space<semaphore_mem>>) src(%arg8 : memref<128x128xf32, #tpu.memory_space<vmem>>) dst(%dma_wait3A_94 : memref<128x128xf32, #tpu.memory_space<hbm>>)
      tpu.yield
    }) : () -> ()
    return
  }
}

module attributes {stable_mosaic.version = 14 : i64} {
  func.func @_stage_body(%arg0: i32, %arg1: memref<2x2000x128xf32, #tpu.memory_space<vmem>>, %arg2: memref<2000x128xf32, #tpu.memory_space<vmem>>, %arg3: memref<2x2000x128xf32, #tpu.memory_space<vmem>>, %arg4: memref<1x128xf32, #tpu.memory_space<vmem>>, %arg5: memref<128x128xf32, #tpu.memory_space<vmem>>, %arg6: memref<2000x128xf32, #tpu.memory_space<vmem>>) attributes {dimension_semantics = [#tpu.dimension_semantics<arbitrary>], iteration_bounds = array<i64: 5>, scalar_prefetch = 0 : i64, scratch_operands = 0 : i64, tpu.core_type = #tpu.core_type<tc>, window_params = [{transform_indices = @transform_0, window_bounds = array<i64: 2, 2000, 128>}, {transform_indices = @transform_1, window_bounds = array<i64: 2000, 128>}, {transform_indices = @transform_2, window_bounds = array<i64: 2, 2000, 128>}, {pipeline_mode = #tpu.pipeline_mode<synchronous>, transform_indices = @transform_3, window_bounds = array<i64: 1, 128>}, {pipeline_mode = #tpu.pipeline_mode<synchronous>, transform_indices = @transform_4, window_bounds = array<i64: 128, 128>}, {transform_indices = @transform_5, window_bounds = array<i64: 2000, 128>}]} {
    %get3A = arith.constant 0 : index
    %get3A_0 = arith.constant 0 : index
    %get3A_1 = arith.constant 0 : index
    %get3A_2 = vector.load %arg3[%get3A, %get3A_0, %get3A_1] : memref<2x2000x128xf32, #tpu.memory_space<vmem>>, vector<1x2000x128xf32>
    %get3A_3 = vector.shape_cast %get3A_2 : vector<1x2000x128xf32> to vector<2000x128xf32>
    %slice3A = vector.extract_strided_slice %get3A_3 {offsets = [0, 0], sizes = [2000, 1], strides = [1, 1]} : vector<2000x128xf32> to vector<2000x1xf32>
    %get3A_4 = arith.constant 1 : index
    %get3A_5 = arith.constant 0 : index
    %get3A_6 = arith.constant 0 : index
    %get3A_7 = vector.load %arg3[%get3A_4, %get3A_5, %get3A_6] : memref<2x2000x128xf32, #tpu.memory_space<vmem>>, vector<1x2000x128xf32>
    %get3A_8 = vector.shape_cast %get3A_7 : vector<1x2000x128xf32> to vector<2000x128xf32>
    %slice3A_9 = vector.extract_strided_slice %get3A_8 {offsets = [0, 0], sizes = [2000, 1], strides = [1, 1]} : vector<2000x128xf32> to vector<2000x1xf32>
    %add3A = arith.addf %slice3A, %slice3A_9 : vector<2000x1xf32>
    %add3A_10 = arith.constant 1.000000e+00 : f32
    %add3A_11 = vector.broadcast %add3A_10 : f32 to vector<2000x1xf32>
    %add3A_12 = arith.addf %add3A, %add3A_11 : vector<2000x1xf32>
    %rsqrt3A = math.rsqrt %add3A_12 : vector<2000x1xf32>
    %get3A_13 = arith.constant 0 : index
    %get3A_14 = arith.constant 0 : index
    %get3A_15 = arith.constant 0 : index
    %get3A_16 = vector.load %arg1[%get3A_13, %get3A_14, %get3A_15] : memref<2x2000x128xf32, #tpu.memory_space<vmem>>, vector<1x2000x128xf32>
    %get3A_17 = vector.shape_cast %get3A_16 : vector<1x2000x128xf32> to vector<2000x128xf32>
    %get3A_18 = arith.constant 1 : index
    %get3A_19 = arith.constant 0 : index
    %get3A_20 = arith.constant 0 : index
    %get3A_21 = vector.load %arg1[%get3A_18, %get3A_19, %get3A_20] : memref<2x2000x128xf32, #tpu.memory_space<vmem>>, vector<1x2000x128xf32>
    %get3A_22 = vector.shape_cast %get3A_21 : vector<1x2000x128xf32> to vector<2000x128xf32>
    %add3A_23 = arith.addf %get3A_17, %get3A_22 : vector<2000x128xf32>
    %get3A_24 = arith.constant 0 : index
    %get3A_25 = arith.constant 0 : index
    %get3A_26 = vector.load %arg2[%get3A_24, %get3A_25] : memref<2000x128xf32, #tpu.memory_space<vmem>>, vector<2000x128xf32>
    %add3A_27 = arith.addf %add3A_23, %get3A_26 : vector<2000x128xf32>
    %mul3A = vector.broadcast %rsqrt3A : vector<2000x1xf32> to vector<2000x128xf32>
    %mul3A_28 = arith.mulf %add3A_27, %mul3A : vector<2000x128xf32>
    %get3A_29 = arith.constant 0 : index
    %get3A_30 = arith.constant 0 : index
    %get3A_31 = vector.load %arg4[%get3A_29, %get3A_30] : memref<1x128xf32, #tpu.memory_space<vmem>>, vector<1x128xf32>
    %add3A_32 = vector.broadcast %get3A_31 : vector<1x128xf32> to vector<2000x128xf32>
    %add3A_33 = arith.addf %mul3A_28, %add3A_32 : vector<2000x128xf32>
    %max3A = arith.constant 0.000000e+00 : f32
    %max3A_34 = vector.broadcast %max3A : f32 to vector<2000x128xf32>
    %max3A_35 = arith.maximumf %add3A_33, %max3A_34 : vector<2000x128xf32>
    %get3A_36 = arith.constant 0 : index
    %get3A_37 = arith.constant 0 : index
    %get3A_38 = vector.load %arg5[%get3A_36, %get3A_37] : memref<128x128xf32, #tpu.memory_space<vmem>>, vector<128x128xf32>
    %dot_general3A = arith.constant dense<0.000000e+00> : vector<2000x128xf32>
    %dot_general3A_39 = tpu.matmul %max3A_35, %get3A_38, %dot_general3A {dimension_numbers = #tpu.dot_dimension_numbers<[1], [0], [0], [1], [0, 0, 1, 1], [], []>, transpose_lhs_hint = false} : vector<2000x128xf32>, vector<128x128xf32>, vector<2000x128xf32> -> vector<2000x128xf32>
    %mul3A_40 = vector.broadcast %rsqrt3A : vector<2000x1xf32> to vector<2000x128xf32>
    %mul3A_41 = arith.mulf %dot_general3A_39, %mul3A_40 : vector<2000x128xf32>
    %swap3A = arith.constant 0 : index
    %swap3A_42 = arith.constant 0 : index
    %swap3A_43 = vector.load %arg6[%swap3A, %swap3A_42] : memref<2000x128xf32, #tpu.memory_space<vmem>>, vector<2000x128xf32>
    tpu.vector_store %arg6[%swap3A, %swap3A_42], %mul3A_41 {strides = array<i32>} : memref<2000x128xf32, #tpu.memory_space<vmem>>, vector<2000x128xf32>,
    return
  }
  func.func @transform_0(%arg0: i32) -> (i32, i32, i32) {
    %c0_i32 = arith.constant 0 : i32
    %c0_i32_0 = arith.constant 0 : i32
    %c0_i32_1 = arith.constant 0 : i32
    return %c0_i32, %arg0, %c0_i32_0 : i32, i32, i32
  }
  func.func @transform_1(%arg0: i32) -> (i32, i32) {
    %c0_i32 = arith.constant 0 : i32
    %c0_i32_0 = arith.constant 0 : i32
    return %arg0, %c0_i32 : i32, i32
  }
  func.func @transform_2(%arg0: i32) -> (i32, i32, i32) {
    %c0_i32 = arith.constant 0 : i32
    %c0_i32_0 = arith.constant 0 : i32
    %c0_i32_1 = arith.constant 0 : i32
    return %c0_i32, %arg0, %c0_i32_0 : i32, i32, i32
  }
  func.func @transform_3(%arg0: i32) -> (i32, i32) {
    %c0_i32 = arith.constant 0 : i32
    %c0_i32_0 = arith.constant 0 : i32
    %c0_i32_1 = arith.constant 0 : i32
    return %c0_i32, %c0_i32_0 : i32, i32
  }
  func.func @transform_4(%arg0: i32) -> (i32, i32) {
    %c0_i32 = arith.constant 0 : i32
    %c0_i32_0 = arith.constant 0 : i32
    %c0_i32_1 = arith.constant 0 : i32
    return %c0_i32, %c0_i32_0 : i32, i32
  }
  func.func @transform_5(%arg0: i32) -> (i32, i32) {
    %c0_i32 = arith.constant 0 : i32
    %c0_i32_0 = arith.constant 0 : i32
    return %arg0, %c0_i32 : i32, i32
  }
}

module attributes {stable_mosaic.version = 14 : i64} {
  func.func @_stage0_body(%arg0: i32, %arg1: memref<2000x128xf32, #tpu.memory_space<vmem>>, %arg2: memref<2x2000x128xf32, #tpu.memory_space<vmem>>, %arg3: memref<128x128xf32, #tpu.memory_space<vmem>>, %arg4: memref<1x128xf32, #tpu.memory_space<vmem>>, %arg5: memref<128x128xf32, #tpu.memory_space<vmem>>, %arg6: memref<2000x128xf32, #tpu.memory_space<vmem>>) attributes {dimension_semantics = [#tpu.dimension_semantics<arbitrary>], iteration_bounds = array<i64: 5>, scalar_prefetch = 0 : i64, scratch_operands = 0 : i64, tpu.core_type = #tpu.core_type<tc>, window_params = [{transform_indices = @transform_0, window_bounds = array<i64: 2000, 128>}, {transform_indices = @transform_1, window_bounds = array<i64: 2, 2000, 128>}, {pipeline_mode = #tpu.pipeline_mode<synchronous>, transform_indices = @transform_2, window_bounds = array<i64: 128, 128>}, {pipeline_mode = #tpu.pipeline_mode<synchronous>, transform_indices = @transform_3, window_bounds = array<i64: 1, 128>}, {pipeline_mode = #tpu.pipeline_mode<synchronous>, transform_indices = @transform_4, window_bounds = array<i64: 128, 128>}, {transform_indices = @transform_5, window_bounds = array<i64: 2000, 128>}]} {
    %get3A = arith.constant 0 : index
    %get3A_0 = arith.constant 0 : index
    %get3A_1 = arith.constant 0 : index
    %get3A_2 = vector.load %arg2[%get3A, %get3A_0, %get3A_1] : memref<2x2000x128xf32, #tpu.memory_space<vmem>>, vector<1x2000x128xf32>
    %get3A_3 = vector.shape_cast %get3A_2 : vector<1x2000x128xf32> to vector<2000x128xf32>
    %slice3A = vector.extract_strided_slice %get3A_3 {offsets = [0, 0], sizes = [2000, 1], strides = [1, 1]} : vector<2000x128xf32> to vector<2000x1xf32>
    %get3A_4 = arith.constant 1 : index
    %get3A_5 = arith.constant 0 : index
    %get3A_6 = arith.constant 0 : index
    %get3A_7 = vector.load %arg2[%get3A_4, %get3A_5, %get3A_6] : memref<2x2000x128xf32, #tpu.memory_space<vmem>>, vector<1x2000x128xf32>
    %get3A_8 = vector.shape_cast %get3A_7 : vector<1x2000x128xf32> to vector<2000x128xf32>
    %slice3A_9 = vector.extract_strided_slice %get3A_8 {offsets = [0, 0], sizes = [2000, 1], strides = [1, 1]} : vector<2000x128xf32> to vector<2000x1xf32>
    %add3A = arith.addf %slice3A, %slice3A_9 : vector<2000x1xf32>
    %add3A_10 = arith.constant 1.000000e+00 : f32
    %add3A_11 = vector.broadcast %add3A_10 : f32 to vector<2000x1xf32>
    %add3A_12 = arith.addf %add3A, %add3A_11 : vector<2000x1xf32>
    %rsqrt3A = math.rsqrt %add3A_12 : vector<2000x1xf32>
    %get3A_13 = arith.constant 0 : index
    %get3A_14 = arith.constant 0 : index
    %get3A_15 = vector.load %arg1[%get3A_13, %get3A_14] : memref<2000x128xf32, #tpu.memory_space<vmem>>, vector<2000x128xf32>
    %get3A_16 = arith.constant 0 : index
    %get3A_17 = arith.constant 0 : index
    %get3A_18 = vector.load %arg3[%get3A_16, %get3A_17] : memref<128x128xf32, #tpu.memory_space<vmem>>, vector<128x128xf32>
    %dot_general3A = arith.constant dense<0.000000e+00> : vector<2000x128xf32>
    %dot_general3A_19 = tpu.matmul %get3A_15, %get3A_18, %dot_general3A {dimension_numbers = #tpu.dot_dimension_numbers<[1], [0], [0], [1], [0, 0, 1, 1], [], []>, transpose_lhs_hint = false} : vector<2000x128xf32>, vector<128x128xf32>, vector<2000x128xf32> -> vector<2000x128xf32>
    %get3A_20 = arith.constant 0 : index
    %get3A_21 = arith.constant 0 : index
    %get3A_22 = vector.load %arg4[%get3A_20, %get3A_21] : memref<1x128xf32, #tpu.memory_space<vmem>>, vector<1x128xf32>
    %add3A_23 = vector.broadcast %get3A_22 : vector<1x128xf32> to vector<2000x128xf32>
    %add3A_24 = arith.addf %dot_general3A_19, %add3A_23 : vector<2000x128xf32>
    %max3A = arith.constant 0.000000e+00 : f32
    %max3A_25 = vector.broadcast %max3A : f32 to vector<2000x128xf32>
    %max3A_26 = arith.maximumf %add3A_24, %max3A_25 : vector<2000x128xf32>
    %get3A_27 = arith.constant 0 : index
    %get3A_28 = arith.constant 0 : index
    %get3A_29 = vector.load %arg5[%get3A_27, %get3A_28] : memref<128x128xf32, #tpu.memory_space<vmem>>, vector<128x128xf32>
    %dot_general3A_30 = arith.constant dense<0.000000e+00> : vector<2000x128xf32>
    %dot_general3A_31 = tpu.matmul %max3A_26, %get3A_29, %dot_general3A_30 {dimension_numbers = #tpu.dot_dimension_numbers<[1], [0], [0], [1], [0, 0, 1, 1], [], []>, transpose_lhs_hint = false} : vector<2000x128xf32>, vector<128x128xf32>, vector<2000x128xf32> -> vector<2000x128xf32>
    %mul3A = vector.broadcast %rsqrt3A : vector<2000x1xf32> to vector<2000x128xf32>
    %mul3A_32 = arith.mulf %dot_general3A_31, %mul3A : vector<2000x128xf32>
    %swap3A = arith.constant 0 : index
    %swap3A_33 = arith.constant 0 : index
    %swap3A_34 = vector.load %arg6[%swap3A, %swap3A_33] : memref<2000x128xf32, #tpu.memory_space<vmem>>, vector<2000x128xf32>
    tpu.vector_store %arg6[%swap3A, %swap3A_33], %mul3A_32 {strides = array<i32>} : memref<2000x128xf32, #tpu.memory_space<vmem>>, vector<2000x128xf32>,
    return
  }
  func.func @transform_0(%arg0: i32) -> (i32, i32) {
    %c0_i32 = arith.constant 0 : i32
    %c0_i32_0 = arith.constant 0 : i32
    return %arg0, %c0_i32 : i32, i32
  }
  func.func @transform_1(%arg0: i32) -> (i32, i32, i32) {
    %c0_i32 = arith.constant 0 : i32
    %c0_i32_0 = arith.constant 0 : i32
    %c0_i32_1 = arith.constant 0 : i32
    return %c0_i32, %arg0, %c0_i32_0 : i32, i32, i32
  }
  func.func @transform_2(%arg0: i32) -> (i32, i32) {
    %c0_i32 = arith.constant 0 : i32
    %c0_i32_0 = arith.constant 0 : i32
    %c0_i32_1 = arith.constant 0 : i32
    return %c0_i32, %c0_i32_0 : i32, i32
  }
  func.func @transform_3(%arg0: i32) -> (i32, i32) {
    %c0_i32 = arith.constant 0 : i32
    %c0_i32_0 = arith.constant 0 : i32
    %c0_i32_1 = arith.constant 0 : i32
    return %c0_i32, %c0_i32_0 : i32, i32
  }
  func.func @transform_4(%arg0: i32) -> (i32, i32) {
    %c0_i32 = arith.constant 0 : i32
    %c0_i32_0 = arith.constant 0 : i32
    %c0_i32_1 = arith.constant 0 : i32
    return %c0_i32, %c0_i32_0 : i32, i32
  }
  func.func @transform_5(%arg0: i32) -> (i32, i32) {
    %c0_i32 = arith.constant 0 : i32
    %c0_i32_0 = arith.constant 0 : i32
    return %arg0, %c0_i32 : i32, i32
  }
}

module attributes {stable_mosaic.version = 14 : i64} {
  func.func @_final_body(%arg0: i32, %arg1: memref<2x2000x128xf32, #tpu.memory_space<vmem>>, %arg2: memref<2000x128xf32, #tpu.memory_space<vmem>>, %arg3: memref<2x2000x128xf32, #tpu.memory_space<vmem>>, %arg4: memref<1x128xf32, #tpu.memory_space<vmem>>, %arg5: memref<2000x1xi32, #tpu.memory_space<vmem>>, %arg6: memref<128x1xf32, #tpu.memory_space<vmem>>, %arg7: memref<1x1xf32, #tpu.memory_space<vmem>>, %arg8: memref<16x1xf32, #tpu.memory_space<vmem>>, %arg9: memref<16x128xf32, #tpu.memory_space<vmem>>, %arg10: memref<16x128xf32, #tpu.memory_space<vmem>>) attributes {dimension_semantics = [#tpu.dimension_semantics<arbitrary>], iteration_bounds = array<i64: 5>, scalar_prefetch = 0 : i64, scratch_operands = 2 : i64, tpu.core_type = #tpu.core_type<tc>, window_params = [{transform_indices = @transform_0, window_bounds = array<i64: 2, 2000, 128>}, {transform_indices = @transform_1, window_bounds = array<i64: 2000, 128>}, {transform_indices = @transform_2, window_bounds = array<i64: 2, 2000, 128>}, {pipeline_mode = #tpu.pipeline_mode<synchronous>, transform_indices = @transform_3, window_bounds = array<i64: 1, 128>}, {transform_indices = @transform_4, window_bounds = array<i64: 2000, 1>}, {pipeline_mode = #tpu.pipeline_mode<synchronous>, transform_indices = @transform_5, window_bounds = array<i64: 128, 1>}, {pipeline_mode = #tpu.pipeline_mode<synchronous>, transform_indices = @transform_6, window_bounds = array<i64: 1, 1>}, {pipeline_mode = #tpu.pipeline_mode<synchronous>, transform_indices = @transform_7, window_bounds = array<i64: 16, 1>}]} {
    %eq3A = arith.constant 0 : i32
    %eq3A_0 = arith.cmpi eq, %arg0, %eq3A : i32
    %convert_element_type3A = arith.extui %eq3A_0 : i1 to i32
    %cond3A = arith.constant 0 : i32
    %cond3A_1 = arith.cmpi ne, %convert_element_type3A, %cond3A : i32
    scf.if %cond3A_1 {
      %broadcast_in_dim3A_68 = arith.constant 0.000000e+00 : f32
      %broadcast_in_dim3A_69 = vector.broadcast %broadcast_in_dim3A_68 : f32 to vector<16x128xf32>
      %swap3A_70 = arith.constant 0 : index
      %swap3A_71 = arith.constant 0 : index
      %swap3A_72 = vector.load %arg9[%swap3A_70, %swap3A_71] : memref<16x128xf32, #tpu.memory_space<vmem>>, vector<16x128xf32>
      tpu.vector_store %arg9[%swap3A_70, %swap3A_71], %broadcast_in_dim3A_69 {strides = array<i32>} : memref<16x128xf32, #tpu.memory_space<vmem>>, vector<16x128xf32>,
      %broadcast_in_dim3A_73 = arith.constant 0.000000e+00 : f32
      %broadcast_in_dim3A_74 = vector.broadcast %broadcast_in_dim3A_73 : f32 to vector<16x128xf32>
      %swap3A_75 = arith.constant 0 : index
      %swap3A_76 = arith.constant 0 : index
      %swap3A_77 = vector.load %arg10[%swap3A_75, %swap3A_76] : memref<16x128xf32, #tpu.memory_space<vmem>>, vector<16x128xf32>
      tpu.vector_store %arg10[%swap3A_75, %swap3A_76], %broadcast_in_dim3A_74 {strides = array<i32>} : memref<16x128xf32, #tpu.memory_space<vmem>>, vector<16x128xf32>,
      %broadcast_in_dim3A_78 = arith.constant 0.000000e+00 : f32
      %broadcast_in_dim3A_79 = vector.broadcast %broadcast_in_dim3A_78 : f32 to vector<16x1xf32>
      %swap3A_80 = arith.constant 0 : index
      %swap3A_81 = arith.constant 0 : index
      %swap3A_82 = vector.load %arg8[%swap3A_80, %swap3A_81] : memref<16x1xf32, #tpu.memory_space<vmem>>, vector<16x1xf32>
      tpu.vector_store %arg8[%swap3A_80, %swap3A_81], %broadcast_in_dim3A_79 {strides = array<i32>} : memref<16x1xf32, #tpu.memory_space<vmem>>, vector<16x1xf32>,
    } else {
    }
    %get3A = arith.constant 0 : index
    %get3A_2 = arith.constant 0 : index
    %get3A_3 = arith.constant 0 : index
    %get3A_4 = vector.load %arg3[%get3A, %get3A_2, %get3A_3] : memref<2x2000x128xf32, #tpu.memory_space<vmem>>, vector<1x2000x128xf32>
    %get3A_5 = vector.shape_cast %get3A_4 : vector<1x2000x128xf32> to vector<2000x128xf32>
    %slice3A = vector.extract_strided_slice %get3A_5 {offsets = [0, 0], sizes = [2000, 1], strides = [1, 1]} : vector<2000x128xf32> to vector<2000x1xf32>
    %get3A_6 = arith.constant 1 : index
    %get3A_7 = arith.constant 0 : index
    %get3A_8 = arith.constant 0 : index
    %get3A_9 = vector.load %arg3[%get3A_6, %get3A_7, %get3A_8] : memref<2x2000x128xf32, #tpu.memory_space<vmem>>, vector<1x2000x128xf32>
    %get3A_10 = vector.shape_cast %get3A_9 : vector<1x2000x128xf32> to vector<2000x128xf32>
    %slice3A_11 = vector.extract_strided_slice %get3A_10 {offsets = [0, 0], sizes = [2000, 1], strides = [1, 1]} : vector<2000x128xf32> to vector<2000x1xf32>
    %add3A = arith.addf %slice3A, %slice3A_11 : vector<2000x1xf32>
    %add3A_12 = arith.constant 1.000000e+00 : f32
    %add3A_13 = vector.broadcast %add3A_12 : f32 to vector<2000x1xf32>
    %add3A_14 = arith.addf %add3A, %add3A_13 : vector<2000x1xf32>
    %rsqrt3A = math.rsqrt %add3A_14 : vector<2000x1xf32>
    %get3A_15 = arith.constant 0 : index
    %get3A_16 = arith.constant 0 : index
    %get3A_17 = arith.constant 0 : index
    %get3A_18 = vector.load %arg1[%get3A_15, %get3A_16, %get3A_17] : memref<2x2000x128xf32, #tpu.memory_space<vmem>>, vector<1x2000x128xf32>
    %get3A_19 = vector.shape_cast %get3A_18 : vector<1x2000x128xf32> to vector<2000x128xf32>
    %get3A_20 = arith.constant 1 : index
    %get3A_21 = arith.constant 0 : index
    %get3A_22 = arith.constant 0 : index
    %get3A_23 = vector.load %arg1[%get3A_20, %get3A_21, %get3A_22] : memref<2x2000x128xf32, #tpu.memory_space<vmem>>, vector<1x2000x128xf32>
    %get3A_24 = vector.shape_cast %get3A_23 : vector<1x2000x128xf32> to vector<2000x128xf32>
    %add3A_25 = arith.addf %get3A_19, %get3A_24 : vector<2000x128xf32>
    %get3A_26 = arith.constant 0 : index
    %get3A_27 = arith.constant 0 : index
    %get3A_28 = vector.load %arg2[%get3A_26, %get3A_27] : memref<2000x128xf32, #tpu.memory_space<vmem>>, vector<2000x128xf32>
    %add3A_29 = arith.addf %add3A_25, %get3A_28 : vector<2000x128xf32>
    %mul3A = vector.broadcast %rsqrt3A : vector<2000x1xf32> to vector<2000x128xf32>
    %mul3A_30 = arith.mulf %add3A_29, %mul3A : vector<2000x128xf32>
    %get3A_31 = arith.constant 0 : index
    %get3A_32 = arith.constant 0 : index
    %get3A_33 = vector.load %arg4[%get3A_31, %get3A_32] : memref<1x128xf32, #tpu.memory_space<vmem>>, vector<1x128xf32>
    %add3A_34 = vector.broadcast %get3A_33 : vector<1x128xf32> to vector<2000x128xf32>
    %add3A_35 = arith.addf %mul3A_30, %add3A_34 : vector<2000x128xf32>
    %max3A = arith.constant 0.000000e+00 : f32
    %max3A_36 = vector.broadcast %max3A : f32 to vector<2000x128xf32>
    %max3A_37 = arith.maximumf %add3A_35, %max3A_36 : vector<2000x128xf32>
    %iota3A = tpu.iota {dimensions = array<i32: 1>} : vector<1x16xi32>
    %get3A_38 = arith.constant 0 : index
    %get3A_39 = arith.constant 0 : index
    %get3A_40 = vector.load %arg5[%get3A_38, %get3A_39] : memref<2000x1xi32, #tpu.memory_space<vmem>>, vector<2000x1xi32>
    %eq3A_41 = vector.broadcast %get3A_40 : vector<2000x1xi32> to vector<2000x16xi32>
    %eq3A_42 = vector.broadcast %iota3A : vector<1x16xi32> to vector<2000x16xi32>
    %eq3A_43 = arith.cmpi eq, %eq3A_41, %eq3A_42 : vector<2000x16xi32>
    %convert_element_type3A_44 = arith.extui %eq3A_43 : vector<2000x16xi1> to vector<2000x16xi32>
    %convert_element_type3A_45 = arith.sitofp %convert_element_type3A_44 : vector<2000x16xi32> to vector<2000x16xf32>
    %get3A_46 = arith.constant 0 : index
    %get3A_47 = arith.constant 0 : index
    %get3A_48 = vector.load %arg9[%get3A_46, %get3A_47] : memref<16x128xf32, #tpu.memory_space<vmem>>, vector<16x128xf32>
    %dot_general3A = arith.constant dense<0.000000e+00> : vector<16x128xf32>
    %dot_general3A_49 = tpu.matmul %convert_element_type3A_45, %max3A_37, %dot_general3A {dimension_numbers = #tpu.dot_dimension_numbers<[0], [0], [1], [1], [0, 1, 1, 1], [], []>, precision = #tpu.contract_precision<fp32>, transpose_lhs_hint = false} : vector<2000x16xf32>, vector<2000x128xf32>, vector<16x128xf32> -> vector<16x128xf32>
    %add3A_50 = arith.addf %get3A_48, %dot_general3A_49 : vector<16x128xf32>
    %swap3A = arith.constant 0 : index
    %swap3A_51 = arith.constant 0 : index
    %swap3A_52 = vector.load %arg9[%swap3A, %swap3A_51] : memref<16x128xf32, #tpu.memory_space<vmem>>, vector<16x128xf32>
    tpu.vector_store %arg9[%swap3A, %swap3A_51], %add3A_50 {strides = array<i32>} : memref<16x128xf32, #tpu.memory_space<vmem>>, vector<16x128xf32>,
    %get3A_53 = arith.constant 0 : index
    %get3A_54 = arith.constant 0 : index
    %get3A_55 = vector.load %arg10[%get3A_53, %get3A_54] : memref<16x128xf32, #tpu.memory_space<vmem>>, vector<16x128xf32>
    %broadcast_in_dim3A = arith.constant 1.000000e+00 : f32
    %broadcast_in_dim3A_56 = vector.broadcast %broadcast_in_dim3A : f32 to vector<2000x128xf32>
    %dot_general3A_57 = arith.constant dense<0.000000e+00> : vector<16x128xf32>
    %dot_general3A_58 = tpu.matmul %convert_element_type3A_45, %broadcast_in_dim3A_56, %dot_general3A_57 {dimension_numbers = #tpu.dot_dimension_numbers<[0], [0], [1], [1], [0, 1, 1, 1], [], []>, precision = #tpu.contract_precision<fp32>, transpose_lhs_hint = false} : vector<2000x16xf32>, vector<2000x128xf32>, vector<16x128xf32> -> vector<16x128xf32>
    %add3A_59 = arith.addf %get3A_55, %dot_general3A_58 : vector<16x128xf32>
    %swap3A_60 = arith.constant 0 : index
    %swap3A_61 = arith.constant 0 : index
    %swap3A_62 = vector.load %arg10[%swap3A_60, %swap3A_61] : memref<16x128xf32, #tpu.memory_space<vmem>>, vector<16x128xf32>
    tpu.vector_store %arg10[%swap3A_60, %swap3A_61], %add3A_59 {strides = array<i32>} : memref<16x128xf32, #tpu.memory_space<vmem>>, vector<16x128xf32>,
    %eq3A_63 = arith.constant 4 : i32
    %eq3A_64 = arith.cmpi eq, %arg0, %eq3A_63 : i32
    %convert_element_type3A_65 = arith.extui %eq3A_64 : i1 to i32
    %cond3A_66 = arith.constant 0 : i32
    %cond3A_67 = arith.cmpi ne, %convert_element_type3A_65, %cond3A_66 : i32
    scf.if %cond3A_67 {
      %get3A_68 = arith.constant 0 : index
      %get3A_69 = arith.constant 0 : index
      %get3A_70 = vector.load %arg9[%get3A_68, %get3A_69] : memref<16x128xf32, #tpu.memory_space<vmem>>, vector<16x128xf32>
      %get3A_71 = arith.constant 0 : index
      %get3A_72 = arith.constant 0 : index
      %get3A_73 = vector.load %arg10[%get3A_71, %get3A_72] : memref<16x128xf32, #tpu.memory_space<vmem>>, vector<16x128xf32>
      %max3A_74 = arith.constant 1.000000e+00 : f32
      %max3A_75 = vector.broadcast %max3A_74 : f32 to vector<16x128xf32>
      %max3A_76 = arith.maximumf %get3A_73, %max3A_75 : vector<16x128xf32>
      %div3A = arith.divf %get3A_70, %max3A_76 : vector<16x128xf32>
      %get3A_77 = arith.constant 0 : index
      %get3A_78 = arith.constant 0 : index
      %get3A_79 = vector.load %arg6[%get3A_77, %get3A_78] : memref<128x1xf32, #tpu.memory_space<vmem>>, vector<128x1xf32>
      %dot_general3A_80 = arith.constant dense<0.000000e+00> : vector<16x1xf32>
      %dot_general3A_81 = tpu.matmul %div3A, %get3A_79, %dot_general3A_80 {dimension_numbers = #tpu.dot_dimension_numbers<[1], [0], [0], [1], [0, 0, 1, 1], [], []>, transpose_lhs_hint = false} : vector<16x128xf32>, vector<128x1xf32>, vector<16x1xf32> -> vector<16x1xf32>
      %get3A_82 = arith.constant 0 : index
      %get3A_83 = arith.constant 0 : index
      %get3A_84 = vector.load %arg7[%get3A_82, %get3A_83] : memref<1x1xf32, #tpu.memory_space<vmem>>, vector<1x1xf32>
      %add3A_85 = vector.broadcast %get3A_84 : vector<1x1xf32> to vector<16x1xf32>
      %add3A_86 = arith.addf %dot_general3A_81, %add3A_85 : vector<16x1xf32>
      %swap3A_87 = arith.constant 0 : index
      %swap3A_88 = arith.constant 0 : index
      %swap3A_89 = vector.load %arg8[%swap3A_87, %swap3A_88] : memref<16x1xf32, #tpu.memory_space<vmem>>, vector<16x1xf32>
      tpu.vector_store %arg8[%swap3A_87, %swap3A_88], %add3A_86 {strides = array<i32>} : memref<16x1xf32, #tpu.memory_space<vmem>>, vector<16x1xf32>,
    } else {
    }
    return
  }
  func.func @transform_0(%arg0: i32) -> (i32, i32, i32) {
    %c0_i32 = arith.constant 0 : i32
    %c0_i32_0 = arith.constant 0 : i32
    %c0_i32_1 = arith.constant 0 : i32
    return %c0_i32, %arg0, %c0_i32_0 : i32, i32, i32
  }
  func.func @transform_1(%arg0: i32) -> (i32, i32) {
    %c0_i32 = arith.constant 0 : i32
    %c0_i32_0 = arith.constant 0 : i32
    return %arg0, %c0_i32 : i32, i32
  }
  func.func @transform_2(%arg0: i32) -> (i32, i32, i32) {
    %c0_i32 = arith.constant 0 : i32
    %c0_i32_0 = arith.constant 0 : i32
    %c0_i32_1 = arith.constant 0 : i32
    return %c0_i32, %arg0, %c0_i32_0 : i32, i32, i32
  }
  func.func @transform_3(%arg0: i32) -> (i32, i32) {
    %c0_i32 = arith.constant 0 : i32
    %c0_i32_0 = arith.constant 0 : i32
    %c0_i32_1 = arith.constant 0 : i32
    return %c0_i32, %c0_i32_0 : i32, i32
  }
  func.func @transform_4(%arg0: i32) -> (i32, i32) {
    %c0_i32 = arith.constant 0 : i32
    %c0_i32_0 = arith.constant 0 : i32
    return %arg0, %c0_i32 : i32, i32
  }
  func.func @transform_5(%arg0: i32) -> (i32, i32) {
    %c0_i32 = arith.constant 0 : i32
    %c0_i32_0 = arith.constant 0 : i32
    %c0_i32_1 = arith.constant 0 : i32
    return %c0_i32, %c0_i32_0 : i32, i32
  }
  func.func @transform_6(%arg0: i32) -> (i32, i32) {
    %c0_i32 = arith.constant 0 : i32
    %c0_i32_0 = arith.constant 0 : i32
    %c0_i32_1 = arith.constant 0 : i32
    return %c0_i32, %c0_i32_0 : i32, i32
  }
  func.func @transform_7(%arg0: i32) -> (i32, i32) {
    %c0_i32 = arith.constant 0 : i32
    %c0_i32_0 = arith.constant 0 : i32
    %c0_i32_1 = arith.constant 0 : i32
    return %c0_i32, %c0_i32_0 : i32, i32
  }
}

</mosaic_0001>

<sc_bundles>
// kernel: kernel.10.cloned.1.call-start
scs
__scs_entry_jumppad:
0x0: {  	(pc) =	sbr.rel $0x88, $3  }
0x1: {  	(tag) =	ssettag $0x0;
	lr =	simm.s32 $0x1  }
0x2: {  	[smem:$0x3F94] =	sst lr;
	_ =	strace $0xD0000000  }
0x3: {  	_ = 	snop  }
0x4: {  	_ = 	snop  }
0x5: {  	_ = 	snop  }
0x6: {  	_ = 	snop  }
0x7: {  	_ = 	snop  }
__scs_overlays_trampoline_lowered:
0x8: {  	[smem:$0x3FA3] =	sst s0  }
0x9: {  	[smem:$0x3FA4] =	sst s1  }
0xa: {  	[smem:$0x3FA5] =	sst s2  }
0xb: {  	[smem:$0x3FA6] =	sst s3  }
0xc: {  	[smem:$0x3FA7] =	sst s4  }
0xd: {  	[smem:$0x3FA8] =	sst s5  }
0xe: {  	[smem:$0x3FA9] =	sst s6  }
0xf: {  	[smem:$0x3FAA] =	sst s7  }
0x10: {  	[smem:$0x3FAB] =	sst s8  }
0x11: {  	[smem:$0x3FAC] =	sst s9;
	s0 =	simm.s32 @!p0 $0x0  }
0x12: {  	s1 =	sld [smem:$0x3F92];
	s0 =	simm.s32 @p0 $0x1  }
0x13: {  	[smem:$0x3FAD] =	sst s0;
	s0 =	simm.s32 @!p1 $0x0  }
0x14: {  	s2 =	sld [smem:$0x3F91];
	s0 =	simm.s32 @p1 $0x1  }
0x15: {  	[smem:$0x3FAE] =	sst s0;
	s0 =	simm.s32 @!p2 $0x0  }
0x16: {  	s3 =	sld [smem:$0x3FDB];
	s0 =	simm.s32 @p2 $0x1  }
0x17: {  	s4 =	simm.s32 $0x1BF5;
	[smem:$0x3FB0] =	sst s0  }
0x18: {  	s0 =	sld [smem:$0x3F93];
	_ =	swait.ge [sflag:s4], $0x0  }
0x19: {  	s7 =	sld [smem:$0x3F94]  }
0x1a: {  	s8 =	sadd.s32 $0xFFFFE003, lr  }
0x1b: {  	s9 =	sadd.s32 $0xFFFFFEF7, lr;
	s5 =	simm.s32 $0xFFFFFFFF;
	p2 =	slt.u32 s8, $0xFFFFF086  }
0x1c: {  	p1 =	slt.u32 s9, $0xF7A;
	s5 =	simm.s32 @!p2 $0x0  }
0x1d: {  	s5 =	simm.s32 @p1 $0x1;
	p0 =	seq.s32 s7, s2  }
0x1e: {  	s7 =	smul.u32 @!p0 $0xF7A, s2;
	p2 =	seq.s32 @!p0 s5, $0x0  }
0x1f: {  	s9 =	smul.u32 $0xF7A, s1;
	s8 =	simm.s32 @!p0 $0x1BF5;
	p2 =	por !p2, p0  }
0x20: {  	[sflag:s8] =	ssyncset.s32 @!p0 $0xFFFFF086;
	s6 =	sadd.s32 @!p0 s3, s7;
	s7 =	simm.s32 @!p0 $0x108  }
0x21: {  	s3 =	sadd.s32 s3, s9;
	s6 =	sadd.s32 @!p0 $0x88, s6;
	s7 =	simm.s32 @p2 $0x1082  }
0x22: {  	[simem:s7], [sflag:s8] =	dma.local @!p0 [hbm:s6], $0xF7A  }
0x23: {  	s9 =	sor.u32 $0xD0000000, s2;
	s6 =	simm.s32 $0x108;
	_ =	swait.ge @!p0 [sflag:s8], $0x0  }
0x24: {  	s3 =	sadd.s32 $0x88, s3;
	s6 =	simm.s32 @!p1 $0x1082;
	[sflag:s4] =	ssyncset.s32 $0xFFFFF086  }
0x25: {  	[simem:s6], [sflag:s4] =	dma.local [hbm:s3], $0xF7A  }
0x26: {  	[smem:$0x3F94] =	sst s1;
	(tag) =	ssettag s2;
	_ =	strace s9  }
0x27: {  	s1 =	sld [smem:$0x3FA4]  }
0x28: {  	s2 =	sld [smem:$0x3FA5]  }
0x29: {  	s4 =	sld [smem:$0x3FA7]  }
0x2a: {  	p0 =	seq.s32 s5, $0x0;
	s5 =	sld [smem:$0x3FA8]  }
0x2b: {  	s6 =	sld [smem:$0x3FA9]  }
0x2c: {  	s7 =	sld [smem:$0x3FAA]  }
0x2d: {  	s3 =	simm.s32 $0x108;
	s8 =	sld [smem:$0x3FAB]  }
0x2e: {  	s3 =	simm.s32 @!p0 $0x1082;
	s9 =	sld [smem:$0x3FAC]  }
0x2f: {  	lr =	sadd.s32 s0, s3;
	s0 =	sld [smem:$0x3FA3]  }
0x30: {  	s3 =	sld [smem:$0x3FA6]  }
0x31: {  	[smem:$0x3FAF] =	sst s10  }
0x32: {  	s10 =	sld [smem:$0x3FAD];
	_ =	sdelay $0x3  }
0x33: {  	p0 =	seq.s32 s10, $0x1;
	s10 =	sld [smem:$0x3FAF];
	_ =	sdelay $0x3  }
0x34: {  	[smem:$0x3FAF] =	sst s10  }
0x35: {  	s10 =	sld [smem:$0x3FAE];
	_ =	sdelay $0x3  }
0x36: {  	p1 =	seq.s32 s10, $0x1;
	s10 =	sld [smem:$0x3FAF];
	_ =	sdelay $0x3  }
0x37: {  	[smem:$0x3FAF] =	sst s10  }
0x38: {  	s10 =	sld [smem:$0x3FB0]  }
0x39: {  	_ = 	snop;
	(pc) =	sbr.ind lr, $3  }
0x3a: {  	_ = 	snop  }
0x3b: {  	_ = 	snop  }
0x3c: {  	p2 =	seq.s32 s10, $0x1;
	s10 =	sld [smem:$0x3FAF]  }
0x3d: {  	_ =	shalt  }
0x3e: {  	_ =	shalt  }
0x3f: {  	_ =	shalt  }
0x40: {  	_ =	shalt  }
0x41: {  	_ =	shalt  }
0x42: {  	_ =	shalt  }
0x43: {  	_ =	shalt  }
0x44: {  	_ =	shalt  }
0x45: {  	_ =	shalt  }
0x46: {  	_ =	shalt  }
0x47: {  	_ =	shalt  }
0x48: {  	_ =	shalt  }
0x49: {  	_ =	shalt  }
0x4a: {  	_ =	shalt  }
0x4b: {  	_ =	shalt  }
0x4c: {  	_ =	shalt  }
0x4d: {  	_ =	shalt  }
0x4e: {  	_ =	shalt  }
0x4f: {  	_ =	shalt  }
0x50: {  	_ =	shalt  }
0x51: {  	_ =	shalt  }
0x52: {  	_ =	shalt  }
0x53: {  	_ =	shalt  }
0x54: {  	_ =	shalt  }
0x55: {  	_ =	shalt  }
0x56: {  	_ =	shalt  }
0x57: {  	_ =	shalt  }
0x58: {  	_ =	shalt  }
0x59: {  	_ =	shalt  }
0x5a: {  	_ =	shalt  }
0x5b: {  	_ =	shalt  }
0x5c: {  	_ =	shalt  }
0x5d: {  	_ =	shalt  }
0x5e: {  	_ =	shalt  }
0x5f: {  	_ =	shalt  }
0x60: {  	_ =	shalt  }
0x61: {  	_ =	shalt  }
0x62: {  	_ =	shalt  }
0x63: {  	_ =	shalt  }
0x64: {  	_ =	shalt  }
0x65: {  	_ =	shalt  }
0x66: {  	_ =	shalt  }
0x67: {  	_ =	shalt  }
0x68: {  	_ =	shalt  }
0x69: {  	_ =	shalt  }
0x6a: {  	_ =	shalt  }
0x6b: {  	_ =	shalt  }
0x6c: {  	_ =	shalt  }
0x6d: {  	_ =	shalt  }
0x6e: {  	_ =	shalt  }
0x6f: {  	_ =	shalt  }
0x70: {  	_ =	shalt  }
0x71: {  	_ =	shalt  }
0x72: {  	_ =	shalt  }
0x73: {  	_ =	shalt  }
0x74: {  	_ =	shalt  }
0x75: {  	_ =	shalt  }
0x76: {  	_ =	shalt  }
0x77: {  	_ =	shalt  }
0x78: {  	_ =	shalt  }
0x79: {  	_ =	shalt  }
0x7a: {  	_ =	shalt  }
0x7b: {  	_ =	shalt  }
0x7c: {  	_ =	shalt  }
0x7d: {  	_ =	shalt  }
0x7e: {  	_ =	shalt  }
0x7f: {  	_ =	shalt  }
0x80: {  	_ =	shalt  }
0x81: {  	_ =	shalt  }
0x82: {  	_ =	shalt  }
0x83: {  	_ =	shalt  }
0x84: {  	_ =	shalt  }
0x85: {  	_ =	shalt  }
0x86: {  	_ =	shalt  }
0x87: {  	_ =	shalt  }
.Lfunc_end0:
.L_simem_size_0:
called_computation_lowered:
.L_overlay_start_0:
0x88: {  	s2 =	sld [smem:$0x3FD9]  }
0x89: {  	s3 =	sld [smem:$0x3FFE];
	_ =	sdelay $0x1  }
0x8a: {  	s1 =	srdreg.scid  }
0x8b: {  	s0 =	sand.u32 $0x1, s1  }
0x8c: {  	s16 =	sshll.u32 s0, $0xA;
	s2 =	sadd.s32 s3, s2  }
0x8d: {  	s2 =	sadd.s32 s2, s16  }
0x8e: {  	[smem:$0x3FBB] =	sst s2  }
0x8f: {  	_ = 	snop  }
0x90: {  	(tm) =	ssettm $0x1  }
0x91: {  	s17 =	sld [smem:$0x3FFB];
	_ =	sdelay $0x3  }
0x92: {  	_ =	strace s17  }
0x93: {  	s2 =	sld [smem:$0x3FFC];
	_ =	sdelay $0x3  }
0x94: {  	_ =	strace s2  }
0x95: {  	s2 =	sld [smem:$0x3FFD];
	_ =	sdelay $0x3  }
0x96: {  	_ =	strace s2  }
0x97: {  	_ =	strace $0x8FFFFFFF  }
0x98: {  	s18 =	sld [smem:$0x3FDB];
	_ =	sdelay $0x1  }
0x99: {  	s19 =	simm.s32 $_scs_section_size  }
0x9a: {  	s4 =	simm.s32 $_size__tile_overlayer_lowered;
	s5 =	simm.s32 $_tile_overlayer_lowered  }
0x9b: {  	s22 =	simm.s32 $0x1BFF;
	s21 =	sshll.u32 s5, $0x1;
	s2 =	sadd.s32 s19, s18  }
0x9c: {  	s6 =	simm.s32 $0x0;
	s20 =	sshll.u32 s4, $0x1;
	s4 =	sadd.s32 s21, s2  }
0x9d: {  	[timem:s6], [sflag:s22] =	dma.local [hbm:s4], s20  }
0x9e: {  	_ =	swait.ge [sflag:s22], s20  }
0x9f: {  	s3 =	ssub.s32 $0x0, s20;
	[sflag:s22] =	ssyncset.done $0x0  }
0xa0: {  	[sflag:s22] =	ssyncadd.s32 s3;
	_ =	sdelay $0x1  }
0xa1: {  	s23 =	simm.s32 $0x1B8B  }
0xa2: {  	_ =	swait.ge [sflag:s23], $0x1  }
0xa3: {  	[sflag:s23] =	ssyncset.done $0x0  }
0xa4: {  	s25 =	simm.s32 $0x1B8E;
	s24 =	sld [smem:$0x3FFE];
	[sflag:s23] =	ssyncadd.s32 $0xFFFFFFFF  }
0xa5: {  	s26 =	simm.s32 $execute0_lowered;
	[smem:$0x3FD2] =	sst s25  }
0xa6: {  	s4 =	sshll.u32 s26, $0x1;
	_ =	strace $0x80000046;
	[dreg:$0x1] =	wrdreg $0xFFFFFFFF  }
0xa7: {  	s28 =	simm.s32 $_size_execute0_lowered;
	s2 =	sadd.s32 s2, s4;
	[dreg:$0x0] =	wrdreg $0x0  }
0xa8: {  	s4 =	sshll.u32 s28, $0x1;
	[dreg:$0x2] =	wrdreg s2  }
0xa9: {  	[dreg:$0x3] =	wrdreg s4  }
0xaa: {  	[dreg:$0x4] =	wrdreg $0xC0  }
0xab: {  	_ =	task [dreg:s6], $0x5FFFF  }
0xac: {  	[dreg:$0x1] =	wrdreg $0xFFFFFFFF  }
0xad: {  	[dreg:$0x0] =	wrdreg $0x60  }
0xae: {  	[dreg:$0x2] =	wrdreg s24  }
0xaf: {  	[dreg:$0x3] =	wrdreg $0x90000  }
0xb0: {  	[dreg:$0x4] =	wrdreg $0x9  }
0xb1: {  	_ =	task.clear_ibuf [dreg:s6], $0x5FFFF;
	_ =	strace $0x90000046  }
0xb2: {  	s29 =	simm.s32 $0x9;
	_ =	strace $0x80000048  }
0xb3: {  	_ =	swait.ge [sflag:s29], $0x1  }
0xb4: {  	[sflag:s29] =	ssyncadd.s32 $0xFFFFFFFF  }
0xb5: {  	_ =	strace $0x90000048  }
0xb6: {  	_ =	sfence  }
0xb7: {  	s30 =	sld [smem:$0x0];
	_ =	sdelay $0x2  }
0xb8: {  	s31 =	sshll.u32 s1, $0xD;
	s1 =	sshrl.u32 s1, $0x2  }
0xb9: {  	s3 =	sand.u32 $0x4000, s31;
	s1 =	sadd.s32 s1, s30  }
0xba: {  	s0 =	sor.u32 s3, s0;
	s1 =	sshll.u32 s1, $0x11  }
0xbb: {  	s0 =	sor.u32 s1, s0  }
0xbc: {  	s0 =	sadd.s32 $0x8F2B, s0  }
0xbd: {  	[sflag:s0] =	ssyncadd.remote.s32 $0x1  }
0xbe: {  	_ =	sfence.sel $0xFFFF  }
0xbf: {  	[dreg:$0x0] =	wrdreg $0xFFFFFFFF;
	(pc) =	sbr.abs _section_cstart, $3  }
0xc0: {  	[dreg:$0x1] =	wrdreg $0xFFFFFFFF  }
0xc1: {  	_ =	task.clear_ibuf [dreg:s6], $0x2FFFF;
	_ =	strace $0x9FFFFFFF  }
0xc2: {  	(tm) =	ssettm $0x7FFFFFFF  }
0xc3: {  	_ =	shalt  }
tec
execute0_lowered:
.L_overlay_start_1:
0x0: {  	(tag) =	ssettag $0x1  }
0x1: {  	s0 =	srdreg.scid;
	s6 =	rddreg [dreg:$0x0]  }
0x2: {  	s2 =	rddreg [dreg:$0x1];
	s5 =	sand.u32 $0x1, s0  }
0x3: {  	s3 =	simm.s32 $0x0;
	s0 =	stileid.u32;
	s8 =	smul.u32 $0x28000, s5  }
0x4: {  	[smem:$0x7FF] =	sst s3;
	s4 =	sadd.s32 $0x17800, s6;
	s9 =	smul.u32 $0x280, s0  }
0x5: {  	s1 =	sshll.u32 s5, $0x4;
	s10 =	smul.u32 $0x50000, s0;
	s5 =	ssub.s32 $0x2, s5  }
0x6: {  	s18 =	smul.u32 $0x2800, s0;
	s1 =	sor.u32 s0, s1;
	s26 =	sshrl.u32 s5, $0x1  }
0x7: {  	s7 =	smul.u32 $0x500, s1;
	s1 =	rddreg [dreg:$0x2];
	_ =	strace $0x80000047  }
0x8: {  	s12 =	sadd.s32 s8, s6;
	s28 =	sshrl.u32 s10, $0x2;
	s13 =	sadd.s32 $0x80, s9  }
0x9: {  	s14 =	ssub.s32 s5, s26;
	s15 =	sadd.s32 $0x100, s9;
	s16 =	sadd.s32 $0x180, s9  }
0xa: {  	s17 =	sadd.s32 $0x200, s9;
	s5 =	sadd.s32 s28, s2;
	s29 =	sshll.u32 s13, $0x7  }
0xb: {  	s30 =	sshll.u32 s15, $0x7;
	s31 =	sshll.u32 s16, $0x7;
	s9 =	sshll.u32 s17, $0x7  }
0xc: {  	s22 =	sadd.s32 $0x3EA00, s12;
	s19 =	sshll.u32 s13, $0x4;
	s20 =	sshll.u32 s15, $0x4  }
0xd: {  	s21 =	sshll.u32 s16, $0x4;
	s23 =	sshll.u32 s17, $0x4;
	s12 =	smax.u32 s14, $0x1  }
0xe: {  	s13 =	simm.s32 $0x5000;
	s14 =	simm.s32 $0x2;
	s15 =	simm.s32 $0x2800  }
0xf: {  	s16 =	simm.s32 $0x80;
	s17 =	simm.s32 $0x1;
	s11 =	sadd.s32 s7, s6  }
0x10: {  	s6 =	sadd.s32 s29, s2;
	s7 =	sadd.s32 s30, s2;
	s8 =	sadd.s32 s31, s2  }
0x11: {  	s9 =	sadd.s32 s9, s2;
	s18 =	sadd.s32 s18, s22;
	s19 =	sadd.s32 s19, s22  }
0x12: {  	s20 =	sadd.s32 s20, s22;
	s21 =	sadd.s32 s21, s22;
	s22 =	sadd.s32 s23, s22  }
0x13: {  	v0 =	vimm.f32 $0.0e+00;
	s23 =	simm.s32 $0x0;
	s10 =	sadd.s32 $0x3800, s11;
	s11 =	sadd.s32 $0xD800, s11  }
.LBB2_1:
0x14: {  	s24 =	simm.s32 $0x0;
	s25 =	simm.s32 $0x200  }
.LBB2_2:
0x15: {  	p0 =	sne.s32 s25, $0xFE00;
	[tilespmem:s24+$0x5070] =	vst v0  }
0x16: {  	[tilespmem:s24+$0x5000] =	vst v0  }
0x17: {  	[tilespmem:s24+$0x5010] =	vst v0  }
.Ltmp0:
0x18: {  	[tilespmem:s24+$0x5020] =	vst v0;
	(pc) =	sbr.rel @p0 .LBB2_2-.Ltmp0, $4  }
0x19: {  	[tilespmem:s24+$0x5030] =	vst v0  }
0x1a: {  	[tilespmem:s24+$0x5040] =	vst v0  }
0x1b: {  	[tilespmem:s24+$0x5050] =	vst v0  }
0x1c: {  	[tilespmem:s24+$0x5060] =	vst v0;
	s24 =	sshra.s32 s25, $0x2;
	s25 =	sadd.s32 $0x200, s25  }
0x1d: {  	[tilespmem:s24+$0x5070] =	vst v0  }
0x1e: {  	[tilespmem:s24+$0x5000] =	vst v0  }
0x1f: {  	[tilespmem:s24+$0x5010] =	vst v0  }
0x20: {  	[tilespmem:s24+$0x5020] =	vst v0  }
0x21: {  	[tilespmem:s24+$0x5030] =	vst v0  }
0x22: {  	[tilespmem:s24+$0x5040] =	vst v0  }
0x23: {  	[tilespmem:s24+$0x5050] =	vst v0  }
0x24: {  	[tilespmem:s24+$0x5060] =	vst v0  }
0x25: {  	[spmem:s5] =	stream.linear.scatter [tilespmem:s13], [sflag:$0x2], $0x4000, $0x38;
	[tilespmem:$0x1D000] =	vst v63  }
0x26: {  	_ =	swait.ge [sflag:s14], $0x4000  }
0x27: {  	[sflag:s14] =	ssyncset.done $0x0  }
0x28: {  	[sflag:s14] =	ssyncadd.s32 $0xFFFFC000  }
0x29: {  	[spmem:s6] =	stream.linear.scatter [tilespmem:s13], [sflag:$0x2], $0x4000, $0x38;
	[tilespmem:$0x1D000] =	vst v63  }
0x2a: {  	_ =	swait.ge [sflag:s14], $0x4000  }
0x2b: {  	[sflag:s14] =	ssyncset.done $0x0  }
0x2c: {  	[sflag:s14] =	ssyncadd.s32 $0xFFFFC000  }
0x2d: {  	[spmem:s7] =	stream.linear.scatter [tilespmem:s13], [sflag:$0x2], $0x4000, $0x38;
	[tilespmem:$0x1D000] =	vst v63  }
0x2e: {  	_ =	swait.ge [sflag:s14], $0x4000  }
0x2f: {  	[sflag:s14] =	ssyncset.done $0x0  }
0x30: {  	[sflag:s14] =	ssyncadd.s32 $0xFFFFC000  }
0x31: {  	[spmem:s8] =	stream.linear.scatter [tilespmem:s13], [sflag:$0x2], $0x4000, $0x38;
	[tilespmem:$0x1D000] =	vst v63  }
0x32: {  	_ =	swait.ge [sflag:s14], $0x4000  }
0x33: {  	[sflag:s14] =	ssyncset.done $0x0  }
0x34: {  	[sflag:s14] =	ssyncadd.s32 $0xFFFFC000  }
0x35: {  	[spmem:s9] =	stream.linear.scatter [tilespmem:s13], [sflag:$0x2], $0x4000, $0x38;
	[tilespmem:$0x1D000] =	vst v63  }
0x36: {  	_ =	swait.ge [sflag:s14], $0x4000  }
0x37: {  	[sflag:s14] =	ssyncset.done $0x0  }
0x38: {  	s29 =	simm.s32 $0x0;
	[sflag:s14] =	ssyncadd.s32 $0xFFFFC000  }
0x39: {  	[tilespmem:s29], [sflag:$0x2] =	stream.linear.gather [hbm4b:s10+s29], $0x2780, $0x38;
	[tilespmem:$0x1D000] =	vst v63  }
0x3a: {  	_ =	swait.ge [sflag:s14], $0x2780  }
0x3b: {  	[sflag:s14] =	ssyncset.done $0x0  }
0x3c: {  	[sflag:s14] =	ssyncadd.s32 $0xFFFFD880  }
0x3d: {  	[tilespmem:s15], [sflag:$0x2] =	stream.linear.gather [hbm4b:s11+s29], $0x2780, $0x38;
	[tilespmem:$0x1D000] =	vst v63  }
0x3e: {  	_ =	swait.ge [sflag:s14], $0x2780  }
0x3f: {  	[sflag:s14] =	ssyncset.done $0x0  }
0x40: {  	[sflag:s14] =	ssyncadd.s32 $0xFFFFD880  }
0x41: {  	s30 =	simm.s32 $0x0;
	[bflag:$0x0] =	sbarrier.arrive $0xFFFF  }
0x42: {  	[tilespmem:s13], [sflag:$0x1] =	stream.indirect.gather [hbm4b:s4+s16], $0x80, s30, s16, $0xb8;
	[tilespmem:$0x1D000] =	vst v63  }
0x43: {  	_ =	swait.ge [sflag:s17], $0x4000  }
0x44: {  	[sflag:s17] =	ssyncset.done $0x0  }
0x45: {  	s31 =	simm.s32 $0x2800;
	[sflag:s17] =	ssyncadd.s32 $0xFFFFC000  }
0x46: {  	[spmem:s2] =	stream.indirect.scatter.add.f32 [tilespmem:s13], [sflag:$0x2], $0x80, s31, s16, $0xb8;
	[tilespmem:$0x1D000] =	vst v63  }
0x47: {  	_ =	swait.ge [sflag:s14], $0x4000  }
0x48: {  	s24 =	simm.s32 $0x200;
	s25 =	simm.s32 $0x400;
	[sflag:s14] =	ssyncset.done $0x0  }
.LBB2_4:
0x49: {  	s26 =	sshra.s32 s24, $0x2  }
0x4a: {  	[sflag:s14] =	ssyncadd.s32 $0xFFFFC000;
	s24 =	smov.u32 s25;
	s28 =	sadd.s32 $0x200, s25  }
0x4b: {  	[tilespmem:s13], [sflag:$0x1] =	stream.indirect.gather [hbm4b:s4+s16], $0x80, s26, s16, $0xb8;
	[tilespmem:$0x1D000] =	vst v63  }
0x4c: {  	p0 =	sne.s32 s25, $0x9C00;
	_ =	swait.ge [sflag:s17], $0x4000  }
.Ltmp1:
0x4d: {  	[sflag:s17] =	ssyncset.done $0x0;
	(pc) =	sbr.rel @p0 .LBB2_4-.Ltmp1, $4  }
0x4e: {  	s25 =	sadd.s32 $0x2800, s26;
	[sflag:s17] =	ssyncadd.s32 $0xFFFFC000  }
0x4f: {  	[spmem:s2] =	stream.indirect.scatter.add.f32 [tilespmem:s13], [sflag:$0x2], $0x80, s25, s16, $0xb8;
	[tilespmem:$0x1D000] =	vst v63  }
0x50: {  	_ =	swait.ge [sflag:s14], $0x4000  }
0x51: {  	s25 =	smov.u32 s28;
	[sflag:s14] =	ssyncset.done $0x0  }
0x52: {  	s24 =	sshra.s32 s24, $0x2;
	[sflag:s14] =	ssyncadd.s32 $0xFFFFC000  }
0x53: {  	[tilespmem:s13], [sflag:$0x1] =	stream.indirect.gather [hbm4b:s4+s16], $0x80, s24, s16, $0xb8;
	[tilespmem:$0x1D000] =	vst v63  }
0x54: {  	_ =	swait.ge [sflag:s17], $0x4000  }
0x55: {  	[sflag:s17] =	ssyncset.done $0x0  }
0x56: {  	s24 =	sadd.s32 $0x2800, s24;
	[sflag:s17] =	ssyncadd.s32 $0xFFFFC000  }
0x57: {  	[spmem:s2] =	stream.indirect.scatter.add.f32 [tilespmem:s13], [sflag:$0x2], $0x80, s24, s16, $0xb8;
	[tilespmem:$0x1D000] =	vst v63  }
0x58: {  	_ =	swait.ge [sflag:s14], $0x4000  }
0x59: {  	[sflag:s14] =	ssyncset.done $0x0  }
0x5a: {  	[sflag:s14] =	ssyncadd.s32 $0xFFFFC000  }
0x5b: {  	[bflag:$0x0] =	sbarrier.arrive $0xFFFF  }
0x5c: {  	[tilespmem:s13], [sflag:$0x2] =	stream.linear.gather [spmem:s5], $0x4000, $0x38;
	[tilespmem:$0x1D000] =	vst v63  }
0x5d: {  	_ =	swait.ge [sflag:s14], $0x4000  }
0x5e: {  	[sflag:s14] =	ssyncset.done $0x0  }
0x5f: {  	[sflag:s14] =	ssyncadd.s32 $0xFFFFC000  }
0x60: {  	[hbm4b:s18+s3] =	stream.linear.scatter [tilespmem:s13], [sflag:$0x2], $0x4000, $0x38;
	[tilespmem:$0x1D000] =	vst v63  }
0x61: {  	_ =	swait.ge [sflag:s14], $0x4000  }
0x62: {  	[sflag:s14] =	ssyncset.done $0x0  }
0x63: {  	[sflag:s14] =	ssyncadd.s32 $0xFFFFC000  }
0x64: {  	[tilespmem:s13], [sflag:$0x2] =	stream.linear.gather [spmem:s6], $0x4000, $0x38;
	[tilespmem:$0x1D000] =	vst v63  }
0x65: {  	_ =	swait.ge [sflag:s14], $0x4000  }
0x66: {  	[sflag:s14] =	ssyncset.done $0x0  }
0x67: {  	[sflag:s14] =	ssyncadd.s32 $0xFFFFC000  }
0x68: {  	[hbm4b:s19+s3] =	stream.linear.scatter [tilespmem:s13], [sflag:$0x2], $0x4000, $0x38;
	[tilespmem:$0x1D000] =	vst v63  }
0x69: {  	_ =	swait.ge [sflag:s14], $0x4000  }
0x6a: {  	[sflag:s14] =	ssyncset.done $0x0  }
0x6b: {  	[sflag:s14] =	ssyncadd.s32 $0xFFFFC000  }
0x6c: {  	[tilespmem:s13], [sflag:$0x2] =	stream.linear.gather [spmem:s7], $0x4000, $0x38;
	[tilespmem:$0x1D000] =	vst v63  }
0x6d: {  	_ =	swait.ge [sflag:s14], $0x4000  }
0x6e: {  	[sflag:s14] =	ssyncset.done $0x0  }
0x6f: {  	[sflag:s14] =	ssyncadd.s32 $0xFFFFC000  }
0x70: {  	[hbm4b:s20+s3] =	stream.linear.scatter [tilespmem:s13], [sflag:$0x2], $0x4000, $0x38;
	[tilespmem:$0x1D000] =	vst v63  }
0x71: {  	_ =	swait.ge [sflag:s14], $0x4000  }
0x72: {  	[sflag:s14] =	ssyncset.done $0x0  }
0x73: {  	[sflag:s14] =	ssyncadd.s32 $0xFFFFC000  }
0x74: {  	[tilespmem:s13], [sflag:$0x2] =	stream.linear.gather [spmem:s8], $0x4000, $0x38;
	[tilespmem:$0x1D000] =	vst v63  }
0x75: {  	_ =	swait.ge [sflag:s14], $0x4000  }
0x76: {  	[sflag:s14] =	ssyncset.done $0x0  }
0x77: {  	[sflag:s14] =	ssyncadd.s32 $0xFFFFC000  }
0x78: {  	[hbm4b:s21+s3] =	stream.linear.scatter [tilespmem:s13], [sflag:$0x2], $0x4000, $0x38;
	[tilespmem:$0x1D000] =	vst v63  }
0x79: {  	_ =	swait.ge [sflag:s14], $0x4000  }
0x7a: {  	[sflag:s14] =	ssyncset.done $0x0  }
0x7b: {  	[sflag:s14] =	ssyncadd.s32 $0xFFFFC000  }
0x7c: {  	[tilespmem:s13], [sflag:$0x2] =	stream.linear.gather [spmem:s9], $0x4000, $0x38;
	[tilespmem:$0x1D000] =	vst v63  }
0x7d: {  	s23 =	sadd.s32 $0x1, s23;
	_ =	swait.ge [sflag:s14], $0x4000  }
0x7e: {  	p0 =	sne.s32 s23, s12;
	[sflag:s14] =	ssyncset.done $0x0  }
.Ltmp2:
0x7f: {  	[sflag:s14] =	ssyncadd.s32 $0xFFFFC000;
	(pc) =	sbr.rel @p0 .LBB2_1-.Ltmp2, $4  }
0x80: {  	[hbm4b:s22+s3] =	stream.linear.scatter [tilespmem:s13], [sflag:$0x2], $0x4000, $0x38;
	[tilespmem:$0x1D000] =	vst v63  }
0x81: {  	_ =	swait.ge [sflag:s14], $0x4000  }
0x82: {  	[sflag:s14] =	ssyncset.done $0x0  }
0x83: {  	[sflag:s14] =	ssyncadd.s32 $0xFFFFC000  }
0x84: {  	_ =	sfence.sel $0x180000  }
0x85: {  	[bflag:$0x0] =	sbarrier.arrive $0xFFFF  }
0x86: {  	p0 =	sne.s32 s0, $0x0;
	_ =	strace $0x90000047  }
0x87: {  	s0 =	sadd.s32 @!p0 $0x100000, s1;
	[bflag:$0x2] =	sbarrier.arrive $0xFFFF  }
0x88: {  	[sflag:s0] =	ssyncadd.tile.s32 @!p0 $0x1;
	_ =	shalt  }
.Lfunc_end2:
_tile_overlayer_lowered:
.L_overlay_start_2:
0x89: {  	(tag) =	ssettag $0x2  }
0x8a: {  	s0 =	rddreg [dreg:$0x0];
	s2 =	stileid.u32  }
0x8b: {  	s1 =	rddreg [dreg:$0x1];
	p0 =	sne.s32 s2, $0x0  }
0x8c: {  	s3 =	rddreg [dreg:$0x2];
	[bflag:$0x3] =	sbarrier.arrive $0xFFFF;
	s2 =	simm.s32 @!p0 $0x1C02  }
0x8d: {  	[timem:s3], [sflag:s2] =	dma.local @!p0 [hbm:s0], s1  }
0x8e: {  	s0 =	simm.s32 @!p0 $0x2  }
0x8f: {  	_ =	swait.ge @!p0 [sflag:s0], s1  }
0x90: {  	s1 =	ssub.s32 @!p0 $0x0, s1;
	[sflag:s0] =	ssyncset.done @!p0 $0x0  }
0x91: {  	[sflag:s0] =	ssyncadd.s32 @!p0 s1  }
0x92: {  	[bflag:$0x3] =	sbarrier.arrive $0xFFFF  }
0x93: {  	_ =	shalt  }

// kernel: kernel.13.cloned.1.call-start
scs
__scs_entry_jumppad:
0x0: {  	(pc) =	sbr.rel $0x88, $3  }
0x1: {  	(tag) =	ssettag $0x0;
	lr =	simm.s32 $0x1  }
0x2: {  	[smem:$0x3F94] =	sst lr;
	_ =	strace $0xD0000000  }
0x3: {  	_ = 	snop  }
0x4: {  	_ = 	snop  }
0x5: {  	_ = 	snop  }
0x6: {  	_ = 	snop  }
0x7: {  	_ = 	snop  }
__scs_overlays_trampoline_lowered:
0x8: {  	[smem:$0x3FA3] =	sst s0  }
0x9: {  	[smem:$0x3FA4] =	sst s1  }
0xa: {  	[smem:$0x3FA5] =	sst s2  }
0xb: {  	[smem:$0x3FA6] =	sst s3  }
0xc: {  	[smem:$0x3FA7] =	sst s4  }
0xd: {  	[smem:$0x3FA8] =	sst s5  }
0xe: {  	[smem:$0x3FA9] =	sst s6  }
0xf: {  	[smem:$0x3FAA] =	sst s7  }
0x10: {  	[smem:$0x3FAB] =	sst s8  }
0x11: {  	[smem:$0x3FAC] =	sst s9;
	s0 =	simm.s32 @!p0 $0x0  }
0x12: {  	s1 =	sld [smem:$0x3F92];
	s0 =	simm.s32 @p0 $0x1  }
0x13: {  	[smem:$0x3FAD] =	sst s0;
	s0 =	simm.s32 @!p1 $0x0  }
0x14: {  	s2 =	sld [smem:$0x3F91];
	s0 =	simm.s32 @p1 $0x1  }
0x15: {  	[smem:$0x3FAE] =	sst s0;
	s0 =	simm.s32 @!p2 $0x0  }
0x16: {  	s3 =	sld [smem:$0x3FDB];
	s0 =	simm.s32 @p2 $0x1  }
0x17: {  	s4 =	simm.s32 $0x1BF5;
	[smem:$0x3FB0] =	sst s0  }
0x18: {  	s0 =	sld [smem:$0x3F93];
	_ =	swait.ge [sflag:s4], $0x0  }
0x19: {  	s7 =	sld [smem:$0x3F94]  }
0x1a: {  	s8 =	sadd.s32 $0xFFFFE003, lr  }
0x1b: {  	s9 =	sadd.s32 $0xFFFFFEF7, lr;
	s5 =	simm.s32 $0xFFFFFFFF;
	p2 =	slt.u32 s8, $0xFFFFF086  }
0x1c: {  	p1 =	slt.u32 s9, $0xF7A;
	s5 =	simm.s32 @!p2 $0x0  }
0x1d: {  	s5 =	simm.s32 @p1 $0x1;
	p0 =	seq.s32 s7, s2  }
0x1e: {  	s7 =	smul.u32 @!p0 $0xF7A, s2;
	p2 =	seq.s32 @!p0 s5, $0x0  }
0x1f: {  	s9 =	smul.u32 $0xF7A, s1;
	s8 =	simm.s32 @!p0 $0x1BF5;
	p2 =	por !p2, p0  }
0x20: {  	[sflag:s8] =	ssyncset.s32 @!p0 $0xFFFFF086;
	s6 =	sadd.s32 @!p0 s3, s7;
	s7 =	simm.s32 @!p0 $0x108  }
0x21: {  	s3 =	sadd.s32 s3, s9;
	s6 =	sadd.s32 @!p0 $0x88, s6;
	s7 =	simm.s32 @p2 $0x1082  }
0x22: {  	[simem:s7], [sflag:s8] =	dma.local @!p0 [hbm:s6], $0xF7A  }
0x23: {  	s9 =	sor.u32 $0xD0000000, s2;
	s6 =	simm.s32 $0x108;
	_ =	swait.ge @!p0 [sflag:s8], $0x0  }
0x24: {  	s3 =	sadd.s32 $0x88, s3;
	s6 =	simm.s32 @!p1 $0x1082;
	[sflag:s4] =	ssyncset.s32 $0xFFFFF086  }
0x25: {  	[simem:s6], [sflag:s4] =	dma.local [hbm:s3], $0xF7A  }
0x26: {  	[smem:$0x3F94] =	sst s1;
	(tag) =	ssettag s2;
	_ =	strace s9  }
0x27: {  	s1 =	sld [smem:$0x3FA4]  }
0x28: {  	s2 =	sld [smem:$0x3FA5]  }
0x29: {  	s4 =	sld [smem:$0x3FA7]  }
0x2a: {  	p0 =	seq.s32 s5, $0x0;
	s5 =	sld [smem:$0x3FA8]  }
0x2b: {  	s6 =	sld [smem:$0x3FA9]  }
0x2c: {  	s7 =	sld [smem:$0x3FAA]  }
0x2d: {  	s3 =	simm.s32 $0x108;
	s8 =	sld [smem:$0x3FAB]  }
0x2e: {  	s3 =	simm.s32 @!p0 $0x1082;
	s9 =	sld [smem:$0x3FAC]  }
0x2f: {  	lr =	sadd.s32 s0, s3;
	s0 =	sld [smem:$0x3FA3]  }
0x30: {  	s3 =	sld [smem:$0x3FA6]  }
0x31: {  	[smem:$0x3FAF] =	sst s10  }
0x32: {  	s10 =	sld [smem:$0x3FAD];
	_ =	sdelay $0x3  }
0x33: {  	p0 =	seq.s32 s10, $0x1;
	s10 =	sld [smem:$0x3FAF];
	_ =	sdelay $0x3  }
0x34: {  	[smem:$0x3FAF] =	sst s10  }
0x35: {  	s10 =	sld [smem:$0x3FAE];
	_ =	sdelay $0x3  }
0x36: {  	p1 =	seq.s32 s10, $0x1;
	s10 =	sld [smem:$0x3FAF];
	_ =	sdelay $0x3  }
0x37: {  	[smem:$0x3FAF] =	sst s10  }
0x38: {  	s10 =	sld [smem:$0x3FB0]  }
0x39: {  	_ = 	snop;
	(pc) =	sbr.ind lr, $3  }
0x3a: {  	_ = 	snop  }
0x3b: {  	_ = 	snop  }
0x3c: {  	p2 =	seq.s32 s10, $0x1;
	s10 =	sld [smem:$0x3FAF]  }
0x3d: {  	_ =	shalt  }
0x3e: {  	_ =	shalt  }
0x3f: {  	_ =	shalt  }
0x40: {  	_ =	shalt  }
0x41: {  	_ =	shalt  }
0x42: {  	_ =	shalt  }
0x43: {  	_ =	shalt  }
0x44: {  	_ =	shalt  }
0x45: {  	_ =	shalt  }
0x46: {  	_ =	shalt  }
0x47: {  	_ =	shalt  }
0x48: {  	_ =	shalt  }
0x49: {  	_ =	shalt  }
0x4a: {  	_ =	shalt  }
0x4b: {  	_ =	shalt  }
0x4c: {  	_ =	shalt  }
0x4d: {  	_ =	shalt  }
0x4e: {  	_ =	shalt  }
0x4f: {  	_ =	shalt  }
0x50: {  	_ =	shalt  }
0x51: {  	_ =	shalt  }
0x52: {  	_ =	shalt  }
0x53: {  	_ =	shalt  }
0x54: {  	_ =	shalt  }
0x55: {  	_ =	shalt  }
0x56: {  	_ =	shalt  }
0x57: {  	_ =	shalt  }
0x58: {  	_ =	shalt  }
0x59: {  	_ =	shalt  }
0x5a: {  	_ =	shalt  }
0x5b: {  	_ =	shalt  }
0x5c: {  	_ =	shalt  }
0x5d: {  	_ =	shalt  }
0x5e: {  	_ =	shalt  }
0x5f: {  	_ =	shalt  }
0x60: {  	_ =	shalt  }
0x61: {  	_ =	shalt  }
0x62: {  	_ =	shalt  }
0x63: {  	_ =	shalt  }
0x64: {  	_ =	shalt  }
0x65: {  	_ =	shalt  }
0x66: {  	_ =	shalt  }
0x67: {  	_ =	shalt  }
0x68: {  	_ =	shalt  }
0x69: {  	_ =	shalt  }
0x6a: {  	_ =	shalt  }
0x6b: {  	_ =	shalt  }
0x6c: {  	_ =	shalt  }
0x6d: {  	_ =	shalt  }
0x6e: {  	_ =	shalt  }
0x6f: {  	_ =	shalt  }
0x70: {  	_ =	shalt  }
0x71: {  	_ =	shalt  }
0x72: {  	_ =	shalt  }
0x73: {  	_ =	shalt  }
0x74: {  	_ =	shalt  }
0x75: {  	_ =	shalt  }
0x76: {  	_ =	shalt  }
0x77: {  	_ =	shalt  }
0x78: {  	_ =	shalt  }
0x79: {  	_ =	shalt  }
0x7a: {  	_ =	shalt  }
0x7b: {  	_ =	shalt  }
0x7c: {  	_ =	shalt  }
0x7d: {  	_ =	shalt  }
0x7e: {  	_ =	shalt  }
0x7f: {  	_ =	shalt  }
0x80: {  	_ =	shalt  }
0x81: {  	_ =	shalt  }
0x82: {  	_ =	shalt  }
0x83: {  	_ =	shalt  }
0x84: {  	_ =	shalt  }
0x85: {  	_ =	shalt  }
0x86: {  	_ =	shalt  }
0x87: {  	_ =	shalt  }
.Lfunc_end0:
.L_simem_size_0:
called_computation.1_lowered:
.L_overlay_start_0:
0x88: {  	s2 =	sld [smem:$0x3FD9]  }
0x89: {  	s3 =	sld [smem:$0x3FFE];
	_ =	sdelay $0x1  }
0x8a: {  	s1 =	srdreg.scid  }
0x8b: {  	s0 =	sand.u32 $0x1, s1  }
0x8c: {  	s16 =	sshll.u32 s0, $0xA;
	s2 =	sadd.s32 s3, s2  }
0x8d: {  	s2 =	sadd.s32 s2, s16  }
0x8e: {  	[smem:$0x3FBB] =	sst s2  }
0x8f: {  	_ = 	snop  }
0x90: {  	(tm) =	ssettm $0x1  }
0x91: {  	s17 =	sld [smem:$0x3FFB];
	_ =	sdelay $0x3  }
0x92: {  	_ =	strace s17  }
0x93: {  	s2 =	sld [smem:$0x3FFC];
	_ =	sdelay $0x3  }
0x94: {  	_ =	strace s2  }
0x95: {  	s2 =	sld [smem:$0x3FFD];
	_ =	sdelay $0x3  }
0x96: {  	_ =	strace s2  }
0x97: {  	_ =	strace $0x8FFFFFFF  }
0x98: {  	s18 =	sld [smem:$0x3FDB];
	_ =	sdelay $0x1  }
0x99: {  	s19 =	simm.s32 $_scs_section_size  }
0x9a: {  	s4 =	simm.s32 $_size__tile_overlayer_lowered;
	s5 =	simm.s32 $_tile_overlayer_lowered  }
0x9b: {  	s22 =	simm.s32 $0x1BFF;
	s21 =	sshll.u32 s5, $0x1;
	s2 =	sadd.s32 s19, s18  }
0x9c: {  	s6 =	simm.s32 $0x0;
	s20 =	sshll.u32 s4, $0x1;
	s4 =	sadd.s32 s21, s2  }
0x9d: {  	[timem:s6], [sflag:s22] =	dma.local [hbm:s4], s20  }
0x9e: {  	_ =	swait.ge [sflag:s22], s20  }
0x9f: {  	s3 =	ssub.s32 $0x0, s20;
	[sflag:s22] =	ssyncset.done $0x0  }
0xa0: {  	[sflag:s22] =	ssyncadd.s32 s3;
	_ =	sdelay $0x1  }
0xa1: {  	s23 =	simm.s32 $0x1B8B  }
0xa2: {  	_ =	swait.ge [sflag:s23], $0x1  }
0xa3: {  	[sflag:s23] =	ssyncset.done $0x0  }
0xa4: {  	s25 =	simm.s32 $0x1B8E;
	s24 =	sld [smem:$0x3FFE];
	[sflag:s23] =	ssyncadd.s32 $0xFFFFFFFF  }
0xa5: {  	s26 =	simm.s32 $execute0_lowered;
	[smem:$0x3FD2] =	sst s25  }
0xa6: {  	s4 =	sshll.u32 s26, $0x1;
	_ =	strace $0x80000049;
	[dreg:$0x1] =	wrdreg $0xFFFFFFFF  }
0xa7: {  	s28 =	simm.s32 $_size_execute0_lowered;
	s2 =	sadd.s32 s2, s4;
	[dreg:$0x0] =	wrdreg $0x0  }
0xa8: {  	s4 =	sshll.u32 s28, $0x1;
	[dreg:$0x2] =	wrdreg s2  }
0xa9: {  	[dreg:$0x3] =	wrdreg s4  }
0xaa: {  	[dreg:$0x4] =	wrdreg $0xC0  }
0xab: {  	_ =	task [dreg:s6], $0x5FFFF  }
0xac: {  	[dreg:$0x1] =	wrdreg $0xFFFFFFFF  }
0xad: {  	[dreg:$0x0] =	wrdreg $0x60  }
0xae: {  	[dreg:$0x2] =	wrdreg s24  }
0xaf: {  	[dreg:$0x3] =	wrdreg $0x90000  }
0xb0: {  	[dreg:$0x4] =	wrdreg $0x9  }
0xb1: {  	_ =	task.clear_ibuf [dreg:s6], $0x5FFFF;
	_ =	strace $0x90000049  }
0xb2: {  	s29 =	simm.s32 $0x9;
	_ =	strace $0x8000004B  }
0xb3: {  	_ =	swait.ge [sflag:s29], $0x1  }
0xb4: {  	[sflag:s29] =	ssyncadd.s32 $0xFFFFFFFF  }
0xb5: {  	_ =	strace $0x9000004B  }
0xb6: {  	_ =	sfence  }
0xb7: {  	s30 =	sld [smem:$0x0];
	_ =	sdelay $0x2  }
0xb8: {  	s31 =	sshll.u32 s1, $0xD;
	s1 =	sshrl.u32 s1, $0x2  }
0xb9: {  	s3 =	sand.u32 $0x4000, s31;
	s1 =	sadd.s32 s1, s30  }
0xba: {  	s0 =	sor.u32 s3, s0;
	s1 =	sshll.u32 s1, $0x11  }
0xbb: {  	s0 =	sor.u32 s1, s0  }
0xbc: {  	s0 =	sadd.s32 $0x8F2B, s0  }
0xbd: {  	[sflag:s0] =	ssyncadd.remote.s32 $0x1  }
0xbe: {  	_ =	sfence.sel $0xFFFF  }
0xbf: {  	[dreg:$0x0] =	wrdreg $0xFFFFFFFF;
	(pc) =	sbr.abs _section_cstart, $3  }
0xc0: {  	[dreg:$0x1] =	wrdreg $0xFFFFFFFF  }
0xc1: {  	_ =	task.clear_ibuf [dreg:s6], $0x2FFFF;
	_ =	strace $0x9FFFFFFF  }
0xc2: {  	(tm) =	ssettm $0x7FFFFFFF  }
0xc3: {  	_ =	shalt  }
tec
execute0_lowered:
.L_overlay_start_1:
0x0: {  	(tag) =	ssettag $0x1  }
0x1: {  	s0 =	srdreg.scid;
	s6 =	rddreg [dreg:$0x0]  }
0x2: {  	s2 =	rddreg [dreg:$0x1];
	s5 =	sand.u32 $0x1, s0  }
0x3: {  	s3 =	simm.s32 $0x0;
	s0 =	stileid.u32;
	s8 =	smul.u32 $0x28000, s5  }
0x4: {  	[smem:$0x7FF] =	sst s3;
	s4 =	sadd.s32 $0x17800, s6;
	s9 =	smul.u32 $0x280, s0  }
0x5: {  	s1 =	sshll.u32 s5, $0x4;
	s10 =	smul.u32 $0x50000, s0;
	s5 =	ssub.s32 $0x2, s5  }
0x6: {  	s18 =	smul.u32 $0x2800, s0;
	s1 =	sor.u32 s0, s1;
	s26 =	sshrl.u32 s5, $0x1  }
0x7: {  	s7 =	smul.u32 $0x500, s1;
	s1 =	rddreg [dreg:$0x2];
	_ =	strace $0x8000004A  }
0x8: {  	s12 =	sadd.s32 s8, s6;
	s28 =	sshrl.u32 s10, $0x2;
	s13 =	sadd.s32 $0x80, s9  }
0x9: {  	s14 =	ssub.s32 s5, s26;
	s15 =	sadd.s32 $0x100, s9;
	s16 =	sadd.s32 $0x180, s9  }
0xa: {  	s17 =	sadd.s32 $0x200, s9;
	s5 =	sadd.s32 s28, s2;
	s29 =	sshll.u32 s13, $0x7  }
0xb: {  	s30 =	sshll.u32 s15, $0x7;
	s31 =	sshll.u32 s16, $0x7;
	s9 =	sshll.u32 s17, $0x7  }
0xc: {  	s22 =	sadd.s32 $0x8EA00, s12;
	s19 =	sshll.u32 s13, $0x4;
	s20 =	sshll.u32 s15, $0x4  }
0xd: {  	s21 =	sshll.u32 s16, $0x4;
	s23 =	sshll.u32 s17, $0x4;
	s12 =	smax.u32 s14, $0x1  }
0xe: {  	s13 =	simm.s32 $0x5000;
	s14 =	simm.s32 $0x2;
	s15 =	simm.s32 $0x2800  }
0xf: {  	s16 =	simm.s32 $0x80;
	s17 =	simm.s32 $0x1;
	s11 =	sadd.s32 s7, s6  }
0x10: {  	s6 =	sadd.s32 s29, s2;
	s7 =	sadd.s32 s30, s2;
	s8 =	sadd.s32 s31, s2  }
0x11: {  	s9 =	sadd.s32 s9, s2;
	s18 =	sadd.s32 s18, s22;
	s19 =	sadd.s32 s19, s22  }
0x12: {  	s20 =	sadd.s32 s20, s22;
	s21 =	sadd.s32 s21, s22;
	s22 =	sadd.s32 s23, s22  }
0x13: {  	v0 =	vimm.f32 $0.0e+00;
	s23 =	simm.s32 $0x0;
	s10 =	sadd.s32 $0x3800, s11;
	s11 =	sadd.s32 $0xD800, s11  }
.LBB2_1:
0x14: {  	s24 =	simm.s32 $0x0;
	s25 =	simm.s32 $0x200  }
.LBB2_2:
0x15: {  	p0 =	sne.s32 s25, $0xFE00;
	[tilespmem:s24+$0x5070] =	vst v0  }
0x16: {  	[tilespmem:s24+$0x5000] =	vst v0  }
0x17: {  	[tilespmem:s24+$0x5010] =	vst v0  }
.Ltmp0:
0x18: {  	[tilespmem:s24+$0x5020] =	vst v0;
	(pc) =	sbr.rel @p0 .LBB2_2-.Ltmp0, $4  }
0x19: {  	[tilespmem:s24+$0x5030] =	vst v0  }
0x1a: {  	[tilespmem:s24+$0x5040] =	vst v0  }
0x1b: {  	[tilespmem:s24+$0x5050] =	vst v0  }
0x1c: {  	[tilespmem:s24+$0x5060] =	vst v0;
	s24 =	sshra.s32 s25, $0x2;
	s25 =	sadd.s32 $0x200, s25  }
0x1d: {  	[tilespmem:s24+$0x5070] =	vst v0  }
0x1e: {  	[tilespmem:s24+$0x5000] =	vst v0  }
0x1f: {  	[tilespmem:s24+$0x5010] =	vst v0  }
0x20: {  	[tilespmem:s24+$0x5020] =	vst v0  }
0x21: {  	[tilespmem:s24+$0x5030] =	vst v0  }
0x22: {  	[tilespmem:s24+$0x5040] =	vst v0  }
0x23: {  	[tilespmem:s24+$0x5050] =	vst v0  }
0x24: {  	[tilespmem:s24+$0x5060] =	vst v0  }
0x25: {  	[spmem:s5] =	stream.linear.scatter [tilespmem:s13], [sflag:$0x2], $0x4000, $0x38;
	[tilespmem:$0x1D000] =	vst v63  }
0x26: {  	_ =	swait.ge [sflag:s14], $0x4000  }
0x27: {  	[sflag:s14] =	ssyncset.done $0x0  }
0x28: {  	[sflag:s14] =	ssyncadd.s32 $0xFFFFC000  }
0x29: {  	[spmem:s6] =	stream.linear.scatter [tilespmem:s13], [sflag:$0x2], $0x4000, $0x38;
	[tilespmem:$0x1D000] =	vst v63  }
0x2a: {  	_ =	swait.ge [sflag:s14], $0x4000  }
0x2b: {  	[sflag:s14] =	ssyncset.done $0x0  }
0x2c: {  	[sflag:s14] =	ssyncadd.s32 $0xFFFFC000  }
0x2d: {  	[spmem:s7] =	stream.linear.scatter [tilespmem:s13], [sflag:$0x2], $0x4000, $0x38;
	[tilespmem:$0x1D000] =	vst v63  }
0x2e: {  	_ =	swait.ge [sflag:s14], $0x4000  }
0x2f: {  	[sflag:s14] =	ssyncset.done $0x0  }
0x30: {  	[sflag:s14] =	ssyncadd.s32 $0xFFFFC000  }
0x31: {  	[spmem:s8] =	stream.linear.scatter [tilespmem:s13], [sflag:$0x2], $0x4000, $0x38;
	[tilespmem:$0x1D000] =	vst v63  }
0x32: {  	_ =	swait.ge [sflag:s14], $0x4000  }
0x33: {  	[sflag:s14] =	ssyncset.done $0x0  }
0x34: {  	[sflag:s14] =	ssyncadd.s32 $0xFFFFC000  }
0x35: {  	[spmem:s9] =	stream.linear.scatter [tilespmem:s13], [sflag:$0x2], $0x4000, $0x38;
	[tilespmem:$0x1D000] =	vst v63  }
0x36: {  	_ =	swait.ge [sflag:s14], $0x4000  }
0x37: {  	[sflag:s14] =	ssyncset.done $0x0  }
0x38: {  	s29 =	simm.s32 $0x0;
	[sflag:s14] =	ssyncadd.s32 $0xFFFFC000  }
0x39: {  	[tilespmem:s29], [sflag:$0x2] =	stream.linear.gather [hbm4b:s10+s29], $0x2780, $0x38;
	[tilespmem:$0x1D000] =	vst v63  }
0x3a: {  	_ =	swait.ge [sflag:s14], $0x2780  }
0x3b: {  	[sflag:s14] =	ssyncset.done $0x0  }
0x3c: {  	[sflag:s14] =	ssyncadd.s32 $0xFFFFD880  }
0x3d: {  	[tilespmem:s15], [sflag:$0x2] =	stream.linear.gather [hbm4b:s11+s29], $0x2780, $0x38;
	[tilespmem:$0x1D000] =	vst v63  }
0x3e: {  	_ =	swait.ge [sflag:s14], $0x2780  }
0x3f: {  	[sflag:s14] =	ssyncset.done $0x0  }
0x40: {  	[sflag:s14] =	ssyncadd.s32 $0xFFFFD880  }
0x41: {  	s30 =	simm.s32 $0x0;
	[bflag:$0x0] =	sbarrier.arrive $0xFFFF  }
0x42: {  	[tilespmem:s13], [sflag:$0x1] =	stream.indirect.gather [hbm4b:s4+s16], $0x80, s30, s16, $0xb8;
	[tilespmem:$0x1D000] =	vst v63  }
0x43: {  	_ =	swait.ge [sflag:s17], $0x4000  }
0x44: {  	[sflag:s17] =	ssyncset.done $0x0  }
0x45: {  	s31 =	simm.s32 $0x2800;
	[sflag:s17] =	ssyncadd.s32 $0xFFFFC000  }
0x46: {  	[spmem:s2] =	stream.indirect.scatter.add.f32 [tilespmem:s13], [sflag:$0x2], $0x80, s31, s16, $0xb8;
	[tilespmem:$0x1D000] =	vst v63  }
0x47: {  	_ =	swait.ge [sflag:s14], $0x4000  }
0x48: {  	s24 =	simm.s32 $0x200;
	s25 =	simm.s32 $0x400;
	[sflag:s14] =	ssyncset.done $0x0  }
.LBB2_4:
0x49: {  	s26 =	sshra.s32 s24, $0x2  }
0x4a: {  	[sflag:s14] =	ssyncadd.s32 $0xFFFFC000;
	s24 =	smov.u32 s25;
	s28 =	sadd.s32 $0x200, s25  }
0x4b: {  	[tilespmem:s13], [sflag:$0x1] =	stream.indirect.gather [hbm4b:s4+s16], $0x80, s26, s16, $0xb8;
	[tilespmem:$0x1D000] =	vst v63  }
0x4c: {  	p0 =	sne.s32 s25, $0x9C00;
	_ =	swait.ge [sflag:s17], $0x4000  }
.Ltmp1:
0x4d: {  	[sflag:s17] =	ssyncset.done $0x0;
	(pc) =	sbr.rel @p0 .LBB2_4-.Ltmp1, $4  }
0x4e: {  	s25 =	sadd.s32 $0x2800, s26;
	[sflag:s17] =	ssyncadd.s32 $0xFFFFC000  }
0x4f: {  	[spmem:s2] =	stream.indirect.scatter.add.f32 [tilespmem:s13], [sflag:$0x2], $0x80, s25, s16, $0xb8;
	[tilespmem:$0x1D000] =	vst v63  }
0x50: {  	_ =	swait.ge [sflag:s14], $0x4000  }
0x51: {  	s25 =	smov.u32 s28;
	[sflag:s14] =	ssyncset.done $0x0  }
0x52: {  	s24 =	sshra.s32 s24, $0x2;
	[sflag:s14] =	ssyncadd.s32 $0xFFFFC000  }
0x53: {  	[tilespmem:s13], [sflag:$0x1] =	stream.indirect.gather [hbm4b:s4+s16], $0x80, s24, s16, $0xb8;
	[tilespmem:$0x1D000] =	vst v63  }
0x54: {  	_ =	swait.ge [sflag:s17], $0x4000  }
0x55: {  	[sflag:s17] =	ssyncset.done $0x0  }
0x56: {  	s24 =	sadd.s32 $0x2800, s24;
	[sflag:s17] =	ssyncadd.s32 $0xFFFFC000  }
0x57: {  	[spmem:s2] =	stream.indirect.scatter.add.f32 [tilespmem:s13], [sflag:$0x2], $0x80, s24, s16, $0xb8;
	[tilespmem:$0x1D000] =	vst v63  }
0x58: {  	_ =	swait.ge [sflag:s14], $0x4000  }
0x59: {  	[sflag:s14] =	ssyncset.done $0x0  }
0x5a: {  	[sflag:s14] =	ssyncadd.s32 $0xFFFFC000  }
0x5b: {  	[bflag:$0x0] =	sbarrier.arrive $0xFFFF  }
0x5c: {  	[tilespmem:s13], [sflag:$0x2] =	stream.linear.gather [spmem:s5], $0x4000, $0x38;
	[tilespmem:$0x1D000] =	vst v63  }
0x5d: {  	_ =	swait.ge [sflag:s14], $0x4000  }
0x5e: {  	[sflag:s14] =	ssyncset.done $0x0  }
0x5f: {  	[sflag:s14] =	ssyncadd.s32 $0xFFFFC000  }
0x60: {  	[hbm4b:s18+s3] =	stream.linear.scatter [tilespmem:s13], [sflag:$0x2], $0x4000, $0x38;
	[tilespmem:$0x1D000] =	vst v63  }
0x61: {  	_ =	swait.ge [sflag:s14], $0x4000  }
0x62: {  	[sflag:s14] =	ssyncset.done $0x0  }
0x63: {  	[sflag:s14] =	ssyncadd.s32 $0xFFFFC000  }
0x64: {  	[tilespmem:s13], [sflag:$0x2] =	stream.linear.gather [spmem:s6], $0x4000, $0x38;
	[tilespmem:$0x1D000] =	vst v63  }
0x65: {  	_ =	swait.ge [sflag:s14], $0x4000  }
0x66: {  	[sflag:s14] =	ssyncset.done $0x0  }
0x67: {  	[sflag:s14] =	ssyncadd.s32 $0xFFFFC000  }
0x68: {  	[hbm4b:s19+s3] =	stream.linear.scatter [tilespmem:s13], [sflag:$0x2], $0x4000, $0x38;
	[tilespmem:$0x1D000] =	vst v63  }
0x69: {  	_ =	swait.ge [sflag:s14], $0x4000  }
0x6a: {  	[sflag:s14] =	ssyncset.done $0x0  }
0x6b: {  	[sflag:s14] =	ssyncadd.s32 $0xFFFFC000  }
0x6c: {  	[tilespmem:s13], [sflag:$0x2] =	stream.linear.gather [spmem:s7], $0x4000, $0x38;
	[tilespmem:$0x1D000] =	vst v63  }
0x6d: {  	_ =	swait.ge [sflag:s14], $0x4000  }
0x6e: {  	[sflag:s14] =	ssyncset.done $0x0  }
0x6f: {  	[sflag:s14] =	ssyncadd.s32 $0xFFFFC000  }
0x70: {  	[hbm4b:s20+s3] =	stream.linear.scatter [tilespmem:s13], [sflag:$0x2], $0x4000, $0x38;
	[tilespmem:$0x1D000] =	vst v63  }
0x71: {  	_ =	swait.ge [sflag:s14], $0x4000  }
0x72: {  	[sflag:s14] =	ssyncset.done $0x0  }
0x73: {  	[sflag:s14] =	ssyncadd.s32 $0xFFFFC000  }
0x74: {  	[tilespmem:s13], [sflag:$0x2] =	stream.linear.gather [spmem:s8], $0x4000, $0x38;
	[tilespmem:$0x1D000] =	vst v63  }
0x75: {  	_ =	swait.ge [sflag:s14], $0x4000  }
0x76: {  	[sflag:s14] =	ssyncset.done $0x0  }
0x77: {  	[sflag:s14] =	ssyncadd.s32 $0xFFFFC000  }
0x78: {  	[hbm4b:s21+s3] =	stream.linear.scatter [tilespmem:s13], [sflag:$0x2], $0x4000, $0x38;
	[tilespmem:$0x1D000] =	vst v63  }
0x79: {  	_ =	swait.ge [sflag:s14], $0x4000  }
0x7a: {  	[sflag:s14] =	ssyncset.done $0x0  }
0x7b: {  	[sflag:s14] =	ssyncadd.s32 $0xFFFFC000  }
0x7c: {  	[tilespmem:s13], [sflag:$0x2] =	stream.linear.gather [spmem:s9], $0x4000, $0x38;
	[tilespmem:$0x1D000] =	vst v63  }
0x7d: {  	s23 =	sadd.s32 $0x1, s23;
	_ =	swait.ge [sflag:s14], $0x4000  }
0x7e: {  	p0 =	sne.s32 s23, s12;
	[sflag:s14] =	ssyncset.done $0x0  }
.Ltmp2:
0x7f: {  	[sflag:s14] =	ssyncadd.s32 $0xFFFFC000;
	(pc) =	sbr.rel @p0 .LBB2_1-.Ltmp2, $4  }
0x80: {  	[hbm4b:s22+s3] =	stream.linear.scatter [tilespmem:s13], [sflag:$0x2], $0x4000, $0x38;
	[tilespmem:$0x1D000] =	vst v63  }
0x81: {  	_ =	swait.ge [sflag:s14], $0x4000  }
0x82: {  	[sflag:s14] =	ssyncset.done $0x0  }
0x83: {  	[sflag:s14] =	ssyncadd.s32 $0xFFFFC000  }
0x84: {  	_ =	sfence.sel $0x180000  }
0x85: {  	[bflag:$0x0] =	sbarrier.arrive $0xFFFF  }
0x86: {  	p0 =	sne.s32 s0, $0x0;
	_ =	strace $0x9000004A  }
0x87: {  	s0 =	sadd.s32 @!p0 $0x100000, s1;
	[bflag:$0x2] =	sbarrier.arrive $0xFFFF  }
0x88: {  	[sflag:s0] =	ssyncadd.tile.s32 @!p0 $0x1;
	_ =	shalt  }
.Lfunc_end2:
_tile_overlayer_lowered:
.L_overlay_start_2:
0x89: {  	(tag) =	ssettag $0x2  }
0x8a: {  	s0 =	rddreg [dreg:$0x0];
	s2 =	stileid.u32  }
0x8b: {  	s1 =	rddreg [dreg:$0x1];
	p0 =	sne.s32 s2, $0x0  }
0x8c: {  	s3 =	rddreg [dreg:$0x2];
	[bflag:$0x3] =	sbarrier.arrive $0xFFFF;
	s2 =	simm.s32 @!p0 $0x1C02  }
0x8d: {  	[timem:s3], [sflag:s2] =	dma.local @!p0 [hbm:s0], s1  }
0x8e: {  	s0 =	simm.s32 @!p0 $0x2  }
0x8f: {  	_ =	swait.ge @!p0 [sflag:s0], s1  }
0x90: {  	s1 =	ssub.s32 @!p0 $0x0, s1;
	[sflag:s0] =	ssyncset.done @!p0 $0x0  }
0x91: {  	[sflag:s0] =	ssyncadd.s32 @!p0 s1  }
0x92: {  	[bflag:$0x3] =	sbarrier.arrive $0xFFFF  }
0x93: {  	_ =	shalt  }

// kernel: kernel.16.cloned.1.call-start
scs
__scs_entry_jumppad:
0x0: {  	(pc) =	sbr.rel $0x88, $3  }
0x1: {  	(tag) =	ssettag $0x0;
	lr =	simm.s32 $0x1  }
0x2: {  	[smem:$0x3F94] =	sst lr;
	_ =	strace $0xD0000000  }
0x3: {  	_ = 	snop  }
0x4: {  	_ = 	snop  }
0x5: {  	_ = 	snop  }
0x6: {  	_ = 	snop  }
0x7: {  	_ = 	snop  }
__scs_overlays_trampoline_lowered:
0x8: {  	[smem:$0x3FA3] =	sst s0  }
0x9: {  	[smem:$0x3FA4] =	sst s1  }
0xa: {  	[smem:$0x3FA5] =	sst s2  }
0xb: {  	[smem:$0x3FA6] =	sst s3  }
0xc: {  	[smem:$0x3FA7] =	sst s4  }
0xd: {  	[smem:$0x3FA8] =	sst s5  }
0xe: {  	[smem:$0x3FA9] =	sst s6  }
0xf: {  	[smem:$0x3FAA] =	sst s7  }
0x10: {  	[smem:$0x3FAB] =	sst s8  }
0x11: {  	[smem:$0x3FAC] =	sst s9;
	s0 =	simm.s32 @!p0 $0x0  }
0x12: {  	s1 =	sld [smem:$0x3F92];
	s0 =	simm.s32 @p0 $0x1  }
0x13: {  	[smem:$0x3FAD] =	sst s0;
	s0 =	simm.s32 @!p1 $0x0  }
0x14: {  	s2 =	sld [smem:$0x3F91];
	s0 =	simm.s32 @p1 $0x1  }
0x15: {  	[smem:$0x3FAE] =	sst s0;
	s0 =	simm.s32 @!p2 $0x0  }
0x16: {  	s3 =	sld [smem:$0x3FDB];
	s0 =	simm.s32 @p2 $0x1  }
0x17: {  	s4 =	simm.s32 $0x1BF5;
	[smem:$0x3FB0] =	sst s0  }
0x18: {  	s0 =	sld [smem:$0x3F93];
	_ =	swait.ge [sflag:s4], $0x0  }
0x19: {  	s7 =	sld [smem:$0x3F94]  }
0x1a: {  	s8 =	sadd.s32 $0xFFFFE003, lr  }
0x1b: {  	s9 =	sadd.s32 $0xFFFFFEF7, lr;
	s5 =	simm.s32 $0xFFFFFFFF;
	p2 =	slt.u32 s8, $0xFFFFF086  }
0x1c: {  	p1 =	slt.u32 s9, $0xF7A;
	s5 =	simm.s32 @!p2 $0x0  }
0x1d: {  	s5 =	simm.s32 @p1 $0x1;
	p0 =	seq.s32 s7, s2  }
0x1e: {  	s7 =	smul.u32 @!p0 $0xF7A, s2;
	p2 =	seq.s32 @!p0 s5, $0x0  }
0x1f: {  	s9 =	smul.u32 $0xF7A, s1;
	s8 =	simm.s32 @!p0 $0x1BF5;
	p2 =	por !p2, p0  }
0x20: {  	[sflag:s8] =	ssyncset.s32 @!p0 $0xFFFFF086;
	s6 =	sadd.s32 @!p0 s3, s7;
	s7 =	simm.s32 @!p0 $0x108  }
0x21: {  	s3 =	sadd.s32 s3, s9;
	s6 =	sadd.s32 @!p0 $0x88, s6;
	s7 =	simm.s32 @p2 $0x1082  }
0x22: {  	[simem:s7], [sflag:s8] =	dma.local @!p0 [hbm:s6], $0xF7A  }
0x23: {  	s9 =	sor.u32 $0xD0000000, s2;
	s6 =	simm.s32 $0x108;
	_ =	swait.ge @!p0 [sflag:s8], $0x0  }
0x24: {  	s3 =	sadd.s32 $0x88, s3;
	s6 =	simm.s32 @!p1 $0x1082;
	[sflag:s4] =	ssyncset.s32 $0xFFFFF086  }
0x25: {  	[simem:s6], [sflag:s4] =	dma.local [hbm:s3], $0xF7A  }
0x26: {  	[smem:$0x3F94] =	sst s1;
	(tag) =	ssettag s2;
	_ =	strace s9  }
0x27: {  	s1 =	sld [smem:$0x3FA4]  }
0x28: {  	s2 =	sld [smem:$0x3FA5]  }
0x29: {  	s4 =	sld [smem:$0x3FA7]  }
0x2a: {  	p0 =	seq.s32 s5, $0x0;
	s5 =	sld [smem:$0x3FA8]  }
0x2b: {  	s6 =	sld [smem:$0x3FA9]  }
0x2c: {  	s7 =	sld [smem:$0x3FAA]  }
0x2d: {  	s3 =	simm.s32 $0x108;
	s8 =	sld [smem:$0x3FAB]  }
0x2e: {  	s3 =	simm.s32 @!p0 $0x1082;
	s9 =	sld [smem:$0x3FAC]  }
0x2f: {  	lr =	sadd.s32 s0, s3;
	s0 =	sld [smem:$0x3FA3]  }
0x30: {  	s3 =	sld [smem:$0x3FA6]  }
0x31: {  	[smem:$0x3FAF] =	sst s10  }
0x32: {  	s10 =	sld [smem:$0x3FAD];
	_ =	sdelay $0x3  }
0x33: {  	p0 =	seq.s32 s10, $0x1;
	s10 =	sld [smem:$0x3FAF];
	_ =	sdelay $0x3  }
0x34: {  	[smem:$0x3FAF] =	sst s10  }
0x35: {  	s10 =	sld [smem:$0x3FAE];
	_ =	sdelay $0x3  }
0x36: {  	p1 =	seq.s32 s10, $0x1;
	s10 =	sld [smem:$0x3FAF];
	_ =	sdelay $0x3  }
0x37: {  	[smem:$0x3FAF] =	sst s10  }
0x38: {  	s10 =	sld [smem:$0x3FB0]  }
0x39: {  	_ = 	snop;
	(pc) =	sbr.ind lr, $3  }
0x3a: {  	_ = 	snop  }
0x3b: {  	_ = 	snop  }
0x3c: {  	p2 =	seq.s32 s10, $0x1;
	s10 =	sld [smem:$0x3FAF]  }
0x3d: {  	_ =	shalt  }
0x3e: {  	_ =	shalt  }
0x3f: {  	_ =	shalt  }
0x40: {  	_ =	shalt  }
0x41: {  	_ =	shalt  }
0x42: {  	_ =	shalt  }
0x43: {  	_ =	shalt  }
0x44: {  	_ =	shalt  }
0x45: {  	_ =	shalt  }
0x46: {  	_ =	shalt  }
0x47: {  	_ =	shalt  }
0x48: {  	_ =	shalt  }
0x49: {  	_ =	shalt  }
0x4a: {  	_ =	shalt  }
0x4b: {  	_ =	shalt  }
0x4c: {  	_ =	shalt  }
0x4d: {  	_ =	shalt  }
0x4e: {  	_ =	shalt  }
0x4f: {  	_ =	shalt  }
0x50: {  	_ =	shalt  }
0x51: {  	_ =	shalt  }
0x52: {  	_ =	shalt  }
0x53: {  	_ =	shalt  }
0x54: {  	_ =	shalt  }
0x55: {  	_ =	shalt  }
0x56: {  	_ =	shalt  }
0x57: {  	_ =	shalt  }
0x58: {  	_ =	shalt  }
0x59: {  	_ =	shalt  }
0x5a: {  	_ =	shalt  }
0x5b: {  	_ =	shalt  }
0x5c: {  	_ =	shalt  }
0x5d: {  	_ =	shalt  }
0x5e: {  	_ =	shalt  }
0x5f: {  	_ =	shalt  }
0x60: {  	_ =	shalt  }
0x61: {  	_ =	shalt  }
0x62: {  	_ =	shalt  }
0x63: {  	_ =	shalt  }
0x64: {  	_ =	shalt  }
0x65: {  	_ =	shalt  }
0x66: {  	_ =	shalt  }
0x67: {  	_ =	shalt  }
0x68: {  	_ =	shalt  }
0x69: {  	_ =	shalt  }
0x6a: {  	_ =	shalt  }
0x6b: {  	_ =	shalt  }
0x6c: {  	_ =	shalt  }
0x6d: {  	_ =	shalt  }
0x6e: {  	_ =	shalt  }
0x6f: {  	_ =	shalt  }
0x70: {  	_ =	shalt  }
0x71: {  	_ =	shalt  }
0x72: {  	_ =	shalt  }
0x73: {  	_ =	shalt  }
0x74: {  	_ =	shalt  }
0x75: {  	_ =	shalt  }
0x76: {  	_ =	shalt  }
0x77: {  	_ =	shalt  }
0x78: {  	_ =	shalt  }
0x79: {  	_ =	shalt  }
0x7a: {  	_ =	shalt  }
0x7b: {  	_ =	shalt  }
0x7c: {  	_ =	shalt  }
0x7d: {  	_ =	shalt  }
0x7e: {  	_ =	shalt  }
0x7f: {  	_ =	shalt  }
0x80: {  	_ =	shalt  }
0x81: {  	_ =	shalt  }
0x82: {  	_ =	shalt  }
0x83: {  	_ =	shalt  }
0x84: {  	_ =	shalt  }
0x85: {  	_ =	shalt  }
0x86: {  	_ =	shalt  }
0x87: {  	_ =	shalt  }
.Lfunc_end0:
.L_simem_size_0:
called_computation.2_lowered:
.L_overlay_start_0:
0x88: {  	s2 =	sld [smem:$0x3FD9]  }
0x89: {  	s3 =	sld [smem:$0x3FFE];
	_ =	sdelay $0x1  }
0x8a: {  	s1 =	srdreg.scid  }
0x8b: {  	s0 =	sand.u32 $0x1, s1  }
0x8c: {  	s16 =	sshll.u32 s0, $0xA;
	s2 =	sadd.s32 s3, s2  }
0x8d: {  	s2 =	sadd.s32 s2, s16  }
0x8e: {  	[smem:$0x3FBB] =	sst s2  }
0x8f: {  	_ = 	snop  }
0x90: {  	(tm) =	ssettm $0x1  }
0x91: {  	s17 =	sld [smem:$0x3FFB];
	_ =	sdelay $0x3  }
0x92: {  	_ =	strace s17  }
0x93: {  	s2 =	sld [smem:$0x3FFC];
	_ =	sdelay $0x3  }
0x94: {  	_ =	strace s2  }
0x95: {  	s2 =	sld [smem:$0x3FFD];
	_ =	sdelay $0x3  }
0x96: {  	_ =	strace s2  }
0x97: {  	_ =	strace $0x8FFFFFFF  }
0x98: {  	s18 =	sld [smem:$0x3FDB];
	_ =	sdelay $0x1  }
0x99: {  	s19 =	simm.s32 $_scs_section_size  }
0x9a: {  	s4 =	simm.s32 $_size__tile_overlayer_lowered;
	s5 =	simm.s32 $_tile_overlayer_lowered  }
0x9b: {  	s22 =	simm.s32 $0x1BFF;
	s21 =	sshll.u32 s5, $0x1;
	s2 =	sadd.s32 s19, s18  }
0x9c: {  	s6 =	simm.s32 $0x0;
	s20 =	sshll.u32 s4, $0x1;
	s4 =	sadd.s32 s21, s2  }
0x9d: {  	[timem:s6], [sflag:s22] =	dma.local [hbm:s4], s20  }
0x9e: {  	_ =	swait.ge [sflag:s22], s20  }
0x9f: {  	s3 =	ssub.s32 $0x0, s20;
	[sflag:s22] =	ssyncset.done $0x0  }
0xa0: {  	[sflag:s22] =	ssyncadd.s32 s3;
	_ =	sdelay $0x1  }
0xa1: {  	s23 =	simm.s32 $0x1B8B  }
0xa2: {  	_ =	swait.ge [sflag:s23], $0x1  }
0xa3: {  	[sflag:s23] =	ssyncset.done $0x0  }
0xa4: {  	s25 =	simm.s32 $0x1B8E;
	s24 =	sld [smem:$0x3FFE];
	[sflag:s23] =	ssyncadd.s32 $0xFFFFFFFF  }
0xa5: {  	s26 =	simm.s32 $execute0_lowered;
	[smem:$0x3FD2] =	sst s25  }
0xa6: {  	s4 =	sshll.u32 s26, $0x1;
	_ =	strace $0x8000004C;
	[dreg:$0x1] =	wrdreg $0xFFFFFFFF  }
0xa7: {  	s28 =	simm.s32 $_size_execute0_lowered;
	s2 =	sadd.s32 s2, s4;
	[dreg:$0x0] =	wrdreg $0x0  }
0xa8: {  	s4 =	sshll.u32 s28, $0x1;
	[dreg:$0x2] =	wrdreg s2  }
0xa9: {  	[dreg:$0x3] =	wrdreg s4  }
0xaa: {  	[dreg:$0x4] =	wrdreg $0xC0  }
0xab: {  	_ =	task [dreg:s6], $0x5FFFF  }
0xac: {  	[dreg:$0x1] =	wrdreg $0xFFFFFFFF  }
0xad: {  	[dreg:$0x0] =	wrdreg $0x60  }
0xae: {  	[dreg:$0x2] =	wrdreg s24  }
0xaf: {  	[dreg:$0x3] =	wrdreg $0x90000  }
0xb0: {  	[dreg:$0x4] =	wrdreg $0x9  }
0xb1: {  	_ =	task.clear_ibuf [dreg:s6], $0x5FFFF;
	_ =	strace $0x9000004C  }
0xb2: {  	s29 =	simm.s32 $0x9;
	_ =	strace $0x8000004E  }
0xb3: {  	_ =	swait.ge [sflag:s29], $0x1  }
0xb4: {  	[sflag:s29] =	ssyncadd.s32 $0xFFFFFFFF  }
0xb5: {  	_ =	strace $0x9000004E  }
0xb6: {  	_ =	sfence  }
0xb7: {  	s30 =	sld [smem:$0x0];
	_ =	sdelay $0x2  }
0xb8: {  	s31 =	sshll.u32 s1, $0xD;
	s1 =	sshrl.u32 s1, $0x2  }
0xb9: {  	s3 =	sand.u32 $0x4000, s31;
	s1 =	sadd.s32 s1, s30  }
0xba: {  	s0 =	sor.u32 s3, s0;
	s1 =	sshll.u32 s1, $0x11  }
0xbb: {  	s0 =	sor.u32 s1, s0  }
0xbc: {  	s0 =	sadd.s32 $0x8F2B, s0  }
0xbd: {  	[sflag:s0] =	ssyncadd.remote.s32 $0x1  }
0xbe: {  	_ =	sfence.sel $0xFFFF  }
0xbf: {  	[dreg:$0x0] =	wrdreg $0xFFFFFFFF;
	(pc) =	sbr.abs _section_cstart, $3  }
0xc0: {  	[dreg:$0x1] =	wrdreg $0xFFFFFFFF  }
0xc1: {  	_ =	task.clear_ibuf [dreg:s6], $0x2FFFF;
	_ =	strace $0x9FFFFFFF  }
0xc2: {  	(tm) =	ssettm $0x7FFFFFFF  }
0xc3: {  	_ =	shalt  }
tec
execute0_lowered:
.L_overlay_start_1:
0x0: {  	(tag) =	ssettag $0x1  }
0x1: {  	s0 =	srdreg.scid;
	s6 =	rddreg [dreg:$0x0]  }
0x2: {  	s2 =	rddreg [dreg:$0x1];
	s5 =	sand.u32 $0x1, s0  }
0x3: {  	s3 =	simm.s32 $0x0;
	s0 =	stileid.u32;
	s8 =	smul.u32 $0x28000, s5  }
0x4: {  	[smem:$0x7FF] =	sst s3;
	s4 =	sadd.s32 $0x17800, s6;
	s9 =	smul.u32 $0x280, s0  }
0x5: {  	s1 =	sshll.u32 s5, $0x4;
	s10 =	smul.u32 $0x50000, s0;
	s5 =	ssub.s32 $0x2, s5  }
0x6: {  	s18 =	smul.u32 $0x2800, s0;
	s1 =	sor.u32 s0, s1;
	s26 =	sshrl.u32 s5, $0x1  }
0x7: {  	s7 =	smul.u32 $0x500, s1;
	s1 =	rddreg [dreg:$0x2];
	_ =	strace $0x8000004D  }
0x8: {  	s12 =	sadd.s32 s8, s6;
	s28 =	sshrl.u32 s10, $0x2;
	s13 =	sadd.s32 $0x80, s9  }
0x9: {  	s14 =	ssub.s32 s5, s26;
	s15 =	sadd.s32 $0x100, s9;
	s16 =	sadd.s32 $0x180, s9  }
0xa: {  	s17 =	sadd.s32 $0x200, s9;
	s5 =	sadd.s32 s28, s2;
	s29 =	sshll.u32 s13, $0x7  }
0xb: {  	s30 =	sshll.u32 s15, $0x7;
	s31 =	sshll.u32 s16, $0x7;
	s9 =	sshll.u32 s17, $0x7  }
0xc: {  	s22 =	sadd.s32 $0x8EA00, s12;
	s19 =	sshll.u32 s13, $0x4;
	s20 =	sshll.u32 s15, $0x4  }
0xd: {  	s21 =	sshll.u32 s16, $0x4;
	s23 =	sshll.u32 s17, $0x4;
	s12 =	smax.u32 s14, $0x1  }
0xe: {  	s13 =	simm.s32 $0x5000;
	s14 =	simm.s32 $0x2;
	s15 =	simm.s32 $0x2800  }
0xf: {  	s16 =	simm.s32 $0x80;
	s17 =	simm.s32 $0x1;
	s11 =	sadd.s32 s7, s6  }
0x10: {  	s6 =	sadd.s32 s29, s2;
	s7 =	sadd.s32 s30, s2;
	s8 =	sadd.s32 s31, s2  }
0x11: {  	s9 =	sadd.s32 s9, s2;
	s18 =	sadd.s32 s18, s22;
	s19 =	sadd.s32 s19, s22  }
0x12: {  	s20 =	sadd.s32 s20, s22;
	s21 =	sadd.s32 s21, s22;
	s22 =	sadd.s32 s23, s22  }
0x13: {  	v0 =	vimm.f32 $0.0e+00;
	s23 =	simm.s32 $0x0;
	s10 =	sadd.s32 $0x3800, s11;
	s11 =	sadd.s32 $0xD800, s11  }
.LBB2_1:
0x14: {  	s24 =	simm.s32 $0x0;
	s25 =	simm.s32 $0x200  }
.LBB2_2:
0x15: {  	p0 =	sne.s32 s25, $0xFE00;
	[tilespmem:s24+$0x5070] =	vst v0  }
0x16: {  	[tilespmem:s24+$0x5000] =	vst v0  }
0x17: {  	[tilespmem:s24+$0x5010] =	vst v0  }
.Ltmp0:
0x18: {  	[tilespmem:s24+$0x5020] =	vst v0;
	(pc) =	sbr.rel @p0 .LBB2_2-.Ltmp0, $4  }
0x19: {  	[tilespmem:s24+$0x5030] =	vst v0  }
0x1a: {  	[tilespmem:s24+$0x5040] =	vst v0  }
0x1b: {  	[tilespmem:s24+$0x5050] =	vst v0  }
0x1c: {  	[tilespmem:s24+$0x5060] =	vst v0;
	s24 =	sshra.s32 s25, $0x2;
	s25 =	sadd.s32 $0x200, s25  }
0x1d: {  	[tilespmem:s24+$0x5070] =	vst v0  }
0x1e: {  	[tilespmem:s24+$0x5000] =	vst v0  }
0x1f: {  	[tilespmem:s24+$0x5010] =	vst v0  }
0x20: {  	[tilespmem:s24+$0x5020] =	vst v0  }
0x21: {  	[tilespmem:s24+$0x5030] =	vst v0  }
0x22: {  	[tilespmem:s24+$0x5040] =	vst v0  }
0x23: {  	[tilespmem:s24+$0x5050] =	vst v0  }
0x24: {  	[tilespmem:s24+$0x5060] =	vst v0  }
0x25: {  	[spmem:s5] =	stream.linear.scatter [tilespmem:s13], [sflag:$0x2], $0x4000, $0x38;
	[tilespmem:$0x1D000] =	vst v63  }
0x26: {  	_ =	swait.ge [sflag:s14], $0x4000  }
0x27: {  	[sflag:s14] =	ssyncset.done $0x0  }
0x28: {  	[sflag:s14] =	ssyncadd.s32 $0xFFFFC000  }
0x29: {  	[spmem:s6] =	stream.linear.scatter [tilespmem:s13], [sflag:$0x2], $0x4000, $0x38;
	[tilespmem:$0x1D000] =	vst v63  }
0x2a: {  	_ =	swait.ge [sflag:s14], $0x4000  }
0x2b: {  	[sflag:s14] =	ssyncset.done $0x0  }
0x2c: {  	[sflag:s14] =	ssyncadd.s32 $0xFFFFC000  }
0x2d: {  	[spmem:s7] =	stream.linear.scatter [tilespmem:s13], [sflag:$0x2], $0x4000, $0x38;
	[tilespmem:$0x1D000] =	vst v63  }
0x2e: {  	_ =	swait.ge [sflag:s14], $0x4000  }
0x2f: {  	[sflag:s14] =	ssyncset.done $0x0  }
0x30: {  	[sflag:s14] =	ssyncadd.s32 $0xFFFFC000  }
0x31: {  	[spmem:s8] =	stream.linear.scatter [tilespmem:s13], [sflag:$0x2], $0x4000, $0x38;
	[tilespmem:$0x1D000] =	vst v63  }
0x32: {  	_ =	swait.ge [sflag:s14], $0x4000  }
0x33: {  	[sflag:s14] =	ssyncset.done $0x0  }
0x34: {  	[sflag:s14] =	ssyncadd.s32 $0xFFFFC000  }
0x35: {  	[spmem:s9] =	stream.linear.scatter [tilespmem:s13], [sflag:$0x2], $0x4000, $0x38;
	[tilespmem:$0x1D000] =	vst v63  }
0x36: {  	_ =	swait.ge [sflag:s14], $0x4000  }
0x37: {  	[sflag:s14] =	ssyncset.done $0x0  }
0x38: {  	s29 =	simm.s32 $0x0;
	[sflag:s14] =	ssyncadd.s32 $0xFFFFC000  }
0x39: {  	[tilespmem:s29], [sflag:$0x2] =	stream.linear.gather [hbm4b:s10+s29], $0x2780, $0x38;
	[tilespmem:$0x1D000] =	vst v63  }
0x3a: {  	_ =	swait.ge [sflag:s14], $0x2780  }
0x3b: {  	[sflag:s14] =	ssyncset.done $0x0  }
0x3c: {  	[sflag:s14] =	ssyncadd.s32 $0xFFFFD880  }
0x3d: {  	[tilespmem:s15], [sflag:$0x2] =	stream.linear.gather [hbm4b:s11+s29], $0x2780, $0x38;
	[tilespmem:$0x1D000] =	vst v63  }
0x3e: {  	_ =	swait.ge [sflag:s14], $0x2780  }
0x3f: {  	[sflag:s14] =	ssyncset.done $0x0  }
0x40: {  	[sflag:s14] =	ssyncadd.s32 $0xFFFFD880  }
0x41: {  	s30 =	simm.s32 $0x0;
	[bflag:$0x0] =	sbarrier.arrive $0xFFFF  }
0x42: {  	[tilespmem:s13], [sflag:$0x1] =	stream.indirect.gather [hbm4b:s4+s16], $0x80, s30, s16, $0xb8;
	[tilespmem:$0x1D000] =	vst v63  }
0x43: {  	_ =	swait.ge [sflag:s17], $0x4000  }
0x44: {  	[sflag:s17] =	ssyncset.done $0x0  }
0x45: {  	s31 =	simm.s32 $0x2800;
	[sflag:s17] =	ssyncadd.s32 $0xFFFFC000  }
0x46: {  	[spmem:s2] =	stream.indirect.scatter.add.f32 [tilespmem:s13], [sflag:$0x2], $0x80, s31, s16, $0xb8;
	[tilespmem:$0x1D000] =	vst v63  }
0x47: {  	_ =	swait.ge [sflag:s14], $0x4000  }
0x48: {  	s24 =	simm.s32 $0x200;
	s25 =	simm.s32 $0x400;
	[sflag:s14] =	ssyncset.done $0x0  }
.LBB2_4:
0x49: {  	s26 =	sshra.s32 s24, $0x2  }
0x4a: {  	[sflag:s14] =	ssyncadd.s32 $0xFFFFC000;
	s24 =	smov.u32 s25;
	s28 =	sadd.s32 $0x200, s25  }
0x4b: {  	[tilespmem:s13], [sflag:$0x1] =	stream.indirect.gather [hbm4b:s4+s16], $0x80, s26, s16, $0xb8;
	[tilespmem:$0x1D000] =	vst v63  }
0x4c: {  	p0 =	sne.s32 s25, $0x9C00;
	_ =	swait.ge [sflag:s17], $0x4000  }
.Ltmp1:
0x4d: {  	[sflag:s17] =	ssyncset.done $0x0;
	(pc) =	sbr.rel @p0 .LBB2_4-.Ltmp1, $4  }
0x4e: {  	s25 =	sadd.s32 $0x2800, s26;
	[sflag:s17] =	ssyncadd.s32 $0xFFFFC000  }
0x4f: {  	[spmem:s2] =	stream.indirect.scatter.add.f32 [tilespmem:s13], [sflag:$0x2], $0x80, s25, s16, $0xb8;
	[tilespmem:$0x1D000] =	vst v63  }
0x50: {  	_ =	swait.ge [sflag:s14], $0x4000  }
0x51: {  	s25 =	smov.u32 s28;
	[sflag:s14] =	ssyncset.done $0x0  }
0x52: {  	s24 =	sshra.s32 s24, $0x2;
	[sflag:s14] =	ssyncadd.s32 $0xFFFFC000  }
0x53: {  	[tilespmem:s13], [sflag:$0x1] =	stream.indirect.gather [hbm4b:s4+s16], $0x80, s24, s16, $0xb8;
	[tilespmem:$0x1D000] =	vst v63  }
0x54: {  	_ =	swait.ge [sflag:s17], $0x4000  }
0x55: {  	[sflag:s17] =	ssyncset.done $0x0  }
0x56: {  	s24 =	sadd.s32 $0x2800, s24;
	[sflag:s17] =	ssyncadd.s32 $0xFFFFC000  }
0x57: {  	[spmem:s2] =	stream.indirect.scatter.add.f32 [tilespmem:s13], [sflag:$0x2], $0x80, s24, s16, $0xb8;
	[tilespmem:$0x1D000] =	vst v63  }
0x58: {  	_ =	swait.ge [sflag:s14], $0x4000  }
0x59: {  	[sflag:s14] =	ssyncset.done $0x0  }
0x5a: {  	[sflag:s14] =	ssyncadd.s32 $0xFFFFC000  }
0x5b: {  	[bflag:$0x0] =	sbarrier.arrive $0xFFFF  }
0x5c: {  	[tilespmem:s13], [sflag:$0x2] =	stream.linear.gather [spmem:s5], $0x4000, $0x38;
	[tilespmem:$0x1D000] =	vst v63  }
0x5d: {  	_ =	swait.ge [sflag:s14], $0x4000  }
0x5e: {  	[sflag:s14] =	ssyncset.done $0x0  }
0x5f: {  	[sflag:s14] =	ssyncadd.s32 $0xFFFFC000  }
0x60: {  	[hbm4b:s18+s3] =	stream.linear.scatter [tilespmem:s13], [sflag:$0x2], $0x4000, $0x38;
	[tilespmem:$0x1D000] =	vst v63  }
0x61: {  	_ =	swait.ge [sflag:s14], $0x4000  }
0x62: {  	[sflag:s14] =	ssyncset.done $0x0  }
0x63: {  	[sflag:s14] =	ssyncadd.s32 $0xFFFFC000  }
0x64: {  	[tilespmem:s13], [sflag:$0x2] =	stream.linear.gather [spmem:s6], $0x4000, $0x38;
	[tilespmem:$0x1D000] =	vst v63  }
0x65: {  	_ =	swait.ge [sflag:s14], $0x4000  }
0x66: {  	[sflag:s14] =	ssyncset.done $0x0  }
0x67: {  	[sflag:s14] =	ssyncadd.s32 $0xFFFFC000  }
0x68: {  	[hbm4b:s19+s3] =	stream.linear.scatter [tilespmem:s13], [sflag:$0x2], $0x4000, $0x38;
	[tilespmem:$0x1D000] =	vst v63  }
0x69: {  	_ =	swait.ge [sflag:s14], $0x4000  }
0x6a: {  	[sflag:s14] =	ssyncset.done $0x0  }
0x6b: {  	[sflag:s14] =	ssyncadd.s32 $0xFFFFC000  }
0x6c: {  	[tilespmem:s13], [sflag:$0x2] =	stream.linear.gather [spmem:s7], $0x4000, $0x38;
	[tilespmem:$0x1D000] =	vst v63  }
0x6d: {  	_ =	swait.ge [sflag:s14], $0x4000  }
0x6e: {  	[sflag:s14] =	ssyncset.done $0x0  }
0x6f: {  	[sflag:s14] =	ssyncadd.s32 $0xFFFFC000  }
0x70: {  	[hbm4b:s20+s3] =	stream.linear.scatter [tilespmem:s13], [sflag:$0x2], $0x4000, $0x38;
	[tilespmem:$0x1D000] =	vst v63  }
0x71: {  	_ =	swait.ge [sflag:s14], $0x4000  }
0x72: {  	[sflag:s14] =	ssyncset.done $0x0  }
0x73: {  	[sflag:s14] =	ssyncadd.s32 $0xFFFFC000  }
0x74: {  	[tilespmem:s13], [sflag:$0x2] =	stream.linear.gather [spmem:s8], $0x4000, $0x38;
	[tilespmem:$0x1D000] =	vst v63  }
0x75: {  	_ =	swait.ge [sflag:s14], $0x4000  }
0x76: {  	[sflag:s14] =	ssyncset.done $0x0  }
0x77: {  	[sflag:s14] =	ssyncadd.s32 $0xFFFFC000  }
0x78: {  	[hbm4b:s21+s3] =	stream.linear.scatter [tilespmem:s13], [sflag:$0x2], $0x4000, $0x38;
	[tilespmem:$0x1D000] =	vst v63  }
0x79: {  	_ =	swait.ge [sflag:s14], $0x4000  }
0x7a: {  	[sflag:s14] =	ssyncset.done $0x0  }
0x7b: {  	[sflag:s14] =	ssyncadd.s32 $0xFFFFC000  }
0x7c: {  	[tilespmem:s13], [sflag:$0x2] =	stream.linear.gather [spmem:s9], $0x4000, $0x38;
	[tilespmem:$0x1D000] =	vst v63  }
0x7d: {  	s23 =	sadd.s32 $0x1, s23;
	_ =	swait.ge [sflag:s14], $0x4000  }
0x7e: {  	p0 =	sne.s32 s23, s12;
	[sflag:s14] =	ssyncset.done $0x0  }
.Ltmp2:
0x7f: {  	[sflag:s14] =	ssyncadd.s32 $0xFFFFC000;
	(pc) =	sbr.rel @p0 .LBB2_1-.Ltmp2, $4  }
0x80: {  	[hbm4b:s22+s3] =	stream.linear.scatter [tilespmem:s13], [sflag:$0x2], $0x4000, $0x38;
	[tilespmem:$0x1D000] =	vst v63  }
0x81: {  	_ =	swait.ge [sflag:s14], $0x4000  }
0x82: {  	[sflag:s14] =	ssyncset.done $0x0  }
0x83: {  	[sflag:s14] =	ssyncadd.s32 $0xFFFFC000  }
0x84: {  	_ =	sfence.sel $0x180000  }
0x85: {  	[bflag:$0x0] =	sbarrier.arrive $0xFFFF  }
0x86: {  	p0 =	sne.s32 s0, $0x0;
	_ =	strace $0x9000004D  }
0x87: {  	s0 =	sadd.s32 @!p0 $0x100000, s1;
	[bflag:$0x2] =	sbarrier.arrive $0xFFFF  }
0x88: {  	[sflag:s0] =	ssyncadd.tile.s32 @!p0 $0x1;
	_ =	shalt  }
.Lfunc_end2:
_tile_overlayer_lowered:
.L_overlay_start_2:
0x89: {  	(tag) =	ssettag $0x2  }
0x8a: {  	s0 =	rddreg [dreg:$0x0];
	s2 =	stileid.u32  }
0x8b: {  	s1 =	rddreg [dreg:$0x1];
	p0 =	sne.s32 s2, $0x0  }
0x8c: {  	s3 =	rddreg [dreg:$0x2];
	[bflag:$0x3] =	sbarrier.arrive $0xFFFF;
	s2 =	simm.s32 @!p0 $0x1C02  }
0x8d: {  	[timem:s3], [sflag:s2] =	dma.local @!p0 [hbm:s0], s1  }
0x8e: {  	s0 =	simm.s32 @!p0 $0x2  }
0x8f: {  	_ =	swait.ge @!p0 [sflag:s0], s1  }
0x90: {  	s1 =	ssub.s32 @!p0 $0x0, s1;
	[sflag:s0] =	ssyncset.done @!p0 $0x0  }
0x91: {  	[sflag:s0] =	ssyncadd.s32 @!p0 s1  }
0x92: {  	[bflag:$0x3] =	sbarrier.arrive $0xFFFF  }
0x93: {  	_ =	shalt  }

// kernel: kernel.19.cloned.1.call-start
scs
__scs_entry_jumppad:
0x0: {  	(pc) =	sbr.rel $0x88, $3  }
0x1: {  	(tag) =	ssettag $0x0;
	lr =	simm.s32 $0x1  }
0x2: {  	[smem:$0x3F94] =	sst lr;
	_ =	strace $0xD0000000  }
0x3: {  	_ = 	snop  }
0x4: {  	_ = 	snop  }
0x5: {  	_ = 	snop  }
0x6: {  	_ = 	snop  }
0x7: {  	_ = 	snop  }
__scs_overlays_trampoline_lowered:
0x8: {  	[smem:$0x3FA3] =	sst s0  }
0x9: {  	[smem:$0x3FA4] =	sst s1  }
0xa: {  	[smem:$0x3FA5] =	sst s2  }
0xb: {  	[smem:$0x3FA6] =	sst s3  }
0xc: {  	[smem:$0x3FA7] =	sst s4  }
0xd: {  	[smem:$0x3FA8] =	sst s5  }
0xe: {  	[smem:$0x3FA9] =	sst s6  }
0xf: {  	[smem:$0x3FAA] =	sst s7  }
0x10: {  	[smem:$0x3FAB] =	sst s8  }
0x11: {  	[smem:$0x3FAC] =	sst s9;
	s0 =	simm.s32 @!p0 $0x0  }
0x12: {  	s1 =	sld [smem:$0x3F92];
	s0 =	simm.s32 @p0 $0x1  }
0x13: {  	[smem:$0x3FAD] =	sst s0;
	s0 =	simm.s32 @!p1 $0x0  }
0x14: {  	s2 =	sld [smem:$0x3F91];
	s0 =	simm.s32 @p1 $0x1  }
0x15: {  	[smem:$0x3FAE] =	sst s0;
	s0 =	simm.s32 @!p2 $0x0  }
0x16: {  	s3 =	sld [smem:$0x3FDB];
	s0 =	simm.s32 @p2 $0x1  }
0x17: {  	s4 =	simm.s32 $0x1BF5;
	[smem:$0x3FB0] =	sst s0  }
0x18: {  	s0 =	sld [smem:$0x3F93];
	_ =	swait.ge [sflag:s4], $0x0  }
0x19: {  	s7 =	sld [smem:$0x3F94]  }
0x1a: {  	s8 =	sadd.s32 $0xFFFFE003, lr  }
0x1b: {  	s9 =	sadd.s32 $0xFFFFFEF7, lr;
	s5 =	simm.s32 $0xFFFFFFFF;
	p2 =	slt.u32 s8, $0xFFFFF086  }
0x1c: {  	p1 =	slt.u32 s9, $0xF7A;
	s5 =	simm.s32 @!p2 $0x0  }
0x1d: {  	s5 =	simm.s32 @p1 $0x1;
	p0 =	seq.s32 s7, s2  }
0x1e: {  	s7 =	smul.u32 @!p0 $0xF7A, s2;
	p2 =	seq.s32 @!p0 s5, $0x0  }
0x1f: {  	s9 =	smul.u32 $0xF7A, s1;
	s8 =	simm.s32 @!p0 $0x1BF5;
	p2 =	por !p2, p0  }
0x20: {  	[sflag:s8] =	ssyncset.s32 @!p0 $0xFFFFF086;
	s6 =	sadd.s32 @!p0 s3, s7;
	s7 =	simm.s32 @!p0 $0x108  }
0x21: {  	s3 =	sadd.s32 s3, s9;
	s6 =	sadd.s32 @!p0 $0x88, s6;
	s7 =	simm.s32 @p2 $0x1082  }
0x22: {  	[simem:s7], [sflag:s8] =	dma.local @!p0 [hbm:s6], $0xF7A  }
0x23: {  	s9 =	sor.u32 $0xD0000000, s2;
	s6 =	simm.s32 $0x108;
	_ =	swait.ge @!p0 [sflag:s8], $0x0  }
0x24: {  	s3 =	sadd.s32 $0x88, s3;
	s6 =	simm.s32 @!p1 $0x1082;
	[sflag:s4] =	ssyncset.s32 $0xFFFFF086  }
0x25: {  	[simem:s6], [sflag:s4] =	dma.local [hbm:s3], $0xF7A  }
0x26: {  	[smem:$0x3F94] =	sst s1;
	(tag) =	ssettag s2;
	_ =	strace s9  }
0x27: {  	s1 =	sld [smem:$0x3FA4]  }
0x28: {  	s2 =	sld [smem:$0x3FA5]  }
0x29: {  	s4 =	sld [smem:$0x3FA7]  }
0x2a: {  	p0 =	seq.s32 s5, $0x0;
	s5 =	sld [smem:$0x3FA8]  }
0x2b: {  	s6 =	sld [smem:$0x3FA9]  }
0x2c: {  	s7 =	sld [smem:$0x3FAA]  }
0x2d: {  	s3 =	simm.s32 $0x108;
	s8 =	sld [smem:$0x3FAB]  }
0x2e: {  	s3 =	simm.s32 @!p0 $0x1082;
	s9 =	sld [smem:$0x3FAC]  }
0x2f: {  	lr =	sadd.s32 s0, s3;
	s0 =	sld [smem:$0x3FA3]  }
0x30: {  	s3 =	sld [smem:$0x3FA6]  }
0x31: {  	[smem:$0x3FAF] =	sst s10  }
0x32: {  	s10 =	sld [smem:$0x3FAD];
	_ =	sdelay $0x3  }
0x33: {  	p0 =	seq.s32 s10, $0x1;
	s10 =	sld [smem:$0x3FAF];
	_ =	sdelay $0x3  }
0x34: {  	[smem:$0x3FAF] =	sst s10  }
0x35: {  	s10 =	sld [smem:$0x3FAE];
	_ =	sdelay $0x3  }
0x36: {  	p1 =	seq.s32 s10, $0x1;
	s10 =	sld [smem:$0x3FAF];
	_ =	sdelay $0x3  }
0x37: {  	[smem:$0x3FAF] =	sst s10  }
0x38: {  	s10 =	sld [smem:$0x3FB0]  }
0x39: {  	_ = 	snop;
	(pc) =	sbr.ind lr, $3  }
0x3a: {  	_ = 	snop  }
0x3b: {  	_ = 	snop  }
0x3c: {  	p2 =	seq.s32 s10, $0x1;
	s10 =	sld [smem:$0x3FAF]  }
0x3d: {  	_ =	shalt  }
0x3e: {  	_ =	shalt  }
0x3f: {  	_ =	shalt  }
0x40: {  	_ =	shalt  }
0x41: {  	_ =	shalt  }
0x42: {  	_ =	shalt  }
0x43: {  	_ =	shalt  }
0x44: {  	_ =	shalt  }
0x45: {  	_ =	shalt  }
0x46: {  	_ =	shalt  }
0x47: {  	_ =	shalt  }
0x48: {  	_ =	shalt  }
0x49: {  	_ =	shalt  }
0x4a: {  	_ =	shalt  }
0x4b: {  	_ =	shalt  }
0x4c: {  	_ =	shalt  }
0x4d: {  	_ =	shalt  }
0x4e: {  	_ =	shalt  }
0x4f: {  	_ =	shalt  }
0x50: {  	_ =	shalt  }
0x51: {  	_ =	shalt  }
0x52: {  	_ =	shalt  }
0x53: {  	_ =	shalt  }
0x54: {  	_ =	shalt  }
0x55: {  	_ =	shalt  }
0x56: {  	_ =	shalt  }
0x57: {  	_ =	shalt  }
0x58: {  	_ =	shalt  }
0x59: {  	_ =	shalt  }
0x5a: {  	_ =	shalt  }
0x5b: {  	_ =	shalt  }
0x5c: {  	_ =	shalt  }
0x5d: {  	_ =	shalt  }
0x5e: {  	_ =	shalt  }
0x5f: {  	_ =	shalt  }
0x60: {  	_ =	shalt  }
0x61: {  	_ =	shalt  }
0x62: {  	_ =	shalt  }
0x63: {  	_ =	shalt  }
0x64: {  	_ =	shalt  }
0x65: {  	_ =	shalt  }
0x66: {  	_ =	shalt  }
0x67: {  	_ =	shalt  }
0x68: {  	_ =	shalt  }
0x69: {  	_ =	shalt  }
0x6a: {  	_ =	shalt  }
0x6b: {  	_ =	shalt  }
0x6c: {  	_ =	shalt  }
0x6d: {  	_ =	shalt  }
0x6e: {  	_ =	shalt  }
0x6f: {  	_ =	shalt  }
0x70: {  	_ =	shalt  }
0x71: {  	_ =	shalt  }
0x72: {  	_ =	shalt  }
0x73: {  	_ =	shalt  }
0x74: {  	_ =	shalt  }
0x75: {  	_ =	shalt  }
0x76: {  	_ =	shalt  }
0x77: {  	_ =	shalt  }
0x78: {  	_ =	shalt  }
0x79: {  	_ =	shalt  }
0x7a: {  	_ =	shalt  }
0x7b: {  	_ =	shalt  }
0x7c: {  	_ =	shalt  }
0x7d: {  	_ =	shalt  }
0x7e: {  	_ =	shalt  }
0x7f: {  	_ =	shalt  }
0x80: {  	_ =	shalt  }
0x81: {  	_ =	shalt  }
0x82: {  	_ =	shalt  }
0x83: {  	_ =	shalt  }
0x84: {  	_ =	shalt  }
0x85: {  	_ =	shalt  }
0x86: {  	_ =	shalt  }
0x87: {  	_ =	shalt  }
.Lfunc_end0:
.L_simem_size_0:
called_computation.3_lowered:
.L_overlay_start_0:
0x88: {  	s2 =	sld [smem:$0x3FD9]  }
0x89: {  	s3 =	sld [smem:$0x3FFE];
	_ =	sdelay $0x1  }
0x8a: {  	s1 =	srdreg.scid  }
0x8b: {  	s0 =	sand.u32 $0x1, s1  }
0x8c: {  	s16 =	sshll.u32 s0, $0xA;
	s2 =	sadd.s32 s3, s2  }
0x8d: {  	s2 =	sadd.s32 s2, s16  }
0x8e: {  	[smem:$0x3FBB] =	sst s2  }
0x8f: {  	_ = 	snop  }
0x90: {  	(tm) =	ssettm $0x1  }
0x91: {  	s17 =	sld [smem:$0x3FFB];
	_ =	sdelay $0x3  }
0x92: {  	_ =	strace s17  }
0x93: {  	s2 =	sld [smem:$0x3FFC];
	_ =	sdelay $0x3  }
0x94: {  	_ =	strace s2  }
0x95: {  	s2 =	sld [smem:$0x3FFD];
	_ =	sdelay $0x3  }
0x96: {  	_ =	strace s2  }
0x97: {  	_ =	strace $0x8FFFFFFF  }
0x98: {  	s18 =	sld [smem:$0x3FDB];
	_ =	sdelay $0x1  }
0x99: {  	s19 =	simm.s32 $_scs_section_size  }
0x9a: {  	s4 =	simm.s32 $_size__tile_overlayer_lowered;
	s5 =	simm.s32 $_tile_overlayer_lowered  }
0x9b: {  	s22 =	simm.s32 $0x1BFF;
	s21 =	sshll.u32 s5, $0x1;
	s2 =	sadd.s32 s19, s18  }
0x9c: {  	s6 =	simm.s32 $0x0;
	s20 =	sshll.u32 s4, $0x1;
	s4 =	sadd.s32 s21, s2  }
0x9d: {  	[timem:s6], [sflag:s22] =	dma.local [hbm:s4], s20  }
0x9e: {  	_ =	swait.ge [sflag:s22], s20  }
0x9f: {  	s3 =	ssub.s32 $0x0, s20;
	[sflag:s22] =	ssyncset.done $0x0  }
0xa0: {  	[sflag:s22] =	ssyncadd.s32 s3;
	_ =	sdelay $0x1  }
0xa1: {  	s23 =	simm.s32 $0x1B8B  }
0xa2: {  	_ =	swait.ge [sflag:s23], $0x1  }
0xa3: {  	[sflag:s23] =	ssyncset.done $0x0  }
0xa4: {  	s25 =	simm.s32 $0x1B8E;
	s24 =	sld [smem:$0x3FFE];
	[sflag:s23] =	ssyncadd.s32 $0xFFFFFFFF  }
0xa5: {  	s26 =	simm.s32 $execute0_lowered;
	[smem:$0x3FD2] =	sst s25  }
0xa6: {  	s4 =	sshll.u32 s26, $0x1;
	_ =	strace $0x8000004F;
	[dreg:$0x1] =	wrdreg $0xFFFFFFFF  }
0xa7: {  	s28 =	simm.s32 $_size_execute0_lowered;
	s2 =	sadd.s32 s2, s4;
	[dreg:$0x0] =	wrdreg $0x0  }
0xa8: {  	s4 =	sshll.u32 s28, $0x1;
	[dreg:$0x2] =	wrdreg s2  }
0xa9: {  	[dreg:$0x3] =	wrdreg s4  }
0xaa: {  	[dreg:$0x4] =	wrdreg $0xC0  }
0xab: {  	_ =	task [dreg:s6], $0x5FFFF  }
0xac: {  	[dreg:$0x1] =	wrdreg $0xFFFFFFFF  }
0xad: {  	[dreg:$0x0] =	wrdreg $0x60  }
0xae: {  	[dreg:$0x2] =	wrdreg s24  }
0xaf: {  	[dreg:$0x3] =	wrdreg $0x90000  }
0xb0: {  	[dreg:$0x4] =	wrdreg $0x9  }
0xb1: {  	_ =	task.clear_ibuf [dreg:s6], $0x5FFFF;
	_ =	strace $0x9000004F  }
0xb2: {  	s29 =	simm.s32 $0x9;
	_ =	strace $0x80000051  }
0xb3: {  	_ =	swait.ge [sflag:s29], $0x1  }
0xb4: {  	[sflag:s29] =	ssyncadd.s32 $0xFFFFFFFF  }
0xb5: {  	_ =	strace $0x90000051  }
0xb6: {  	_ =	sfence  }
0xb7: {  	s30 =	sld [smem:$0x0];
	_ =	sdelay $0x2  }
0xb8: {  	s31 =	sshll.u32 s1, $0xD;
	s1 =	sshrl.u32 s1, $0x2  }
0xb9: {  	s3 =	sand.u32 $0x4000, s31;
	s1 =	sadd.s32 s1, s30  }
0xba: {  	s0 =	sor.u32 s3, s0;
	s1 =	sshll.u32 s1, $0x11  }
0xbb: {  	s0 =	sor.u32 s1, s0  }
0xbc: {  	s0 =	sadd.s32 $0x8F2B, s0  }
0xbd: {  	[sflag:s0] =	ssyncadd.remote.s32 $0x1  }
0xbe: {  	_ =	sfence.sel $0xFFFF  }
0xbf: {  	[dreg:$0x0] =	wrdreg $0xFFFFFFFF;
	(pc) =	sbr.abs _section_cstart, $3  }
0xc0: {  	[dreg:$0x1] =	wrdreg $0xFFFFFFFF  }
0xc1: {  	_ =	task.clear_ibuf [dreg:s6], $0x2FFFF;
	_ =	strace $0x9FFFFFFF  }
0xc2: {  	(tm) =	ssettm $0x7FFFFFFF  }
0xc3: {  	_ =	shalt  }
tec
execute0_lowered:
.L_overlay_start_1:
0x0: {  	(tag) =	ssettag $0x1  }
0x1: {  	s0 =	srdreg.scid;
	s6 =	rddreg [dreg:$0x0]  }
0x2: {  	s2 =	rddreg [dreg:$0x1];
	s5 =	sand.u32 $0x1, s0  }
0x3: {  	s3 =	simm.s32 $0x0;
	s0 =	stileid.u32;
	s8 =	smul.u32 $0x28000, s5  }
0x4: {  	[smem:$0x7FF] =	sst s3;
	s4 =	sadd.s32 $0x17800, s6;
	s9 =	smul.u32 $0x280, s0  }
0x5: {  	s1 =	sshll.u32 s5, $0x4;
	s10 =	smul.u32 $0x50000, s0;
	s5 =	ssub.s32 $0x2, s5  }
0x6: {  	s18 =	smul.u32 $0x2800, s0;
	s1 =	sor.u32 s0, s1;
	s26 =	sshrl.u32 s5, $0x1  }
0x7: {  	s7 =	smul.u32 $0x500, s1;
	s1 =	rddreg [dreg:$0x2];
	_ =	strace $0x80000050  }
0x8: {  	s12 =	sadd.s32 s8, s6;
	s28 =	sshrl.u32 s10, $0x2;
	s13 =	sadd.s32 $0x80, s9  }
0x9: {  	s14 =	ssub.s32 s5, s26;
	s15 =	sadd.s32 $0x100, s9;
	s16 =	sadd.s32 $0x180, s9  }
0xa: {  	s17 =	sadd.s32 $0x200, s9;
	s5 =	sadd.s32 s28, s2;
	s29 =	sshll.u32 s13, $0x7  }
0xb: {  	s30 =	sshll.u32 s15, $0x7;
	s31 =	sshll.u32 s16, $0x7;
	s9 =	sshll.u32 s17, $0x7  }
0xc: {  	s22 =	sadd.s32 $0x8EA00, s12;
	s19 =	sshll.u32 s13, $0x4;
	s20 =	sshll.u32 s15, $0x4  }
0xd: {  	s21 =	sshll.u32 s16, $0x4;
	s23 =	sshll.u32 s17, $0x4;
	s12 =	smax.u32 s14, $0x1  }
0xe: {  	s13 =	simm.s32 $0x5000;
	s14 =	simm.s32 $0x2;
	s15 =	simm.s32 $0x2800  }
0xf: {  	s16 =	simm.s32 $0x80;
	s17 =	simm.s32 $0x1;
	s11 =	sadd.s32 s7, s6  }
0x10: {  	s6 =	sadd.s32 s29, s2;
	s7 =	sadd.s32 s30, s2;
	s8 =	sadd.s32 s31, s2  }
0x11: {  	s9 =	sadd.s32 s9, s2;
	s18 =	sadd.s32 s18, s22;
	s19 =	sadd.s32 s19, s22  }
0x12: {  	s20 =	sadd.s32 s20, s22;
	s21 =	sadd.s32 s21, s22;
	s22 =	sadd.s32 s23, s22  }
0x13: {  	v0 =	vimm.f32 $0.0e+00;
	s23 =	simm.s32 $0x0;
	s10 =	sadd.s32 $0x3800, s11;
	s11 =	sadd.s32 $0xD800, s11  }
.LBB2_1:
0x14: {  	s24 =	simm.s32 $0x0;
	s25 =	simm.s32 $0x200  }
.LBB2_2:
0x15: {  	p0 =	sne.s32 s25, $0xFE00;
	[tilespmem:s24+$0x5070] =	vst v0  }
0x16: {  	[tilespmem:s24+$0x5000] =	vst v0  }
0x17: {  	[tilespmem:s24+$0x5010] =	vst v0  }
.Ltmp0:
0x18: {  	[tilespmem:s24+$0x5020] =	vst v0;
	(pc) =	sbr.rel @p0 .LBB2_2-.Ltmp0, $4  }
0x19: {  	[tilespmem:s24+$0x5030] =	vst v0  }
0x1a: {  	[tilespmem:s24+$0x5040] =	vst v0  }
0x1b: {  	[tilespmem:s24+$0x5050] =	vst v0  }
0x1c: {  	[tilespmem:s24+$0x5060] =	vst v0;
	s24 =	sshra.s32 s25, $0x2;
	s25 =	sadd.s32 $0x200, s25  }
0x1d: {  	[tilespmem:s24+$0x5070] =	vst v0  }
0x1e: {  	[tilespmem:s24+$0x5000] =	vst v0  }
0x1f: {  	[tilespmem:s24+$0x5010] =	vst v0  }
0x20: {  	[tilespmem:s24+$0x5020] =	vst v0  }
0x21: {  	[tilespmem:s24+$0x5030] =	vst v0  }
0x22: {  	[tilespmem:s24+$0x5040] =	vst v0  }
0x23: {  	[tilespmem:s24+$0x5050] =	vst v0  }
0x24: {  	[tilespmem:s24+$0x5060] =	vst v0  }
0x25: {  	[spmem:s5] =	stream.linear.scatter [tilespmem:s13], [sflag:$0x2], $0x4000, $0x38;
	[tilespmem:$0x1D000] =	vst v63  }
0x26: {  	_ =	swait.ge [sflag:s14], $0x4000  }
0x27: {  	[sflag:s14] =	ssyncset.done $0x0  }
0x28: {  	[sflag:s14] =	ssyncadd.s32 $0xFFFFC000  }
0x29: {  	[spmem:s6] =	stream.linear.scatter [tilespmem:s13], [sflag:$0x2], $0x4000, $0x38;
	[tilespmem:$0x1D000] =	vst v63  }
0x2a: {  	_ =	swait.ge [sflag:s14], $0x4000  }
0x2b: {  	[sflag:s14] =	ssyncset.done $0x0  }
0x2c: {  	[sflag:s14] =	ssyncadd.s32 $0xFFFFC000  }
0x2d: {  	[spmem:s7] =	stream.linear.scatter [tilespmem:s13], [sflag:$0x2], $0x4000, $0x38;
	[tilespmem:$0x1D000] =	vst v63  }
0x2e: {  	_ =	swait.ge [sflag:s14], $0x4000  }
0x2f: {  	[sflag:s14] =	ssyncset.done $0x0  }
0x30: {  	[sflag:s14] =	ssyncadd.s32 $0xFFFFC000  }
0x31: {  	[spmem:s8] =	stream.linear.scatter [tilespmem:s13], [sflag:$0x2], $0x4000, $0x38;
	[tilespmem:$0x1D000] =	vst v63  }
0x32: {  	_ =	swait.ge [sflag:s14], $0x4000  }
0x33: {  	[sflag:s14] =	ssyncset.done $0x0  }
0x34: {  	[sflag:s14] =	ssyncadd.s32 $0xFFFFC000  }
0x35: {  	[spmem:s9] =	stream.linear.scatter [tilespmem:s13], [sflag:$0x2], $0x4000, $0x38;
	[tilespmem:$0x1D000] =	vst v63  }
0x36: {  	_ =	swait.ge [sflag:s14], $0x4000  }
0x37: {  	[sflag:s14] =	ssyncset.done $0x0  }
0x38: {  	s29 =	simm.s32 $0x0;
	[sflag:s14] =	ssyncadd.s32 $0xFFFFC000  }
0x39: {  	[tilespmem:s29], [sflag:$0x2] =	stream.linear.gather [hbm4b:s10+s29], $0x2780, $0x38;
	[tilespmem:$0x1D000] =	vst v63  }
0x3a: {  	_ =	swait.ge [sflag:s14], $0x2780  }
0x3b: {  	[sflag:s14] =	ssyncset.done $0x0  }
0x3c: {  	[sflag:s14] =	ssyncadd.s32 $0xFFFFD880  }
0x3d: {  	[tilespmem:s15], [sflag:$0x2] =	stream.linear.gather [hbm4b:s11+s29], $0x2780, $0x38;
	[tilespmem:$0x1D000] =	vst v63  }
0x3e: {  	_ =	swait.ge [sflag:s14], $0x2780  }
0x3f: {  	[sflag:s14] =	ssyncset.done $0x0  }
0x40: {  	[sflag:s14] =	ssyncadd.s32 $0xFFFFD880  }
0x41: {  	s30 =	simm.s32 $0x0;
	[bflag:$0x0] =	sbarrier.arrive $0xFFFF  }
0x42: {  	[tilespmem:s13], [sflag:$0x1] =	stream.indirect.gather [hbm4b:s4+s16], $0x80, s30, s16, $0xb8;
	[tilespmem:$0x1D000] =	vst v63  }
0x43: {  	_ =	swait.ge [sflag:s17], $0x4000  }
0x44: {  	[sflag:s17] =	ssyncset.done $0x0  }
0x45: {  	s31 =	simm.s32 $0x2800;
	[sflag:s17] =	ssyncadd.s32 $0xFFFFC000  }
0x46: {  	[spmem:s2] =	stream.indirect.scatter.add.f32 [tilespmem:s13], [sflag:$0x2], $0x80, s31, s16, $0xb8;
	[tilespmem:$0x1D000] =	vst v63  }
0x47: {  	_ =	swait.ge [sflag:s14], $0x4000  }
0x48: {  	s24 =	simm.s32 $0x200;
	s25 =	simm.s32 $0x400;
	[sflag:s14] =	ssyncset.done $0x0  }
.LBB2_4:
0x49: {  	s26 =	sshra.s32 s24, $0x2  }
0x4a: {  	[sflag:s14] =	ssyncadd.s32 $0xFFFFC000;
	s24 =	smov.u32 s25;
	s28 =	sadd.s32 $0x200, s25  }
0x4b: {  	[tilespmem:s13], [sflag:$0x1] =	stream.indirect.gather [hbm4b:s4+s16], $0x80, s26, s16, $0xb8;
	[tilespmem:$0x1D000] =	vst v63  }
0x4c: {  	p0 =	sne.s32 s25, $0x9C00;
	_ =	swait.ge [sflag:s17], $0x4000  }
.Ltmp1:
0x4d: {  	[sflag:s17] =	ssyncset.done $0x0;
	(pc) =	sbr.rel @p0 .LBB2_4-.Ltmp1, $4  }
0x4e: {  	s25 =	sadd.s32 $0x2800, s26;
	[sflag:s17] =	ssyncadd.s32 $0xFFFFC000  }
0x4f: {  	[spmem:s2] =	stream.indirect.scatter.add.f32 [tilespmem:s13], [sflag:$0x2], $0x80, s25, s16, $0xb8;
	[tilespmem:$0x1D000] =	vst v63  }
0x50: {  	_ =	swait.ge [sflag:s14], $0x4000  }
0x51: {  	s25 =	smov.u32 s28;
	[sflag:s14] =	ssyncset.done $0x0  }
0x52: {  	s24 =	sshra.s32 s24, $0x2;
	[sflag:s14] =	ssyncadd.s32 $0xFFFFC000  }
0x53: {  	[tilespmem:s13], [sflag:$0x1] =	stream.indirect.gather [hbm4b:s4+s16], $0x80, s24, s16, $0xb8;
	[tilespmem:$0x1D000] =	vst v63  }
0x54: {  	_ =	swait.ge [sflag:s17], $0x4000  }
0x55: {  	[sflag:s17] =	ssyncset.done $0x0  }
0x56: {  	s24 =	sadd.s32 $0x2800, s24;
	[sflag:s17] =	ssyncadd.s32 $0xFFFFC000  }
0x57: {  	[spmem:s2] =	stream.indirect.scatter.add.f32 [tilespmem:s13], [sflag:$0x2], $0x80, s24, s16, $0xb8;
	[tilespmem:$0x1D000] =	vst v63  }
0x58: {  	_ =	swait.ge [sflag:s14], $0x4000  }
0x59: {  	[sflag:s14] =	ssyncset.done $0x0  }
0x5a: {  	[sflag:s14] =	ssyncadd.s32 $0xFFFFC000  }
0x5b: {  	[bflag:$0x0] =	sbarrier.arrive $0xFFFF  }
0x5c: {  	[tilespmem:s13], [sflag:$0x2] =	stream.linear.gather [spmem:s5], $0x4000, $0x38;
	[tilespmem:$0x1D000] =	vst v63  }
0x5d: {  	_ =	swait.ge [sflag:s14], $0x4000  }
0x5e: {  	[sflag:s14] =	ssyncset.done $0x0  }
0x5f: {  	[sflag:s14] =	ssyncadd.s32 $0xFFFFC000  }
0x60: {  	[hbm4b:s18+s3] =	stream.linear.scatter [tilespmem:s13], [sflag:$0x2], $0x4000, $0x38;
	[tilespmem:$0x1D000] =	vst v63  }
0x61: {  	_ =	swait.ge [sflag:s14], $0x4000  }
0x62: {  	[sflag:s14] =	ssyncset.done $0x0  }
0x63: {  	[sflag:s14] =	ssyncadd.s32 $0xFFFFC000  }
0x64: {  	[tilespmem:s13], [sflag:$0x2] =	stream.linear.gather [spmem:s6], $0x4000, $0x38;
	[tilespmem:$0x1D000] =	vst v63  }
0x65: {  	_ =	swait.ge [sflag:s14], $0x4000  }
0x66: {  	[sflag:s14] =	ssyncset.done $0x0  }
0x67: {  	[sflag:s14] =	ssyncadd.s32 $0xFFFFC000  }
0x68: {  	[hbm4b:s19+s3] =	stream.linear.scatter [tilespmem:s13], [sflag:$0x2], $0x4000, $0x38;
	[tilespmem:$0x1D000] =	vst v63  }
0x69: {  	_ =	swait.ge [sflag:s14], $0x4000  }
0x6a: {  	[sflag:s14] =	ssyncset.done $0x0  }
0x6b: {  	[sflag:s14] =	ssyncadd.s32 $0xFFFFC000  }
0x6c: {  	[tilespmem:s13], [sflag:$0x2] =	stream.linear.gather [spmem:s7], $0x4000, $0x38;
	[tilespmem:$0x1D000] =	vst v63  }
0x6d: {  	_ =	swait.ge [sflag:s14], $0x4000  }
0x6e: {  	[sflag:s14] =	ssyncset.done $0x0  }
0x6f: {  	[sflag:s14] =	ssyncadd.s32 $0xFFFFC000  }
0x70: {  	[hbm4b:s20+s3] =	stream.linear.scatter [tilespmem:s13], [sflag:$0x2], $0x4000, $0x38;
	[tilespmem:$0x1D000] =	vst v63  }
0x71: {  	_ =	swait.ge [sflag:s14], $0x4000  }
0x72: {  	[sflag:s14] =	ssyncset.done $0x0  }
0x73: {  	[sflag:s14] =	ssyncadd.s32 $0xFFFFC000  }
0x74: {  	[tilespmem:s13], [sflag:$0x2] =	stream.linear.gather [spmem:s8], $0x4000, $0x38;
	[tilespmem:$0x1D000] =	vst v63  }
0x75: {  	_ =	swait.ge [sflag:s14], $0x4000  }
0x76: {  	[sflag:s14] =	ssyncset.done $0x0  }
0x77: {  	[sflag:s14] =	ssyncadd.s32 $0xFFFFC000  }
0x78: {  	[hbm4b:s21+s3] =	stream.linear.scatter [tilespmem:s13], [sflag:$0x2], $0x4000, $0x38;
	[tilespmem:$0x1D000] =	vst v63  }
0x79: {  	_ =	swait.ge [sflag:s14], $0x4000  }
0x7a: {  	[sflag:s14] =	ssyncset.done $0x0  }
0x7b: {  	[sflag:s14] =	ssyncadd.s32 $0xFFFFC000  }
0x7c: {  	[tilespmem:s13], [sflag:$0x2] =	stream.linear.gather [spmem:s9], $0x4000, $0x38;
	[tilespmem:$0x1D000] =	vst v63  }
0x7d: {  	s23 =	sadd.s32 $0x1, s23;
	_ =	swait.ge [sflag:s14], $0x4000  }
0x7e: {  	p0 =	sne.s32 s23, s12;
	[sflag:s14] =	ssyncset.done $0x0  }
.Ltmp2:
0x7f: {  	[sflag:s14] =	ssyncadd.s32 $0xFFFFC000;
	(pc) =	sbr.rel @p0 .LBB2_1-.Ltmp2, $4  }
0x80: {  	[hbm4b:s22+s3] =	stream.linear.scatter [tilespmem:s13], [sflag:$0x2], $0x4000, $0x38;
	[tilespmem:$0x1D000] =	vst v63  }
0x81: {  	_ =	swait.ge [sflag:s14], $0x4000  }
0x82: {  	[sflag:s14] =	ssyncset.done $0x0  }
0x83: {  	[sflag:s14] =	ssyncadd.s32 $0xFFFFC000  }
0x84: {  	_ =	sfence.sel $0x180000  }
0x85: {  	[bflag:$0x0] =	sbarrier.arrive $0xFFFF  }
0x86: {  	p0 =	sne.s32 s0, $0x0;
	_ =	strace $0x90000050  }
0x87: {  	s0 =	sadd.s32 @!p0 $0x100000, s1;
	[bflag:$0x2] =	sbarrier.arrive $0xFFFF  }
0x88: {  	[sflag:s0] =	ssyncadd.tile.s32 @!p0 $0x1;
	_ =	shalt  }
.Lfunc_end2:
_tile_overlayer_lowered:
.L_overlay_start_2:
0x89: {  	(tag) =	ssettag $0x2  }
0x8a: {  	s0 =	rddreg [dreg:$0x0];
	s2 =	stileid.u32  }
0x8b: {  	s1 =	rddreg [dreg:$0x1];
	p0 =	sne.s32 s2, $0x0  }
0x8c: {  	s3 =	rddreg [dreg:$0x2];
	[bflag:$0x3] =	sbarrier.arrive $0xFFFF;
	s2 =	simm.s32 @!p0 $0x1C02  }
0x8d: {  	[timem:s3], [sflag:s2] =	dma.local @!p0 [hbm:s0], s1  }
0x8e: {  	s0 =	simm.s32 @!p0 $0x2  }
0x8f: {  	_ =	swait.ge @!p0 [sflag:s0], s1  }
0x90: {  	s1 =	ssub.s32 @!p0 $0x0, s1;
	[sflag:s0] =	ssyncset.done @!p0 $0x0  }
0x91: {  	[sflag:s0] =	ssyncadd.s32 @!p0 s1  }
0x92: {  	[bflag:$0x3] =	sbarrier.arrive $0xFFFF  }
0x93: {  	_ =	shalt  }

</sc_bundles>
